<compile_context>
chip_gen: v7x
topology: tpu7x:2x2x1
jax: 0.10.2.dev20260603
libtpu: 0.0.44.dev20260713+nightly
codegen_flags: <defaults>
</compile_context>

<pallas_src>
import dataclasses
import functools

import jax
import jax.numpy as jnp
from jax import lax
from jax.experimental import pallas as pl
from jax.experimental.pallas import tpu as pltpu
from jax.experimental.pallas import tpu_sc as plsc

N_NODES = 10000
N_EDGES = 320000
D = 128
NC = 2
NS = 16
NW = NC * NS
K = 64
NCHUNK = 158
SUB = 16
NSUB = K // SUB
EPT = NCHUNK * K
N_PAD = 10112
RK = 64
NRCHUNK = N_PAD // RK
RC_PER_TILE = 10
F16 = D // 16


def _spmm_sc(y, col3, row3, w3):
    mesh = plsc.VectorSubcoreMesh(core_axis_name="c", subcore_axis_name="s")
    cp = pltpu.CompilerParams()
    if "needs_layout_passes" in pltpu.CompilerParams.__dataclass_fields__:
        cp = dataclasses.replace(cp, needs_layout_passes=False)

    @functools.partial(
        pl.kernel,
        compiler_params=cp,
        out_type=jax.ShapeDtypeStruct((NC, N_PAD, D), jnp.float32),
        mesh=mesh,
        scratch_types=[
            pltpu.VMEM((NCHUNK // 2, 2 * K), jnp.int32),
            pltpu.VMEM((NCHUNK // 2, 2 * K), jnp.int32),
            pltpu.VMEM((NCHUNK // 2, 2 * K), jnp.float32),
            pltpu.VMEM((K, D), jnp.float32),
            pltpu.VMEM((K, D), jnp.float32),
            pltpu.VMEM_SHARED((N_PAD, D), jnp.float32),
            pltpu.SemaphoreType.DMA,
            pltpu.SemaphoreType.DMA,
        ],
    )
    def spmm_kernel(y_hbm, col_hbm, row_hbm, w_hbm, out_hbm,
                    col_v, row_v, w_v, rows0_v, rows1_v, acc, sem_g, sem_s):
        cid = lax.axis_index("c")
        sid = lax.axis_index("s")
        wid = cid * NS + sid

        @pl.loop(0, RK)
        def _(r):
            for f in range(F16):
                rows0_v[r, pl.ds(16 * f, 16)] = jnp.zeros((16,), jnp.float32)

        for i in range(RC_PER_TILE):
            ci = sid * RC_PER_TILE + i

            @pl.when(ci < NRCHUNK)
            def _():
                pltpu.sync_copy(rows0_v, acc.at[pl.ds(ci * RK, RK)])

        pltpu.sync_copy(col_hbm.at[wid], col_v)
        pltpu.sync_copy(row_hbm.at[wid], row_v)
        pltpu.sync_copy(w_hbm.at[wid], w_v)

        plsc.subcore_barrier()

        pltpu.async_copy(y_hbm.at[col_v.at[0, pl.ds(0, K)]], rows0_v, sem_g)
        bufs = (rows0_v, rows1_v)

        def _do_half(ch, b, prev_handles):
            buf = bufs[b]
            pltpu.make_async_copy(
                y_hbm.at[col_v.at[ch, pl.ds(b * K, K)]], buf, sem_g).wait()

            if prev_handles is not None:
                for h in prev_handles:
                    h.wait()

            nch = ch + b
            nb = 1 - b

            @pl.when(nch < NCHUNK // 2)
            def _():
                pltpu.async_copy(
                    y_hbm.at[col_v.at[nch, pl.ds(nb * K, K)]], bufs[nb], sem_g)

            @plsc.parallel_loop(0, K, unroll=4)
            def _(e):
                wsplat = plsc.load_gather(
                    w_v, [jnp.broadcast_to(ch, (16,)),
                          jnp.broadcast_to(b * K + e, (16,))])
                for f in range(F16):
                    sl = pl.ds(16 * f, 16)
                    buf[e, sl] = buf[e, sl] * wsplat

            handles = []
            for j in range(NSUB):
                idx16 = row_v[ch, pl.ds(b * K + j * SUB, SUB)]
                handles.append(pltpu.async_copy(
                    buf.at[pl.ds(j * SUB, SUB)], acc.at[idx16], sem_s,
                    add=True))
            return handles

        @pl.loop(0, NCHUNK // 2)
        def _(ch):
            h = _do_half(ch, 0, None)
            h = _do_half(ch, 1, h)
            for hd in h:
                hd.wait()

        plsc.subcore_barrier()

        for i in range(RC_PER_TILE):
            ci = sid * RC_PER_TILE + i

            @pl.when(ci < NRCHUNK)
            def _():
                pltpu.sync_copy(acc.at[pl.ds(ci * RK, RK)],
                                out_hbm.at[cid, pl.ds(ci * RK, RK)])

    return spmm_kernel(y, col3, row3, w3)


_BLK = 1000


def _tc_linear_body(s_ref, w_ref, b_ref, o_ref):
    zz = s_ref[0] + s_ref[1]
    y = lax.dot_general(zz, w_ref[...], (((1,), (1,)), ((), ())),
                        preferred_element_type=jnp.float32,
                        precision=lax.Precision.HIGHEST) + b_ref[...]
    o_ref[...] = jnp.maximum(y, 0.0)


def _tc_final_body(s_ref, w_ref, b_ref, o_ref):
    zz = s_ref[0] + s_ref[1]
    y = lax.dot_general(zz, w_ref[...], (((1,), (1,)), ((), ())),
                        preferred_element_type=jnp.float32,
                        precision=lax.Precision.HIGHEST) + b_ref[...]
    n = jnp.sqrt(jnp.sum(y * y, axis=1, keepdims=True))
    o_ref[...] = y / jnp.maximum(n, 1e-12)


def _tc_dense(s, W, b, body):
    return pl.pallas_call(
        body,
        grid=(N_NODES // _BLK,),
        in_specs=[
            pl.BlockSpec((NC, _BLK, D), lambda i: (0, i, 0)),
            pl.BlockSpec((D, D), lambda i: (0, 0)),
            pl.BlockSpec((1, D), lambda i: (0, 0)),
        ],
        out_specs=pl.BlockSpec((_BLK, D), lambda i: (i, 0)),
        out_shape=jax.ShapeDtypeStruct((N_NODES, D), jnp.float32),
    )(s, W, b.reshape(1, D))


def kernel(x, edge_index, edge_weight, W1, b1, W2, b2, W3, b3):
    row = edge_index[0]
    col = edge_index[1]
    pad = NW * EPT - N_EDGES
    zpad_i = jnp.zeros((pad,), jnp.int32)
    colp = jnp.concatenate([col, zpad_i]).reshape(NW, NCHUNK // 2, 2 * K)
    rowp = jnp.concatenate([row, zpad_i]).reshape(NW, NCHUNK // 2, 2 * K)
    wp = jnp.concatenate([edge_weight, jnp.zeros((pad,), jnp.float32)]
                         ).reshape(NW, NCHUNK // 2, 2 * K)

    s1 = _spmm_sc(x, colp, rowp, wp)
    h1 = _tc_dense(s1, W1, b1, _tc_linear_body)
    s2 = _spmm_sc(h1, colp, rowp, wp)
    h2 = _tc_dense(s2, W2, b2, _tc_linear_body)
    s3 = _spmm_sc(h2, colp, rowp, wp)
    return _tc_dense(s3, W3, b3, _tc_final_body)

# --- scband reference (transcript-rebuilt; emitter-appended) ---
"""Pipeline reference for scband-gcn-63788854280593 (READ-ONLY COPY).

The authoritative reference and input builder live on the scoring server;
editing this copy changes nothing except your own understanding.
"""

import jax, jax.numpy as jnp
import numpy as np

N_NODES = 10000
N_EDGES = 320000
D_IN = 128
D_HID = 128
D_OUT = 128


def _xavier(key, shape):
    fan_out, fan_in = shape
    limit = jnp.sqrt(6.0 / (fan_in + fan_out))
    return jax.random.uniform(key, shape, dtype=jnp.float32, minval=-limit, maxval=limit)


def setup_inputs(seed: int = 0) -> dict:
    key = jax.random.key(seed)
    ks = jax.random.split(key, 8)
    x = jax.random.normal(ks[0], (N_NODES, D_IN), dtype=jnp.float32)
    edge_index = jax.random.randint(ks[1], (2, N_EDGES), 0, N_NODES, dtype=jnp.int64 if jax.config.jax_enable_x64 else jnp.int32).astype(jnp.int32)
    edge_weight = jax.random.uniform(ks[2], (N_EDGES,), dtype=jnp.float32)
    # Learned parameters: torch Linear weight shape [out, in], bias zeros (per module init)
    W1 = _xavier(ks[3], (D_HID, D_IN)); b1 = jnp.zeros((D_HID,), jnp.float32)
    W2 = _xavier(ks[4], (D_HID, D_HID)); b2 = jnp.zeros((D_HID,), jnp.float32)
    W3 = _xavier(ks[5], (D_OUT, D_HID)); b3 = jnp.zeros((D_OUT,), jnp.float32)
    return {"x": x, "edge_index": edge_index, "edge_weight": edge_weight,
            "W1": W1, "b1": b1, "W2": W2, "b2": b2, "W3": W3, "b3": b3}


def _spmm(x, edge_index, edge_weight):
    # sparse COO matmul: out[row] += w * x[col]
    row = edge_index[0]
    col = edge_index[1]
    msgs = jnp.take(x, col, axis=0) * edge_weight[:, None]
    return jax.ops.segment_sum(msgs, row, num_segments=N_NODES)


def reference(x, edge_index, edge_weight, W1, b1, W2, b2, W3, b3):
    # layer 1
    h = _spmm(x, edge_index, edge_weight)
    h = h @ W1.T + b1
    h = jax.nn.relu(h)
    # layer 2
    h = _spmm(h, edge_index, edge_weight)
    h = h @ W2.T + b2
    h = jax.nn.relu(h)
    # layer 3 (no activation)
    h = _spmm(h, edge_index, edge_weight)
    h = h @ W3.T + b3
    # F.normalize: L2 along dim=1, eps=1e-12
    norm = jnp.sqrt(jnp.sum(h * h, axis=1, keepdims=True))
    h = h / jnp.maximum(norm, 1e-12)
    return h

if __name__ == "__main__":
    import jax
    _d = setup_inputs()
    print(jax.jit(kernel)(*tuple(_d.values())))

</pallas_src>

<mosaic_0001>
#map = affine_map<(d0, d1) -> (0, 0)>
#map1 = affine_map<(d0, d1) -> (0, 0, 0)>
module attributes {stable_mosaic.version = 14 : i64} {
  func.func @spmm_kernel(%arg0: i32, %arg1: i32, %arg2: memref<10000x128xf32, #tpu.memory_space<hbm>>, %arg3: memref<32x79x128xi32, #tpu.memory_space<hbm>>, %arg4: memref<32x79x128xi32, #tpu.memory_space<hbm>>, %arg5: memref<32x79x128xf32, #tpu.memory_space<hbm>>, %arg6: memref<2x10112x128xf32, #tpu.memory_space<hbm>>, %arg7: memref<79x128xi32, #tpu.memory_space<vmem>>, %arg8: memref<79x128xi32, #tpu.memory_space<vmem>>, %arg9: memref<79x128xf32, #tpu.memory_space<vmem>>, %arg10: memref<64x128xf32, #tpu.memory_space<vmem>>, %arg11: memref<64x128xf32, #tpu.memory_space<vmem>>, %arg12: memref<10112x128xf32, #tpu.memory_space<vmem_shared>>, %arg13: memref<!tpu.dma_semaphore, #tpu.memory_space<semaphore_mem>>, %arg14: memref<!tpu.dma_semaphore, #tpu.memory_space<semaphore_mem>>) attributes {dimension_semantics = [#tpu.dimension_semantics<core_parallel>, #tpu.dimension_semantics<subcore_parallel>], iteration_bounds = array<i64: 2, 16>, scalar_prefetch = 0 : i64, scratch_operands = 8 : i64, tpu.core_type = #tpu.core_type<sc_vector_subcore>, window_params = [{transform_indices = #map}, {transform_indices = #map1}, {transform_indices = #map1}, {transform_indices = #map1}, {transform_indices = #map1}]} {
    %mul3A = arith.constant 16 : i32
    %mul3A_0 = arith.muli %arg0, %mul3A : i32
    %add3A = arith.addi %mul3A_0, %arg1 : i32
    %scan3A = arith.constant 0 : i32
    %scan3A_1 = arith.constant 64 : i32
    %scan3A_2 = arith.addi %scan3A, %scan3A_1 : i32
    %scan3A_3 = arith.constant 1 : i32
    scf.for %scan3A_194 = %scan3A to %scan3A_2 step %scan3A_3  : i32 {
      %mul3A_195 = arith.constant 1 : i32
      %mul3A_196 = arith.muli %scan3A_194, %mul3A_195 : i32
      %add3A_197 = arith.constant 0 : i32
      %add3A_198 = arith.addi %add3A_197, %mul3A_196 : i32
      %broadcast_in_dim3A = arith.constant 0.000000e+00 : f32
      %broadcast_in_dim3A_199 = vector.broadcast %broadcast_in_dim3A : f32 to vector<16xf32>
      %swap3A = arith.index_cast %add3A_198 : i32 to index
      %swap3A_200 = arith.constant 0 : index
      %swap3A_201 = tpu.vector_load %arg10[%swap3A, %swap3A_200] {strides = array<i32>} : memref<64x128xf32, #tpu.memory_space<vmem>>, vector<16xf32>,
      tpu.vector_store %arg10[%swap3A, %swap3A_200], %broadcast_in_dim3A_199 {strides = array<i32>} : memref<64x128xf32, #tpu.memory_space<vmem>>, vector<16xf32>,
      %broadcast_in_dim3A_202 = arith.constant 0.000000e+00 : f32
      %broadcast_in_dim3A_203 = vector.broadcast %broadcast_in_dim3A_202 : f32 to vector<16xf32>
      %swap3A_204 = arith.index_cast %add3A_198 : i32 to index
      %swap3A_205 = arith.constant 16 : index
      %swap3A_206 = tpu.vector_load %arg10[%swap3A_204, %swap3A_205] {strides = array<i32>} : memref<64x128xf32, #tpu.memory_space<vmem>>, vector<16xf32>,
      tpu.vector_store %arg10[%swap3A_204, %swap3A_205], %broadcast_in_dim3A_203 {strides = array<i32>} : memref<64x128xf32, #tpu.memory_space<vmem>>, vector<16xf32>,
      %broadcast_in_dim3A_207 = arith.constant 0.000000e+00 : f32
      %broadcast_in_dim3A_208 = vector.broadcast %broadcast_in_dim3A_207 : f32 to vector<16xf32>
      %swap3A_209 = arith.index_cast %add3A_198 : i32 to index
      %swap3A_210 = arith.constant 32 : index
      %swap3A_211 = tpu.vector_load %arg10[%swap3A_209, %swap3A_210] {strides = array<i32>} : memref<64x128xf32, #tpu.memory_space<vmem>>, vector<16xf32>,
      tpu.vector_store %arg10[%swap3A_209, %swap3A_210], %broadcast_in_dim3A_208 {strides = array<i32>} : memref<64x128xf32, #tpu.memory_space<vmem>>, vector<16xf32>,
      %broadcast_in_dim3A_212 = arith.constant 0.000000e+00 : f32
      %broadcast_in_dim3A_213 = vector.broadcast %broadcast_in_dim3A_212 : f32 to vector<16xf32>
      %swap3A_214 = arith.index_cast %add3A_198 : i32 to index
      %swap3A_215 = arith.constant 48 : index
      %swap3A_216 = tpu.vector_load %arg10[%swap3A_214, %swap3A_215] {strides = array<i32>} : memref<64x128xf32, #tpu.memory_space<vmem>>, vector<16xf32>,
      tpu.vector_store %arg10[%swap3A_214, %swap3A_215], %broadcast_in_dim3A_213 {strides = array<i32>} : memref<64x128xf32, #tpu.memory_space<vmem>>, vector<16xf32>,
      %broadcast_in_dim3A_217 = arith.constant 0.000000e+00 : f32
      %broadcast_in_dim3A_218 = vector.broadcast %broadcast_in_dim3A_217 : f32 to vector<16xf32>
      %swap3A_219 = arith.index_cast %add3A_198 : i32 to index
      %swap3A_220 = arith.constant 64 : index
      %swap3A_221 = tpu.vector_load %arg10[%swap3A_219, %swap3A_220] {strides = array<i32>} : memref<64x128xf32, #tpu.memory_space<vmem>>, vector<16xf32>,
      tpu.vector_store %arg10[%swap3A_219, %swap3A_220], %broadcast_in_dim3A_218 {strides = array<i32>} : memref<64x128xf32, #tpu.memory_space<vmem>>, vector<16xf32>,
      %broadcast_in_dim3A_222 = arith.constant 0.000000e+00 : f32
      %broadcast_in_dim3A_223 = vector.broadcast %broadcast_in_dim3A_222 : f32 to vector<16xf32>
      %swap3A_224 = arith.index_cast %add3A_198 : i32 to index
      %swap3A_225 = arith.constant 80 : index
      %swap3A_226 = tpu.vector_load %arg10[%swap3A_224, %swap3A_225] {strides = array<i32>} : memref<64x128xf32, #tpu.memory_space<vmem>>, vector<16xf32>,
      tpu.vector_store %arg10[%swap3A_224, %swap3A_225], %broadcast_in_dim3A_223 {strides = array<i32>} : memref<64x128xf32, #tpu.memory_space<vmem>>, vector<16xf32>,
      %broadcast_in_dim3A_227 = arith.constant 0.000000e+00 : f32
      %broadcast_in_dim3A_228 = vector.broadcast %broadcast_in_dim3A_227 : f32 to vector<16xf32>
      %swap3A_229 = arith.index_cast %add3A_198 : i32 to index
      %swap3A_230 = arith.constant 96 : index
      %swap3A_231 = tpu.vector_load %arg10[%swap3A_229, %swap3A_230] {strides = array<i32>} : memref<64x128xf32, #tpu.memory_space<vmem>>, vector<16xf32>,
      tpu.vector_store %arg10[%swap3A_229, %swap3A_230], %broadcast_in_dim3A_228 {strides = array<i32>} : memref<64x128xf32, #tpu.memory_space<vmem>>, vector<16xf32>,
      %broadcast_in_dim3A_232 = arith.constant 0.000000e+00 : f32
      %broadcast_in_dim3A_233 = vector.broadcast %broadcast_in_dim3A_232 : f32 to vector<16xf32>
      %swap3A_234 = arith.index_cast %add3A_198 : i32 to index
      %swap3A_235 = arith.constant 112 : index
      %swap3A_236 = tpu.vector_load %arg10[%swap3A_234, %swap3A_235] {strides = array<i32>} : memref<64x128xf32, #tpu.memory_space<vmem>>, vector<16xf32>,
      tpu.vector_store %arg10[%swap3A_234, %swap3A_235], %broadcast_in_dim3A_233 {strides = array<i32>} : memref<64x128xf32, #tpu.memory_space<vmem>>, vector<16xf32>,
    }
    %scan3A_4 = arith.constant 64 : i32
    %mul3A_5 = arith.constant 10 : i32
    %mul3A_6 = arith.muli %arg1, %mul3A_5 : i32
    %add3A_7 = arith.constant 0 : i32
    %add3A_8 = arith.addi %mul3A_6, %add3A_7 : i32
    %lt3A = arith.constant 158 : i32
    %lt3A_9 = arith.cmpi slt, %add3A_8, %lt3A : i32
    %convert_element_type3A = arith.extui %lt3A_9 : i1 to i32
    %cond3A = arith.constant 0 : i32
    %cond3A_10 = arith.cmpi ne, %convert_element_type3A, %cond3A : i32
    scf.if %cond3A_10 {
      %mul3A_194 = arith.constant 64 : i32
      %mul3A_195 = arith.muli %add3A_8, %mul3A_194 : i32
      "tpu.region"() ({
        %run_scoped3A = tpu.sem_alloc : memref<!tpu.dma_semaphore, #tpu.memory_space<semaphore_mem>>
        %dma_start3A_196 = arith.constant 0 : i32
        %dma_start3A_197 = tpu.memref_slice %arg12[%mul3A_195, %dma_start3A_196] : memref<10112x128xf32, #tpu.memory_space<vmem_shared>> -> memref<64x128xf32, #tpu.memory_space<vmem_shared>>
        %dma_start3A_198 = arith.constant 0 : i32
        %dma_start3A_199 = tpu.memref_slice %arg12[%mul3A_195, %dma_start3A_198] : memref<10112x128xf32, #tpu.memory_space<vmem_shared>> -> memref<64x128xf32, #tpu.memory_space<vmem_shared>>
        tpu.enqueue_dma source(%arg10 : memref<64x128xf32, #tpu.memory_space<vmem>>) target(%dma_start3A_199 : memref<64x128xf32, #tpu.memory_space<vmem_shared>>) target_semaphore(%run_scoped3A : memref<!tpu.dma_semaphore, #tpu.memory_space<semaphore_mem>>)
        %dma_wait3A = arith.constant 0 : i32
        %dma_wait3A_200 = tpu.memref_slice %arg12[%mul3A_195, %dma_wait3A] : memref<10112x128xf32, #tpu.memory_space<vmem_shared>> -> memref<64x128xf32, #tpu.memory_space<vmem_shared>>
        %dma_wait3A_201 = arith.constant 0 : i32
        %dma_wait3A_202 = tpu.memref_slice %arg12[%mul3A_195, %dma_wait3A_201] : memref<10112x128xf32, #tpu.memory_space<vmem_shared>> -> memref<64x128xf32, #tpu.memory_space<vmem_shared>>
        tpu.wait_dma2 semaphore(%run_scoped3A : memref<!tpu.dma_semaphore, #tpu.memory_space<semaphore_mem>>) src(%arg10 : memref<64x128xf32, #tpu.memory_space<vmem>>) dst(%dma_wait3A_202 : memref<64x128xf32, #tpu.memory_space<vmem_shared>>)
        tpu.yield
      }) : () -> ()
    } else {
    }
    %mul3A_11 = arith.constant 10 : i32
    %mul3A_12 = arith.muli %arg1, %mul3A_11 : i32
    %add3A_13 = arith.constant 1 : i32
    %add3A_14 = arith.addi %mul3A_12, %add3A_13 : i32
    %lt3A_15 = arith.constant 158 : i32
    %lt3A_16 = arith.cmpi slt, %add3A_14, %lt3A_15 : i32
    %convert_element_type3A_17 = arith.extui %lt3A_16 : i1 to i32
    %cond3A_18 = arith.constant 0 : i32
    %cond3A_19 = arith.cmpi ne, %convert_element_type3A_17, %cond3A_18 : i32
    scf.if %cond3A_19 {
      %mul3A_194 = arith.constant 64 : i32
      %mul3A_195 = arith.muli %add3A_14, %mul3A_194 : i32
      "tpu.region"() ({
        %run_scoped3A = tpu.sem_alloc : memref<!tpu.dma_semaphore, #tpu.memory_space<semaphore_mem>>
        %dma_start3A_196 = arith.constant 0 : i32
        %dma_start3A_197 = tpu.memref_slice %arg12[%mul3A_195, %dma_start3A_196] : memref<10112x128xf32, #tpu.memory_space<vmem_shared>> -> memref<64x128xf32, #tpu.memory_space<vmem_shared>>
        %dma_start3A_198 = arith.constant 0 : i32
        %dma_start3A_199 = tpu.memref_slice %arg12[%mul3A_195, %dma_start3A_198] : memref<10112x128xf32, #tpu.memory_space<vmem_shared>> -> memref<64x128xf32, #tpu.memory_space<vmem_shared>>
        tpu.enqueue_dma source(%arg10 : memref<64x128xf32, #tpu.memory_space<vmem>>) target(%dma_start3A_199 : memref<64x128xf32, #tpu.memory_space<vmem_shared>>) target_semaphore(%run_scoped3A : memref<!tpu.dma_semaphore, #tpu.memory_space<semaphore_mem>>)
        %dma_wait3A = arith.constant 0 : i32
        %dma_wait3A_200 = tpu.memref_slice %arg12[%mul3A_195, %dma_wait3A] : memref<10112x128xf32, #tpu.memory_space<vmem_shared>> -> memref<64x128xf32, #tpu.memory_space<vmem_shared>>
        %dma_wait3A_201 = arith.constant 0 : i32
        %dma_wait3A_202 = tpu.memref_slice %arg12[%mul3A_195, %dma_wait3A_201] : memref<10112x128xf32, #tpu.memory_space<vmem_shared>> -> memref<64x128xf32, #tpu.memory_space<vmem_shared>>
        tpu.wait_dma2 semaphore(%run_scoped3A : memref<!tpu.dma_semaphore, #tpu.memory_space<semaphore_mem>>) src(%arg10 : memref<64x128xf32, #tpu.memory_space<vmem>>) dst(%dma_wait3A_202 : memref<64x128xf32, #tpu.memory_space<vmem_shared>>)
        tpu.yield
      }) : () -> ()
    } else {
    }
    %mul3A_20 = arith.constant 10 : i32
    %mul3A_21 = arith.muli %arg1, %mul3A_20 : i32
    %add3A_22 = arith.constant 2 : i32
    %add3A_23 = arith.addi %mul3A_21, %add3A_22 : i32
    %lt3A_24 = arith.constant 158 : i32
    %lt3A_25 = arith.cmpi slt, %add3A_23, %lt3A_24 : i32
    %convert_element_type3A_26 = arith.extui %lt3A_25 : i1 to i32
    %cond3A_27 = arith.constant 0 : i32
    %cond3A_28 = arith.cmpi ne, %convert_element_type3A_26, %cond3A_27 : i32
    scf.if %cond3A_28 {
      %mul3A_194 = arith.constant 64 : i32
      %mul3A_195 = arith.muli %add3A_23, %mul3A_194 : i32
      "tpu.region"() ({
        %run_scoped3A = tpu.sem_alloc : memref<!tpu.dma_semaphore, #tpu.memory_space<semaphore_mem>>
        %dma_start3A_196 = arith.constant 0 : i32
        %dma_start3A_197 = tpu.memref_slice %arg12[%mul3A_195, %dma_start3A_196] : memref<10112x128xf32, #tpu.memory_space<vmem_shared>> -> memref<64x128xf32, #tpu.memory_space<vmem_shared>>
        %dma_start3A_198 = arith.constant 0 : i32
        %dma_start3A_199 = tpu.memref_slice %arg12[%mul3A_195, %dma_start3A_198] : memref<10112x128xf32, #tpu.memory_space<vmem_shared>> -> memref<64x128xf32, #tpu.memory_space<vmem_shared>>
        tpu.enqueue_dma source(%arg10 : memref<64x128xf32, #tpu.memory_space<vmem>>) target(%dma_start3A_199 : memref<64x128xf32, #tpu.memory_space<vmem_shared>>) target_semaphore(%run_scoped3A : memref<!tpu.dma_semaphore, #tpu.memory_space<semaphore_mem>>)
        %dma_wait3A = arith.constant 0 : i32
        %dma_wait3A_200 = tpu.memref_slice %arg12[%mul3A_195, %dma_wait3A] : memref<10112x128xf32, #tpu.memory_space<vmem_shared>> -> memref<64x128xf32, #tpu.memory_space<vmem_shared>>
        %dma_wait3A_201 = arith.constant 0 : i32
        %dma_wait3A_202 = tpu.memref_slice %arg12[%mul3A_195, %dma_wait3A_201] : memref<10112x128xf32, #tpu.memory_space<vmem_shared>> -> memref<64x128xf32, #tpu.memory_space<vmem_shared>>
        tpu.wait_dma2 semaphore(%run_scoped3A : memref<!tpu.dma_semaphore, #tpu.memory_space<semaphore_mem>>) src(%arg10 : memref<64x128xf32, #tpu.memory_space<vmem>>) dst(%dma_wait3A_202 : memref<64x128xf32, #tpu.memory_space<vmem_shared>>)
        tpu.yield
      }) : () -> ()
    } else {
    }
    %mul3A_29 = arith.constant 10 : i32
    %mul3A_30 = arith.muli %arg1, %mul3A_29 : i32
    %add3A_31 = arith.constant 3 : i32
    %add3A_32 = arith.addi %mul3A_30, %add3A_31 : i32
    %lt3A_33 = arith.constant 158 : i32
    %lt3A_34 = arith.cmpi slt, %add3A_32, %lt3A_33 : i32
    %convert_element_type3A_35 = arith.extui %lt3A_34 : i1 to i32
    %cond3A_36 = arith.constant 0 : i32
    %cond3A_37 = arith.cmpi ne, %convert_element_type3A_35, %cond3A_36 : i32
    scf.if %cond3A_37 {
      %mul3A_194 = arith.constant 64 : i32
      %mul3A_195 = arith.muli %add3A_32, %mul3A_194 : i32
      "tpu.region"() ({
        %run_scoped3A = tpu.sem_alloc : memref<!tpu.dma_semaphore, #tpu.memory_space<semaphore_mem>>
        %dma_start3A_196 = arith.constant 0 : i32
        %dma_start3A_197 = tpu.memref_slice %arg12[%mul3A_195, %dma_start3A_196] : memref<10112x128xf32, #tpu.memory_space<vmem_shared>> -> memref<64x128xf32, #tpu.memory_space<vmem_shared>>
        %dma_start3A_198 = arith.constant 0 : i32
        %dma_start3A_199 = tpu.memref_slice %arg12[%mul3A_195, %dma_start3A_198] : memref<10112x128xf32, #tpu.memory_space<vmem_shared>> -> memref<64x128xf32, #tpu.memory_space<vmem_shared>>
        tpu.enqueue_dma source(%arg10 : memref<64x128xf32, #tpu.memory_space<vmem>>) target(%dma_start3A_199 : memref<64x128xf32, #tpu.memory_space<vmem_shared>>) target_semaphore(%run_scoped3A : memref<!tpu.dma_semaphore, #tpu.memory_space<semaphore_mem>>)
        %dma_wait3A = arith.constant 0 : i32
        %dma_wait3A_200 = tpu.memref_slice %arg12[%mul3A_195, %dma_wait3A] : memref<10112x128xf32, #tpu.memory_space<vmem_shared>> -> memref<64x128xf32, #tpu.memory_space<vmem_shared>>
        %dma_wait3A_201 = arith.constant 0 : i32
        %dma_wait3A_202 = tpu.memref_slice %arg12[%mul3A_195, %dma_wait3A_201] : memref<10112x128xf32, #tpu.memory_space<vmem_shared>> -> memref<64x128xf32, #tpu.memory_space<vmem_shared>>
        tpu.wait_dma2 semaphore(%run_scoped3A : memref<!tpu.dma_semaphore, #tpu.memory_space<semaphore_mem>>) src(%arg10 : memref<64x128xf32, #tpu.memory_space<vmem>>) dst(%dma_wait3A_202 : memref<64x128xf32, #tpu.memory_space<vmem_shared>>)
        tpu.yield
      }) : () -> ()
    } else {
    }
    %mul3A_38 = arith.constant 10 : i32
    %mul3A_39 = arith.muli %arg1, %mul3A_38 : i32
    %add3A_40 = arith.constant 4 : i32
    %add3A_41 = arith.addi %mul3A_39, %add3A_40 : i32
    %lt3A_42 = arith.constant 158 : i32
    %lt3A_43 = arith.cmpi slt, %add3A_41, %lt3A_42 : i32
    %convert_element_type3A_44 = arith.extui %lt3A_43 : i1 to i32
    %cond3A_45 = arith.constant 0 : i32
    %cond3A_46 = arith.cmpi ne, %convert_element_type3A_44, %cond3A_45 : i32
    scf.if %cond3A_46 {
      %mul3A_194 = arith.constant 64 : i32
      %mul3A_195 = arith.muli %add3A_41, %mul3A_194 : i32
      "tpu.region"() ({
        %run_scoped3A = tpu.sem_alloc : memref<!tpu.dma_semaphore, #tpu.memory_space<semaphore_mem>>
        %dma_start3A_196 = arith.constant 0 : i32
        %dma_start3A_197 = tpu.memref_slice %arg12[%mul3A_195, %dma_start3A_196] : memref<10112x128xf32, #tpu.memory_space<vmem_shared>> -> memref<64x128xf32, #tpu.memory_space<vmem_shared>>
        %dma_start3A_198 = arith.constant 0 : i32
        %dma_start3A_199 = tpu.memref_slice %arg12[%mul3A_195, %dma_start3A_198] : memref<10112x128xf32, #tpu.memory_space<vmem_shared>> -> memref<64x128xf32, #tpu.memory_space<vmem_shared>>
        tpu.enqueue_dma source(%arg10 : memref<64x128xf32, #tpu.memory_space<vmem>>) target(%dma_start3A_199 : memref<64x128xf32, #tpu.memory_space<vmem_shared>>) target_semaphore(%run_scoped3A : memref<!tpu.dma_semaphore, #tpu.memory_space<semaphore_mem>>)
        %dma_wait3A = arith.constant 0 : i32
        %dma_wait3A_200 = tpu.memref_slice %arg12[%mul3A_195, %dma_wait3A] : memref<10112x128xf32, #tpu.memory_space<vmem_shared>> -> memref<64x128xf32, #tpu.memory_space<vmem_shared>>
        %dma_wait3A_201 = arith.constant 0 : i32
        %dma_wait3A_202 = tpu.memref_slice %arg12[%mul3A_195, %dma_wait3A_201] : memref<10112x128xf32, #tpu.memory_space<vmem_shared>> -> memref<64x128xf32, #tpu.memory_space<vmem_shared>>
        tpu.wait_dma2 semaphore(%run_scoped3A : memref<!tpu.dma_semaphore, #tpu.memory_space<semaphore_mem>>) src(%arg10 : memref<64x128xf32, #tpu.memory_space<vmem>>) dst(%dma_wait3A_202 : memref<64x128xf32, #tpu.memory_space<vmem_shared>>)
        tpu.yield
      }) : () -> ()
    } else {
    }
    %mul3A_47 = arith.constant 10 : i32
    %mul3A_48 = arith.muli %arg1, %mul3A_47 : i32
    %add3A_49 = arith.constant 5 : i32
    %add3A_50 = arith.addi %mul3A_48, %add3A_49 : i32
    %lt3A_51 = arith.constant 158 : i32
    %lt3A_52 = arith.cmpi slt, %add3A_50, %lt3A_51 : i32
    %convert_element_type3A_53 = arith.extui %lt3A_52 : i1 to i32
    %cond3A_54 = arith.constant 0 : i32
    %cond3A_55 = arith.cmpi ne, %convert_element_type3A_53, %cond3A_54 : i32
    scf.if %cond3A_55 {
      %mul3A_194 = arith.constant 64 : i32
      %mul3A_195 = arith.muli %add3A_50, %mul3A_194 : i32
      "tpu.region"() ({
        %run_scoped3A = tpu.sem_alloc : memref<!tpu.dma_semaphore, #tpu.memory_space<semaphore_mem>>
        %dma_start3A_196 = arith.constant 0 : i32
        %dma_start3A_197 = tpu.memref_slice %arg12[%mul3A_195, %dma_start3A_196] : memref<10112x128xf32, #tpu.memory_space<vmem_shared>> -> memref<64x128xf32, #tpu.memory_space<vmem_shared>>
        %dma_start3A_198 = arith.constant 0 : i32
        %dma_start3A_199 = tpu.memref_slice %arg12[%mul3A_195, %dma_start3A_198] : memref<10112x128xf32, #tpu.memory_space<vmem_shared>> -> memref<64x128xf32, #tpu.memory_space<vmem_shared>>
        tpu.enqueue_dma source(%arg10 : memref<64x128xf32, #tpu.memory_space<vmem>>) target(%dma_start3A_199 : memref<64x128xf32, #tpu.memory_space<vmem_shared>>) target_semaphore(%run_scoped3A : memref<!tpu.dma_semaphore, #tpu.memory_space<semaphore_mem>>)
        %dma_wait3A = arith.constant 0 : i32
        %dma_wait3A_200 = tpu.memref_slice %arg12[%mul3A_195, %dma_wait3A] : memref<10112x128xf32, #tpu.memory_space<vmem_shared>> -> memref<64x128xf32, #tpu.memory_space<vmem_shared>>
        %dma_wait3A_201 = arith.constant 0 : i32
        %dma_wait3A_202 = tpu.memref_slice %arg12[%mul3A_195, %dma_wait3A_201] : memref<10112x128xf32, #tpu.memory_space<vmem_shared>> -> memref<64x128xf32, #tpu.memory_space<vmem_shared>>
        tpu.wait_dma2 semaphore(%run_scoped3A : memref<!tpu.dma_semaphore, #tpu.memory_space<semaphore_mem>>) src(%arg10 : memref<64x128xf32, #tpu.memory_space<vmem>>) dst(%dma_wait3A_202 : memref<64x128xf32, #tpu.memory_space<vmem_shared>>)
        tpu.yield
      }) : () -> ()
    } else {
    }
    %mul3A_56 = arith.constant 10 : i32
    %mul3A_57 = arith.muli %arg1, %mul3A_56 : i32
    %add3A_58 = arith.constant 6 : i32
    %add3A_59 = arith.addi %mul3A_57, %add3A_58 : i32
    %lt3A_60 = arith.constant 158 : i32
    %lt3A_61 = arith.cmpi slt, %add3A_59, %lt3A_60 : i32
    %convert_element_type3A_62 = arith.extui %lt3A_61 : i1 to i32
    %cond3A_63 = arith.constant 0 : i32
    %cond3A_64 = arith.cmpi ne, %convert_element_type3A_62, %cond3A_63 : i32
    scf.if %cond3A_64 {
      %mul3A_194 = arith.constant 64 : i32
      %mul3A_195 = arith.muli %add3A_59, %mul3A_194 : i32
      "tpu.region"() ({
        %run_scoped3A = tpu.sem_alloc : memref<!tpu.dma_semaphore, #tpu.memory_space<semaphore_mem>>
        %dma_start3A_196 = arith.constant 0 : i32
        %dma_start3A_197 = tpu.memref_slice %arg12[%mul3A_195, %dma_start3A_196] : memref<10112x128xf32, #tpu.memory_space<vmem_shared>> -> memref<64x128xf32, #tpu.memory_space<vmem_shared>>
        %dma_start3A_198 = arith.constant 0 : i32
        %dma_start3A_199 = tpu.memref_slice %arg12[%mul3A_195, %dma_start3A_198] : memref<10112x128xf32, #tpu.memory_space<vmem_shared>> -> memref<64x128xf32, #tpu.memory_space<vmem_shared>>
        tpu.enqueue_dma source(%arg10 : memref<64x128xf32, #tpu.memory_space<vmem>>) target(%dma_start3A_199 : memref<64x128xf32, #tpu.memory_space<vmem_shared>>) target_semaphore(%run_scoped3A : memref<!tpu.dma_semaphore, #tpu.memory_space<semaphore_mem>>)
        %dma_wait3A = arith.constant 0 : i32
        %dma_wait3A_200 = tpu.memref_slice %arg12[%mul3A_195, %dma_wait3A] : memref<10112x128xf32, #tpu.memory_space<vmem_shared>> -> memref<64x128xf32, #tpu.memory_space<vmem_shared>>
        %dma_wait3A_201 = arith.constant 0 : i32
        %dma_wait3A_202 = tpu.memref_slice %arg12[%mul3A_195, %dma_wait3A_201] : memref<10112x128xf32, #tpu.memory_space<vmem_shared>> -> memref<64x128xf32, #tpu.memory_space<vmem_shared>>
        tpu.wait_dma2 semaphore(%run_scoped3A : memref<!tpu.dma_semaphore, #tpu.memory_space<semaphore_mem>>) src(%arg10 : memref<64x128xf32, #tpu.memory_space<vmem>>) dst(%dma_wait3A_202 : memref<64x128xf32, #tpu.memory_space<vmem_shared>>)
        tpu.yield
      }) : () -> ()
    } else {
    }
    %mul3A_65 = arith.constant 10 : i32
    %mul3A_66 = arith.muli %arg1, %mul3A_65 : i32
    %add3A_67 = arith.constant 7 : i32
    %add3A_68 = arith.addi %mul3A_66, %add3A_67 : i32
    %lt3A_69 = arith.constant 158 : i32
    %lt3A_70 = arith.cmpi slt, %add3A_68, %lt3A_69 : i32
    %convert_element_type3A_71 = arith.extui %lt3A_70 : i1 to i32
    %cond3A_72 = arith.constant 0 : i32
    %cond3A_73 = arith.cmpi ne, %convert_element_type3A_71, %cond3A_72 : i32
    scf.if %cond3A_73 {
      %mul3A_194 = arith.constant 64 : i32
      %mul3A_195 = arith.muli %add3A_68, %mul3A_194 : i32
      "tpu.region"() ({
        %run_scoped3A = tpu.sem_alloc : memref<!tpu.dma_semaphore, #tpu.memory_space<semaphore_mem>>
        %dma_start3A_196 = arith.constant 0 : i32
        %dma_start3A_197 = tpu.memref_slice %arg12[%mul3A_195, %dma_start3A_196] : memref<10112x128xf32, #tpu.memory_space<vmem_shared>> -> memref<64x128xf32, #tpu.memory_space<vmem_shared>>
        %dma_start3A_198 = arith.constant 0 : i32
        %dma_start3A_199 = tpu.memref_slice %arg12[%mul3A_195, %dma_start3A_198] : memref<10112x128xf32, #tpu.memory_space<vmem_shared>> -> memref<64x128xf32, #tpu.memory_space<vmem_shared>>
        tpu.enqueue_dma source(%arg10 : memref<64x128xf32, #tpu.memory_space<vmem>>) target(%dma_start3A_199 : memref<64x128xf32, #tpu.memory_space<vmem_shared>>) target_semaphore(%run_scoped3A : memref<!tpu.dma_semaphore, #tpu.memory_space<semaphore_mem>>)
        %dma_wait3A = arith.constant 0 : i32
        %dma_wait3A_200 = tpu.memref_slice %arg12[%mul3A_195, %dma_wait3A] : memref<10112x128xf32, #tpu.memory_space<vmem_shared>> -> memref<64x128xf32, #tpu.memory_space<vmem_shared>>
        %dma_wait3A_201 = arith.constant 0 : i32
        %dma_wait3A_202 = tpu.memref_slice %arg12[%mul3A_195, %dma_wait3A_201] : memref<10112x128xf32, #tpu.memory_space<vmem_shared>> -> memref<64x128xf32, #tpu.memory_space<vmem_shared>>
        tpu.wait_dma2 semaphore(%run_scoped3A : memref<!tpu.dma_semaphore, #tpu.memory_space<semaphore_mem>>) src(%arg10 : memref<64x128xf32, #tpu.memory_space<vmem>>) dst(%dma_wait3A_202 : memref<64x128xf32, #tpu.memory_space<vmem_shared>>)
        tpu.yield
      }) : () -> ()
    } else {
    }
    %mul3A_74 = arith.constant 10 : i32
    %mul3A_75 = arith.muli %arg1, %mul3A_74 : i32
    %add3A_76 = arith.constant 8 : i32
    %add3A_77 = arith.addi %mul3A_75, %add3A_76 : i32
    %lt3A_78 = arith.constant 158 : i32
    %lt3A_79 = arith.cmpi slt, %add3A_77, %lt3A_78 : i32
    %convert_element_type3A_80 = arith.extui %lt3A_79 : i1 to i32
    %cond3A_81 = arith.constant 0 : i32
    %cond3A_82 = arith.cmpi ne, %convert_element_type3A_80, %cond3A_81 : i32
    scf.if %cond3A_82 {
      %mul3A_194 = arith.constant 64 : i32
      %mul3A_195 = arith.muli %add3A_77, %mul3A_194 : i32
      "tpu.region"() ({
        %run_scoped3A = tpu.sem_alloc : memref<!tpu.dma_semaphore, #tpu.memory_space<semaphore_mem>>
        %dma_start3A_196 = arith.constant 0 : i32
        %dma_start3A_197 = tpu.memref_slice %arg12[%mul3A_195, %dma_start3A_196] : memref<10112x128xf32, #tpu.memory_space<vmem_shared>> -> memref<64x128xf32, #tpu.memory_space<vmem_shared>>
        %dma_start3A_198 = arith.constant 0 : i32
        %dma_start3A_199 = tpu.memref_slice %arg12[%mul3A_195, %dma_start3A_198] : memref<10112x128xf32, #tpu.memory_space<vmem_shared>> -> memref<64x128xf32, #tpu.memory_space<vmem_shared>>
        tpu.enqueue_dma source(%arg10 : memref<64x128xf32, #tpu.memory_space<vmem>>) target(%dma_start3A_199 : memref<64x128xf32, #tpu.memory_space<vmem_shared>>) target_semaphore(%run_scoped3A : memref<!tpu.dma_semaphore, #tpu.memory_space<semaphore_mem>>)
        %dma_wait3A = arith.constant 0 : i32
        %dma_wait3A_200 = tpu.memref_slice %arg12[%mul3A_195, %dma_wait3A] : memref<10112x128xf32, #tpu.memory_space<vmem_shared>> -> memref<64x128xf32, #tpu.memory_space<vmem_shared>>
        %dma_wait3A_201 = arith.constant 0 : i32
        %dma_wait3A_202 = tpu.memref_slice %arg12[%mul3A_195, %dma_wait3A_201] : memref<10112x128xf32, #tpu.memory_space<vmem_shared>> -> memref<64x128xf32, #tpu.memory_space<vmem_shared>>
        tpu.wait_dma2 semaphore(%run_scoped3A : memref<!tpu.dma_semaphore, #tpu.memory_space<semaphore_mem>>) src(%arg10 : memref<64x128xf32, #tpu.memory_space<vmem>>) dst(%dma_wait3A_202 : memref<64x128xf32, #tpu.memory_space<vmem_shared>>)
        tpu.yield
      }) : () -> ()
    } else {
    }
    %mul3A_83 = arith.constant 10 : i32
    %mul3A_84 = arith.muli %arg1, %mul3A_83 : i32
    %add3A_85 = arith.constant 9 : i32
    %add3A_86 = arith.addi %mul3A_84, %add3A_85 : i32
    %lt3A_87 = arith.constant 158 : i32
    %lt3A_88 = arith.cmpi slt, %add3A_86, %lt3A_87 : i32
    %convert_element_type3A_89 = arith.extui %lt3A_88 : i1 to i32
    %cond3A_90 = arith.constant 0 : i32
    %cond3A_91 = arith.cmpi ne, %convert_element_type3A_89, %cond3A_90 : i32
    scf.if %cond3A_91 {
      %mul3A_194 = arith.constant 64 : i32
      %mul3A_195 = arith.muli %add3A_86, %mul3A_194 : i32
      "tpu.region"() ({
        %run_scoped3A = tpu.sem_alloc : memref<!tpu.dma_semaphore, #tpu.memory_space<semaphore_mem>>
        %dma_start3A_196 = arith.constant 0 : i32
        %dma_start3A_197 = tpu.memref_slice %arg12[%mul3A_195, %dma_start3A_196] : memref<10112x128xf32, #tpu.memory_space<vmem_shared>> -> memref<64x128xf32, #tpu.memory_space<vmem_shared>>
        %dma_start3A_198 = arith.constant 0 : i32
        %dma_start3A_199 = tpu.memref_slice %arg12[%mul3A_195, %dma_start3A_198] : memref<10112x128xf32, #tpu.memory_space<vmem_shared>> -> memref<64x128xf32, #tpu.memory_space<vmem_shared>>
        tpu.enqueue_dma source(%arg10 : memref<64x128xf32, #tpu.memory_space<vmem>>) target(%dma_start3A_199 : memref<64x128xf32, #tpu.memory_space<vmem_shared>>) target_semaphore(%run_scoped3A : memref<!tpu.dma_semaphore, #tpu.memory_space<semaphore_mem>>)
        %dma_wait3A = arith.constant 0 : i32
        %dma_wait3A_200 = tpu.memref_slice %arg12[%mul3A_195, %dma_wait3A] : memref<10112x128xf32, #tpu.memory_space<vmem_shared>> -> memref<64x128xf32, #tpu.memory_space<vmem_shared>>
        %dma_wait3A_201 = arith.constant 0 : i32
        %dma_wait3A_202 = tpu.memref_slice %arg12[%mul3A_195, %dma_wait3A_201] : memref<10112x128xf32, #tpu.memory_space<vmem_shared>> -> memref<64x128xf32, #tpu.memory_space<vmem_shared>>
        tpu.wait_dma2 semaphore(%run_scoped3A : memref<!tpu.dma_semaphore, #tpu.memory_space<semaphore_mem>>) src(%arg10 : memref<64x128xf32, #tpu.memory_space<vmem>>) dst(%dma_wait3A_202 : memref<64x128xf32, #tpu.memory_space<vmem_shared>>)
        tpu.yield
      }) : () -> ()
    } else {
    }
    "tpu.region"() ({
      %run_scoped3A = tpu.sem_alloc : memref<!tpu.dma_semaphore, #tpu.memory_space<semaphore_mem>>
      %dma_start3A_194 = arith.constant 0 : i32
      %dma_start3A_195 = arith.constant 0 : i32
      %dma_start3A_196 = tpu.memref_slice %arg3[%add3A, %dma_start3A_194, %dma_start3A_195] : memref<32x79x128xi32, #tpu.memory_space<hbm>> -> memref<1x79x128xi32, #tpu.memory_space<hbm>>
      %dma_start3A_197 = tpu.memref_squeeze %dma_start3A_196 : memref<1x79x128xi32, #tpu.memory_space<hbm>> -> memref<79x128xi32, #tpu.memory_space<hbm>>
      %dma_start3A_198 = arith.constant 0 : i32
      %dma_start3A_199 = arith.constant 0 : i32
      %dma_start3A_200 = tpu.memref_slice %arg3[%add3A, %dma_start3A_198, %dma_start3A_199] : memref<32x79x128xi32, #tpu.memory_space<hbm>> -> memref<1x79x128xi32, #tpu.memory_space<hbm>>
      %dma_start3A_201 = tpu.memref_squeeze %dma_start3A_200 : memref<1x79x128xi32, #tpu.memory_space<hbm>> -> memref<79x128xi32, #tpu.memory_space<hbm>>
      tpu.enqueue_dma source(%dma_start3A_201 : memref<79x128xi32, #tpu.memory_space<hbm>>) target(%arg7 : memref<79x128xi32, #tpu.memory_space<vmem>>) target_semaphore(%run_scoped3A : memref<!tpu.dma_semaphore, #tpu.memory_space<semaphore_mem>>)
      %dma_wait3A = arith.constant 0 : i32
      %dma_wait3A_202 = arith.constant 0 : i32
      %dma_wait3A_203 = tpu.memref_slice %arg3[%add3A, %dma_wait3A, %dma_wait3A_202] : memref<32x79x128xi32, #tpu.memory_space<hbm>> -> memref<1x79x128xi32, #tpu.memory_space<hbm>>
      %dma_wait3A_204 = tpu.memref_squeeze %dma_wait3A_203 : memref<1x79x128xi32, #tpu.memory_space<hbm>> -> memref<79x128xi32, #tpu.memory_space<hbm>>
      %dma_wait3A_205 = arith.constant 0 : i32
      %dma_wait3A_206 = arith.constant 0 : i32
      %dma_wait3A_207 = tpu.memref_slice %arg3[%add3A, %dma_wait3A_205, %dma_wait3A_206] : memref<32x79x128xi32, #tpu.memory_space<hbm>> -> memref<1x79x128xi32, #tpu.memory_space<hbm>>
      %dma_wait3A_208 = tpu.memref_squeeze %dma_wait3A_207 : memref<1x79x128xi32, #tpu.memory_space<hbm>> -> memref<79x128xi32, #tpu.memory_space<hbm>>
      tpu.wait_dma2 semaphore(%run_scoped3A : memref<!tpu.dma_semaphore, #tpu.memory_space<semaphore_mem>>) src(%dma_wait3A_208 : memref<79x128xi32, #tpu.memory_space<hbm>>) dst(%arg7 : memref<79x128xi32, #tpu.memory_space<vmem>>)
      tpu.yield
    }) : () -> ()
    "tpu.region"() ({
      %run_scoped3A = tpu.sem_alloc : memref<!tpu.dma_semaphore, #tpu.memory_space<semaphore_mem>>
      %dma_start3A_194 = arith.constant 0 : i32
      %dma_start3A_195 = arith.constant 0 : i32
      %dma_start3A_196 = tpu.memref_slice %arg4[%add3A, %dma_start3A_194, %dma_start3A_195] : memref<32x79x128xi32, #tpu.memory_space<hbm>> -> memref<1x79x128xi32, #tpu.memory_space<hbm>>
      %dma_start3A_197 = tpu.memref_squeeze %dma_start3A_196 : memref<1x79x128xi32, #tpu.memory_space<hbm>> -> memref<79x128xi32, #tpu.memory_space<hbm>>
      %dma_start3A_198 = arith.constant 0 : i32
      %dma_start3A_199 = arith.constant 0 : i32
      %dma_start3A_200 = tpu.memref_slice %arg4[%add3A, %dma_start3A_198, %dma_start3A_199] : memref<32x79x128xi32, #tpu.memory_space<hbm>> -> memref<1x79x128xi32, #tpu.memory_space<hbm>>
      %dma_start3A_201 = tpu.memref_squeeze %dma_start3A_200 : memref<1x79x128xi32, #tpu.memory_space<hbm>> -> memref<79x128xi32, #tpu.memory_space<hbm>>
      tpu.enqueue_dma source(%dma_start3A_201 : memref<79x128xi32, #tpu.memory_space<hbm>>) target(%arg8 : memref<79x128xi32, #tpu.memory_space<vmem>>) target_semaphore(%run_scoped3A : memref<!tpu.dma_semaphore, #tpu.memory_space<semaphore_mem>>)
      %dma_wait3A = arith.constant 0 : i32
      %dma_wait3A_202 = arith.constant 0 : i32
      %dma_wait3A_203 = tpu.memref_slice %arg4[%add3A, %dma_wait3A, %dma_wait3A_202] : memref<32x79x128xi32, #tpu.memory_space<hbm>> -> memref<1x79x128xi32, #tpu.memory_space<hbm>>
      %dma_wait3A_204 = tpu.memref_squeeze %dma_wait3A_203 : memref<1x79x128xi32, #tpu.memory_space<hbm>> -> memref<79x128xi32, #tpu.memory_space<hbm>>
      %dma_wait3A_205 = arith.constant 0 : i32
      %dma_wait3A_206 = arith.constant 0 : i32
      %dma_wait3A_207 = tpu.memref_slice %arg4[%add3A, %dma_wait3A_205, %dma_wait3A_206] : memref<32x79x128xi32, #tpu.memory_space<hbm>> -> memref<1x79x128xi32, #tpu.memory_space<hbm>>
      %dma_wait3A_208 = tpu.memref_squeeze %dma_wait3A_207 : memref<1x79x128xi32, #tpu.memory_space<hbm>> -> memref<79x128xi32, #tpu.memory_space<hbm>>
      tpu.wait_dma2 semaphore(%run_scoped3A : memref<!tpu.dma_semaphore, #tpu.memory_space<semaphore_mem>>) src(%dma_wait3A_208 : memref<79x128xi32, #tpu.memory_space<hbm>>) dst(%arg8 : memref<79x128xi32, #tpu.memory_space<vmem>>)
      tpu.yield
    }) : () -> ()
    "tpu.region"() ({
      %run_scoped3A = tpu.sem_alloc : memref<!tpu.dma_semaphore, #tpu.memory_space<semaphore_mem>>
      %dma_start3A_194 = arith.constant 0 : i32
      %dma_start3A_195 = arith.constant 0 : i32
      %dma_start3A_196 = tpu.memref_slice %arg5[%add3A, %dma_start3A_194, %dma_start3A_195] : memref<32x79x128xf32, #tpu.memory_space<hbm>> -> memref<1x79x128xf32, #tpu.memory_space<hbm>>
      %dma_start3A_197 = tpu.memref_squeeze %dma_start3A_196 : memref<1x79x128xf32, #tpu.memory_space<hbm>> -> memref<79x128xf32, #tpu.memory_space<hbm>>
      %dma_start3A_198 = arith.constant 0 : i32
      %dma_start3A_199 = arith.constant 0 : i32
      %dma_start3A_200 = tpu.memref_slice %arg5[%add3A, %dma_start3A_198, %dma_start3A_199] : memref<32x79x128xf32, #tpu.memory_space<hbm>> -> memref<1x79x128xf32, #tpu.memory_space<hbm>>
      %dma_start3A_201 = tpu.memref_squeeze %dma_start3A_200 : memref<1x79x128xf32, #tpu.memory_space<hbm>> -> memref<79x128xf32, #tpu.memory_space<hbm>>
      tpu.enqueue_dma source(%dma_start3A_201 : memref<79x128xf32, #tpu.memory_space<hbm>>) target(%arg9 : memref<79x128xf32, #tpu.memory_space<vmem>>) target_semaphore(%run_scoped3A : memref<!tpu.dma_semaphore, #tpu.memory_space<semaphore_mem>>)
      %dma_wait3A = arith.constant 0 : i32
      %dma_wait3A_202 = arith.constant 0 : i32
      %dma_wait3A_203 = tpu.memref_slice %arg5[%add3A, %dma_wait3A, %dma_wait3A_202] : memref<32x79x128xf32, #tpu.memory_space<hbm>> -> memref<1x79x128xf32, #tpu.memory_space<hbm>>
      %dma_wait3A_204 = tpu.memref_squeeze %dma_wait3A_203 : memref<1x79x128xf32, #tpu.memory_space<hbm>> -> memref<79x128xf32, #tpu.memory_space<hbm>>
      %dma_wait3A_205 = arith.constant 0 : i32
      %dma_wait3A_206 = arith.constant 0 : i32
      %dma_wait3A_207 = tpu.memref_slice %arg5[%add3A, %dma_wait3A_205, %dma_wait3A_206] : memref<32x79x128xf32, #tpu.memory_space<hbm>> -> memref<1x79x128xf32, #tpu.memory_space<hbm>>
      %dma_wait3A_208 = tpu.memref_squeeze %dma_wait3A_207 : memref<1x79x128xf32, #tpu.memory_space<hbm>> -> memref<79x128xf32, #tpu.memory_space<hbm>>
      tpu.wait_dma2 semaphore(%run_scoped3A : memref<!tpu.dma_semaphore, #tpu.memory_space<semaphore_mem>>) src(%dma_wait3A_208 : memref<79x128xf32, #tpu.memory_space<hbm>>) dst(%arg9 : memref<79x128xf32, #tpu.memory_space<vmem>>)
      tpu.yield
    }) : () -> ()
    %barrier3A = arith.constant 0 : index
    tpu.barrier barrier_id(%barrier3A)
    %dma_start3A = arith.constant 0 : i32
    %dma_start3A_92 = arith.constant 0 : i32
    %dma_start3A_93 = tpu.memref_slice %arg7[%dma_start3A, %dma_start3A_92] : memref<79x128xi32, #tpu.memory_space<vmem>> -> memref<1x64xi32, #tpu.memory_space<vmem>>
    %dma_start3A_94 = tpu.memref_squeeze %dma_start3A_93 : memref<1x64xi32, #tpu.memory_space<vmem>> -> memref<64xi32, #tpu.memory_space<vmem>>
    %dma_start3A_95 = arith.constant 0 : i32
    %dma_start3A_96 = arith.constant 0 : i32
    %dma_start3A_97 = tpu.memref_slice %arg2[%dma_start3A_95, %dma_start3A_96] : memref<10000x128xf32, #tpu.memory_space<hbm>> -> memref<10000x128xf32, #tpu.memory_space<hbm>>
    tpu.enqueue_indirect_dma source(%dma_start3A_97 : memref<10000x128xf32, #tpu.memory_space<hbm>>) target(%arg10 : memref<64x128xf32, #tpu.memory_space<vmem>>) offsets(%dma_start3A_94 : memref<64xi32, #tpu.memory_space<vmem>>) semaphore(%arg13 : memref<!tpu.dma_semaphore, #tpu.memory_space<semaphore_mem>>)
    %scan3A_98 = arith.constant 0 : i32
    %scan3A_99 = arith.constant 79 : i32
    %scan3A_100 = arith.addi %scan3A_98, %scan3A_99 : i32
    %scan3A_101 = arith.constant 1 : i32
    scf.for %scan3A_194 = %scan3A_98 to %scan3A_100 step %scan3A_101  : i32 {
      %mul3A_195 = arith.constant 1 : i32
      %mul3A_196 = arith.muli %scan3A_194, %mul3A_195 : i32
      %add3A_197 = arith.constant 0 : i32
      %add3A_198 = arith.addi %add3A_197, %mul3A_196 : i32
      %dma_wait3A = arith.constant 0 : i32
      %dma_wait3A_199 = tpu.memref_slice %arg7[%add3A_198, %dma_wait3A] : memref<79x128xi32, #tpu.memory_space<vmem>> -> memref<1x64xi32, #tpu.memory_space<vmem>>
      %dma_wait3A_200 = tpu.memref_squeeze %dma_wait3A_199 : memref<1x64xi32, #tpu.memory_space<vmem>> -> memref<64xi32, #tpu.memory_space<vmem>>
      %dma_wait3A_201 = arith.constant 0 : i32
      %dma_wait3A_202 = arith.constant 0 : i32
      %dma_wait3A_203 = tpu.memref_slice %arg2[%dma_wait3A_201, %dma_wait3A_202] : memref<10000x128xf32, #tpu.memory_space<hbm>> -> memref<10000x128xf32, #tpu.memory_space<hbm>>
      tpu.wait_indirect_dma semaphore(%arg13 : memref<!tpu.dma_semaphore, #tpu.memory_space<semaphore_mem>>) src(%dma_wait3A_203 : memref<10000x128xf32, #tpu.memory_space<hbm>>) dst(%arg10 : memref<64x128xf32, #tpu.memory_space<vmem>>)
      %add3A_204 = arith.constant 0 : i32
      %add3A_205 = arith.addi %add3A_198, %add3A_204 : i32
      %lt3A_206 = arith.constant 79 : i32
      %lt3A_207 = arith.cmpi slt, %add3A_205, %lt3A_206 : i32
      %convert_element_type3A_208 = arith.extui %lt3A_207 : i1 to i32
      %cond3A_209 = arith.constant 0 : i32
      %cond3A_210 = arith.cmpi ne, %convert_element_type3A_208, %cond3A_209 : i32
      scf.if %cond3A_210 {
        %dma_start3A_348 = arith.constant 64 : i32
        %dma_start3A_349 = tpu.memref_slice %arg7[%add3A_205, %dma_start3A_348] : memref<79x128xi32, #tpu.memory_space<vmem>> -> memref<1x64xi32, #tpu.memory_space<vmem>>
        %dma_start3A_350 = tpu.memref_squeeze %dma_start3A_349 : memref<1x64xi32, #tpu.memory_space<vmem>> -> memref<64xi32, #tpu.memory_space<vmem>>
        %dma_start3A_351 = arith.constant 0 : i32
        %dma_start3A_352 = arith.constant 0 : i32
        %dma_start3A_353 = tpu.memref_slice %arg2[%dma_start3A_351, %dma_start3A_352] : memref<10000x128xf32, #tpu.memory_space<hbm>> -> memref<10000x128xf32, #tpu.memory_space<hbm>>
        tpu.enqueue_indirect_dma source(%dma_start3A_353 : memref<10000x128xf32, #tpu.memory_space<hbm>>) target(%arg11 : memref<64x128xf32, #tpu.memory_space<vmem>>) offsets(%dma_start3A_350 : memref<64xi32, #tpu.memory_space<vmem>>) semaphore(%arg13 : memref<!tpu.dma_semaphore, #tpu.memory_space<semaphore_mem>>)
      } else {
      }
      %parallel_loop3A = arith.constant 0 : i32
      %parallel_loop3A_211 = arith.constant 64 : i32
      %parallel_loop3A_212 = arith.constant 1 : i32
      scf.for %parallel_loop3A_348 = %parallel_loop3A to %parallel_loop3A_211 step %parallel_loop3A_212  : i32 {
        %parallel_loop3A_349 = vector.broadcast %add3A_198 : i32 to vector<16xi32>
        %parallel_loop3A_350 = arith.constant 0 : i32
        %parallel_loop3A_351 = arith.addi %parallel_loop3A_350, %parallel_loop3A_348 : i32
        %parallel_loop3A_352 = vector.broadcast %parallel_loop3A_351 : i32 to vector<16xi32>
        %parallel_loop3A_353 = tpu.vector_load_idx %arg9[%parallel_loop3A_349, %parallel_loop3A_352] : memref<79x128xf32, #tpu.memory_space<vmem>>[vector<16xi32>, vector<16xi32>], vector<16xf32>,
        %parallel_loop3A_354 = arith.index_cast %parallel_loop3A_348 : i32 to index
        %parallel_loop3A_355 = arith.constant 0 : index
        %parallel_loop3A_356 = tpu.vector_load %arg10[%parallel_loop3A_354, %parallel_loop3A_355] {strides = array<i32>} : memref<64x128xf32, #tpu.memory_space<vmem>>, vector<16xf32>,
        %parallel_loop3A_357 = arith.mulf %parallel_loop3A_356, %parallel_loop3A_353 : vector<16xf32>
        %parallel_loop3A_358 = arith.index_cast %parallel_loop3A_348 : i32 to index
        %parallel_loop3A_359 = arith.constant 0 : index
        %parallel_loop3A_360 = tpu.vector_load %arg10[%parallel_loop3A_358, %parallel_loop3A_359] {strides = array<i32>} : memref<64x128xf32, #tpu.memory_space<vmem>>, vector<16xf32>,
        tpu.vector_store %arg10[%parallel_loop3A_358, %parallel_loop3A_359], %parallel_loop3A_357 {strides = array<i32>} : memref<64x128xf32, #tpu.memory_space<vmem>>, vector<16xf32>,
        %parallel_loop3A_361 = arith.index_cast %parallel_loop3A_348 : i32 to index
        %parallel_loop3A_362 = arith.constant 16 : index
        %parallel_loop3A_363 = tpu.vector_load %arg10[%parallel_loop3A_361, %parallel_loop3A_362] {strides = array<i32>} : memref<64x128xf32, #tpu.memory_space<vmem>>, vector<16xf32>,
        %parallel_loop3A_364 = arith.mulf %parallel_loop3A_363, %parallel_loop3A_353 : vector<16xf32>
        %parallel_loop3A_365 = arith.index_cast %parallel_loop3A_348 : i32 to index
        %parallel_loop3A_366 = arith.constant 16 : index
        %parallel_loop3A_367 = tpu.vector_load %arg10[%parallel_loop3A_365, %parallel_loop3A_366] {strides = array<i32>} : memref<64x128xf32, #tpu.memory_space<vmem>>, vector<16xf32>,
        tpu.vector_store %arg10[%parallel_loop3A_365, %parallel_loop3A_366], %parallel_loop3A_364 {strides = array<i32>} : memref<64x128xf32, #tpu.memory_space<vmem>>, vector<16xf32>,
        %parallel_loop3A_368 = arith.index_cast %parallel_loop3A_348 : i32 to index
        %parallel_loop3A_369 = arith.constant 32 : index
        %parallel_loop3A_370 = tpu.vector_load %arg10[%parallel_loop3A_368, %parallel_loop3A_369] {strides = array<i32>} : memref<64x128xf32, #tpu.memory_space<vmem>>, vector<16xf32>,
        %parallel_loop3A_371 = arith.mulf %parallel_loop3A_370, %parallel_loop3A_353 : vector<16xf32>
        %parallel_loop3A_372 = arith.index_cast %parallel_loop3A_348 : i32 to index
        %parallel_loop3A_373 = arith.constant 32 : index
        %parallel_loop3A_374 = tpu.vector_load %arg10[%parallel_loop3A_372, %parallel_loop3A_373] {strides = array<i32>} : memref<64x128xf32, #tpu.memory_space<vmem>>, vector<16xf32>,
        tpu.vector_store %arg10[%parallel_loop3A_372, %parallel_loop3A_373], %parallel_loop3A_371 {strides = array<i32>} : memref<64x128xf32, #tpu.memory_space<vmem>>, vector<16xf32>,
        %parallel_loop3A_375 = arith.index_cast %parallel_loop3A_348 : i32 to index
        %parallel_loop3A_376 = arith.constant 48 : index
        %parallel_loop3A_377 = tpu.vector_load %arg10[%parallel_loop3A_375, %parallel_loop3A_376] {strides = array<i32>} : memref<64x128xf32, #tpu.memory_space<vmem>>, vector<16xf32>,
        %parallel_loop3A_378 = arith.mulf %parallel_loop3A_377, %parallel_loop3A_353 : vector<16xf32>
        %parallel_loop3A_379 = arith.index_cast %parallel_loop3A_348 : i32 to index
        %parallel_loop3A_380 = arith.constant 48 : index
        %parallel_loop3A_381 = tpu.vector_load %arg10[%parallel_loop3A_379, %parallel_loop3A_380] {strides = array<i32>} : memref<64x128xf32, #tpu.memory_space<vmem>>, vector<16xf32>,
        tpu.vector_store %arg10[%parallel_loop3A_379, %parallel_loop3A_380], %parallel_loop3A_378 {strides = array<i32>} : memref<64x128xf32, #tpu.memory_space<vmem>>, vector<16xf32>,
        %parallel_loop3A_382 = arith.index_cast %parallel_loop3A_348 : i32 to index
        %parallel_loop3A_383 = arith.constant 64 : index
        %parallel_loop3A_384 = tpu.vector_load %arg10[%parallel_loop3A_382, %parallel_loop3A_383] {strides = array<i32>} : memref<64x128xf32, #tpu.memory_space<vmem>>, vector<16xf32>,
        %parallel_loop3A_385 = arith.mulf %parallel_loop3A_384, %parallel_loop3A_353 : vector<16xf32>
        %parallel_loop3A_386 = arith.index_cast %parallel_loop3A_348 : i32 to index
        %parallel_loop3A_387 = arith.constant 64 : index
        %parallel_loop3A_388 = tpu.vector_load %arg10[%parallel_loop3A_386, %parallel_loop3A_387] {strides = array<i32>} : memref<64x128xf32, #tpu.memory_space<vmem>>, vector<16xf32>,
        tpu.vector_store %arg10[%parallel_loop3A_386, %parallel_loop3A_387], %parallel_loop3A_385 {strides = array<i32>} : memref<64x128xf32, #tpu.memory_space<vmem>>, vector<16xf32>,
        %parallel_loop3A_389 = arith.index_cast %parallel_loop3A_348 : i32 to index
        %parallel_loop3A_390 = arith.constant 80 : index
        %parallel_loop3A_391 = tpu.vector_load %arg10[%parallel_loop3A_389, %parallel_loop3A_390] {strides = array<i32>} : memref<64x128xf32, #tpu.memory_space<vmem>>, vector<16xf32>,
        %parallel_loop3A_392 = arith.mulf %parallel_loop3A_391, %parallel_loop3A_353 : vector<16xf32>
        %parallel_loop3A_393 = arith.index_cast %parallel_loop3A_348 : i32 to index
        %parallel_loop3A_394 = arith.constant 80 : index
        %parallel_loop3A_395 = tpu.vector_load %arg10[%parallel_loop3A_393, %parallel_loop3A_394] {strides = array<i32>} : memref<64x128xf32, #tpu.memory_space<vmem>>, vector<16xf32>,
        tpu.vector_store %arg10[%parallel_loop3A_393, %parallel_loop3A_394], %parallel_loop3A_392 {strides = array<i32>} : memref<64x128xf32, #tpu.memory_space<vmem>>, vector<16xf32>,
        %parallel_loop3A_396 = arith.index_cast %parallel_loop3A_348 : i32 to index
        %parallel_loop3A_397 = arith.constant 96 : index
        %parallel_loop3A_398 = tpu.vector_load %arg10[%parallel_loop3A_396, %parallel_loop3A_397] {strides = array<i32>} : memref<64x128xf32, #tpu.memory_space<vmem>>, vector<16xf32>,
        %parallel_loop3A_399 = arith.mulf %parallel_loop3A_398, %parallel_loop3A_353 : vector<16xf32>
        %parallel_loop3A_400 = arith.index_cast %parallel_loop3A_348 : i32 to index
        %parallel_loop3A_401 = arith.constant 96 : index
        %parallel_loop3A_402 = tpu.vector_load %arg10[%parallel_loop3A_400, %parallel_loop3A_401] {strides = array<i32>} : memref<64x128xf32, #tpu.memory_space<vmem>>, vector<16xf32>,
        tpu.vector_store %arg10[%parallel_loop3A_400, %parallel_loop3A_401], %parallel_loop3A_399 {strides = array<i32>} : memref<64x128xf32, #tpu.memory_space<vmem>>, vector<16xf32>,
        %parallel_loop3A_403 = arith.index_cast %parallel_loop3A_348 : i32 to index
        %parallel_loop3A_404 = arith.constant 112 : index
        %parallel_loop3A_405 = tpu.vector_load %arg10[%parallel_loop3A_403, %parallel_loop3A_404] {strides = array<i32>} : memref<64x128xf32, #tpu.memory_space<vmem>>, vector<16xf32>,
        %parallel_loop3A_406 = arith.mulf %parallel_loop3A_405, %parallel_loop3A_353 : vector<16xf32>
        %parallel_loop3A_407 = arith.index_cast %parallel_loop3A_348 : i32 to index
        %parallel_loop3A_408 = arith.constant 112 : index
        %parallel_loop3A_409 = tpu.vector_load %arg10[%parallel_loop3A_407, %parallel_loop3A_408] {strides = array<i32>} : memref<64x128xf32, #tpu.memory_space<vmem>>, vector<16xf32>,
        tpu.vector_store %arg10[%parallel_loop3A_407, %parallel_loop3A_408], %parallel_loop3A_406 {strides = array<i32>} : memref<64x128xf32, #tpu.memory_space<vmem>>, vector<16xf32>,
      } {sc.loop_unroll_factor = 4 : i64, sc.parallel_access}
      %get3A = arith.index_cast %add3A_198 : i32 to index
      %get3A_213 = arith.constant 0 : index
      %get3A_214 = tpu.vector_load %arg8[%get3A, %get3A_213] {strides = array<i32>} : memref<79x128xi32, #tpu.memory_space<vmem>>, vector<16xi32>,
      %dma_start3A_215 = arith.constant 0 : i32
      %dma_start3A_216 = arith.constant 0 : i32
      %dma_start3A_217 = tpu.memref_slice %arg10[%dma_start3A_215, %dma_start3A_216] : memref<64x128xf32, #tpu.memory_space<vmem>> -> memref<16x128xf32, #tpu.memory_space<vmem>>
      %dma_start3A_218 = arith.constant 0 : i32
      %dma_start3A_219 = arith.constant 0 : i32
      %dma_start3A_220 = tpu.memref_slice %arg12[%dma_start3A_218, %dma_start3A_219] : memref<10112x128xf32, #tpu.memory_space<vmem_shared>> -> memref<10112x128xf32, #tpu.memory_space<vmem_shared>>
      tpu.enqueue_indirect_dma source(%dma_start3A_217 : memref<16x128xf32, #tpu.memory_space<vmem>>) target(%dma_start3A_220 : memref<10112x128xf32, #tpu.memory_space<vmem_shared>>) offsets(%get3A_214 : vector<16xi32>) semaphore(%arg14 : memref<!tpu.dma_semaphore, #tpu.memory_space<semaphore_mem>>) {add = true}
      %get3A_221 = arith.index_cast %add3A_198 : i32 to index
      %get3A_222 = arith.constant 16 : index
      %get3A_223 = tpu.vector_load %arg8[%get3A_221, %get3A_222] {strides = array<i32>} : memref<79x128xi32, #tpu.memory_space<vmem>>, vector<16xi32>,
      %dma_start3A_224 = arith.constant 16 : i32
      %dma_start3A_225 = arith.constant 0 : i32
      %dma_start3A_226 = tpu.memref_slice %arg10[%dma_start3A_224, %dma_start3A_225] : memref<64x128xf32, #tpu.memory_space<vmem>> -> memref<16x128xf32, #tpu.memory_space<vmem>>
      %dma_start3A_227 = arith.constant 0 : i32
      %dma_start3A_228 = arith.constant 0 : i32
      %dma_start3A_229 = tpu.memref_slice %arg12[%dma_start3A_227, %dma_start3A_228] : memref<10112x128xf32, #tpu.memory_space<vmem_shared>> -> memref<10112x128xf32, #tpu.memory_space<vmem_shared>>
      tpu.enqueue_indirect_dma source(%dma_start3A_226 : memref<16x128xf32, #tpu.memory_space<vmem>>) target(%dma_start3A_229 : memref<10112x128xf32, #tpu.memory_space<vmem_shared>>) offsets(%get3A_223 : vector<16xi32>) semaphore(%arg14 : memref<!tpu.dma_semaphore, #tpu.memory_space<semaphore_mem>>) {add = true}
      %get3A_230 = arith.index_cast %add3A_198 : i32 to index
      %get3A_231 = arith.constant 32 : index
      %get3A_232 = tpu.vector_load %arg8[%get3A_230, %get3A_231] {strides = array<i32>} : memref<79x128xi32, #tpu.memory_space<vmem>>, vector<16xi32>,
      %dma_start3A_233 = arith.constant 32 : i32
      %dma_start3A_234 = arith.constant 0 : i32
      %dma_start3A_235 = tpu.memref_slice %arg10[%dma_start3A_233, %dma_start3A_234] : memref<64x128xf32, #tpu.memory_space<vmem>> -> memref<16x128xf32, #tpu.memory_space<vmem>>
      %dma_start3A_236 = arith.constant 0 : i32
      %dma_start3A_237 = arith.constant 0 : i32
      %dma_start3A_238 = tpu.memref_slice %arg12[%dma_start3A_236, %dma_start3A_237] : memref<10112x128xf32, #tpu.memory_space<vmem_shared>> -> memref<10112x128xf32, #tpu.memory_space<vmem_shared>>
      tpu.enqueue_indirect_dma source(%dma_start3A_235 : memref<16x128xf32, #tpu.memory_space<vmem>>) target(%dma_start3A_238 : memref<10112x128xf32, #tpu.memory_space<vmem_shared>>) offsets(%get3A_232 : vector<16xi32>) semaphore(%arg14 : memref<!tpu.dma_semaphore, #tpu.memory_space<semaphore_mem>>) {add = true}
      %get3A_239 = arith.index_cast %add3A_198 : i32 to index
      %get3A_240 = arith.constant 48 : index
      %get3A_241 = tpu.vector_load %arg8[%get3A_239, %get3A_240] {strides = array<i32>} : memref<79x128xi32, #tpu.memory_space<vmem>>, vector<16xi32>,
      %dma_start3A_242 = arith.constant 48 : i32
      %dma_start3A_243 = arith.constant 0 : i32
      %dma_start3A_244 = tpu.memref_slice %arg10[%dma_start3A_242, %dma_start3A_243] : memref<64x128xf32, #tpu.memory_space<vmem>> -> memref<16x128xf32, #tpu.memory_space<vmem>>
      %dma_start3A_245 = arith.constant 0 : i32
      %dma_start3A_246 = arith.constant 0 : i32
      %dma_start3A_247 = tpu.memref_slice %arg12[%dma_start3A_245, %dma_start3A_246] : memref<10112x128xf32, #tpu.memory_space<vmem_shared>> -> memref<10112x128xf32, #tpu.memory_space<vmem_shared>>
      tpu.enqueue_indirect_dma source(%dma_start3A_244 : memref<16x128xf32, #tpu.memory_space<vmem>>) target(%dma_start3A_247 : memref<10112x128xf32, #tpu.memory_space<vmem_shared>>) offsets(%get3A_241 : vector<16xi32>) semaphore(%arg14 : memref<!tpu.dma_semaphore, #tpu.memory_space<semaphore_mem>>) {add = true}
      %dma_wait3A_248 = arith.constant 64 : i32
      %dma_wait3A_249 = tpu.memref_slice %arg7[%add3A_198, %dma_wait3A_248] : memref<79x128xi32, #tpu.memory_space<vmem>> -> memref<1x64xi32, #tpu.memory_space<vmem>>
      %dma_wait3A_250 = tpu.memref_squeeze %dma_wait3A_249 : memref<1x64xi32, #tpu.memory_space<vmem>> -> memref<64xi32, #tpu.memory_space<vmem>>
      %dma_wait3A_251 = arith.constant 0 : i32
      %dma_wait3A_252 = arith.constant 0 : i32
      %dma_wait3A_253 = tpu.memref_slice %arg2[%dma_wait3A_251, %dma_wait3A_252] : memref<10000x128xf32, #tpu.memory_space<hbm>> -> memref<10000x128xf32, #tpu.memory_space<hbm>>
      tpu.wait_indirect_dma semaphore(%arg13 : memref<!tpu.dma_semaphore, #tpu.memory_space<semaphore_mem>>) src(%dma_wait3A_253 : memref<10000x128xf32, #tpu.memory_space<hbm>>) dst(%arg11 : memref<64x128xf32, #tpu.memory_space<vmem>>)
      %dma_wait3A_254 = arith.constant 0 : i32
      %dma_wait3A_255 = arith.constant 0 : i32
      %dma_wait3A_256 = tpu.memref_slice %arg10[%dma_wait3A_254, %dma_wait3A_255] : memref<64x128xf32, #tpu.memory_space<vmem>> -> memref<16x128xf32, #tpu.memory_space<vmem>>
      %dma_wait3A_257 = arith.constant 0 : i32
      %dma_wait3A_258 = arith.constant 0 : i32
      %dma_wait3A_259 = tpu.memref_slice %arg12[%dma_wait3A_257, %dma_wait3A_258] : memref<10112x128xf32, #tpu.memory_space<vmem_shared>> -> memref<10112x128xf32, #tpu.memory_space<vmem_shared>>
      tpu.wait_indirect_dma semaphore(%arg14 : memref<!tpu.dma_semaphore, #tpu.memory_space<semaphore_mem>>) src(%dma_wait3A_256 : memref<16x128xf32, #tpu.memory_space<vmem>>) dst(%dma_wait3A_259 : memref<10112x128xf32, #tpu.memory_space<vmem_shared>>)
      %dma_wait3A_260 = arith.constant 16 : i32
      %dma_wait3A_261 = arith.constant 0 : i32
      %dma_wait3A_262 = tpu.memref_slice %arg10[%dma_wait3A_260, %dma_wait3A_261] : memref<64x128xf32, #tpu.memory_space<vmem>> -> memref<16x128xf32, #tpu.memory_space<vmem>>
      %dma_wait3A_263 = arith.constant 0 : i32
      %dma_wait3A_264 = arith.constant 0 : i32
      %dma_wait3A_265 = tpu.memref_slice %arg12[%dma_wait3A_263, %dma_wait3A_264] : memref<10112x128xf32, #tpu.memory_space<vmem_shared>> -> memref<10112x128xf32, #tpu.memory_space<vmem_shared>>
      tpu.wait_indirect_dma semaphore(%arg14 : memref<!tpu.dma_semaphore, #tpu.memory_space<semaphore_mem>>) src(%dma_wait3A_262 : memref<16x128xf32, #tpu.memory_space<vmem>>) dst(%dma_wait3A_265 : memref<10112x128xf32, #tpu.memory_space<vmem_shared>>)
      %dma_wait3A_266 = arith.constant 32 : i32
      %dma_wait3A_267 = arith.constant 0 : i32
      %dma_wait3A_268 = tpu.memref_slice %arg10[%dma_wait3A_266, %dma_wait3A_267] : memref<64x128xf32, #tpu.memory_space<vmem>> -> memref<16x128xf32, #tpu.memory_space<vmem>>
      %dma_wait3A_269 = arith.constant 0 : i32
      %dma_wait3A_270 = arith.constant 0 : i32
      %dma_wait3A_271 = tpu.memref_slice %arg12[%dma_wait3A_269, %dma_wait3A_270] : memref<10112x128xf32, #tpu.memory_space<vmem_shared>> -> memref<10112x128xf32, #tpu.memory_space<vmem_shared>>
      tpu.wait_indirect_dma semaphore(%arg14 : memref<!tpu.dma_semaphore, #tpu.memory_space<semaphore_mem>>) src(%dma_wait3A_268 : memref<16x128xf32, #tpu.memory_space<vmem>>) dst(%dma_wait3A_271 : memref<10112x128xf32, #tpu.memory_space<vmem_shared>>)
      %dma_wait3A_272 = arith.constant 48 : i32
      %dma_wait3A_273 = arith.constant 0 : i32
      %dma_wait3A_274 = tpu.memref_slice %arg10[%dma_wait3A_272, %dma_wait3A_273] : memref<64x128xf32, #tpu.memory_space<vmem>> -> memref<16x128xf32, #tpu.memory_space<vmem>>
      %dma_wait3A_275 = arith.constant 0 : i32
      %dma_wait3A_276 = arith.constant 0 : i32
      %dma_wait3A_277 = tpu.memref_slice %arg12[%dma_wait3A_275, %dma_wait3A_276] : memref<10112x128xf32, #tpu.memory_space<vmem_shared>> -> memref<10112x128xf32, #tpu.memory_space<vmem_shared>>
      tpu.wait_indirect_dma semaphore(%arg14 : memref<!tpu.dma_semaphore, #tpu.memory_space<semaphore_mem>>) src(%dma_wait3A_274 : memref<16x128xf32, #tpu.memory_space<vmem>>) dst(%dma_wait3A_277 : memref<10112x128xf32, #tpu.memory_space<vmem_shared>>)
      %add3A_278 = arith.constant 1 : i32
      %add3A_279 = arith.addi %add3A_198, %add3A_278 : i32
      %lt3A_280 = arith.constant 79 : i32
      %lt3A_281 = arith.cmpi slt, %add3A_279, %lt3A_280 : i32
      %convert_element_type3A_282 = arith.extui %lt3A_281 : i1 to i32
      %cond3A_283 = arith.constant 0 : i32
      %cond3A_284 = arith.cmpi ne, %convert_element_type3A_282, %cond3A_283 : i32
      scf.if %cond3A_284 {
        %dma_start3A_348 = arith.constant 0 : i32
        %dma_start3A_349 = tpu.memref_slice %arg7[%add3A_279, %dma_start3A_348] : memref<79x128xi32, #tpu.memory_space<vmem>> -> memref<1x64xi32, #tpu.memory_space<vmem>>
        %dma_start3A_350 = tpu.memref_squeeze %dma_start3A_349 : memref<1x64xi32, #tpu.memory_space<vmem>> -> memref<64xi32, #tpu.memory_space<vmem>>
        %dma_start3A_351 = arith.constant 0 : i32
        %dma_start3A_352 = arith.constant 0 : i32
        %dma_start3A_353 = tpu.memref_slice %arg2[%dma_start3A_351, %dma_start3A_352] : memref<10000x128xf32, #tpu.memory_space<hbm>> -> memref<10000x128xf32, #tpu.memory_space<hbm>>
        tpu.enqueue_indirect_dma source(%dma_start3A_353 : memref<10000x128xf32, #tpu.memory_space<hbm>>) target(%arg10 : memref<64x128xf32, #tpu.memory_space<vmem>>) offsets(%dma_start3A_350 : memref<64xi32, #tpu.memory_space<vmem>>) semaphore(%arg13 : memref<!tpu.dma_semaphore, #tpu.memory_space<semaphore_mem>>)
      } else {
      }
      %parallel_loop3A_285 = arith.constant 0 : i32
      %parallel_loop3A_286 = arith.constant 64 : i32
      %parallel_loop3A_287 = arith.constant 1 : i32
      scf.for %parallel_loop3A_348 = %parallel_loop3A_285 to %parallel_loop3A_286 step %parallel_loop3A_287  : i32 {
        %parallel_loop3A_349 = vector.broadcast %add3A_198 : i32 to vector<16xi32>
        %parallel_loop3A_350 = arith.constant 64 : i32
        %parallel_loop3A_351 = arith.addi %parallel_loop3A_350, %parallel_loop3A_348 : i32
        %parallel_loop3A_352 = vector.broadcast %parallel_loop3A_351 : i32 to vector<16xi32>
        %parallel_loop3A_353 = tpu.vector_load_idx %arg9[%parallel_loop3A_349, %parallel_loop3A_352] : memref<79x128xf32, #tpu.memory_space<vmem>>[vector<16xi32>, vector<16xi32>], vector<16xf32>,
        %parallel_loop3A_354 = arith.index_cast %parallel_loop3A_348 : i32 to index
        %parallel_loop3A_355 = arith.constant 0 : index
        %parallel_loop3A_356 = tpu.vector_load %arg11[%parallel_loop3A_354, %parallel_loop3A_355] {strides = array<i32>} : memref<64x128xf32, #tpu.memory_space<vmem>>, vector<16xf32>,
        %parallel_loop3A_357 = arith.mulf %parallel_loop3A_356, %parallel_loop3A_353 : vector<16xf32>
        %parallel_loop3A_358 = arith.index_cast %parallel_loop3A_348 : i32 to index
        %parallel_loop3A_359 = arith.constant 0 : index
        %parallel_loop3A_360 = tpu.vector_load %arg11[%parallel_loop3A_358, %parallel_loop3A_359] {strides = array<i32>} : memref<64x128xf32, #tpu.memory_space<vmem>>, vector<16xf32>,
        tpu.vector_store %arg11[%parallel_loop3A_358, %parallel_loop3A_359], %parallel_loop3A_357 {strides = array<i32>} : memref<64x128xf32, #tpu.memory_space<vmem>>, vector<16xf32>,
        %parallel_loop3A_361 = arith.index_cast %parallel_loop3A_348 : i32 to index
        %parallel_loop3A_362 = arith.constant 16 : index
        %parallel_loop3A_363 = tpu.vector_load %arg11[%parallel_loop3A_361, %parallel_loop3A_362] {strides = array<i32>} : memref<64x128xf32, #tpu.memory_space<vmem>>, vector<16xf32>,
        %parallel_loop3A_364 = arith.mulf %parallel_loop3A_363, %parallel_loop3A_353 : vector<16xf32>
        %parallel_loop3A_365 = arith.index_cast %parallel_loop3A_348 : i32 to index
        %parallel_loop3A_366 = arith.constant 16 : index
        %parallel_loop3A_367 = tpu.vector_load %arg11[%parallel_loop3A_365, %parallel_loop3A_366] {strides = array<i32>} : memref<64x128xf32, #tpu.memory_space<vmem>>, vector<16xf32>,
        tpu.vector_store %arg11[%parallel_loop3A_365, %parallel_loop3A_366], %parallel_loop3A_364 {strides = array<i32>} : memref<64x128xf32, #tpu.memory_space<vmem>>, vector<16xf32>,
        %parallel_loop3A_368 = arith.index_cast %parallel_loop3A_348 : i32 to index
        %parallel_loop3A_369 = arith.constant 32 : index
        %parallel_loop3A_370 = tpu.vector_load %arg11[%parallel_loop3A_368, %parallel_loop3A_369] {strides = array<i32>} : memref<64x128xf32, #tpu.memory_space<vmem>>, vector<16xf32>,
        %parallel_loop3A_371 = arith.mulf %parallel_loop3A_370, %parallel_loop3A_353 : vector<16xf32>
        %parallel_loop3A_372 = arith.index_cast %parallel_loop3A_348 : i32 to index
        %parallel_loop3A_373 = arith.constant 32 : index
        %parallel_loop3A_374 = tpu.vector_load %arg11[%parallel_loop3A_372, %parallel_loop3A_373] {strides = array<i32>} : memref<64x128xf32, #tpu.memory_space<vmem>>, vector<16xf32>,
        tpu.vector_store %arg11[%parallel_loop3A_372, %parallel_loop3A_373], %parallel_loop3A_371 {strides = array<i32>} : memref<64x128xf32, #tpu.memory_space<vmem>>, vector<16xf32>,
        %parallel_loop3A_375 = arith.index_cast %parallel_loop3A_348 : i32 to index
        %parallel_loop3A_376 = arith.constant 48 : index
        %parallel_loop3A_377 = tpu.vector_load %arg11[%parallel_loop3A_375, %parallel_loop3A_376] {strides = array<i32>} : memref<64x128xf32, #tpu.memory_space<vmem>>, vector<16xf32>,
        %parallel_loop3A_378 = arith.mulf %parallel_loop3A_377, %parallel_loop3A_353 : vector<16xf32>
        %parallel_loop3A_379 = arith.index_cast %parallel_loop3A_348 : i32 to index
        %parallel_loop3A_380 = arith.constant 48 : index
        %parallel_loop3A_381 = tpu.vector_load %arg11[%parallel_loop3A_379, %parallel_loop3A_380] {strides = array<i32>} : memref<64x128xf32, #tpu.memory_space<vmem>>, vector<16xf32>,
        tpu.vector_store %arg11[%parallel_loop3A_379, %parallel_loop3A_380], %parallel_loop3A_378 {strides = array<i32>} : memref<64x128xf32, #tpu.memory_space<vmem>>, vector<16xf32>,
        %parallel_loop3A_382 = arith.index_cast %parallel_loop3A_348 : i32 to index
        %parallel_loop3A_383 = arith.constant 64 : index
        %parallel_loop3A_384 = tpu.vector_load %arg11[%parallel_loop3A_382, %parallel_loop3A_383] {strides = array<i32>} : memref<64x128xf32, #tpu.memory_space<vmem>>, vector<16xf32>,
        %parallel_loop3A_385 = arith.mulf %parallel_loop3A_384, %parallel_loop3A_353 : vector<16xf32>
        %parallel_loop3A_386 = arith.index_cast %parallel_loop3A_348 : i32 to index
        %parallel_loop3A_387 = arith.constant 64 : index
        %parallel_loop3A_388 = tpu.vector_load %arg11[%parallel_loop3A_386, %parallel_loop3A_387] {strides = array<i32>} : memref<64x128xf32, #tpu.memory_space<vmem>>, vector<16xf32>,
        tpu.vector_store %arg11[%parallel_loop3A_386, %parallel_loop3A_387], %parallel_loop3A_385 {strides = array<i32>} : memref<64x128xf32, #tpu.memory_space<vmem>>, vector<16xf32>,
        %parallel_loop3A_389 = arith.index_cast %parallel_loop3A_348 : i32 to index
        %parallel_loop3A_390 = arith.constant 80 : index
        %parallel_loop3A_391 = tpu.vector_load %arg11[%parallel_loop3A_389, %parallel_loop3A_390] {strides = array<i32>} : memref<64x128xf32, #tpu.memory_space<vmem>>, vector<16xf32>,
        %parallel_loop3A_392 = arith.mulf %parallel_loop3A_391, %parallel_loop3A_353 : vector<16xf32>
        %parallel_loop3A_393 = arith.index_cast %parallel_loop3A_348 : i32 to index
        %parallel_loop3A_394 = arith.constant 80 : index
        %parallel_loop3A_395 = tpu.vector_load %arg11[%parallel_loop3A_393, %parallel_loop3A_394] {strides = array<i32>} : memref<64x128xf32, #tpu.memory_space<vmem>>, vector<16xf32>,
        tpu.vector_store %arg11[%parallel_loop3A_393, %parallel_loop3A_394], %parallel_loop3A_392 {strides = array<i32>} : memref<64x128xf32, #tpu.memory_space<vmem>>, vector<16xf32>,
        %parallel_loop3A_396 = arith.index_cast %parallel_loop3A_348 : i32 to index
        %parallel_loop3A_397 = arith.constant 96 : index
        %parallel_loop3A_398 = tpu.vector_load %arg11[%parallel_loop3A_396, %parallel_loop3A_397] {strides = array<i32>} : memref<64x128xf32, #tpu.memory_space<vmem>>, vector<16xf32>,
        %parallel_loop3A_399 = arith.mulf %parallel_loop3A_398, %parallel_loop3A_353 : vector<16xf32>
        %parallel_loop3A_400 = arith.index_cast %parallel_loop3A_348 : i32 to index
        %parallel_loop3A_401 = arith.constant 96 : index
        %parallel_loop3A_402 = tpu.vector_load %arg11[%parallel_loop3A_400, %parallel_loop3A_401] {strides = array<i32>} : memref<64x128xf32, #tpu.memory_space<vmem>>, vector<16xf32>,
        tpu.vector_store %arg11[%parallel_loop3A_400, %parallel_loop3A_401], %parallel_loop3A_399 {strides = array<i32>} : memref<64x128xf32, #tpu.memory_space<vmem>>, vector<16xf32>,
        %parallel_loop3A_403 = arith.index_cast %parallel_loop3A_348 : i32 to index
        %parallel_loop3A_404 = arith.constant 112 : index
        %parallel_loop3A_405 = tpu.vector_load %arg11[%parallel_loop3A_403, %parallel_loop3A_404] {strides = array<i32>} : memref<64x128xf32, #tpu.memory_space<vmem>>, vector<16xf32>,
        %parallel_loop3A_406 = arith.mulf %parallel_loop3A_405, %parallel_loop3A_353 : vector<16xf32>
        %parallel_loop3A_407 = arith.index_cast %parallel_loop3A_348 : i32 to index
        %parallel_loop3A_408 = arith.constant 112 : index
        %parallel_loop3A_409 = tpu.vector_load %arg11[%parallel_loop3A_407, %parallel_loop3A_408] {strides = array<i32>} : memref<64x128xf32, #tpu.memory_space<vmem>>, vector<16xf32>,
        tpu.vector_store %arg11[%parallel_loop3A_407, %parallel_loop3A_408], %parallel_loop3A_406 {strides = array<i32>} : memref<64x128xf32, #tpu.memory_space<vmem>>, vector<16xf32>,
      } {sc.loop_unroll_factor = 4 : i64, sc.parallel_access}
      %get3A_288 = arith.index_cast %add3A_198 : i32 to index
      %get3A_289 = arith.constant 64 : index
      %get3A_290 = tpu.vector_load %arg8[%get3A_288, %get3A_289] {strides = array<i32>} : memref<79x128xi32, #tpu.memory_space<vmem>>, vector<16xi32>,
      %dma_start3A_291 = arith.constant 0 : i32
      %dma_start3A_292 = arith.constant 0 : i32
      %dma_start3A_293 = tpu.memref_slice %arg11[%dma_start3A_291, %dma_start3A_292] : memref<64x128xf32, #tpu.memory_space<vmem>> -> memref<16x128xf32, #tpu.memory_space<vmem>>
      %dma_start3A_294 = arith.constant 0 : i32
      %dma_start3A_295 = arith.constant 0 : i32
      %dma_start3A_296 = tpu.memref_slice %arg12[%dma_start3A_294, %dma_start3A_295] : memref<10112x128xf32, #tpu.memory_space<vmem_shared>> -> memref<10112x128xf32, #tpu.memory_space<vmem_shared>>
      tpu.enqueue_indirect_dma source(%dma_start3A_293 : memref<16x128xf32, #tpu.memory_space<vmem>>) target(%dma_start3A_296 : memref<10112x128xf32, #tpu.memory_space<vmem_shared>>) offsets(%get3A_290 : vector<16xi32>) semaphore(%arg14 : memref<!tpu.dma_semaphore, #tpu.memory_space<semaphore_mem>>) {add = true}
      %get3A_297 = arith.index_cast %add3A_198 : i32 to index
      %get3A_298 = arith.constant 80 : index
      %get3A_299 = tpu.vector_load %arg8[%get3A_297, %get3A_298] {strides = array<i32>} : memref<79x128xi32, #tpu.memory_space<vmem>>, vector<16xi32>,
      %dma_start3A_300 = arith.constant 16 : i32
      %dma_start3A_301 = arith.constant 0 : i32
      %dma_start3A_302 = tpu.memref_slice %arg11[%dma_start3A_300, %dma_start3A_301] : memref<64x128xf32, #tpu.memory_space<vmem>> -> memref<16x128xf32, #tpu.memory_space<vmem>>
      %dma_start3A_303 = arith.constant 0 : i32
      %dma_start3A_304 = arith.constant 0 : i32
      %dma_start3A_305 = tpu.memref_slice %arg12[%dma_start3A_303, %dma_start3A_304] : memref<10112x128xf32, #tpu.memory_space<vmem_shared>> -> memref<10112x128xf32, #tpu.memory_space<vmem_shared>>
      tpu.enqueue_indirect_dma source(%dma_start3A_302 : memref<16x128xf32, #tpu.memory_space<vmem>>) target(%dma_start3A_305 : memref<10112x128xf32, #tpu.memory_space<vmem_shared>>) offsets(%get3A_299 : vector<16xi32>) semaphore(%arg14 : memref<!tpu.dma_semaphore, #tpu.memory_space<semaphore_mem>>) {add = true}
      %get3A_306 = arith.index_cast %add3A_198 : i32 to index
      %get3A_307 = arith.constant 96 : index
      %get3A_308 = tpu.vector_load %arg8[%get3A_306, %get3A_307] {strides = array<i32>} : memref<79x128xi32, #tpu.memory_space<vmem>>, vector<16xi32>,
      %dma_start3A_309 = arith.constant 32 : i32
      %dma_start3A_310 = arith.constant 0 : i32
      %dma_start3A_311 = tpu.memref_slice %arg11[%dma_start3A_309, %dma_start3A_310] : memref<64x128xf32, #tpu.memory_space<vmem>> -> memref<16x128xf32, #tpu.memory_space<vmem>>
      %dma_start3A_312 = arith.constant 0 : i32
      %dma_start3A_313 = arith.constant 0 : i32
      %dma_start3A_314 = tpu.memref_slice %arg12[%dma_start3A_312, %dma_start3A_313] : memref<10112x128xf32, #tpu.memory_space<vmem_shared>> -> memref<10112x128xf32, #tpu.memory_space<vmem_shared>>
      tpu.enqueue_indirect_dma source(%dma_start3A_311 : memref<16x128xf32, #tpu.memory_space<vmem>>) target(%dma_start3A_314 : memref<10112x128xf32, #tpu.memory_space<vmem_shared>>) offsets(%get3A_308 : vector<16xi32>) semaphore(%arg14 : memref<!tpu.dma_semaphore, #tpu.memory_space<semaphore_mem>>) {add = true}
      %get3A_315 = arith.index_cast %add3A_198 : i32 to index
      %get3A_316 = arith.constant 112 : index
      %get3A_317 = tpu.vector_load %arg8[%get3A_315, %get3A_316] {strides = array<i32>} : memref<79x128xi32, #tpu.memory_space<vmem>>, vector<16xi32>,
      %dma_start3A_318 = arith.constant 48 : i32
      %dma_start3A_319 = arith.constant 0 : i32
      %dma_start3A_320 = tpu.memref_slice %arg11[%dma_start3A_318, %dma_start3A_319] : memref<64x128xf32, #tpu.memory_space<vmem>> -> memref<16x128xf32, #tpu.memory_space<vmem>>
      %dma_start3A_321 = arith.constant 0 : i32
      %dma_start3A_322 = arith.constant 0 : i32
      %dma_start3A_323 = tpu.memref_slice %arg12[%dma_start3A_321, %dma_start3A_322] : memref<10112x128xf32, #tpu.memory_space<vmem_shared>> -> memref<10112x128xf32, #tpu.memory_space<vmem_shared>>
      tpu.enqueue_indirect_dma source(%dma_start3A_320 : memref<16x128xf32, #tpu.memory_space<vmem>>) target(%dma_start3A_323 : memref<10112x128xf32, #tpu.memory_space<vmem_shared>>) offsets(%get3A_317 : vector<16xi32>) semaphore(%arg14 : memref<!tpu.dma_semaphore, #tpu.memory_space<semaphore_mem>>) {add = true}
      %dma_wait3A_324 = arith.constant 0 : i32
      %dma_wait3A_325 = arith.constant 0 : i32
      %dma_wait3A_326 = tpu.memref_slice %arg11[%dma_wait3A_324, %dma_wait3A_325] : memref<64x128xf32, #tpu.memory_space<vmem>> -> memref<16x128xf32, #tpu.memory_space<vmem>>
      %dma_wait3A_327 = arith.constant 0 : i32
      %dma_wait3A_328 = arith.constant 0 : i32
      %dma_wait3A_329 = tpu.memref_slice %arg12[%dma_wait3A_327, %dma_wait3A_328] : memref<10112x128xf32, #tpu.memory_space<vmem_shared>> -> memref<10112x128xf32, #tpu.memory_space<vmem_shared>>
      tpu.wait_indirect_dma semaphore(%arg14 : memref<!tpu.dma_semaphore, #tpu.memory_space<semaphore_mem>>) src(%dma_wait3A_326 : memref<16x128xf32, #tpu.memory_space<vmem>>) dst(%dma_wait3A_329 : memref<10112x128xf32, #tpu.memory_space<vmem_shared>>)
      %dma_wait3A_330 = arith.constant 16 : i32
      %dma_wait3A_331 = arith.constant 0 : i32
      %dma_wait3A_332 = tpu.memref_slice %arg11[%dma_wait3A_330, %dma_wait3A_331] : memref<64x128xf32, #tpu.memory_space<vmem>> -> memref<16x128xf32, #tpu.memory_space<vmem>>
      %dma_wait3A_333 = arith.constant 0 : i32
      %dma_wait3A_334 = arith.constant 0 : i32
      %dma_wait3A_335 = tpu.memref_slice %arg12[%dma_wait3A_333, %dma_wait3A_334] : memref<10112x128xf32, #tpu.memory_space<vmem_shared>> -> memref<10112x128xf32, #tpu.memory_space<vmem_shared>>
      tpu.wait_indirect_dma semaphore(%arg14 : memref<!tpu.dma_semaphore, #tpu.memory_space<semaphore_mem>>) src(%dma_wait3A_332 : memref<16x128xf32, #tpu.memory_space<vmem>>) dst(%dma_wait3A_335 : memref<10112x128xf32, #tpu.memory_space<vmem_shared>>)
      %dma_wait3A_336 = arith.constant 32 : i32
      %dma_wait3A_337 = arith.constant 0 : i32
      %dma_wait3A_338 = tpu.memref_slice %arg11[%dma_wait3A_336, %dma_wait3A_337] : memref<64x128xf32, #tpu.memory_space<vmem>> -> memref<16x128xf32, #tpu.memory_space<vmem>>
      %dma_wait3A_339 = arith.constant 0 : i32
      %dma_wait3A_340 = arith.constant 0 : i32
      %dma_wait3A_341 = tpu.memref_slice %arg12[%dma_wait3A_339, %dma_wait3A_340] : memref<10112x128xf32, #tpu.memory_space<vmem_shared>> -> memref<10112x128xf32, #tpu.memory_space<vmem_shared>>
      tpu.wait_indirect_dma semaphore(%arg14 : memref<!tpu.dma_semaphore, #tpu.memory_space<semaphore_mem>>) src(%dma_wait3A_338 : memref<16x128xf32, #tpu.memory_space<vmem>>) dst(%dma_wait3A_341 : memref<10112x128xf32, #tpu.memory_space<vmem_shared>>)
      %dma_wait3A_342 = arith.constant 48 : i32
      %dma_wait3A_343 = arith.constant 0 : i32
      %dma_wait3A_344 = tpu.memref_slice %arg11[%dma_wait3A_342, %dma_wait3A_343] : memref<64x128xf32, #tpu.memory_space<vmem>> -> memref<16x128xf32, #tpu.memory_space<vmem>>
      %dma_wait3A_345 = arith.constant 0 : i32
      %dma_wait3A_346 = arith.constant 0 : i32
      %dma_wait3A_347 = tpu.memref_slice %arg12[%dma_wait3A_345, %dma_wait3A_346] : memref<10112x128xf32, #tpu.memory_space<vmem_shared>> -> memref<10112x128xf32, #tpu.memory_space<vmem_shared>>
      tpu.wait_indirect_dma semaphore(%arg14 : memref<!tpu.dma_semaphore, #tpu.memory_space<semaphore_mem>>) src(%dma_wait3A_344 : memref<16x128xf32, #tpu.memory_space<vmem>>) dst(%dma_wait3A_347 : memref<10112x128xf32, #tpu.memory_space<vmem_shared>>)
    }
    %scan3A_102 = arith.constant 79 : i32
    %barrier3A_103 = arith.constant 0 : index
    tpu.barrier barrier_id(%barrier3A_103)
    %mul3A_104 = arith.constant 10 : i32
    %mul3A_105 = arith.muli %arg1, %mul3A_104 : i32
    %add3A_106 = arith.constant 0 : i32
    %add3A_107 = arith.addi %mul3A_105, %add3A_106 : i32
    %lt3A_108 = arith.constant 158 : i32
    %lt3A_109 = arith.cmpi slt, %add3A_107, %lt3A_108 : i32
    %convert_element_type3A_110 = arith.extui %lt3A_109 : i1 to i32
    %cond3A_111 = arith.constant 0 : i32
    %cond3A_112 = arith.cmpi ne, %convert_element_type3A_110, %cond3A_111 : i32
    scf.if %cond3A_112 {
      %mul3A_194 = arith.constant 64 : i32
      %mul3A_195 = arith.muli %add3A_107, %mul3A_194 : i32
      %mul3A_196 = arith.constant 64 : i32
      %mul3A_197 = arith.muli %add3A_107, %mul3A_196 : i32
      "tpu.region"() ({
        %run_scoped3A = tpu.sem_alloc : memref<!tpu.dma_semaphore, #tpu.memory_space<semaphore_mem>>
        %dma_start3A_198 = arith.constant 0 : i32
        %dma_start3A_199 = tpu.memref_slice %arg6[%arg0, %mul3A_197, %dma_start3A_198] : memref<2x10112x128xf32, #tpu.memory_space<hbm>> -> memref<1x64x128xf32, #tpu.memory_space<hbm>>
        %dma_start3A_200 = tpu.memref_squeeze %dma_start3A_199 : memref<1x64x128xf32, #tpu.memory_space<hbm>> -> memref<64x128xf32, #tpu.memory_space<hbm>>
        %dma_start3A_201 = arith.constant 0 : i32
        %dma_start3A_202 = tpu.memref_slice %arg12[%mul3A_195, %dma_start3A_201] : memref<10112x128xf32, #tpu.memory_space<vmem_shared>> -> memref<64x128xf32, #tpu.memory_space<vmem_shared>>
        tpu.enqueue_dma source(%dma_start3A_202 : memref<64x128xf32, #tpu.memory_space<vmem_shared>>) target(%dma_start3A_200 : memref<64x128xf32, #tpu.memory_space<hbm>>) target_semaphore(%run_scoped3A : memref<!tpu.dma_semaphore, #tpu.memory_space<semaphore_mem>>)
        %dma_wait3A = arith.constant 0 : i32
        %dma_wait3A_203 = tpu.memref_slice %arg6[%arg0, %mul3A_197, %dma_wait3A] : memref<2x10112x128xf32, #tpu.memory_space<hbm>> -> memref<1x64x128xf32, #tpu.memory_space<hbm>>
        %dma_wait3A_204 = tpu.memref_squeeze %dma_wait3A_203 : memref<1x64x128xf32, #tpu.memory_space<hbm>> -> memref<64x128xf32, #tpu.memory_space<hbm>>
        %dma_wait3A_205 = arith.constant 0 : i32
        %dma_wait3A_206 = tpu.memref_slice %arg12[%mul3A_195, %dma_wait3A_205] : memref<10112x128xf32, #tpu.memory_space<vmem_shared>> -> memref<64x128xf32, #tpu.memory_space<vmem_shared>>
        tpu.wait_dma2 semaphore(%run_scoped3A : memref<!tpu.dma_semaphore, #tpu.memory_space<semaphore_mem>>) src(%dma_wait3A_206 : memref<64x128xf32, #tpu.memory_space<vmem_shared>>) dst(%dma_wait3A_204 : memref<64x128xf32, #tpu.memory_space<hbm>>)
        tpu.yield
      }) : () -> ()
    } else {
    }
    %mul3A_113 = arith.constant 10 : i32
    %mul3A_114 = arith.muli %arg1, %mul3A_113 : i32
    %add3A_115 = arith.constant 1 : i32
    %add3A_116 = arith.addi %mul3A_114, %add3A_115 : i32
    %lt3A_117 = arith.constant 158 : i32
    %lt3A_118 = arith.cmpi slt, %add3A_116, %lt3A_117 : i32
    %convert_element_type3A_119 = arith.extui %lt3A_118 : i1 to i32
    %cond3A_120 = arith.constant 0 : i32
    %cond3A_121 = arith.cmpi ne, %convert_element_type3A_119, %cond3A_120 : i32
    scf.if %cond3A_121 {
      %mul3A_194 = arith.constant 64 : i32
      %mul3A_195 = arith.muli %add3A_116, %mul3A_194 : i32
      %mul3A_196 = arith.constant 64 : i32
      %mul3A_197 = arith.muli %add3A_116, %mul3A_196 : i32
      "tpu.region"() ({
        %run_scoped3A = tpu.sem_alloc : memref<!tpu.dma_semaphore, #tpu.memory_space<semaphore_mem>>
        %dma_start3A_198 = arith.constant 0 : i32
        %dma_start3A_199 = tpu.memref_slice %arg6[%arg0, %mul3A_197, %dma_start3A_198] : memref<2x10112x128xf32, #tpu.memory_space<hbm>> -> memref<1x64x128xf32, #tpu.memory_space<hbm>>
        %dma_start3A_200 = tpu.memref_squeeze %dma_start3A_199 : memref<1x64x128xf32, #tpu.memory_space<hbm>> -> memref<64x128xf32, #tpu.memory_space<hbm>>
        %dma_start3A_201 = arith.constant 0 : i32
        %dma_start3A_202 = tpu.memref_slice %arg12[%mul3A_195, %dma_start3A_201] : memref<10112x128xf32, #tpu.memory_space<vmem_shared>> -> memref<64x128xf32, #tpu.memory_space<vmem_shared>>
        tpu.enqueue_dma source(%dma_start3A_202 : memref<64x128xf32, #tpu.memory_space<vmem_shared>>) target(%dma_start3A_200 : memref<64x128xf32, #tpu.memory_space<hbm>>) target_semaphore(%run_scoped3A : memref<!tpu.dma_semaphore, #tpu.memory_space<semaphore_mem>>)
        %dma_wait3A = arith.constant 0 : i32
        %dma_wait3A_203 = tpu.memref_slice %arg6[%arg0, %mul3A_197, %dma_wait3A] : memref<2x10112x128xf32, #tpu.memory_space<hbm>> -> memref<1x64x128xf32, #tpu.memory_space<hbm>>
        %dma_wait3A_204 = tpu.memref_squeeze %dma_wait3A_203 : memref<1x64x128xf32, #tpu.memory_space<hbm>> -> memref<64x128xf32, #tpu.memory_space<hbm>>
        %dma_wait3A_205 = arith.constant 0 : i32
        %dma_wait3A_206 = tpu.memref_slice %arg12[%mul3A_195, %dma_wait3A_205] : memref<10112x128xf32, #tpu.memory_space<vmem_shared>> -> memref<64x128xf32, #tpu.memory_space<vmem_shared>>
        tpu.wait_dma2 semaphore(%run_scoped3A : memref<!tpu.dma_semaphore, #tpu.memory_space<semaphore_mem>>) src(%dma_wait3A_206 : memref<64x128xf32, #tpu.memory_space<vmem_shared>>) dst(%dma_wait3A_204 : memref<64x128xf32, #tpu.memory_space<hbm>>)
        tpu.yield
      }) : () -> ()
    } else {
    }
    %mul3A_122 = arith.constant 10 : i32
    %mul3A_123 = arith.muli %arg1, %mul3A_122 : i32
    %add3A_124 = arith.constant 2 : i32
    %add3A_125 = arith.addi %mul3A_123, %add3A_124 : i32
    %lt3A_126 = arith.constant 158 : i32
    %lt3A_127 = arith.cmpi slt, %add3A_125, %lt3A_126 : i32
    %convert_element_type3A_128 = arith.extui %lt3A_127 : i1 to i32
    %cond3A_129 = arith.constant 0 : i32
    %cond3A_130 = arith.cmpi ne, %convert_element_type3A_128, %cond3A_129 : i32
    scf.if %cond3A_130 {
      %mul3A_194 = arith.constant 64 : i32
      %mul3A_195 = arith.muli %add3A_125, %mul3A_194 : i32
      %mul3A_196 = arith.constant 64 : i32
      %mul3A_197 = arith.muli %add3A_125, %mul3A_196 : i32
      "tpu.region"() ({
        %run_scoped3A = tpu.sem_alloc : memref<!tpu.dma_semaphore, #tpu.memory_space<semaphore_mem>>
        %dma_start3A_198 = arith.constant 0 : i32
        %dma_start3A_199 = tpu.memref_slice %arg6[%arg0, %mul3A_197, %dma_start3A_198] : memref<2x10112x128xf32, #tpu.memory_space<hbm>> -> memref<1x64x128xf32, #tpu.memory_space<hbm>>
        %dma_start3A_200 = tpu.memref_squeeze %dma_start3A_199 : memref<1x64x128xf32, #tpu.memory_space<hbm>> -> memref<64x128xf32, #tpu.memory_space<hbm>>
        %dma_start3A_201 = arith.constant 0 : i32
        %dma_start3A_202 = tpu.memref_slice %arg12[%mul3A_195, %dma_start3A_201] : memref<10112x128xf32, #tpu.memory_space<vmem_shared>> -> memref<64x128xf32, #tpu.memory_space<vmem_shared>>
        tpu.enqueue_dma source(%dma_start3A_202 : memref<64x128xf32, #tpu.memory_space<vmem_shared>>) target(%dma_start3A_200 : memref<64x128xf32, #tpu.memory_space<hbm>>) target_semaphore(%run_scoped3A : memref<!tpu.dma_semaphore, #tpu.memory_space<semaphore_mem>>)
        %dma_wait3A = arith.constant 0 : i32
        %dma_wait3A_203 = tpu.memref_slice %arg6[%arg0, %mul3A_197, %dma_wait3A] : memref<2x10112x128xf32, #tpu.memory_space<hbm>> -> memref<1x64x128xf32, #tpu.memory_space<hbm>>
        %dma_wait3A_204 = tpu.memref_squeeze %dma_wait3A_203 : memref<1x64x128xf32, #tpu.memory_space<hbm>> -> memref<64x128xf32, #tpu.memory_space<hbm>>
        %dma_wait3A_205 = arith.constant 0 : i32
        %dma_wait3A_206 = tpu.memref_slice %arg12[%mul3A_195, %dma_wait3A_205] : memref<10112x128xf32, #tpu.memory_space<vmem_shared>> -> memref<64x128xf32, #tpu.memory_space<vmem_shared>>
        tpu.wait_dma2 semaphore(%run_scoped3A : memref<!tpu.dma_semaphore, #tpu.memory_space<semaphore_mem>>) src(%dma_wait3A_206 : memref<64x128xf32, #tpu.memory_space<vmem_shared>>) dst(%dma_wait3A_204 : memref<64x128xf32, #tpu.memory_space<hbm>>)
        tpu.yield
      }) : () -> ()
    } else {
    }
    %mul3A_131 = arith.constant 10 : i32
    %mul3A_132 = arith.muli %arg1, %mul3A_131 : i32
    %add3A_133 = arith.constant 3 : i32
    %add3A_134 = arith.addi %mul3A_132, %add3A_133 : i32
    %lt3A_135 = arith.constant 158 : i32
    %lt3A_136 = arith.cmpi slt, %add3A_134, %lt3A_135 : i32
    %convert_element_type3A_137 = arith.extui %lt3A_136 : i1 to i32
    %cond3A_138 = arith.constant 0 : i32
    %cond3A_139 = arith.cmpi ne, %convert_element_type3A_137, %cond3A_138 : i32
    scf.if %cond3A_139 {
      %mul3A_194 = arith.constant 64 : i32
      %mul3A_195 = arith.muli %add3A_134, %mul3A_194 : i32
      %mul3A_196 = arith.constant 64 : i32
      %mul3A_197 = arith.muli %add3A_134, %mul3A_196 : i32
      "tpu.region"() ({
        %run_scoped3A = tpu.sem_alloc : memref<!tpu.dma_semaphore, #tpu.memory_space<semaphore_mem>>
        %dma_start3A_198 = arith.constant 0 : i32
        %dma_start3A_199 = tpu.memref_slice %arg6[%arg0, %mul3A_197, %dma_start3A_198] : memref<2x10112x128xf32, #tpu.memory_space<hbm>> -> memref<1x64x128xf32, #tpu.memory_space<hbm>>
        %dma_start3A_200 = tpu.memref_squeeze %dma_start3A_199 : memref<1x64x128xf32, #tpu.memory_space<hbm>> -> memref<64x128xf32, #tpu.memory_space<hbm>>
        %dma_start3A_201 = arith.constant 0 : i32
        %dma_start3A_202 = tpu.memref_slice %arg12[%mul3A_195, %dma_start3A_201] : memref<10112x128xf32, #tpu.memory_space<vmem_shared>> -> memref<64x128xf32, #tpu.memory_space<vmem_shared>>
        tpu.enqueue_dma source(%dma_start3A_202 : memref<64x128xf32, #tpu.memory_space<vmem_shared>>) target(%dma_start3A_200 : memref<64x128xf32, #tpu.memory_space<hbm>>) target_semaphore(%run_scoped3A : memref<!tpu.dma_semaphore, #tpu.memory_space<semaphore_mem>>)
        %dma_wait3A = arith.constant 0 : i32
        %dma_wait3A_203 = tpu.memref_slice %arg6[%arg0, %mul3A_197, %dma_wait3A] : memref<2x10112x128xf32, #tpu.memory_space<hbm>> -> memref<1x64x128xf32, #tpu.memory_space<hbm>>
        %dma_wait3A_204 = tpu.memref_squeeze %dma_wait3A_203 : memref<1x64x128xf32, #tpu.memory_space<hbm>> -> memref<64x128xf32, #tpu.memory_space<hbm>>
        %dma_wait3A_205 = arith.constant 0 : i32
        %dma_wait3A_206 = tpu.memref_slice %arg12[%mul3A_195, %dma_wait3A_205] : memref<10112x128xf32, #tpu.memory_space<vmem_shared>> -> memref<64x128xf32, #tpu.memory_space<vmem_shared>>
        tpu.wait_dma2 semaphore(%run_scoped3A : memref<!tpu.dma_semaphore, #tpu.memory_space<semaphore_mem>>) src(%dma_wait3A_206 : memref<64x128xf32, #tpu.memory_space<vmem_shared>>) dst(%dma_wait3A_204 : memref<64x128xf32, #tpu.memory_space<hbm>>)
        tpu.yield
      }) : () -> ()
    } else {
    }
    %mul3A_140 = arith.constant 10 : i32
    %mul3A_141 = arith.muli %arg1, %mul3A_140 : i32
    %add3A_142 = arith.constant 4 : i32
    %add3A_143 = arith.addi %mul3A_141, %add3A_142 : i32
    %lt3A_144 = arith.constant 158 : i32
    %lt3A_145 = arith.cmpi slt, %add3A_143, %lt3A_144 : i32
    %convert_element_type3A_146 = arith.extui %lt3A_145 : i1 to i32
    %cond3A_147 = arith.constant 0 : i32
    %cond3A_148 = arith.cmpi ne, %convert_element_type3A_146, %cond3A_147 : i32
    scf.if %cond3A_148 {
      %mul3A_194 = arith.constant 64 : i32
      %mul3A_195 = arith.muli %add3A_143, %mul3A_194 : i32
      %mul3A_196 = arith.constant 64 : i32
      %mul3A_197 = arith.muli %add3A_143, %mul3A_196 : i32
      "tpu.region"() ({
        %run_scoped3A = tpu.sem_alloc : memref<!tpu.dma_semaphore, #tpu.memory_space<semaphore_mem>>
        %dma_start3A_198 = arith.constant 0 : i32
        %dma_start3A_199 = tpu.memref_slice %arg6[%arg0, %mul3A_197, %dma_start3A_198] : memref<2x10112x128xf32, #tpu.memory_space<hbm>> -> memref<1x64x128xf32, #tpu.memory_space<hbm>>
        %dma_start3A_200 = tpu.memref_squeeze %dma_start3A_199 : memref<1x64x128xf32, #tpu.memory_space<hbm>> -> memref<64x128xf32, #tpu.memory_space<hbm>>
        %dma_start3A_201 = arith.constant 0 : i32
        %dma_start3A_202 = tpu.memref_slice %arg12[%mul3A_195, %dma_start3A_201] : memref<10112x128xf32, #tpu.memory_space<vmem_shared>> -> memref<64x128xf32, #tpu.memory_space<vmem_shared>>
        tpu.enqueue_dma source(%dma_start3A_202 : memref<64x128xf32, #tpu.memory_space<vmem_shared>>) target(%dma_start3A_200 : memref<64x128xf32, #tpu.memory_space<hbm>>) target_semaphore(%run_scoped3A : memref<!tpu.dma_semaphore, #tpu.memory_space<semaphore_mem>>)
        %dma_wait3A = arith.constant 0 : i32
        %dma_wait3A_203 = tpu.memref_slice %arg6[%arg0, %mul3A_197, %dma_wait3A] : memref<2x10112x128xf32, #tpu.memory_space<hbm>> -> memref<1x64x128xf32, #tpu.memory_space<hbm>>
        %dma_wait3A_204 = tpu.memref_squeeze %dma_wait3A_203 : memref<1x64x128xf32, #tpu.memory_space<hbm>> -> memref<64x128xf32, #tpu.memory_space<hbm>>
        %dma_wait3A_205 = arith.constant 0 : i32
        %dma_wait3A_206 = tpu.memref_slice %arg12[%mul3A_195, %dma_wait3A_205] : memref<10112x128xf32, #tpu.memory_space<vmem_shared>> -> memref<64x128xf32, #tpu.memory_space<vmem_shared>>
        tpu.wait_dma2 semaphore(%run_scoped3A : memref<!tpu.dma_semaphore, #tpu.memory_space<semaphore_mem>>) src(%dma_wait3A_206 : memref<64x128xf32, #tpu.memory_space<vmem_shared>>) dst(%dma_wait3A_204 : memref<64x128xf32, #tpu.memory_space<hbm>>)
        tpu.yield
      }) : () -> ()
    } else {
    }
    %mul3A_149 = arith.constant 10 : i32
    %mul3A_150 = arith.muli %arg1, %mul3A_149 : i32
    %add3A_151 = arith.constant 5 : i32
    %add3A_152 = arith.addi %mul3A_150, %add3A_151 : i32
    %lt3A_153 = arith.constant 158 : i32
    %lt3A_154 = arith.cmpi slt, %add3A_152, %lt3A_153 : i32
    %convert_element_type3A_155 = arith.extui %lt3A_154 : i1 to i32
    %cond3A_156 = arith.constant 0 : i32
    %cond3A_157 = arith.cmpi ne, %convert_element_type3A_155, %cond3A_156 : i32
    scf.if %cond3A_157 {
      %mul3A_194 = arith.constant 64 : i32
      %mul3A_195 = arith.muli %add3A_152, %mul3A_194 : i32
      %mul3A_196 = arith.constant 64 : i32
      %mul3A_197 = arith.muli %add3A_152, %mul3A_196 : i32
      "tpu.region"() ({
        %run_scoped3A = tpu.sem_alloc : memref<!tpu.dma_semaphore, #tpu.memory_space<semaphore_mem>>
        %dma_start3A_198 = arith.constant 0 : i32
        %dma_start3A_199 = tpu.memref_slice %arg6[%arg0, %mul3A_197, %dma_start3A_198] : memref<2x10112x128xf32, #tpu.memory_space<hbm>> -> memref<1x64x128xf32, #tpu.memory_space<hbm>>
        %dma_start3A_200 = tpu.memref_squeeze %dma_start3A_199 : memref<1x64x128xf32, #tpu.memory_space<hbm>> -> memref<64x128xf32, #tpu.memory_space<hbm>>
        %dma_start3A_201 = arith.constant 0 : i32
        %dma_start3A_202 = tpu.memref_slice %arg12[%mul3A_195, %dma_start3A_201] : memref<10112x128xf32, #tpu.memory_space<vmem_shared>> -> memref<64x128xf32, #tpu.memory_space<vmem_shared>>
        tpu.enqueue_dma source(%dma_start3A_202 : memref<64x128xf32, #tpu.memory_space<vmem_shared>>) target(%dma_start3A_200 : memref<64x128xf32, #tpu.memory_space<hbm>>) target_semaphore(%run_scoped3A : memref<!tpu.dma_semaphore, #tpu.memory_space<semaphore_mem>>)
        %dma_wait3A = arith.constant 0 : i32
        %dma_wait3A_203 = tpu.memref_slice %arg6[%arg0, %mul3A_197, %dma_wait3A] : memref<2x10112x128xf32, #tpu.memory_space<hbm>> -> memref<1x64x128xf32, #tpu.memory_space<hbm>>
        %dma_wait3A_204 = tpu.memref_squeeze %dma_wait3A_203 : memref<1x64x128xf32, #tpu.memory_space<hbm>> -> memref<64x128xf32, #tpu.memory_space<hbm>>
        %dma_wait3A_205 = arith.constant 0 : i32
        %dma_wait3A_206 = tpu.memref_slice %arg12[%mul3A_195, %dma_wait3A_205] : memref<10112x128xf32, #tpu.memory_space<vmem_shared>> -> memref<64x128xf32, #tpu.memory_space<vmem_shared>>
        tpu.wait_dma2 semaphore(%run_scoped3A : memref<!tpu.dma_semaphore, #tpu.memory_space<semaphore_mem>>) src(%dma_wait3A_206 : memref<64x128xf32, #tpu.memory_space<vmem_shared>>) dst(%dma_wait3A_204 : memref<64x128xf32, #tpu.memory_space<hbm>>)
        tpu.yield
      }) : () -> ()
    } else {
    }
    %mul3A_158 = arith.constant 10 : i32
    %mul3A_159 = arith.muli %arg1, %mul3A_158 : i32
    %add3A_160 = arith.constant 6 : i32
    %add3A_161 = arith.addi %mul3A_159, %add3A_160 : i32
    %lt3A_162 = arith.constant 158 : i32
    %lt3A_163 = arith.cmpi slt, %add3A_161, %lt3A_162 : i32
    %convert_element_type3A_164 = arith.extui %lt3A_163 : i1 to i32
    %cond3A_165 = arith.constant 0 : i32
    %cond3A_166 = arith.cmpi ne, %convert_element_type3A_164, %cond3A_165 : i32
    scf.if %cond3A_166 {
      %mul3A_194 = arith.constant 64 : i32
      %mul3A_195 = arith.muli %add3A_161, %mul3A_194 : i32
      %mul3A_196 = arith.constant 64 : i32
      %mul3A_197 = arith.muli %add3A_161, %mul3A_196 : i32
      "tpu.region"() ({
        %run_scoped3A = tpu.sem_alloc : memref<!tpu.dma_semaphore, #tpu.memory_space<semaphore_mem>>
        %dma_start3A_198 = arith.constant 0 : i32
        %dma_start3A_199 = tpu.memref_slice %arg6[%arg0, %mul3A_197, %dma_start3A_198] : memref<2x10112x128xf32, #tpu.memory_space<hbm>> -> memref<1x64x128xf32, #tpu.memory_space<hbm>>
        %dma_start3A_200 = tpu.memref_squeeze %dma_start3A_199 : memref<1x64x128xf32, #tpu.memory_space<hbm>> -> memref<64x128xf32, #tpu.memory_space<hbm>>
        %dma_start3A_201 = arith.constant 0 : i32
        %dma_start3A_202 = tpu.memref_slice %arg12[%mul3A_195, %dma_start3A_201] : memref<10112x128xf32, #tpu.memory_space<vmem_shared>> -> memref<64x128xf32, #tpu.memory_space<vmem_shared>>
        tpu.enqueue_dma source(%dma_start3A_202 : memref<64x128xf32, #tpu.memory_space<vmem_shared>>) target(%dma_start3A_200 : memref<64x128xf32, #tpu.memory_space<hbm>>) target_semaphore(%run_scoped3A : memref<!tpu.dma_semaphore, #tpu.memory_space<semaphore_mem>>)
        %dma_wait3A = arith.constant 0 : i32
        %dma_wait3A_203 = tpu.memref_slice %arg6[%arg0, %mul3A_197, %dma_wait3A] : memref<2x10112x128xf32, #tpu.memory_space<hbm>> -> memref<1x64x128xf32, #tpu.memory_space<hbm>>
        %dma_wait3A_204 = tpu.memref_squeeze %dma_wait3A_203 : memref<1x64x128xf32, #tpu.memory_space<hbm>> -> memref<64x128xf32, #tpu.memory_space<hbm>>
        %dma_wait3A_205 = arith.constant 0 : i32
        %dma_wait3A_206 = tpu.memref_slice %arg12[%mul3A_195, %dma_wait3A_205] : memref<10112x128xf32, #tpu.memory_space<vmem_shared>> -> memref<64x128xf32, #tpu.memory_space<vmem_shared>>
        tpu.wait_dma2 semaphore(%run_scoped3A : memref<!tpu.dma_semaphore, #tpu.memory_space<semaphore_mem>>) src(%dma_wait3A_206 : memref<64x128xf32, #tpu.memory_space<vmem_shared>>) dst(%dma_wait3A_204 : memref<64x128xf32, #tpu.memory_space<hbm>>)
        tpu.yield
      }) : () -> ()
    } else {
    }
    %mul3A_167 = arith.constant 10 : i32
    %mul3A_168 = arith.muli %arg1, %mul3A_167 : i32
    %add3A_169 = arith.constant 7 : i32
    %add3A_170 = arith.addi %mul3A_168, %add3A_169 : i32
    %lt3A_171 = arith.constant 158 : i32
    %lt3A_172 = arith.cmpi slt, %add3A_170, %lt3A_171 : i32
    %convert_element_type3A_173 = arith.extui %lt3A_172 : i1 to i32
    %cond3A_174 = arith.constant 0 : i32
    %cond3A_175 = arith.cmpi ne, %convert_element_type3A_173, %cond3A_174 : i32
    scf.if %cond3A_175 {
      %mul3A_194 = arith.constant 64 : i32
      %mul3A_195 = arith.muli %add3A_170, %mul3A_194 : i32
      %mul3A_196 = arith.constant 64 : i32
      %mul3A_197 = arith.muli %add3A_170, %mul3A_196 : i32
      "tpu.region"() ({
        %run_scoped3A = tpu.sem_alloc : memref<!tpu.dma_semaphore, #tpu.memory_space<semaphore_mem>>
        %dma_start3A_198 = arith.constant 0 : i32
        %dma_start3A_199 = tpu.memref_slice %arg6[%arg0, %mul3A_197, %dma_start3A_198] : memref<2x10112x128xf32, #tpu.memory_space<hbm>> -> memref<1x64x128xf32, #tpu.memory_space<hbm>>
        %dma_start3A_200 = tpu.memref_squeeze %dma_start3A_199 : memref<1x64x128xf32, #tpu.memory_space<hbm>> -> memref<64x128xf32, #tpu.memory_space<hbm>>
        %dma_start3A_201 = arith.constant 0 : i32
        %dma_start3A_202 = tpu.memref_slice %arg12[%mul3A_195, %dma_start3A_201] : memref<10112x128xf32, #tpu.memory_space<vmem_shared>> -> memref<64x128xf32, #tpu.memory_space<vmem_shared>>
        tpu.enqueue_dma source(%dma_start3A_202 : memref<64x128xf32, #tpu.memory_space<vmem_shared>>) target(%dma_start3A_200 : memref<64x128xf32, #tpu.memory_space<hbm>>) target_semaphore(%run_scoped3A : memref<!tpu.dma_semaphore, #tpu.memory_space<semaphore_mem>>)
        %dma_wait3A = arith.constant 0 : i32
        %dma_wait3A_203 = tpu.memref_slice %arg6[%arg0, %mul3A_197, %dma_wait3A] : memref<2x10112x128xf32, #tpu.memory_space<hbm>> -> memref<1x64x128xf32, #tpu.memory_space<hbm>>
        %dma_wait3A_204 = tpu.memref_squeeze %dma_wait3A_203 : memref<1x64x128xf32, #tpu.memory_space<hbm>> -> memref<64x128xf32, #tpu.memory_space<hbm>>
        %dma_wait3A_205 = arith.constant 0 : i32
        %dma_wait3A_206 = tpu.memref_slice %arg12[%mul3A_195, %dma_wait3A_205] : memref<10112x128xf32, #tpu.memory_space<vmem_shared>> -> memref<64x128xf32, #tpu.memory_space<vmem_shared>>
        tpu.wait_dma2 semaphore(%run_scoped3A : memref<!tpu.dma_semaphore, #tpu.memory_space<semaphore_mem>>) src(%dma_wait3A_206 : memref<64x128xf32, #tpu.memory_space<vmem_shared>>) dst(%dma_wait3A_204 : memref<64x128xf32, #tpu.memory_space<hbm>>)
        tpu.yield
      }) : () -> ()
    } else {
    }
    %mul3A_176 = arith.constant 10 : i32
    %mul3A_177 = arith.muli %arg1, %mul3A_176 : i32
    %add3A_178 = arith.constant 8 : i32
    %add3A_179 = arith.addi %mul3A_177, %add3A_178 : i32
    %lt3A_180 = arith.constant 158 : i32
    %lt3A_181 = arith.cmpi slt, %add3A_179, %lt3A_180 : i32
    %convert_element_type3A_182 = arith.extui %lt3A_181 : i1 to i32
    %cond3A_183 = arith.constant 0 : i32
    %cond3A_184 = arith.cmpi ne, %convert_element_type3A_182, %cond3A_183 : i32
    scf.if %cond3A_184 {
      %mul3A_194 = arith.constant 64 : i32
      %mul3A_195 = arith.muli %add3A_179, %mul3A_194 : i32
      %mul3A_196 = arith.constant 64 : i32
      %mul3A_197 = arith.muli %add3A_179, %mul3A_196 : i32
      "tpu.region"() ({
        %run_scoped3A = tpu.sem_alloc : memref<!tpu.dma_semaphore, #tpu.memory_space<semaphore_mem>>
        %dma_start3A_198 = arith.constant 0 : i32
        %dma_start3A_199 = tpu.memref_slice %arg6[%arg0, %mul3A_197, %dma_start3A_198] : memref<2x10112x128xf32, #tpu.memory_space<hbm>> -> memref<1x64x128xf32, #tpu.memory_space<hbm>>
        %dma_start3A_200 = tpu.memref_squeeze %dma_start3A_199 : memref<1x64x128xf32, #tpu.memory_space<hbm>> -> memref<64x128xf32, #tpu.memory_space<hbm>>
        %dma_start3A_201 = arith.constant 0 : i32
        %dma_start3A_202 = tpu.memref_slice %arg12[%mul3A_195, %dma_start3A_201] : memref<10112x128xf32, #tpu.memory_space<vmem_shared>> -> memref<64x128xf32, #tpu.memory_space<vmem_shared>>
        tpu.enqueue_dma source(%dma_start3A_202 : memref<64x128xf32, #tpu.memory_space<vmem_shared>>) target(%dma_start3A_200 : memref<64x128xf32, #tpu.memory_space<hbm>>) target_semaphore(%run_scoped3A : memref<!tpu.dma_semaphore, #tpu.memory_space<semaphore_mem>>)
        %dma_wait3A = arith.constant 0 : i32
        %dma_wait3A_203 = tpu.memref_slice %arg6[%arg0, %mul3A_197, %dma_wait3A] : memref<2x10112x128xf32, #tpu.memory_space<hbm>> -> memref<1x64x128xf32, #tpu.memory_space<hbm>>
        %dma_wait3A_204 = tpu.memref_squeeze %dma_wait3A_203 : memref<1x64x128xf32, #tpu.memory_space<hbm>> -> memref<64x128xf32, #tpu.memory_space<hbm>>
        %dma_wait3A_205 = arith.constant 0 : i32
        %dma_wait3A_206 = tpu.memref_slice %arg12[%mul3A_195, %dma_wait3A_205] : memref<10112x128xf32, #tpu.memory_space<vmem_shared>> -> memref<64x128xf32, #tpu.memory_space<vmem_shared>>
        tpu.wait_dma2 semaphore(%run_scoped3A : memref<!tpu.dma_semaphore, #tpu.memory_space<semaphore_mem>>) src(%dma_wait3A_206 : memref<64x128xf32, #tpu.memory_space<vmem_shared>>) dst(%dma_wait3A_204 : memref<64x128xf32, #tpu.memory_space<hbm>>)
        tpu.yield
      }) : () -> ()
    } else {
    }
    %mul3A_185 = arith.constant 10 : i32
    %mul3A_186 = arith.muli %arg1, %mul3A_185 : i32
    %add3A_187 = arith.constant 9 : i32
    %add3A_188 = arith.addi %mul3A_186, %add3A_187 : i32
    %lt3A_189 = arith.constant 158 : i32
    %lt3A_190 = arith.cmpi slt, %add3A_188, %lt3A_189 : i32
    %convert_element_type3A_191 = arith.extui %lt3A_190 : i1 to i32
    %cond3A_192 = arith.constant 0 : i32
    %cond3A_193 = arith.cmpi ne, %convert_element_type3A_191, %cond3A_192 : i32
    scf.if %cond3A_193 {
      %mul3A_194 = arith.constant 64 : i32
      %mul3A_195 = arith.muli %add3A_188, %mul3A_194 : i32
      %mul3A_196 = arith.constant 64 : i32
      %mul3A_197 = arith.muli %add3A_188, %mul3A_196 : i32
      "tpu.region"() ({
        %run_scoped3A = tpu.sem_alloc : memref<!tpu.dma_semaphore, #tpu.memory_space<semaphore_mem>>
        %dma_start3A_198 = arith.constant 0 : i32
        %dma_start3A_199 = tpu.memref_slice %arg6[%arg0, %mul3A_197, %dma_start3A_198] : memref<2x10112x128xf32, #tpu.memory_space<hbm>> -> memref<1x64x128xf32, #tpu.memory_space<hbm>>
        %dma_start3A_200 = tpu.memref_squeeze %dma_start3A_199 : memref<1x64x128xf32, #tpu.memory_space<hbm>> -> memref<64x128xf32, #tpu.memory_space<hbm>>
        %dma_start3A_201 = arith.constant 0 : i32
        %dma_start3A_202 = tpu.memref_slice %arg12[%mul3A_195, %dma_start3A_201] : memref<10112x128xf32, #tpu.memory_space<vmem_shared>> -> memref<64x128xf32, #tpu.memory_space<vmem_shared>>
        tpu.enqueue_dma source(%dma_start3A_202 : memref<64x128xf32, #tpu.memory_space<vmem_shared>>) target(%dma_start3A_200 : memref<64x128xf32, #tpu.memory_space<hbm>>) target_semaphore(%run_scoped3A : memref<!tpu.dma_semaphore, #tpu.memory_space<semaphore_mem>>)
        %dma_wait3A = arith.constant 0 : i32
        %dma_wait3A_203 = tpu.memref_slice %arg6[%arg0, %mul3A_197, %dma_wait3A] : memref<2x10112x128xf32, #tpu.memory_space<hbm>> -> memref<1x64x128xf32, #tpu.memory_space<hbm>>
        %dma_wait3A_204 = tpu.memref_squeeze %dma_wait3A_203 : memref<1x64x128xf32, #tpu.memory_space<hbm>> -> memref<64x128xf32, #tpu.memory_space<hbm>>
        %dma_wait3A_205 = arith.constant 0 : i32
        %dma_wait3A_206 = tpu.memref_slice %arg12[%mul3A_195, %dma_wait3A_205] : memref<10112x128xf32, #tpu.memory_space<vmem_shared>> -> memref<64x128xf32, #tpu.memory_space<vmem_shared>>
        tpu.wait_dma2 semaphore(%run_scoped3A : memref<!tpu.dma_semaphore, #tpu.memory_space<semaphore_mem>>) src(%dma_wait3A_206 : memref<64x128xf32, #tpu.memory_space<vmem_shared>>) dst(%dma_wait3A_204 : memref<64x128xf32, #tpu.memory_space<hbm>>)
        tpu.yield
      }) : () -> ()
    } else {
    }
    return
  }
}

#map = affine_map<(d0, d1) -> (0, 0)>
#map1 = affine_map<(d0, d1) -> (0, 0, 0)>
module attributes {stable_mosaic.version = 14 : i64} {
  func.func @spmm_kernel(%arg0: i32, %arg1: i32, %arg2: memref<10000x128xf32, #tpu.memory_space<hbm>>, %arg3: memref<32x79x128xi32, #tpu.memory_space<hbm>>, %arg4: memref<32x79x128xi32, #tpu.memory_space<hbm>>, %arg5: memref<32x79x128xf32, #tpu.memory_space<hbm>>, %arg6: memref<2x10112x128xf32, #tpu.memory_space<hbm>>, %arg7: memref<79x128xi32, #tpu.memory_space<vmem>>, %arg8: memref<79x128xi32, #tpu.memory_space<vmem>>, %arg9: memref<79x128xf32, #tpu.memory_space<vmem>>, %arg10: memref<64x128xf32, #tpu.memory_space<vmem>>, %arg11: memref<64x128xf32, #tpu.memory_space<vmem>>, %arg12: memref<10112x128xf32, #tpu.memory_space<vmem_shared>>, %arg13: memref<!tpu.dma_semaphore, #tpu.memory_space<semaphore_mem>>, %arg14: memref<!tpu.dma_semaphore, #tpu.memory_space<semaphore_mem>>) attributes {dimension_semantics = [#tpu.dimension_semantics<core_parallel>, #tpu.dimension_semantics<subcore_parallel>], iteration_bounds = array<i64: 2, 16>, scalar_prefetch = 0 : i64, scratch_operands = 8 : i64, tpu.core_type = #tpu.core_type<sc_vector_subcore>, window_params = [{transform_indices = #map}, {transform_indices = #map1}, {transform_indices = #map1}, {transform_indices = #map1}, {transform_indices = #map1}]} {
    %mul3A = arith.constant 16 : i32
    %mul3A_0 = arith.muli %arg0, %mul3A : i32
    %add3A = arith.addi %mul3A_0, %arg1 : i32
    %scan3A = arith.constant 0 : i32
    %scan3A_1 = arith.constant 64 : i32
    %scan3A_2 = arith.addi %scan3A, %scan3A_1 : i32
    %scan3A_3 = arith.constant 1 : i32
    scf.for %scan3A_194 = %scan3A to %scan3A_2 step %scan3A_3  : i32 {
      %mul3A_195 = arith.constant 1 : i32
      %mul3A_196 = arith.muli %scan3A_194, %mul3A_195 : i32
      %add3A_197 = arith.constant 0 : i32
      %add3A_198 = arith.addi %add3A_197, %mul3A_196 : i32
      %broadcast_in_dim3A = arith.constant 0.000000e+00 : f32
      %broadcast_in_dim3A_199 = vector.broadcast %broadcast_in_dim3A : f32 to vector<16xf32>
      %swap3A = arith.index_cast %add3A_198 : i32 to index
      %swap3A_200 = arith.constant 0 : index
      %swap3A_201 = tpu.vector_load %arg10[%swap3A, %swap3A_200] {strides = array<i32>} : memref<64x128xf32, #tpu.memory_space<vmem>>, vector<16xf32>,
      tpu.vector_store %arg10[%swap3A, %swap3A_200], %broadcast_in_dim3A_199 {strides = array<i32>} : memref<64x128xf32, #tpu.memory_space<vmem>>, vector<16xf32>,
      %broadcast_in_dim3A_202 = arith.constant 0.000000e+00 : f32
      %broadcast_in_dim3A_203 = vector.broadcast %broadcast_in_dim3A_202 : f32 to vector<16xf32>
      %swap3A_204 = arith.index_cast %add3A_198 : i32 to index
      %swap3A_205 = arith.constant 16 : index
      %swap3A_206 = tpu.vector_load %arg10[%swap3A_204, %swap3A_205] {strides = array<i32>} : memref<64x128xf32, #tpu.memory_space<vmem>>, vector<16xf32>,
      tpu.vector_store %arg10[%swap3A_204, %swap3A_205], %broadcast_in_dim3A_203 {strides = array<i32>} : memref<64x128xf32, #tpu.memory_space<vmem>>, vector<16xf32>,
      %broadcast_in_dim3A_207 = arith.constant 0.000000e+00 : f32
      %broadcast_in_dim3A_208 = vector.broadcast %broadcast_in_dim3A_207 : f32 to vector<16xf32>
      %swap3A_209 = arith.index_cast %add3A_198 : i32 to index
      %swap3A_210 = arith.constant 32 : index
      %swap3A_211 = tpu.vector_load %arg10[%swap3A_209, %swap3A_210] {strides = array<i32>} : memref<64x128xf32, #tpu.memory_space<vmem>>, vector<16xf32>,
      tpu.vector_store %arg10[%swap3A_209, %swap3A_210], %broadcast_in_dim3A_208 {strides = array<i32>} : memref<64x128xf32, #tpu.memory_space<vmem>>, vector<16xf32>,
      %broadcast_in_dim3A_212 = arith.constant 0.000000e+00 : f32
      %broadcast_in_dim3A_213 = vector.broadcast %broadcast_in_dim3A_212 : f32 to vector<16xf32>
      %swap3A_214 = arith.index_cast %add3A_198 : i32 to index
      %swap3A_215 = arith.constant 48 : index
      %swap3A_216 = tpu.vector_load %arg10[%swap3A_214, %swap3A_215] {strides = array<i32>} : memref<64x128xf32, #tpu.memory_space<vmem>>, vector<16xf32>,
      tpu.vector_store %arg10[%swap3A_214, %swap3A_215], %broadcast_in_dim3A_213 {strides = array<i32>} : memref<64x128xf32, #tpu.memory_space<vmem>>, vector<16xf32>,
      %broadcast_in_dim3A_217 = arith.constant 0.000000e+00 : f32
      %broadcast_in_dim3A_218 = vector.broadcast %broadcast_in_dim3A_217 : f32 to vector<16xf32>
      %swap3A_219 = arith.index_cast %add3A_198 : i32 to index
      %swap3A_220 = arith.constant 64 : index
      %swap3A_221 = tpu.vector_load %arg10[%swap3A_219, %swap3A_220] {strides = array<i32>} : memref<64x128xf32, #tpu.memory_space<vmem>>, vector<16xf32>,
      tpu.vector_store %arg10[%swap3A_219, %swap3A_220], %broadcast_in_dim3A_218 {strides = array<i32>} : memref<64x128xf32, #tpu.memory_space<vmem>>, vector<16xf32>,
      %broadcast_in_dim3A_222 = arith.constant 0.000000e+00 : f32
      %broadcast_in_dim3A_223 = vector.broadcast %broadcast_in_dim3A_222 : f32 to vector<16xf32>
      %swap3A_224 = arith.index_cast %add3A_198 : i32 to index
      %swap3A_225 = arith.constant 80 : index
      %swap3A_226 = tpu.vector_load %arg10[%swap3A_224, %swap3A_225] {strides = array<i32>} : memref<64x128xf32, #tpu.memory_space<vmem>>, vector<16xf32>,
      tpu.vector_store %arg10[%swap3A_224, %swap3A_225], %broadcast_in_dim3A_223 {strides = array<i32>} : memref<64x128xf32, #tpu.memory_space<vmem>>, vector<16xf32>,
      %broadcast_in_dim3A_227 = arith.constant 0.000000e+00 : f32
      %broadcast_in_dim3A_228 = vector.broadcast %broadcast_in_dim3A_227 : f32 to vector<16xf32>
      %swap3A_229 = arith.index_cast %add3A_198 : i32 to index
      %swap3A_230 = arith.constant 96 : index
      %swap3A_231 = tpu.vector_load %arg10[%swap3A_229, %swap3A_230] {strides = array<i32>} : memref<64x128xf32, #tpu.memory_space<vmem>>, vector<16xf32>,
      tpu.vector_store %arg10[%swap3A_229, %swap3A_230], %broadcast_in_dim3A_228 {strides = array<i32>} : memref<64x128xf32, #tpu.memory_space<vmem>>, vector<16xf32>,
      %broadcast_in_dim3A_232 = arith.constant 0.000000e+00 : f32
      %broadcast_in_dim3A_233 = vector.broadcast %broadcast_in_dim3A_232 : f32 to vector<16xf32>
      %swap3A_234 = arith.index_cast %add3A_198 : i32 to index
      %swap3A_235 = arith.constant 112 : index
      %swap3A_236 = tpu.vector_load %arg10[%swap3A_234, %swap3A_235] {strides = array<i32>} : memref<64x128xf32, #tpu.memory_space<vmem>>, vector<16xf32>,
      tpu.vector_store %arg10[%swap3A_234, %swap3A_235], %broadcast_in_dim3A_233 {strides = array<i32>} : memref<64x128xf32, #tpu.memory_space<vmem>>, vector<16xf32>,
    }
    %scan3A_4 = arith.constant 64 : i32
    %mul3A_5 = arith.constant 10 : i32
    %mul3A_6 = arith.muli %arg1, %mul3A_5 : i32
    %add3A_7 = arith.constant 0 : i32
    %add3A_8 = arith.addi %mul3A_6, %add3A_7 : i32
    %lt3A = arith.constant 158 : i32
    %lt3A_9 = arith.cmpi slt, %add3A_8, %lt3A : i32
    %convert_element_type3A = arith.extui %lt3A_9 : i1 to i32
    %cond3A = arith.constant 0 : i32
    %cond3A_10 = arith.cmpi ne, %convert_element_type3A, %cond3A : i32
    scf.if %cond3A_10 {
      %mul3A_194 = arith.constant 64 : i32
      %mul3A_195 = arith.muli %add3A_8, %mul3A_194 : i32
      "tpu.region"() ({
        %run_scoped3A = tpu.sem_alloc : memref<!tpu.dma_semaphore, #tpu.memory_space<semaphore_mem>>
        %dma_start3A_196 = arith.constant 0 : i32
        %dma_start3A_197 = tpu.memref_slice %arg12[%mul3A_195, %dma_start3A_196] : memref<10112x128xf32, #tpu.memory_space<vmem_shared>> -> memref<64x128xf32, #tpu.memory_space<vmem_shared>>
        %dma_start3A_198 = arith.constant 0 : i32
        %dma_start3A_199 = tpu.memref_slice %arg12[%mul3A_195, %dma_start3A_198] : memref<10112x128xf32, #tpu.memory_space<vmem_shared>> -> memref<64x128xf32, #tpu.memory_space<vmem_shared>>
        tpu.enqueue_dma source(%arg10 : memref<64x128xf32, #tpu.memory_space<vmem>>) target(%dma_start3A_199 : memref<64x128xf32, #tpu.memory_space<vmem_shared>>) target_semaphore(%run_scoped3A : memref<!tpu.dma_semaphore, #tpu.memory_space<semaphore_mem>>)
        %dma_wait3A = arith.constant 0 : i32
        %dma_wait3A_200 = tpu.memref_slice %arg12[%mul3A_195, %dma_wait3A] : memref<10112x128xf32, #tpu.memory_space<vmem_shared>> -> memref<64x128xf32, #tpu.memory_space<vmem_shared>>
        %dma_wait3A_201 = arith.constant 0 : i32
        %dma_wait3A_202 = tpu.memref_slice %arg12[%mul3A_195, %dma_wait3A_201] : memref<10112x128xf32, #tpu.memory_space<vmem_shared>> -> memref<64x128xf32, #tpu.memory_space<vmem_shared>>
        tpu.wait_dma2 semaphore(%run_scoped3A : memref<!tpu.dma_semaphore, #tpu.memory_space<semaphore_mem>>) src(%arg10 : memref<64x128xf32, #tpu.memory_space<vmem>>) dst(%dma_wait3A_202 : memref<64x128xf32, #tpu.memory_space<vmem_shared>>)
        tpu.yield
      }) : () -> ()
    } else {
    }
    %mul3A_11 = arith.constant 10 : i32
    %mul3A_12 = arith.muli %arg1, %mul3A_11 : i32
    %add3A_13 = arith.constant 1 : i32
    %add3A_14 = arith.addi %mul3A_12, %add3A_13 : i32
    %lt3A_15 = arith.constant 158 : i32
    %lt3A_16 = arith.cmpi slt, %add3A_14, %lt3A_15 : i32
    %convert_element_type3A_17 = arith.extui %lt3A_16 : i1 to i32
    %cond3A_18 = arith.constant 0 : i32
    %cond3A_19 = arith.cmpi ne, %convert_element_type3A_17, %cond3A_18 : i32
    scf.if %cond3A_19 {
      %mul3A_194 = arith.constant 64 : i32
      %mul3A_195 = arith.muli %add3A_14, %mul3A_194 : i32
      "tpu.region"() ({
        %run_scoped3A = tpu.sem_alloc : memref<!tpu.dma_semaphore, #tpu.memory_space<semaphore_mem>>
        %dma_start3A_196 = arith.constant 0 : i32
        %dma_start3A_197 = tpu.memref_slice %arg12[%mul3A_195, %dma_start3A_196] : memref<10112x128xf32, #tpu.memory_space<vmem_shared>> -> memref<64x128xf32, #tpu.memory_space<vmem_shared>>
        %dma_start3A_198 = arith.constant 0 : i32
        %dma_start3A_199 = tpu.memref_slice %arg12[%mul3A_195, %dma_start3A_198] : memref<10112x128xf32, #tpu.memory_space<vmem_shared>> -> memref<64x128xf32, #tpu.memory_space<vmem_shared>>
        tpu.enqueue_dma source(%arg10 : memref<64x128xf32, #tpu.memory_space<vmem>>) target(%dma_start3A_199 : memref<64x128xf32, #tpu.memory_space<vmem_shared>>) target_semaphore(%run_scoped3A : memref<!tpu.dma_semaphore, #tpu.memory_space<semaphore_mem>>)
        %dma_wait3A = arith.constant 0 : i32
        %dma_wait3A_200 = tpu.memref_slice %arg12[%mul3A_195, %dma_wait3A] : memref<10112x128xf32, #tpu.memory_space<vmem_shared>> -> memref<64x128xf32, #tpu.memory_space<vmem_shared>>
        %dma_wait3A_201 = arith.constant 0 : i32
        %dma_wait3A_202 = tpu.memref_slice %arg12[%mul3A_195, %dma_wait3A_201] : memref<10112x128xf32, #tpu.memory_space<vmem_shared>> -> memref<64x128xf32, #tpu.memory_space<vmem_shared>>
        tpu.wait_dma2 semaphore(%run_scoped3A : memref<!tpu.dma_semaphore, #tpu.memory_space<semaphore_mem>>) src(%arg10 : memref<64x128xf32, #tpu.memory_space<vmem>>) dst(%dma_wait3A_202 : memref<64x128xf32, #tpu.memory_space<vmem_shared>>)
        tpu.yield
      }) : () -> ()
    } else {
    }
    %mul3A_20 = arith.constant 10 : i32
    %mul3A_21 = arith.muli %arg1, %mul3A_20 : i32
    %add3A_22 = arith.constant 2 : i32
    %add3A_23 = arith.addi %mul3A_21, %add3A_22 : i32
    %lt3A_24 = arith.constant 158 : i32
    %lt3A_25 = arith.cmpi slt, %add3A_23, %lt3A_24 : i32
    %convert_element_type3A_26 = arith.extui %lt3A_25 : i1 to i32
    %cond3A_27 = arith.constant 0 : i32
    %cond3A_28 = arith.cmpi ne, %convert_element_type3A_26, %cond3A_27 : i32
    scf.if %cond3A_28 {
      %mul3A_194 = arith.constant 64 : i32
      %mul3A_195 = arith.muli %add3A_23, %mul3A_194 : i32
      "tpu.region"() ({
        %run_scoped3A = tpu.sem_alloc : memref<!tpu.dma_semaphore, #tpu.memory_space<semaphore_mem>>
        %dma_start3A_196 = arith.constant 0 : i32
        %dma_start3A_197 = tpu.memref_slice %arg12[%mul3A_195, %dma_start3A_196] : memref<10112x128xf32, #tpu.memory_space<vmem_shared>> -> memref<64x128xf32, #tpu.memory_space<vmem_shared>>
        %dma_start3A_198 = arith.constant 0 : i32
        %dma_start3A_199 = tpu.memref_slice %arg12[%mul3A_195, %dma_start3A_198] : memref<10112x128xf32, #tpu.memory_space<vmem_shared>> -> memref<64x128xf32, #tpu.memory_space<vmem_shared>>
        tpu.enqueue_dma source(%arg10 : memref<64x128xf32, #tpu.memory_space<vmem>>) target(%dma_start3A_199 : memref<64x128xf32, #tpu.memory_space<vmem_shared>>) target_semaphore(%run_scoped3A : memref<!tpu.dma_semaphore, #tpu.memory_space<semaphore_mem>>)
        %dma_wait3A = arith.constant 0 : i32
        %dma_wait3A_200 = tpu.memref_slice %arg12[%mul3A_195, %dma_wait3A] : memref<10112x128xf32, #tpu.memory_space<vmem_shared>> -> memref<64x128xf32, #tpu.memory_space<vmem_shared>>
        %dma_wait3A_201 = arith.constant 0 : i32
        %dma_wait3A_202 = tpu.memref_slice %arg12[%mul3A_195, %dma_wait3A_201] : memref<10112x128xf32, #tpu.memory_space<vmem_shared>> -> memref<64x128xf32, #tpu.memory_space<vmem_shared>>
        tpu.wait_dma2 semaphore(%run_scoped3A : memref<!tpu.dma_semaphore, #tpu.memory_space<semaphore_mem>>) src(%arg10 : memref<64x128xf32, #tpu.memory_space<vmem>>) dst(%dma_wait3A_202 : memref<64x128xf32, #tpu.memory_space<vmem_shared>>)
        tpu.yield
      }) : () -> ()
    } else {
    }
    %mul3A_29 = arith.constant 10 : i32
    %mul3A_30 = arith.muli %arg1, %mul3A_29 : i32
    %add3A_31 = arith.constant 3 : i32
    %add3A_32 = arith.addi %mul3A_30, %add3A_31 : i32
    %lt3A_33 = arith.constant 158 : i32
    %lt3A_34 = arith.cmpi slt, %add3A_32, %lt3A_33 : i32
    %convert_element_type3A_35 = arith.extui %lt3A_34 : i1 to i32
    %cond3A_36 = arith.constant 0 : i32
    %cond3A_37 = arith.cmpi ne, %convert_element_type3A_35, %cond3A_36 : i32
    scf.if %cond3A_37 {
      %mul3A_194 = arith.constant 64 : i32
      %mul3A_195 = arith.muli %add3A_32, %mul3A_194 : i32
      "tpu.region"() ({
        %run_scoped3A = tpu.sem_alloc : memref<!tpu.dma_semaphore, #tpu.memory_space<semaphore_mem>>
        %dma_start3A_196 = arith.constant 0 : i32
        %dma_start3A_197 = tpu.memref_slice %arg12[%mul3A_195, %dma_start3A_196] : memref<10112x128xf32, #tpu.memory_space<vmem_shared>> -> memref<64x128xf32, #tpu.memory_space<vmem_shared>>
        %dma_start3A_198 = arith.constant 0 : i32
        %dma_start3A_199 = tpu.memref_slice %arg12[%mul3A_195, %dma_start3A_198] : memref<10112x128xf32, #tpu.memory_space<vmem_shared>> -> memref<64x128xf32, #tpu.memory_space<vmem_shared>>
        tpu.enqueue_dma source(%arg10 : memref<64x128xf32, #tpu.memory_space<vmem>>) target(%dma_start3A_199 : memref<64x128xf32, #tpu.memory_space<vmem_shared>>) target_semaphore(%run_scoped3A : memref<!tpu.dma_semaphore, #tpu.memory_space<semaphore_mem>>)
        %dma_wait3A = arith.constant 0 : i32
        %dma_wait3A_200 = tpu.memref_slice %arg12[%mul3A_195, %dma_wait3A] : memref<10112x128xf32, #tpu.memory_space<vmem_shared>> -> memref<64x128xf32, #tpu.memory_space<vmem_shared>>
        %dma_wait3A_201 = arith.constant 0 : i32
        %dma_wait3A_202 = tpu.memref_slice %arg12[%mul3A_195, %dma_wait3A_201] : memref<10112x128xf32, #tpu.memory_space<vmem_shared>> -> memref<64x128xf32, #tpu.memory_space<vmem_shared>>
        tpu.wait_dma2 semaphore(%run_scoped3A : memref<!tpu.dma_semaphore, #tpu.memory_space<semaphore_mem>>) src(%arg10 : memref<64x128xf32, #tpu.memory_space<vmem>>) dst(%dma_wait3A_202 : memref<64x128xf32, #tpu.memory_space<vmem_shared>>)
        tpu.yield
      }) : () -> ()
    } else {
    }
    %mul3A_38 = arith.constant 10 : i32
    %mul3A_39 = arith.muli %arg1, %mul3A_38 : i32
    %add3A_40 = arith.constant 4 : i32
    %add3A_41 = arith.addi %mul3A_39, %add3A_40 : i32
    %lt3A_42 = arith.constant 158 : i32
    %lt3A_43 = arith.cmpi slt, %add3A_41, %lt3A_42 : i32
    %convert_element_type3A_44 = arith.extui %lt3A_43 : i1 to i32
    %cond3A_45 = arith.constant 0 : i32
    %cond3A_46 = arith.cmpi ne, %convert_element_type3A_44, %cond3A_45 : i32
    scf.if %cond3A_46 {
      %mul3A_194 = arith.constant 64 : i32
      %mul3A_195 = arith.muli %add3A_41, %mul3A_194 : i32
      "tpu.region"() ({
        %run_scoped3A = tpu.sem_alloc : memref<!tpu.dma_semaphore, #tpu.memory_space<semaphore_mem>>
        %dma_start3A_196 = arith.constant 0 : i32
        %dma_start3A_197 = tpu.memref_slice %arg12[%mul3A_195, %dma_start3A_196] : memref<10112x128xf32, #tpu.memory_space<vmem_shared>> -> memref<64x128xf32, #tpu.memory_space<vmem_shared>>
        %dma_start3A_198 = arith.constant 0 : i32
        %dma_start3A_199 = tpu.memref_slice %arg12[%mul3A_195, %dma_start3A_198] : memref<10112x128xf32, #tpu.memory_space<vmem_shared>> -> memref<64x128xf32, #tpu.memory_space<vmem_shared>>
        tpu.enqueue_dma source(%arg10 : memref<64x128xf32, #tpu.memory_space<vmem>>) target(%dma_start3A_199 : memref<64x128xf32, #tpu.memory_space<vmem_shared>>) target_semaphore(%run_scoped3A : memref<!tpu.dma_semaphore, #tpu.memory_space<semaphore_mem>>)
        %dma_wait3A = arith.constant 0 : i32
        %dma_wait3A_200 = tpu.memref_slice %arg12[%mul3A_195, %dma_wait3A] : memref<10112x128xf32, #tpu.memory_space<vmem_shared>> -> memref<64x128xf32, #tpu.memory_space<vmem_shared>>
        %dma_wait3A_201 = arith.constant 0 : i32
        %dma_wait3A_202 = tpu.memref_slice %arg12[%mul3A_195, %dma_wait3A_201] : memref<10112x128xf32, #tpu.memory_space<vmem_shared>> -> memref<64x128xf32, #tpu.memory_space<vmem_shared>>
        tpu.wait_dma2 semaphore(%run_scoped3A : memref<!tpu.dma_semaphore, #tpu.memory_space<semaphore_mem>>) src(%arg10 : memref<64x128xf32, #tpu.memory_space<vmem>>) dst(%dma_wait3A_202 : memref<64x128xf32, #tpu.memory_space<vmem_shared>>)
        tpu.yield
      }) : () -> ()
    } else {
    }
    %mul3A_47 = arith.constant 10 : i32
    %mul3A_48 = arith.muli %arg1, %mul3A_47 : i32
    %add3A_49 = arith.constant 5 : i32
    %add3A_50 = arith.addi %mul3A_48, %add3A_49 : i32
    %lt3A_51 = arith.constant 158 : i32
    %lt3A_52 = arith.cmpi slt, %add3A_50, %lt3A_51 : i32
    %convert_element_type3A_53 = arith.extui %lt3A_52 : i1 to i32
    %cond3A_54 = arith.constant 0 : i32
    %cond3A_55 = arith.cmpi ne, %convert_element_type3A_53, %cond3A_54 : i32
    scf.if %cond3A_55 {
      %mul3A_194 = arith.constant 64 : i32
      %mul3A_195 = arith.muli %add3A_50, %mul3A_194 : i32
      "tpu.region"() ({
        %run_scoped3A = tpu.sem_alloc : memref<!tpu.dma_semaphore, #tpu.memory_space<semaphore_mem>>
        %dma_start3A_196 = arith.constant 0 : i32
        %dma_start3A_197 = tpu.memref_slice %arg12[%mul3A_195, %dma_start3A_196] : memref<10112x128xf32, #tpu.memory_space<vmem_shared>> -> memref<64x128xf32, #tpu.memory_space<vmem_shared>>
        %dma_start3A_198 = arith.constant 0 : i32
        %dma_start3A_199 = tpu.memref_slice %arg12[%mul3A_195, %dma_start3A_198] : memref<10112x128xf32, #tpu.memory_space<vmem_shared>> -> memref<64x128xf32, #tpu.memory_space<vmem_shared>>
        tpu.enqueue_dma source(%arg10 : memref<64x128xf32, #tpu.memory_space<vmem>>) target(%dma_start3A_199 : memref<64x128xf32, #tpu.memory_space<vmem_shared>>) target_semaphore(%run_scoped3A : memref<!tpu.dma_semaphore, #tpu.memory_space<semaphore_mem>>)
        %dma_wait3A = arith.constant 0 : i32
        %dma_wait3A_200 = tpu.memref_slice %arg12[%mul3A_195, %dma_wait3A] : memref<10112x128xf32, #tpu.memory_space<vmem_shared>> -> memref<64x128xf32, #tpu.memory_space<vmem_shared>>
        %dma_wait3A_201 = arith.constant 0 : i32
        %dma_wait3A_202 = tpu.memref_slice %arg12[%mul3A_195, %dma_wait3A_201] : memref<10112x128xf32, #tpu.memory_space<vmem_shared>> -> memref<64x128xf32, #tpu.memory_space<vmem_shared>>
        tpu.wait_dma2 semaphore(%run_scoped3A : memref<!tpu.dma_semaphore, #tpu.memory_space<semaphore_mem>>) src(%arg10 : memref<64x128xf32, #tpu.memory_space<vmem>>) dst(%dma_wait3A_202 : memref<64x128xf32, #tpu.memory_space<vmem_shared>>)
        tpu.yield
      }) : () -> ()
    } else {
    }
    %mul3A_56 = arith.constant 10 : i32
    %mul3A_57 = arith.muli %arg1, %mul3A_56 : i32
    %add3A_58 = arith.constant 6 : i32
    %add3A_59 = arith.addi %mul3A_57, %add3A_58 : i32
    %lt3A_60 = arith.constant 158 : i32
    %lt3A_61 = arith.cmpi slt, %add3A_59, %lt3A_60 : i32
    %convert_element_type3A_62 = arith.extui %lt3A_61 : i1 to i32
    %cond3A_63 = arith.constant 0 : i32
    %cond3A_64 = arith.cmpi ne, %convert_element_type3A_62, %cond3A_63 : i32
    scf.if %cond3A_64 {
      %mul3A_194 = arith.constant 64 : i32
      %mul3A_195 = arith.muli %add3A_59, %mul3A_194 : i32
      "tpu.region"() ({
        %run_scoped3A = tpu.sem_alloc : memref<!tpu.dma_semaphore, #tpu.memory_space<semaphore_mem>>
        %dma_start3A_196 = arith.constant 0 : i32
        %dma_start3A_197 = tpu.memref_slice %arg12[%mul3A_195, %dma_start3A_196] : memref<10112x128xf32, #tpu.memory_space<vmem_shared>> -> memref<64x128xf32, #tpu.memory_space<vmem_shared>>
        %dma_start3A_198 = arith.constant 0 : i32
        %dma_start3A_199 = tpu.memref_slice %arg12[%mul3A_195, %dma_start3A_198] : memref<10112x128xf32, #tpu.memory_space<vmem_shared>> -> memref<64x128xf32, #tpu.memory_space<vmem_shared>>
        tpu.enqueue_dma source(%arg10 : memref<64x128xf32, #tpu.memory_space<vmem>>) target(%dma_start3A_199 : memref<64x128xf32, #tpu.memory_space<vmem_shared>>) target_semaphore(%run_scoped3A : memref<!tpu.dma_semaphore, #tpu.memory_space<semaphore_mem>>)
        %dma_wait3A = arith.constant 0 : i32
        %dma_wait3A_200 = tpu.memref_slice %arg12[%mul3A_195, %dma_wait3A] : memref<10112x128xf32, #tpu.memory_space<vmem_shared>> -> memref<64x128xf32, #tpu.memory_space<vmem_shared>>
        %dma_wait3A_201 = arith.constant 0 : i32
        %dma_wait3A_202 = tpu.memref_slice %arg12[%mul3A_195, %dma_wait3A_201] : memref<10112x128xf32, #tpu.memory_space<vmem_shared>> -> memref<64x128xf32, #tpu.memory_space<vmem_shared>>
        tpu.wait_dma2 semaphore(%run_scoped3A : memref<!tpu.dma_semaphore, #tpu.memory_space<semaphore_mem>>) src(%arg10 : memref<64x128xf32, #tpu.memory_space<vmem>>) dst(%dma_wait3A_202 : memref<64x128xf32, #tpu.memory_space<vmem_shared>>)
        tpu.yield
      }) : () -> ()
    } else {
    }
    %mul3A_65 = arith.constant 10 : i32
    %mul3A_66 = arith.muli %arg1, %mul3A_65 : i32
    %add3A_67 = arith.constant 7 : i32
    %add3A_68 = arith.addi %mul3A_66, %add3A_67 : i32
    %lt3A_69 = arith.constant 158 : i32
    %lt3A_70 = arith.cmpi slt, %add3A_68, %lt3A_69 : i32
    %convert_element_type3A_71 = arith.extui %lt3A_70 : i1 to i32
    %cond3A_72 = arith.constant 0 : i32
    %cond3A_73 = arith.cmpi ne, %convert_element_type3A_71, %cond3A_72 : i32
    scf.if %cond3A_73 {
      %mul3A_194 = arith.constant 64 : i32
      %mul3A_195 = arith.muli %add3A_68, %mul3A_194 : i32
      "tpu.region"() ({
        %run_scoped3A = tpu.sem_alloc : memref<!tpu.dma_semaphore, #tpu.memory_space<semaphore_mem>>
        %dma_start3A_196 = arith.constant 0 : i32
        %dma_start3A_197 = tpu.memref_slice %arg12[%mul3A_195, %dma_start3A_196] : memref<10112x128xf32, #tpu.memory_space<vmem_shared>> -> memref<64x128xf32, #tpu.memory_space<vmem_shared>>
        %dma_start3A_198 = arith.constant 0 : i32
        %dma_start3A_199 = tpu.memref_slice %arg12[%mul3A_195, %dma_start3A_198] : memref<10112x128xf32, #tpu.memory_space<vmem_shared>> -> memref<64x128xf32, #tpu.memory_space<vmem_shared>>
        tpu.enqueue_dma source(%arg10 : memref<64x128xf32, #tpu.memory_space<vmem>>) target(%dma_start3A_199 : memref<64x128xf32, #tpu.memory_space<vmem_shared>>) target_semaphore(%run_scoped3A : memref<!tpu.dma_semaphore, #tpu.memory_space<semaphore_mem>>)
        %dma_wait3A = arith.constant 0 : i32
        %dma_wait3A_200 = tpu.memref_slice %arg12[%mul3A_195, %dma_wait3A] : memref<10112x128xf32, #tpu.memory_space<vmem_shared>> -> memref<64x128xf32, #tpu.memory_space<vmem_shared>>
        %dma_wait3A_201 = arith.constant 0 : i32
        %dma_wait3A_202 = tpu.memref_slice %arg12[%mul3A_195, %dma_wait3A_201] : memref<10112x128xf32, #tpu.memory_space<vmem_shared>> -> memref<64x128xf32, #tpu.memory_space<vmem_shared>>
        tpu.wait_dma2 semaphore(%run_scoped3A : memref<!tpu.dma_semaphore, #tpu.memory_space<semaphore_mem>>) src(%arg10 : memref<64x128xf32, #tpu.memory_space<vmem>>) dst(%dma_wait3A_202 : memref<64x128xf32, #tpu.memory_space<vmem_shared>>)
        tpu.yield
      }) : () -> ()
    } else {
    }
    %mul3A_74 = arith.constant 10 : i32
    %mul3A_75 = arith.muli %arg1, %mul3A_74 : i32
    %add3A_76 = arith.constant 8 : i32
    %add3A_77 = arith.addi %mul3A_75, %add3A_76 : i32
    %lt3A_78 = arith.constant 158 : i32
    %lt3A_79 = arith.cmpi slt, %add3A_77, %lt3A_78 : i32
    %convert_element_type3A_80 = arith.extui %lt3A_79 : i1 to i32
    %cond3A_81 = arith.constant 0 : i32
    %cond3A_82 = arith.cmpi ne, %convert_element_type3A_80, %cond3A_81 : i32
    scf.if %cond3A_82 {
      %mul3A_194 = arith.constant 64 : i32
      %mul3A_195 = arith.muli %add3A_77, %mul3A_194 : i32
      "tpu.region"() ({
        %run_scoped3A = tpu.sem_alloc : memref<!tpu.dma_semaphore, #tpu.memory_space<semaphore_mem>>
        %dma_start3A_196 = arith.constant 0 : i32
        %dma_start3A_197 = tpu.memref_slice %arg12[%mul3A_195, %dma_start3A_196] : memref<10112x128xf32, #tpu.memory_space<vmem_shared>> -> memref<64x128xf32, #tpu.memory_space<vmem_shared>>
        %dma_start3A_198 = arith.constant 0 : i32
        %dma_start3A_199 = tpu.memref_slice %arg12[%mul3A_195, %dma_start3A_198] : memref<10112x128xf32, #tpu.memory_space<vmem_shared>> -> memref<64x128xf32, #tpu.memory_space<vmem_shared>>
        tpu.enqueue_dma source(%arg10 : memref<64x128xf32, #tpu.memory_space<vmem>>) target(%dma_start3A_199 : memref<64x128xf32, #tpu.memory_space<vmem_shared>>) target_semaphore(%run_scoped3A : memref<!tpu.dma_semaphore, #tpu.memory_space<semaphore_mem>>)
        %dma_wait3A = arith.constant 0 : i32
        %dma_wait3A_200 = tpu.memref_slice %arg12[%mul3A_195, %dma_wait3A] : memref<10112x128xf32, #tpu.memory_space<vmem_shared>> -> memref<64x128xf32, #tpu.memory_space<vmem_shared>>
        %dma_wait3A_201 = arith.constant 0 : i32
        %dma_wait3A_202 = tpu.memref_slice %arg12[%mul3A_195, %dma_wait3A_201] : memref<10112x128xf32, #tpu.memory_space<vmem_shared>> -> memref<64x128xf32, #tpu.memory_space<vmem_shared>>
        tpu.wait_dma2 semaphore(%run_scoped3A : memref<!tpu.dma_semaphore, #tpu.memory_space<semaphore_mem>>) src(%arg10 : memref<64x128xf32, #tpu.memory_space<vmem>>) dst(%dma_wait3A_202 : memref<64x128xf32, #tpu.memory_space<vmem_shared>>)
        tpu.yield
      }) : () -> ()
    } else {
    }
    %mul3A_83 = arith.constant 10 : i32
    %mul3A_84 = arith.muli %arg1, %mul3A_83 : i32
    %add3A_85 = arith.constant 9 : i32
    %add3A_86 = arith.addi %mul3A_84, %add3A_85 : i32
    %lt3A_87 = arith.constant 158 : i32
    %lt3A_88 = arith.cmpi slt, %add3A_86, %lt3A_87 : i32
    %convert_element_type3A_89 = arith.extui %lt3A_88 : i1 to i32
    %cond3A_90 = arith.constant 0 : i32
    %cond3A_91 = arith.cmpi ne, %convert_element_type3A_89, %cond3A_90 : i32
    scf.if %cond3A_91 {
      %mul3A_194 = arith.constant 64 : i32
      %mul3A_195 = arith.muli %add3A_86, %mul3A_194 : i32
      "tpu.region"() ({
        %run_scoped3A = tpu.sem_alloc : memref<!tpu.dma_semaphore, #tpu.memory_space<semaphore_mem>>
        %dma_start3A_196 = arith.constant 0 : i32
        %dma_start3A_197 = tpu.memref_slice %arg12[%mul3A_195, %dma_start3A_196] : memref<10112x128xf32, #tpu.memory_space<vmem_shared>> -> memref<64x128xf32, #tpu.memory_space<vmem_shared>>
        %dma_start3A_198 = arith.constant 0 : i32
        %dma_start3A_199 = tpu.memref_slice %arg12[%mul3A_195, %dma_start3A_198] : memref<10112x128xf32, #tpu.memory_space<vmem_shared>> -> memref<64x128xf32, #tpu.memory_space<vmem_shared>>
        tpu.enqueue_dma source(%arg10 : memref<64x128xf32, #tpu.memory_space<vmem>>) target(%dma_start3A_199 : memref<64x128xf32, #tpu.memory_space<vmem_shared>>) target_semaphore(%run_scoped3A : memref<!tpu.dma_semaphore, #tpu.memory_space<semaphore_mem>>)
        %dma_wait3A = arith.constant 0 : i32
        %dma_wait3A_200 = tpu.memref_slice %arg12[%mul3A_195, %dma_wait3A] : memref<10112x128xf32, #tpu.memory_space<vmem_shared>> -> memref<64x128xf32, #tpu.memory_space<vmem_shared>>
        %dma_wait3A_201 = arith.constant 0 : i32
        %dma_wait3A_202 = tpu.memref_slice %arg12[%mul3A_195, %dma_wait3A_201] : memref<10112x128xf32, #tpu.memory_space<vmem_shared>> -> memref<64x128xf32, #tpu.memory_space<vmem_shared>>
        tpu.wait_dma2 semaphore(%run_scoped3A : memref<!tpu.dma_semaphore, #tpu.memory_space<semaphore_mem>>) src(%arg10 : memref<64x128xf32, #tpu.memory_space<vmem>>) dst(%dma_wait3A_202 : memref<64x128xf32, #tpu.memory_space<vmem_shared>>)
        tpu.yield
      }) : () -> ()
    } else {
    }
    "tpu.region"() ({
      %run_scoped3A = tpu.sem_alloc : memref<!tpu.dma_semaphore, #tpu.memory_space<semaphore_mem>>
      %dma_start3A_194 = arith.constant 0 : i32
      %dma_start3A_195 = arith.constant 0 : i32
      %dma_start3A_196 = tpu.memref_slice %arg3[%add3A, %dma_start3A_194, %dma_start3A_195] : memref<32x79x128xi32, #tpu.memory_space<hbm>> -> memref<1x79x128xi32, #tpu.memory_space<hbm>>
      %dma_start3A_197 = tpu.memref_squeeze %dma_start3A_196 : memref<1x79x128xi32, #tpu.memory_space<hbm>> -> memref<79x128xi32, #tpu.memory_space<hbm>>
      %dma_start3A_198 = arith.constant 0 : i32
      %dma_start3A_199 = arith.constant 0 : i32
      %dma_start3A_200 = tpu.memref_slice %arg3[%add3A, %dma_start3A_198, %dma_start3A_199] : memref<32x79x128xi32, #tpu.memory_space<hbm>> -> memref<1x79x128xi32, #tpu.memory_space<hbm>>
      %dma_start3A_201 = tpu.memref_squeeze %dma_start3A_200 : memref<1x79x128xi32, #tpu.memory_space<hbm>> -> memref<79x128xi32, #tpu.memory_space<hbm>>
      tpu.enqueue_dma source(%dma_start3A_201 : memref<79x128xi32, #tpu.memory_space<hbm>>) target(%arg7 : memref<79x128xi32, #tpu.memory_space<vmem>>) target_semaphore(%run_scoped3A : memref<!tpu.dma_semaphore, #tpu.memory_space<semaphore_mem>>)
      %dma_wait3A = arith.constant 0 : i32
      %dma_wait3A_202 = arith.constant 0 : i32
      %dma_wait3A_203 = tpu.memref_slice %arg3[%add3A, %dma_wait3A, %dma_wait3A_202] : memref<32x79x128xi32, #tpu.memory_space<hbm>> -> memref<1x79x128xi32, #tpu.memory_space<hbm>>
      %dma_wait3A_204 = tpu.memref_squeeze %dma_wait3A_203 : memref<1x79x128xi32, #tpu.memory_space<hbm>> -> memref<79x128xi32, #tpu.memory_space<hbm>>
      %dma_wait3A_205 = arith.constant 0 : i32
      %dma_wait3A_206 = arith.constant 0 : i32
      %dma_wait3A_207 = tpu.memref_slice %arg3[%add3A, %dma_wait3A_205, %dma_wait3A_206] : memref<32x79x128xi32, #tpu.memory_space<hbm>> -> memref<1x79x128xi32, #tpu.memory_space<hbm>>
      %dma_wait3A_208 = tpu.memref_squeeze %dma_wait3A_207 : memref<1x79x128xi32, #tpu.memory_space<hbm>> -> memref<79x128xi32, #tpu.memory_space<hbm>>
      tpu.wait_dma2 semaphore(%run_scoped3A : memref<!tpu.dma_semaphore, #tpu.memory_space<semaphore_mem>>) src(%dma_wait3A_208 : memref<79x128xi32, #tpu.memory_space<hbm>>) dst(%arg7 : memref<79x128xi32, #tpu.memory_space<vmem>>)
      tpu.yield
    }) : () -> ()
    "tpu.region"() ({
      %run_scoped3A = tpu.sem_alloc : memref<!tpu.dma_semaphore, #tpu.memory_space<semaphore_mem>>
      %dma_start3A_194 = arith.constant 0 : i32
      %dma_start3A_195 = arith.constant 0 : i32
      %dma_start3A_196 = tpu.memref_slice %arg4[%add3A, %dma_start3A_194, %dma_start3A_195] : memref<32x79x128xi32, #tpu.memory_space<hbm>> -> memref<1x79x128xi32, #tpu.memory_space<hbm>>
      %dma_start3A_197 = tpu.memref_squeeze %dma_start3A_196 : memref<1x79x128xi32, #tpu.memory_space<hbm>> -> memref<79x128xi32, #tpu.memory_space<hbm>>
      %dma_start3A_198 = arith.constant 0 : i32
      %dma_start3A_199 = arith.constant 0 : i32
      %dma_start3A_200 = tpu.memref_slice %arg4[%add3A, %dma_start3A_198, %dma_start3A_199] : memref<32x79x128xi32, #tpu.memory_space<hbm>> -> memref<1x79x128xi32, #tpu.memory_space<hbm>>
      %dma_start3A_201 = tpu.memref_squeeze %dma_start3A_200 : memref<1x79x128xi32, #tpu.memory_space<hbm>> -> memref<79x128xi32, #tpu.memory_space<hbm>>
      tpu.enqueue_dma source(%dma_start3A_201 : memref<79x128xi32, #tpu.memory_space<hbm>>) target(%arg8 : memref<79x128xi32, #tpu.memory_space<vmem>>) target_semaphore(%run_scoped3A : memref<!tpu.dma_semaphore, #tpu.memory_space<semaphore_mem>>)
      %dma_wait3A = arith.constant 0 : i32
      %dma_wait3A_202 = arith.constant 0 : i32
      %dma_wait3A_203 = tpu.memref_slice %arg4[%add3A, %dma_wait3A, %dma_wait3A_202] : memref<32x79x128xi32, #tpu.memory_space<hbm>> -> memref<1x79x128xi32, #tpu.memory_space<hbm>>
      %dma_wait3A_204 = tpu.memref_squeeze %dma_wait3A_203 : memref<1x79x128xi32, #tpu.memory_space<hbm>> -> memref<79x128xi32, #tpu.memory_space<hbm>>
      %dma_wait3A_205 = arith.constant 0 : i32
      %dma_wait3A_206 = arith.constant 0 : i32
      %dma_wait3A_207 = tpu.memref_slice %arg4[%add3A, %dma_wait3A_205, %dma_wait3A_206] : memref<32x79x128xi32, #tpu.memory_space<hbm>> -> memref<1x79x128xi32, #tpu.memory_space<hbm>>
      %dma_wait3A_208 = tpu.memref_squeeze %dma_wait3A_207 : memref<1x79x128xi32, #tpu.memory_space<hbm>> -> memref<79x128xi32, #tpu.memory_space<hbm>>
      tpu.wait_dma2 semaphore(%run_scoped3A : memref<!tpu.dma_semaphore, #tpu.memory_space<semaphore_mem>>) src(%dma_wait3A_208 : memref<79x128xi32, #tpu.memory_space<hbm>>) dst(%arg8 : memref<79x128xi32, #tpu.memory_space<vmem>>)
      tpu.yield
    }) : () -> ()
    "tpu.region"() ({
      %run_scoped3A = tpu.sem_alloc : memref<!tpu.dma_semaphore, #tpu.memory_space<semaphore_mem>>
      %dma_start3A_194 = arith.constant 0 : i32
      %dma_start3A_195 = arith.constant 0 : i32
      %dma_start3A_196 = tpu.memref_slice %arg5[%add3A, %dma_start3A_194, %dma_start3A_195] : memref<32x79x128xf32, #tpu.memory_space<hbm>> -> memref<1x79x128xf32, #tpu.memory_space<hbm>>
      %dma_start3A_197 = tpu.memref_squeeze %dma_start3A_196 : memref<1x79x128xf32, #tpu.memory_space<hbm>> -> memref<79x128xf32, #tpu.memory_space<hbm>>
      %dma_start3A_198 = arith.constant 0 : i32
      %dma_start3A_199 = arith.constant 0 : i32
      %dma_start3A_200 = tpu.memref_slice %arg5[%add3A, %dma_start3A_198, %dma_start3A_199] : memref<32x79x128xf32, #tpu.memory_space<hbm>> -> memref<1x79x128xf32, #tpu.memory_space<hbm>>
      %dma_start3A_201 = tpu.memref_squeeze %dma_start3A_200 : memref<1x79x128xf32, #tpu.memory_space<hbm>> -> memref<79x128xf32, #tpu.memory_space<hbm>>
      tpu.enqueue_dma source(%dma_start3A_201 : memref<79x128xf32, #tpu.memory_space<hbm>>) target(%arg9 : memref<79x128xf32, #tpu.memory_space<vmem>>) target_semaphore(%run_scoped3A : memref<!tpu.dma_semaphore, #tpu.memory_space<semaphore_mem>>)
      %dma_wait3A = arith.constant 0 : i32
      %dma_wait3A_202 = arith.constant 0 : i32
      %dma_wait3A_203 = tpu.memref_slice %arg5[%add3A, %dma_wait3A, %dma_wait3A_202] : memref<32x79x128xf32, #tpu.memory_space<hbm>> -> memref<1x79x128xf32, #tpu.memory_space<hbm>>
      %dma_wait3A_204 = tpu.memref_squeeze %dma_wait3A_203 : memref<1x79x128xf32, #tpu.memory_space<hbm>> -> memref<79x128xf32, #tpu.memory_space<hbm>>
      %dma_wait3A_205 = arith.constant 0 : i32
      %dma_wait3A_206 = arith.constant 0 : i32
      %dma_wait3A_207 = tpu.memref_slice %arg5[%add3A, %dma_wait3A_205, %dma_wait3A_206] : memref<32x79x128xf32, #tpu.memory_space<hbm>> -> memref<1x79x128xf32, #tpu.memory_space<hbm>>
      %dma_wait3A_208 = tpu.memref_squeeze %dma_wait3A_207 : memref<1x79x128xf32, #tpu.memory_space<hbm>> -> memref<79x128xf32, #tpu.memory_space<hbm>>
      tpu.wait_dma2 semaphore(%run_scoped3A : memref<!tpu.dma_semaphore, #tpu.memory_space<semaphore_mem>>) src(%dma_wait3A_208 : memref<79x128xf32, #tpu.memory_space<hbm>>) dst(%arg9 : memref<79x128xf32, #tpu.memory_space<vmem>>)
      tpu.yield
    }) : () -> ()
    %barrier3A = arith.constant 0 : index
    tpu.barrier barrier_id(%barrier3A)
    %dma_start3A = arith.constant 0 : i32
    %dma_start3A_92 = arith.constant 0 : i32
    %dma_start3A_93 = tpu.memref_slice %arg7[%dma_start3A, %dma_start3A_92] : memref<79x128xi32, #tpu.memory_space<vmem>> -> memref<1x64xi32, #tpu.memory_space<vmem>>
    %dma_start3A_94 = tpu.memref_squeeze %dma_start3A_93 : memref<1x64xi32, #tpu.memory_space<vmem>> -> memref<64xi32, #tpu.memory_space<vmem>>
    %dma_start3A_95 = arith.constant 0 : i32
    %dma_start3A_96 = arith.constant 0 : i32
    %dma_start3A_97 = tpu.memref_slice %arg2[%dma_start3A_95, %dma_start3A_96] : memref<10000x128xf32, #tpu.memory_space<hbm>> -> memref<10000x128xf32, #tpu.memory_space<hbm>>
    tpu.enqueue_indirect_dma source(%dma_start3A_97 : memref<10000x128xf32, #tpu.memory_space<hbm>>) target(%arg10 : memref<64x128xf32, #tpu.memory_space<vmem>>) offsets(%dma_start3A_94 : memref<64xi32, #tpu.memory_space<vmem>>) semaphore(%arg13 : memref<!tpu.dma_semaphore, #tpu.memory_space<semaphore_mem>>)
    %scan3A_98 = arith.constant 0 : i32
    %scan3A_99 = arith.constant 79 : i32
    %scan3A_100 = arith.addi %scan3A_98, %scan3A_99 : i32
    %scan3A_101 = arith.constant 1 : i32
    scf.for %scan3A_194 = %scan3A_98 to %scan3A_100 step %scan3A_101  : i32 {
      %mul3A_195 = arith.constant 1 : i32
      %mul3A_196 = arith.muli %scan3A_194, %mul3A_195 : i32
      %add3A_197 = arith.constant 0 : i32
      %add3A_198 = arith.addi %add3A_197, %mul3A_196 : i32
      %dma_wait3A = arith.constant 0 : i32
      %dma_wait3A_199 = tpu.memref_slice %arg7[%add3A_198, %dma_wait3A] : memref<79x128xi32, #tpu.memory_space<vmem>> -> memref<1x64xi32, #tpu.memory_space<vmem>>
      %dma_wait3A_200 = tpu.memref_squeeze %dma_wait3A_199 : memref<1x64xi32, #tpu.memory_space<vmem>> -> memref<64xi32, #tpu.memory_space<vmem>>
      %dma_wait3A_201 = arith.constant 0 : i32
      %dma_wait3A_202 = arith.constant 0 : i32
      %dma_wait3A_203 = tpu.memref_slice %arg2[%dma_wait3A_201, %dma_wait3A_202] : memref<10000x128xf32, #tpu.memory_space<hbm>> -> memref<10000x128xf32, #tpu.memory_space<hbm>>
      tpu.wait_indirect_dma semaphore(%arg13 : memref<!tpu.dma_semaphore, #tpu.memory_space<semaphore_mem>>) src(%dma_wait3A_203 : memref<10000x128xf32, #tpu.memory_space<hbm>>) dst(%arg10 : memref<64x128xf32, #tpu.memory_space<vmem>>)
      %add3A_204 = arith.constant 0 : i32
      %add3A_205 = arith.addi %add3A_198, %add3A_204 : i32
      %lt3A_206 = arith.constant 79 : i32
      %lt3A_207 = arith.cmpi slt, %add3A_205, %lt3A_206 : i32
      %convert_element_type3A_208 = arith.extui %lt3A_207 : i1 to i32
      %cond3A_209 = arith.constant 0 : i32
      %cond3A_210 = arith.cmpi ne, %convert_element_type3A_208, %cond3A_209 : i32
      scf.if %cond3A_210 {
        %dma_start3A_348 = arith.constant 64 : i32
        %dma_start3A_349 = tpu.memref_slice %arg7[%add3A_205, %dma_start3A_348] : memref<79x128xi32, #tpu.memory_space<vmem>> -> memref<1x64xi32, #tpu.memory_space<vmem>>
        %dma_start3A_350 = tpu.memref_squeeze %dma_start3A_349 : memref<1x64xi32, #tpu.memory_space<vmem>> -> memref<64xi32, #tpu.memory_space<vmem>>
        %dma_start3A_351 = arith.constant 0 : i32
        %dma_start3A_352 = arith.constant 0 : i32
        %dma_start3A_353 = tpu.memref_slice %arg2[%dma_start3A_351, %dma_start3A_352] : memref<10000x128xf32, #tpu.memory_space<hbm>> -> memref<10000x128xf32, #tpu.memory_space<hbm>>
        tpu.enqueue_indirect_dma source(%dma_start3A_353 : memref<10000x128xf32, #tpu.memory_space<hbm>>) target(%arg11 : memref<64x128xf32, #tpu.memory_space<vmem>>) offsets(%dma_start3A_350 : memref<64xi32, #tpu.memory_space<vmem>>) semaphore(%arg13 : memref<!tpu.dma_semaphore, #tpu.memory_space<semaphore_mem>>)
      } else {
      }
      %parallel_loop3A = arith.constant 0 : i32
      %parallel_loop3A_211 = arith.constant 64 : i32
      %parallel_loop3A_212 = arith.constant 1 : i32
      scf.for %parallel_loop3A_348 = %parallel_loop3A to %parallel_loop3A_211 step %parallel_loop3A_212  : i32 {
        %parallel_loop3A_349 = vector.broadcast %add3A_198 : i32 to vector<16xi32>
        %parallel_loop3A_350 = arith.constant 0 : i32
        %parallel_loop3A_351 = arith.addi %parallel_loop3A_350, %parallel_loop3A_348 : i32
        %parallel_loop3A_352 = vector.broadcast %parallel_loop3A_351 : i32 to vector<16xi32>
        %parallel_loop3A_353 = tpu.vector_load_idx %arg9[%parallel_loop3A_349, %parallel_loop3A_352] : memref<79x128xf32, #tpu.memory_space<vmem>>[vector<16xi32>, vector<16xi32>], vector<16xf32>,
        %parallel_loop3A_354 = arith.index_cast %parallel_loop3A_348 : i32 to index
        %parallel_loop3A_355 = arith.constant 0 : index
        %parallel_loop3A_356 = tpu.vector_load %arg10[%parallel_loop3A_354, %parallel_loop3A_355] {strides = array<i32>} : memref<64x128xf32, #tpu.memory_space<vmem>>, vector<16xf32>,
        %parallel_loop3A_357 = arith.mulf %parallel_loop3A_356, %parallel_loop3A_353 : vector<16xf32>
        %parallel_loop3A_358 = arith.index_cast %parallel_loop3A_348 : i32 to index
        %parallel_loop3A_359 = arith.constant 0 : index
        %parallel_loop3A_360 = tpu.vector_load %arg10[%parallel_loop3A_358, %parallel_loop3A_359] {strides = array<i32>} : memref<64x128xf32, #tpu.memory_space<vmem>>, vector<16xf32>,
        tpu.vector_store %arg10[%parallel_loop3A_358, %parallel_loop3A_359], %parallel_loop3A_357 {strides = array<i32>} : memref<64x128xf32, #tpu.memory_space<vmem>>, vector<16xf32>,
        %parallel_loop3A_361 = arith.index_cast %parallel_loop3A_348 : i32 to index
        %parallel_loop3A_362 = arith.constant 16 : index
        %parallel_loop3A_363 = tpu.vector_load %arg10[%parallel_loop3A_361, %parallel_loop3A_362] {strides = array<i32>} : memref<64x128xf32, #tpu.memory_space<vmem>>, vector<16xf32>,
        %parallel_loop3A_364 = arith.mulf %parallel_loop3A_363, %parallel_loop3A_353 : vector<16xf32>
        %parallel_loop3A_365 = arith.index_cast %parallel_loop3A_348 : i32 to index
        %parallel_loop3A_366 = arith.constant 16 : index
        %parallel_loop3A_367 = tpu.vector_load %arg10[%parallel_loop3A_365, %parallel_loop3A_366] {strides = array<i32>} : memref<64x128xf32, #tpu.memory_space<vmem>>, vector<16xf32>,
        tpu.vector_store %arg10[%parallel_loop3A_365, %parallel_loop3A_366], %parallel_loop3A_364 {strides = array<i32>} : memref<64x128xf32, #tpu.memory_space<vmem>>, vector<16xf32>,
        %parallel_loop3A_368 = arith.index_cast %parallel_loop3A_348 : i32 to index
        %parallel_loop3A_369 = arith.constant 32 : index
        %parallel_loop3A_370 = tpu.vector_load %arg10[%parallel_loop3A_368, %parallel_loop3A_369] {strides = array<i32>} : memref<64x128xf32, #tpu.memory_space<vmem>>, vector<16xf32>,
        %parallel_loop3A_371 = arith.mulf %parallel_loop3A_370, %parallel_loop3A_353 : vector<16xf32>
        %parallel_loop3A_372 = arith.index_cast %parallel_loop3A_348 : i32 to index
        %parallel_loop3A_373 = arith.constant 32 : index
        %parallel_loop3A_374 = tpu.vector_load %arg10[%parallel_loop3A_372, %parallel_loop3A_373] {strides = array<i32>} : memref<64x128xf32, #tpu.memory_space<vmem>>, vector<16xf32>,
        tpu.vector_store %arg10[%parallel_loop3A_372, %parallel_loop3A_373], %parallel_loop3A_371 {strides = array<i32>} : memref<64x128xf32, #tpu.memory_space<vmem>>, vector<16xf32>,
        %parallel_loop3A_375 = arith.index_cast %parallel_loop3A_348 : i32 to index
        %parallel_loop3A_376 = arith.constant 48 : index
        %parallel_loop3A_377 = tpu.vector_load %arg10[%parallel_loop3A_375, %parallel_loop3A_376] {strides = array<i32>} : memref<64x128xf32, #tpu.memory_space<vmem>>, vector<16xf32>,
        %parallel_loop3A_378 = arith.mulf %parallel_loop3A_377, %parallel_loop3A_353 : vector<16xf32>
        %parallel_loop3A_379 = arith.index_cast %parallel_loop3A_348 : i32 to index
        %parallel_loop3A_380 = arith.constant 48 : index
        %parallel_loop3A_381 = tpu.vector_load %arg10[%parallel_loop3A_379, %parallel_loop3A_380] {strides = array<i32>} : memref<64x128xf32, #tpu.memory_space<vmem>>, vector<16xf32>,
        tpu.vector_store %arg10[%parallel_loop3A_379, %parallel_loop3A_380], %parallel_loop3A_378 {strides = array<i32>} : memref<64x128xf32, #tpu.memory_space<vmem>>, vector<16xf32>,
        %parallel_loop3A_382 = arith.index_cast %parallel_loop3A_348 : i32 to index
        %parallel_loop3A_383 = arith.constant 64 : index
        %parallel_loop3A_384 = tpu.vector_load %arg10[%parallel_loop3A_382, %parallel_loop3A_383] {strides = array<i32>} : memref<64x128xf32, #tpu.memory_space<vmem>>, vector<16xf32>,
        %parallel_loop3A_385 = arith.mulf %parallel_loop3A_384, %parallel_loop3A_353 : vector<16xf32>
        %parallel_loop3A_386 = arith.index_cast %parallel_loop3A_348 : i32 to index
        %parallel_loop3A_387 = arith.constant 64 : index
        %parallel_loop3A_388 = tpu.vector_load %arg10[%parallel_loop3A_386, %parallel_loop3A_387] {strides = array<i32>} : memref<64x128xf32, #tpu.memory_space<vmem>>, vector<16xf32>,
        tpu.vector_store %arg10[%parallel_loop3A_386, %parallel_loop3A_387], %parallel_loop3A_385 {strides = array<i32>} : memref<64x128xf32, #tpu.memory_space<vmem>>, vector<16xf32>,
        %parallel_loop3A_389 = arith.index_cast %parallel_loop3A_348 : i32 to index
        %parallel_loop3A_390 = arith.constant 80 : index
        %parallel_loop3A_391 = tpu.vector_load %arg10[%parallel_loop3A_389, %parallel_loop3A_390] {strides = array<i32>} : memref<64x128xf32, #tpu.memory_space<vmem>>, vector<16xf32>,
        %parallel_loop3A_392 = arith.mulf %parallel_loop3A_391, %parallel_loop3A_353 : vector<16xf32>
        %parallel_loop3A_393 = arith.index_cast %parallel_loop3A_348 : i32 to index
        %parallel_loop3A_394 = arith.constant 80 : index
        %parallel_loop3A_395 = tpu.vector_load %arg10[%parallel_loop3A_393, %parallel_loop3A_394] {strides = array<i32>} : memref<64x128xf32, #tpu.memory_space<vmem>>, vector<16xf32>,
        tpu.vector_store %arg10[%parallel_loop3A_393, %parallel_loop3A_394], %parallel_loop3A_392 {strides = array<i32>} : memref<64x128xf32, #tpu.memory_space<vmem>>, vector<16xf32>,
        %parallel_loop3A_396 = arith.index_cast %parallel_loop3A_348 : i32 to index
        %parallel_loop3A_397 = arith.constant 96 : index
        %parallel_loop3A_398 = tpu.vector_load %arg10[%parallel_loop3A_396, %parallel_loop3A_397] {strides = array<i32>} : memref<64x128xf32, #tpu.memory_space<vmem>>, vector<16xf32>,
        %parallel_loop3A_399 = arith.mulf %parallel_loop3A_398, %parallel_loop3A_353 : vector<16xf32>
        %parallel_loop3A_400 = arith.index_cast %parallel_loop3A_348 : i32 to index
        %parallel_loop3A_401 = arith.constant 96 : index
        %parallel_loop3A_402 = tpu.vector_load %arg10[%parallel_loop3A_400, %parallel_loop3A_401] {strides = array<i32>} : memref<64x128xf32, #tpu.memory_space<vmem>>, vector<16xf32>,
        tpu.vector_store %arg10[%parallel_loop3A_400, %parallel_loop3A_401], %parallel_loop3A_399 {strides = array<i32>} : memref<64x128xf32, #tpu.memory_space<vmem>>, vector<16xf32>,
        %parallel_loop3A_403 = arith.index_cast %parallel_loop3A_348 : i32 to index
        %parallel_loop3A_404 = arith.constant 112 : index
        %parallel_loop3A_405 = tpu.vector_load %arg10[%parallel_loop3A_403, %parallel_loop3A_404] {strides = array<i32>} : memref<64x128xf32, #tpu.memory_space<vmem>>, vector<16xf32>,
        %parallel_loop3A_406 = arith.mulf %parallel_loop3A_405, %parallel_loop3A_353 : vector<16xf32>
        %parallel_loop3A_407 = arith.index_cast %parallel_loop3A_348 : i32 to index
        %parallel_loop3A_408 = arith.constant 112 : index
        %parallel_loop3A_409 = tpu.vector_load %arg10[%parallel_loop3A_407, %parallel_loop3A_408] {strides = array<i32>} : memref<64x128xf32, #tpu.memory_space<vmem>>, vector<16xf32>,
        tpu.vector_store %arg10[%parallel_loop3A_407, %parallel_loop3A_408], %parallel_loop3A_406 {strides = array<i32>} : memref<64x128xf32, #tpu.memory_space<vmem>>, vector<16xf32>,
      } {sc.loop_unroll_factor = 4 : i64, sc.parallel_access}
      %get3A = arith.index_cast %add3A_198 : i32 to index
      %get3A_213 = arith.constant 0 : index
      %get3A_214 = tpu.vector_load %arg8[%get3A, %get3A_213] {strides = array<i32>} : memref<79x128xi32, #tpu.memory_space<vmem>>, vector<16xi32>,
      %dma_start3A_215 = arith.constant 0 : i32
      %dma_start3A_216 = arith.constant 0 : i32
      %dma_start3A_217 = tpu.memref_slice %arg10[%dma_start3A_215, %dma_start3A_216] : memref<64x128xf32, #tpu.memory_space<vmem>> -> memref<16x128xf32, #tpu.memory_space<vmem>>
      %dma_start3A_218 = arith.constant 0 : i32
      %dma_start3A_219 = arith.constant 0 : i32
      %dma_start3A_220 = tpu.memref_slice %arg12[%dma_start3A_218, %dma_start3A_219] : memref<10112x128xf32, #tpu.memory_space<vmem_shared>> -> memref<10112x128xf32, #tpu.memory_space<vmem_shared>>
      tpu.enqueue_indirect_dma source(%dma_start3A_217 : memref<16x128xf32, #tpu.memory_space<vmem>>) target(%dma_start3A_220 : memref<10112x128xf32, #tpu.memory_space<vmem_shared>>) offsets(%get3A_214 : vector<16xi32>) semaphore(%arg14 : memref<!tpu.dma_semaphore, #tpu.memory_space<semaphore_mem>>) {add = true}
      %get3A_221 = arith.index_cast %add3A_198 : i32 to index
      %get3A_222 = arith.constant 16 : index
      %get3A_223 = tpu.vector_load %arg8[%get3A_221, %get3A_222] {strides = array<i32>} : memref<79x128xi32, #tpu.memory_space<vmem>>, vector<16xi32>,
      %dma_start3A_224 = arith.constant 16 : i32
      %dma_start3A_225 = arith.constant 0 : i32
      %dma_start3A_226 = tpu.memref_slice %arg10[%dma_start3A_224, %dma_start3A_225] : memref<64x128xf32, #tpu.memory_space<vmem>> -> memref<16x128xf32, #tpu.memory_space<vmem>>
      %dma_start3A_227 = arith.constant 0 : i32
      %dma_start3A_228 = arith.constant 0 : i32
      %dma_start3A_229 = tpu.memref_slice %arg12[%dma_start3A_227, %dma_start3A_228] : memref<10112x128xf32, #tpu.memory_space<vmem_shared>> -> memref<10112x128xf32, #tpu.memory_space<vmem_shared>>
      tpu.enqueue_indirect_dma source(%dma_start3A_226 : memref<16x128xf32, #tpu.memory_space<vmem>>) target(%dma_start3A_229 : memref<10112x128xf32, #tpu.memory_space<vmem_shared>>) offsets(%get3A_223 : vector<16xi32>) semaphore(%arg14 : memref<!tpu.dma_semaphore, #tpu.memory_space<semaphore_mem>>) {add = true}
      %get3A_230 = arith.index_cast %add3A_198 : i32 to index
      %get3A_231 = arith.constant 32 : index
      %get3A_232 = tpu.vector_load %arg8[%get3A_230, %get3A_231] {strides = array<i32>} : memref<79x128xi32, #tpu.memory_space<vmem>>, vector<16xi32>,
      %dma_start3A_233 = arith.constant 32 : i32
      %dma_start3A_234 = arith.constant 0 : i32
      %dma_start3A_235 = tpu.memref_slice %arg10[%dma_start3A_233, %dma_start3A_234] : memref<64x128xf32, #tpu.memory_space<vmem>> -> memref<16x128xf32, #tpu.memory_space<vmem>>
      %dma_start3A_236 = arith.constant 0 : i32
      %dma_start3A_237 = arith.constant 0 : i32
      %dma_start3A_238 = tpu.memref_slice %arg12[%dma_start3A_236, %dma_start3A_237] : memref<10112x128xf32, #tpu.memory_space<vmem_shared>> -> memref<10112x128xf32, #tpu.memory_space<vmem_shared>>
      tpu.enqueue_indirect_dma source(%dma_start3A_235 : memref<16x128xf32, #tpu.memory_space<vmem>>) target(%dma_start3A_238 : memref<10112x128xf32, #tpu.memory_space<vmem_shared>>) offsets(%get3A_232 : vector<16xi32>) semaphore(%arg14 : memref<!tpu.dma_semaphore, #tpu.memory_space<semaphore_mem>>) {add = true}
      %get3A_239 = arith.index_cast %add3A_198 : i32 to index
      %get3A_240 = arith.constant 48 : index
      %get3A_241 = tpu.vector_load %arg8[%get3A_239, %get3A_240] {strides = array<i32>} : memref<79x128xi32, #tpu.memory_space<vmem>>, vector<16xi32>,
      %dma_start3A_242 = arith.constant 48 : i32
      %dma_start3A_243 = arith.constant 0 : i32
      %dma_start3A_244 = tpu.memref_slice %arg10[%dma_start3A_242, %dma_start3A_243] : memref<64x128xf32, #tpu.memory_space<vmem>> -> memref<16x128xf32, #tpu.memory_space<vmem>>
      %dma_start3A_245 = arith.constant 0 : i32
      %dma_start3A_246 = arith.constant 0 : i32
      %dma_start3A_247 = tpu.memref_slice %arg12[%dma_start3A_245, %dma_start3A_246] : memref<10112x128xf32, #tpu.memory_space<vmem_shared>> -> memref<10112x128xf32, #tpu.memory_space<vmem_shared>>
      tpu.enqueue_indirect_dma source(%dma_start3A_244 : memref<16x128xf32, #tpu.memory_space<vmem>>) target(%dma_start3A_247 : memref<10112x128xf32, #tpu.memory_space<vmem_shared>>) offsets(%get3A_241 : vector<16xi32>) semaphore(%arg14 : memref<!tpu.dma_semaphore, #tpu.memory_space<semaphore_mem>>) {add = true}
      %dma_wait3A_248 = arith.constant 64 : i32
      %dma_wait3A_249 = tpu.memref_slice %arg7[%add3A_198, %dma_wait3A_248] : memref<79x128xi32, #tpu.memory_space<vmem>> -> memref<1x64xi32, #tpu.memory_space<vmem>>
      %dma_wait3A_250 = tpu.memref_squeeze %dma_wait3A_249 : memref<1x64xi32, #tpu.memory_space<vmem>> -> memref<64xi32, #tpu.memory_space<vmem>>
      %dma_wait3A_251 = arith.constant 0 : i32
      %dma_wait3A_252 = arith.constant 0 : i32
      %dma_wait3A_253 = tpu.memref_slice %arg2[%dma_wait3A_251, %dma_wait3A_252] : memref<10000x128xf32, #tpu.memory_space<hbm>> -> memref<10000x128xf32, #tpu.memory_space<hbm>>
      tpu.wait_indirect_dma semaphore(%arg13 : memref<!tpu.dma_semaphore, #tpu.memory_space<semaphore_mem>>) src(%dma_wait3A_253 : memref<10000x128xf32, #tpu.memory_space<hbm>>) dst(%arg11 : memref<64x128xf32, #tpu.memory_space<vmem>>)
      %dma_wait3A_254 = arith.constant 0 : i32
      %dma_wait3A_255 = arith.constant 0 : i32
      %dma_wait3A_256 = tpu.memref_slice %arg10[%dma_wait3A_254, %dma_wait3A_255] : memref<64x128xf32, #tpu.memory_space<vmem>> -> memref<16x128xf32, #tpu.memory_space<vmem>>
      %dma_wait3A_257 = arith.constant 0 : i32
      %dma_wait3A_258 = arith.constant 0 : i32
      %dma_wait3A_259 = tpu.memref_slice %arg12[%dma_wait3A_257, %dma_wait3A_258] : memref<10112x128xf32, #tpu.memory_space<vmem_shared>> -> memref<10112x128xf32, #tpu.memory_space<vmem_shared>>
      tpu.wait_indirect_dma semaphore(%arg14 : memref<!tpu.dma_semaphore, #tpu.memory_space<semaphore_mem>>) src(%dma_wait3A_256 : memref<16x128xf32, #tpu.memory_space<vmem>>) dst(%dma_wait3A_259 : memref<10112x128xf32, #tpu.memory_space<vmem_shared>>)
      %dma_wait3A_260 = arith.constant 16 : i32
      %dma_wait3A_261 = arith.constant 0 : i32
      %dma_wait3A_262 = tpu.memref_slice %arg10[%dma_wait3A_260, %dma_wait3A_261] : memref<64x128xf32, #tpu.memory_space<vmem>> -> memref<16x128xf32, #tpu.memory_space<vmem>>
      %dma_wait3A_263 = arith.constant 0 : i32
      %dma_wait3A_264 = arith.constant 0 : i32
      %dma_wait3A_265 = tpu.memref_slice %arg12[%dma_wait3A_263, %dma_wait3A_264] : memref<10112x128xf32, #tpu.memory_space<vmem_shared>> -> memref<10112x128xf32, #tpu.memory_space<vmem_shared>>
      tpu.wait_indirect_dma semaphore(%arg14 : memref<!tpu.dma_semaphore, #tpu.memory_space<semaphore_mem>>) src(%dma_wait3A_262 : memref<16x128xf32, #tpu.memory_space<vmem>>) dst(%dma_wait3A_265 : memref<10112x128xf32, #tpu.memory_space<vmem_shared>>)
      %dma_wait3A_266 = arith.constant 32 : i32
      %dma_wait3A_267 = arith.constant 0 : i32
      %dma_wait3A_268 = tpu.memref_slice %arg10[%dma_wait3A_266, %dma_wait3A_267] : memref<64x128xf32, #tpu.memory_space<vmem>> -> memref<16x128xf32, #tpu.memory_space<vmem>>
      %dma_wait3A_269 = arith.constant 0 : i32
      %dma_wait3A_270 = arith.constant 0 : i32
      %dma_wait3A_271 = tpu.memref_slice %arg12[%dma_wait3A_269, %dma_wait3A_270] : memref<10112x128xf32, #tpu.memory_space<vmem_shared>> -> memref<10112x128xf32, #tpu.memory_space<vmem_shared>>
      tpu.wait_indirect_dma semaphore(%arg14 : memref<!tpu.dma_semaphore, #tpu.memory_space<semaphore_mem>>) src(%dma_wait3A_268 : memref<16x128xf32, #tpu.memory_space<vmem>>) dst(%dma_wait3A_271 : memref<10112x128xf32, #tpu.memory_space<vmem_shared>>)
      %dma_wait3A_272 = arith.constant 48 : i32
      %dma_wait3A_273 = arith.constant 0 : i32
      %dma_wait3A_274 = tpu.memref_slice %arg10[%dma_wait3A_272, %dma_wait3A_273] : memref<64x128xf32, #tpu.memory_space<vmem>> -> memref<16x128xf32, #tpu.memory_space<vmem>>
      %dma_wait3A_275 = arith.constant 0 : i32
      %dma_wait3A_276 = arith.constant 0 : i32
      %dma_wait3A_277 = tpu.memref_slice %arg12[%dma_wait3A_275, %dma_wait3A_276] : memref<10112x128xf32, #tpu.memory_space<vmem_shared>> -> memref<10112x128xf32, #tpu.memory_space<vmem_shared>>
      tpu.wait_indirect_dma semaphore(%arg14 : memref<!tpu.dma_semaphore, #tpu.memory_space<semaphore_mem>>) src(%dma_wait3A_274 : memref<16x128xf32, #tpu.memory_space<vmem>>) dst(%dma_wait3A_277 : memref<10112x128xf32, #tpu.memory_space<vmem_shared>>)
      %add3A_278 = arith.constant 1 : i32
      %add3A_279 = arith.addi %add3A_198, %add3A_278 : i32
      %lt3A_280 = arith.constant 79 : i32
      %lt3A_281 = arith.cmpi slt, %add3A_279, %lt3A_280 : i32
      %convert_element_type3A_282 = arith.extui %lt3A_281 : i1 to i32
      %cond3A_283 = arith.constant 0 : i32
      %cond3A_284 = arith.cmpi ne, %convert_element_type3A_282, %cond3A_283 : i32
      scf.if %cond3A_284 {
        %dma_start3A_348 = arith.constant 0 : i32
        %dma_start3A_349 = tpu.memref_slice %arg7[%add3A_279, %dma_start3A_348] : memref<79x128xi32, #tpu.memory_space<vmem>> -> memref<1x64xi32, #tpu.memory_space<vmem>>
        %dma_start3A_350 = tpu.memref_squeeze %dma_start3A_349 : memref<1x64xi32, #tpu.memory_space<vmem>> -> memref<64xi32, #tpu.memory_space<vmem>>
        %dma_start3A_351 = arith.constant 0 : i32
        %dma_start3A_352 = arith.constant 0 : i32
        %dma_start3A_353 = tpu.memref_slice %arg2[%dma_start3A_351, %dma_start3A_352] : memref<10000x128xf32, #tpu.memory_space<hbm>> -> memref<10000x128xf32, #tpu.memory_space<hbm>>
        tpu.enqueue_indirect_dma source(%dma_start3A_353 : memref<10000x128xf32, #tpu.memory_space<hbm>>) target(%arg10 : memref<64x128xf32, #tpu.memory_space<vmem>>) offsets(%dma_start3A_350 : memref<64xi32, #tpu.memory_space<vmem>>) semaphore(%arg13 : memref<!tpu.dma_semaphore, #tpu.memory_space<semaphore_mem>>)
      } else {
      }
      %parallel_loop3A_285 = arith.constant 0 : i32
      %parallel_loop3A_286 = arith.constant 64 : i32
      %parallel_loop3A_287 = arith.constant 1 : i32
      scf.for %parallel_loop3A_348 = %parallel_loop3A_285 to %parallel_loop3A_286 step %parallel_loop3A_287  : i32 {
        %parallel_loop3A_349 = vector.broadcast %add3A_198 : i32 to vector<16xi32>
        %parallel_loop3A_350 = arith.constant 64 : i32
        %parallel_loop3A_351 = arith.addi %parallel_loop3A_350, %parallel_loop3A_348 : i32
        %parallel_loop3A_352 = vector.broadcast %parallel_loop3A_351 : i32 to vector<16xi32>
        %parallel_loop3A_353 = tpu.vector_load_idx %arg9[%parallel_loop3A_349, %parallel_loop3A_352] : memref<79x128xf32, #tpu.memory_space<vmem>>[vector<16xi32>, vector<16xi32>], vector<16xf32>,
        %parallel_loop3A_354 = arith.index_cast %parallel_loop3A_348 : i32 to index
        %parallel_loop3A_355 = arith.constant 0 : index
        %parallel_loop3A_356 = tpu.vector_load %arg11[%parallel_loop3A_354, %parallel_loop3A_355] {strides = array<i32>} : memref<64x128xf32, #tpu.memory_space<vmem>>, vector<16xf32>,
        %parallel_loop3A_357 = arith.mulf %parallel_loop3A_356, %parallel_loop3A_353 : vector<16xf32>
        %parallel_loop3A_358 = arith.index_cast %parallel_loop3A_348 : i32 to index
        %parallel_loop3A_359 = arith.constant 0 : index
        %parallel_loop3A_360 = tpu.vector_load %arg11[%parallel_loop3A_358, %parallel_loop3A_359] {strides = array<i32>} : memref<64x128xf32, #tpu.memory_space<vmem>>, vector<16xf32>,
        tpu.vector_store %arg11[%parallel_loop3A_358, %parallel_loop3A_359], %parallel_loop3A_357 {strides = array<i32>} : memref<64x128xf32, #tpu.memory_space<vmem>>, vector<16xf32>,
        %parallel_loop3A_361 = arith.index_cast %parallel_loop3A_348 : i32 to index
        %parallel_loop3A_362 = arith.constant 16 : index
        %parallel_loop3A_363 = tpu.vector_load %arg11[%parallel_loop3A_361, %parallel_loop3A_362] {strides = array<i32>} : memref<64x128xf32, #tpu.memory_space<vmem>>, vector<16xf32>,
        %parallel_loop3A_364 = arith.mulf %parallel_loop3A_363, %parallel_loop3A_353 : vector<16xf32>
        %parallel_loop3A_365 = arith.index_cast %parallel_loop3A_348 : i32 to index
        %parallel_loop3A_366 = arith.constant 16 : index
        %parallel_loop3A_367 = tpu.vector_load %arg11[%parallel_loop3A_365, %parallel_loop3A_366] {strides = array<i32>} : memref<64x128xf32, #tpu.memory_space<vmem>>, vector<16xf32>,
        tpu.vector_store %arg11[%parallel_loop3A_365, %parallel_loop3A_366], %parallel_loop3A_364 {strides = array<i32>} : memref<64x128xf32, #tpu.memory_space<vmem>>, vector<16xf32>,
        %parallel_loop3A_368 = arith.index_cast %parallel_loop3A_348 : i32 to index
        %parallel_loop3A_369 = arith.constant 32 : index
        %parallel_loop3A_370 = tpu.vector_load %arg11[%parallel_loop3A_368, %parallel_loop3A_369] {strides = array<i32>} : memref<64x128xf32, #tpu.memory_space<vmem>>, vector<16xf32>,
        %parallel_loop3A_371 = arith.mulf %parallel_loop3A_370, %parallel_loop3A_353 : vector<16xf32>
        %parallel_loop3A_372 = arith.index_cast %parallel_loop3A_348 : i32 to index
        %parallel_loop3A_373 = arith.constant 32 : index
        %parallel_loop3A_374 = tpu.vector_load %arg11[%parallel_loop3A_372, %parallel_loop3A_373] {strides = array<i32>} : memref<64x128xf32, #tpu.memory_space<vmem>>, vector<16xf32>,
        tpu.vector_store %arg11[%parallel_loop3A_372, %parallel_loop3A_373], %parallel_loop3A_371 {strides = array<i32>} : memref<64x128xf32, #tpu.memory_space<vmem>>, vector<16xf32>,
        %parallel_loop3A_375 = arith.index_cast %parallel_loop3A_348 : i32 to index
        %parallel_loop3A_376 = arith.constant 48 : index
        %parallel_loop3A_377 = tpu.vector_load %arg11[%parallel_loop3A_375, %parallel_loop3A_376] {strides = array<i32>} : memref<64x128xf32, #tpu.memory_space<vmem>>, vector<16xf32>,
        %parallel_loop3A_378 = arith.mulf %parallel_loop3A_377, %parallel_loop3A_353 : vector<16xf32>
        %parallel_loop3A_379 = arith.index_cast %parallel_loop3A_348 : i32 to index
        %parallel_loop3A_380 = arith.constant 48 : index
        %parallel_loop3A_381 = tpu.vector_load %arg11[%parallel_loop3A_379, %parallel_loop3A_380] {strides = array<i32>} : memref<64x128xf32, #tpu.memory_space<vmem>>, vector<16xf32>,
        tpu.vector_store %arg11[%parallel_loop3A_379, %parallel_loop3A_380], %parallel_loop3A_378 {strides = array<i32>} : memref<64x128xf32, #tpu.memory_space<vmem>>, vector<16xf32>,
        %parallel_loop3A_382 = arith.index_cast %parallel_loop3A_348 : i32 to index
        %parallel_loop3A_383 = arith.constant 64 : index
        %parallel_loop3A_384 = tpu.vector_load %arg11[%parallel_loop3A_382, %parallel_loop3A_383] {strides = array<i32>} : memref<64x128xf32, #tpu.memory_space<vmem>>, vector<16xf32>,
        %parallel_loop3A_385 = arith.mulf %parallel_loop3A_384, %parallel_loop3A_353 : vector<16xf32>
        %parallel_loop3A_386 = arith.index_cast %parallel_loop3A_348 : i32 to index
        %parallel_loop3A_387 = arith.constant 64 : index
        %parallel_loop3A_388 = tpu.vector_load %arg11[%parallel_loop3A_386, %parallel_loop3A_387] {strides = array<i32>} : memref<64x128xf32, #tpu.memory_space<vmem>>, vector<16xf32>,
        tpu.vector_store %arg11[%parallel_loop3A_386, %parallel_loop3A_387], %parallel_loop3A_385 {strides = array<i32>} : memref<64x128xf32, #tpu.memory_space<vmem>>, vector<16xf32>,
        %parallel_loop3A_389 = arith.index_cast %parallel_loop3A_348 : i32 to index
        %parallel_loop3A_390 = arith.constant 80 : index
        %parallel_loop3A_391 = tpu.vector_load %arg11[%parallel_loop3A_389, %parallel_loop3A_390] {strides = array<i32>} : memref<64x128xf32, #tpu.memory_space<vmem>>, vector<16xf32>,
        %parallel_loop3A_392 = arith.mulf %parallel_loop3A_391, %parallel_loop3A_353 : vector<16xf32>
        %parallel_loop3A_393 = arith.index_cast %parallel_loop3A_348 : i32 to index
        %parallel_loop3A_394 = arith.constant 80 : index
        %parallel_loop3A_395 = tpu.vector_load %arg11[%parallel_loop3A_393, %parallel_loop3A_394] {strides = array<i32>} : memref<64x128xf32, #tpu.memory_space<vmem>>, vector<16xf32>,
        tpu.vector_store %arg11[%parallel_loop3A_393, %parallel_loop3A_394], %parallel_loop3A_392 {strides = array<i32>} : memref<64x128xf32, #tpu.memory_space<vmem>>, vector<16xf32>,
        %parallel_loop3A_396 = arith.index_cast %parallel_loop3A_348 : i32 to index
        %parallel_loop3A_397 = arith.constant 96 : index
        %parallel_loop3A_398 = tpu.vector_load %arg11[%parallel_loop3A_396, %parallel_loop3A_397] {strides = array<i32>} : memref<64x128xf32, #tpu.memory_space<vmem>>, vector<16xf32>,
        %parallel_loop3A_399 = arith.mulf %parallel_loop3A_398, %parallel_loop3A_353 : vector<16xf32>
        %parallel_loop3A_400 = arith.index_cast %parallel_loop3A_348 : i32 to index
        %parallel_loop3A_401 = arith.constant 96 : index
        %parallel_loop3A_402 = tpu.vector_load %arg11[%parallel_loop3A_400, %parallel_loop3A_401] {strides = array<i32>} : memref<64x128xf32, #tpu.memory_space<vmem>>, vector<16xf32>,
        tpu.vector_store %arg11[%parallel_loop3A_400, %parallel_loop3A_401], %parallel_loop3A_399 {strides = array<i32>} : memref<64x128xf32, #tpu.memory_space<vmem>>, vector<16xf32>,
        %parallel_loop3A_403 = arith.index_cast %parallel_loop3A_348 : i32 to index
        %parallel_loop3A_404 = arith.constant 112 : index
        %parallel_loop3A_405 = tpu.vector_load %arg11[%parallel_loop3A_403, %parallel_loop3A_404] {strides = array<i32>} : memref<64x128xf32, #tpu.memory_space<vmem>>, vector<16xf32>,
        %parallel_loop3A_406 = arith.mulf %parallel_loop3A_405, %parallel_loop3A_353 : vector<16xf32>
        %parallel_loop3A_407 = arith.index_cast %parallel_loop3A_348 : i32 to index
        %parallel_loop3A_408 = arith.constant 112 : index
        %parallel_loop3A_409 = tpu.vector_load %arg11[%parallel_loop3A_407, %parallel_loop3A_408] {strides = array<i32>} : memref<64x128xf32, #tpu.memory_space<vmem>>, vector<16xf32>,
        tpu.vector_store %arg11[%parallel_loop3A_407, %parallel_loop3A_408], %parallel_loop3A_406 {strides = array<i32>} : memref<64x128xf32, #tpu.memory_space<vmem>>, vector<16xf32>,
      } {sc.loop_unroll_factor = 4 : i64, sc.parallel_access}
      %get3A_288 = arith.index_cast %add3A_198 : i32 to index
      %get3A_289 = arith.constant 64 : index
      %get3A_290 = tpu.vector_load %arg8[%get3A_288, %get3A_289] {strides = array<i32>} : memref<79x128xi32, #tpu.memory_space<vmem>>, vector<16xi32>,
      %dma_start3A_291 = arith.constant 0 : i32
      %dma_start3A_292 = arith.constant 0 : i32
      %dma_start3A_293 = tpu.memref_slice %arg11[%dma_start3A_291, %dma_start3A_292] : memref<64x128xf32, #tpu.memory_space<vmem>> -> memref<16x128xf32, #tpu.memory_space<vmem>>
      %dma_start3A_294 = arith.constant 0 : i32
      %dma_start3A_295 = arith.constant 0 : i32
      %dma_start3A_296 = tpu.memref_slice %arg12[%dma_start3A_294, %dma_start3A_295] : memref<10112x128xf32, #tpu.memory_space<vmem_shared>> -> memref<10112x128xf32, #tpu.memory_space<vmem_shared>>
      tpu.enqueue_indirect_dma source(%dma_start3A_293 : memref<16x128xf32, #tpu.memory_space<vmem>>) target(%dma_start3A_296 : memref<10112x128xf32, #tpu.memory_space<vmem_shared>>) offsets(%get3A_290 : vector<16xi32>) semaphore(%arg14 : memref<!tpu.dma_semaphore, #tpu.memory_space<semaphore_mem>>) {add = true}
      %get3A_297 = arith.index_cast %add3A_198 : i32 to index
      %get3A_298 = arith.constant 80 : index
      %get3A_299 = tpu.vector_load %arg8[%get3A_297, %get3A_298] {strides = array<i32>} : memref<79x128xi32, #tpu.memory_space<vmem>>, vector<16xi32>,
      %dma_start3A_300 = arith.constant 16 : i32
      %dma_start3A_301 = arith.constant 0 : i32
      %dma_start3A_302 = tpu.memref_slice %arg11[%dma_start3A_300, %dma_start3A_301] : memref<64x128xf32, #tpu.memory_space<vmem>> -> memref<16x128xf32, #tpu.memory_space<vmem>>
      %dma_start3A_303 = arith.constant 0 : i32
      %dma_start3A_304 = arith.constant 0 : i32
      %dma_start3A_305 = tpu.memref_slice %arg12[%dma_start3A_303, %dma_start3A_304] : memref<10112x128xf32, #tpu.memory_space<vmem_shared>> -> memref<10112x128xf32, #tpu.memory_space<vmem_shared>>
      tpu.enqueue_indirect_dma source(%dma_start3A_302 : memref<16x128xf32, #tpu.memory_space<vmem>>) target(%dma_start3A_305 : memref<10112x128xf32, #tpu.memory_space<vmem_shared>>) offsets(%get3A_299 : vector<16xi32>) semaphore(%arg14 : memref<!tpu.dma_semaphore, #tpu.memory_space<semaphore_mem>>) {add = true}
      %get3A_306 = arith.index_cast %add3A_198 : i32 to index
      %get3A_307 = arith.constant 96 : index
      %get3A_308 = tpu.vector_load %arg8[%get3A_306, %get3A_307] {strides = array<i32>} : memref<79x128xi32, #tpu.memory_space<vmem>>, vector<16xi32>,
      %dma_start3A_309 = arith.constant 32 : i32
      %dma_start3A_310 = arith.constant 0 : i32
      %dma_start3A_311 = tpu.memref_slice %arg11[%dma_start3A_309, %dma_start3A_310] : memref<64x128xf32, #tpu.memory_space<vmem>> -> memref<16x128xf32, #tpu.memory_space<vmem>>
      %dma_start3A_312 = arith.constant 0 : i32
      %dma_start3A_313 = arith.constant 0 : i32
      %dma_start3A_314 = tpu.memref_slice %arg12[%dma_start3A_312, %dma_start3A_313] : memref<10112x128xf32, #tpu.memory_space<vmem_shared>> -> memref<10112x128xf32, #tpu.memory_space<vmem_shared>>
      tpu.enqueue_indirect_dma source(%dma_start3A_311 : memref<16x128xf32, #tpu.memory_space<vmem>>) target(%dma_start3A_314 : memref<10112x128xf32, #tpu.memory_space<vmem_shared>>) offsets(%get3A_308 : vector<16xi32>) semaphore(%arg14 : memref<!tpu.dma_semaphore, #tpu.memory_space<semaphore_mem>>) {add = true}
      %get3A_315 = arith.index_cast %add3A_198 : i32 to index
      %get3A_316 = arith.constant 112 : index
      %get3A_317 = tpu.vector_load %arg8[%get3A_315, %get3A_316] {strides = array<i32>} : memref<79x128xi32, #tpu.memory_space<vmem>>, vector<16xi32>,
      %dma_start3A_318 = arith.constant 48 : i32
      %dma_start3A_319 = arith.constant 0 : i32
      %dma_start3A_320 = tpu.memref_slice %arg11[%dma_start3A_318, %dma_start3A_319] : memref<64x128xf32, #tpu.memory_space<vmem>> -> memref<16x128xf32, #tpu.memory_space<vmem>>
      %dma_start3A_321 = arith.constant 0 : i32
      %dma_start3A_322 = arith.constant 0 : i32
      %dma_start3A_323 = tpu.memref_slice %arg12[%dma_start3A_321, %dma_start3A_322] : memref<10112x128xf32, #tpu.memory_space<vmem_shared>> -> memref<10112x128xf32, #tpu.memory_space<vmem_shared>>
      tpu.enqueue_indirect_dma source(%dma_start3A_320 : memref<16x128xf32, #tpu.memory_space<vmem>>) target(%dma_start3A_323 : memref<10112x128xf32, #tpu.memory_space<vmem_shared>>) offsets(%get3A_317 : vector<16xi32>) semaphore(%arg14 : memref<!tpu.dma_semaphore, #tpu.memory_space<semaphore_mem>>) {add = true}
      %dma_wait3A_324 = arith.constant 0 : i32
      %dma_wait3A_325 = arith.constant 0 : i32
      %dma_wait3A_326 = tpu.memref_slice %arg11[%dma_wait3A_324, %dma_wait3A_325] : memref<64x128xf32, #tpu.memory_space<vmem>> -> memref<16x128xf32, #tpu.memory_space<vmem>>
      %dma_wait3A_327 = arith.constant 0 : i32
      %dma_wait3A_328 = arith.constant 0 : i32
      %dma_wait3A_329 = tpu.memref_slice %arg12[%dma_wait3A_327, %dma_wait3A_328] : memref<10112x128xf32, #tpu.memory_space<vmem_shared>> -> memref<10112x128xf32, #tpu.memory_space<vmem_shared>>
      tpu.wait_indirect_dma semaphore(%arg14 : memref<!tpu.dma_semaphore, #tpu.memory_space<semaphore_mem>>) src(%dma_wait3A_326 : memref<16x128xf32, #tpu.memory_space<vmem>>) dst(%dma_wait3A_329 : memref<10112x128xf32, #tpu.memory_space<vmem_shared>>)
      %dma_wait3A_330 = arith.constant 16 : i32
      %dma_wait3A_331 = arith.constant 0 : i32
      %dma_wait3A_332 = tpu.memref_slice %arg11[%dma_wait3A_330, %dma_wait3A_331] : memref<64x128xf32, #tpu.memory_space<vmem>> -> memref<16x128xf32, #tpu.memory_space<vmem>>
      %dma_wait3A_333 = arith.constant 0 : i32
      %dma_wait3A_334 = arith.constant 0 : i32
      %dma_wait3A_335 = tpu.memref_slice %arg12[%dma_wait3A_333, %dma_wait3A_334] : memref<10112x128xf32, #tpu.memory_space<vmem_shared>> -> memref<10112x128xf32, #tpu.memory_space<vmem_shared>>
      tpu.wait_indirect_dma semaphore(%arg14 : memref<!tpu.dma_semaphore, #tpu.memory_space<semaphore_mem>>) src(%dma_wait3A_332 : memref<16x128xf32, #tpu.memory_space<vmem>>) dst(%dma_wait3A_335 : memref<10112x128xf32, #tpu.memory_space<vmem_shared>>)
      %dma_wait3A_336 = arith.constant 32 : i32
      %dma_wait3A_337 = arith.constant 0 : i32
      %dma_wait3A_338 = tpu.memref_slice %arg11[%dma_wait3A_336, %dma_wait3A_337] : memref<64x128xf32, #tpu.memory_space<vmem>> -> memref<16x128xf32, #tpu.memory_space<vmem>>
      %dma_wait3A_339 = arith.constant 0 : i32
      %dma_wait3A_340 = arith.constant 0 : i32
      %dma_wait3A_341 = tpu.memref_slice %arg12[%dma_wait3A_339, %dma_wait3A_340] : memref<10112x128xf32, #tpu.memory_space<vmem_shared>> -> memref<10112x128xf32, #tpu.memory_space<vmem_shared>>
      tpu.wait_indirect_dma semaphore(%arg14 : memref<!tpu.dma_semaphore, #tpu.memory_space<semaphore_mem>>) src(%dma_wait3A_338 : memref<16x128xf32, #tpu.memory_space<vmem>>) dst(%dma_wait3A_341 : memref<10112x128xf32, #tpu.memory_space<vmem_shared>>)
      %dma_wait3A_342 = arith.constant 48 : i32
      %dma_wait3A_343 = arith.constant 0 : i32
      %dma_wait3A_344 = tpu.memref_slice %arg11[%dma_wait3A_342, %dma_wait3A_343] : memref<64x128xf32, #tpu.memory_space<vmem>> -> memref<16x128xf32, #tpu.memory_space<vmem>>
      %dma_wait3A_345 = arith.constant 0 : i32
      %dma_wait3A_346 = arith.constant 0 : i32
      %dma_wait3A_347 = tpu.memref_slice %arg12[%dma_wait3A_345, %dma_wait3A_346] : memref<10112x128xf32, #tpu.memory_space<vmem_shared>> -> memref<10112x128xf32, #tpu.memory_space<vmem_shared>>
      tpu.wait_indirect_dma semaphore(%arg14 : memref<!tpu.dma_semaphore, #tpu.memory_space<semaphore_mem>>) src(%dma_wait3A_344 : memref<16x128xf32, #tpu.memory_space<vmem>>) dst(%dma_wait3A_347 : memref<10112x128xf32, #tpu.memory_space<vmem_shared>>)
    }
    %scan3A_102 = arith.constant 79 : i32
    %barrier3A_103 = arith.constant 0 : index
    tpu.barrier barrier_id(%barrier3A_103)
    %mul3A_104 = arith.constant 10 : i32
    %mul3A_105 = arith.muli %arg1, %mul3A_104 : i32
    %add3A_106 = arith.constant 0 : i32
    %add3A_107 = arith.addi %mul3A_105, %add3A_106 : i32
    %lt3A_108 = arith.constant 158 : i32
    %lt3A_109 = arith.cmpi slt, %add3A_107, %lt3A_108 : i32
    %convert_element_type3A_110 = arith.extui %lt3A_109 : i1 to i32
    %cond3A_111 = arith.constant 0 : i32
    %cond3A_112 = arith.cmpi ne, %convert_element_type3A_110, %cond3A_111 : i32
    scf.if %cond3A_112 {
      %mul3A_194 = arith.constant 64 : i32
      %mul3A_195 = arith.muli %add3A_107, %mul3A_194 : i32
      %mul3A_196 = arith.constant 64 : i32
      %mul3A_197 = arith.muli %add3A_107, %mul3A_196 : i32
      "tpu.region"() ({
        %run_scoped3A = tpu.sem_alloc : memref<!tpu.dma_semaphore, #tpu.memory_space<semaphore_mem>>
        %dma_start3A_198 = arith.constant 0 : i32
        %dma_start3A_199 = tpu.memref_slice %arg6[%arg0, %mul3A_197, %dma_start3A_198] : memref<2x10112x128xf32, #tpu.memory_space<hbm>> -> memref<1x64x128xf32, #tpu.memory_space<hbm>>
        %dma_start3A_200 = tpu.memref_squeeze %dma_start3A_199 : memref<1x64x128xf32, #tpu.memory_space<hbm>> -> memref<64x128xf32, #tpu.memory_space<hbm>>
        %dma_start3A_201 = arith.constant 0 : i32
        %dma_start3A_202 = tpu.memref_slice %arg12[%mul3A_195, %dma_start3A_201] : memref<10112x128xf32, #tpu.memory_space<vmem_shared>> -> memref<64x128xf32, #tpu.memory_space<vmem_shared>>
        tpu.enqueue_dma source(%dma_start3A_202 : memref<64x128xf32, #tpu.memory_space<vmem_shared>>) target(%dma_start3A_200 : memref<64x128xf32, #tpu.memory_space<hbm>>) target_semaphore(%run_scoped3A : memref<!tpu.dma_semaphore, #tpu.memory_space<semaphore_mem>>)
        %dma_wait3A = arith.constant 0 : i32
        %dma_wait3A_203 = tpu.memref_slice %arg6[%arg0, %mul3A_197, %dma_wait3A] : memref<2x10112x128xf32, #tpu.memory_space<hbm>> -> memref<1x64x128xf32, #tpu.memory_space<hbm>>
        %dma_wait3A_204 = tpu.memref_squeeze %dma_wait3A_203 : memref<1x64x128xf32, #tpu.memory_space<hbm>> -> memref<64x128xf32, #tpu.memory_space<hbm>>
        %dma_wait3A_205 = arith.constant 0 : i32
        %dma_wait3A_206 = tpu.memref_slice %arg12[%mul3A_195, %dma_wait3A_205] : memref<10112x128xf32, #tpu.memory_space<vmem_shared>> -> memref<64x128xf32, #tpu.memory_space<vmem_shared>>
        tpu.wait_dma2 semaphore(%run_scoped3A : memref<!tpu.dma_semaphore, #tpu.memory_space<semaphore_mem>>) src(%dma_wait3A_206 : memref<64x128xf32, #tpu.memory_space<vmem_shared>>) dst(%dma_wait3A_204 : memref<64x128xf32, #tpu.memory_space<hbm>>)
        tpu.yield
      }) : () -> ()
    } else {
    }
    %mul3A_113 = arith.constant 10 : i32
    %mul3A_114 = arith.muli %arg1, %mul3A_113 : i32
    %add3A_115 = arith.constant 1 : i32
    %add3A_116 = arith.addi %mul3A_114, %add3A_115 : i32
    %lt3A_117 = arith.constant 158 : i32
    %lt3A_118 = arith.cmpi slt, %add3A_116, %lt3A_117 : i32
    %convert_element_type3A_119 = arith.extui %lt3A_118 : i1 to i32
    %cond3A_120 = arith.constant 0 : i32
    %cond3A_121 = arith.cmpi ne, %convert_element_type3A_119, %cond3A_120 : i32
    scf.if %cond3A_121 {
      %mul3A_194 = arith.constant 64 : i32
      %mul3A_195 = arith.muli %add3A_116, %mul3A_194 : i32
      %mul3A_196 = arith.constant 64 : i32
      %mul3A_197 = arith.muli %add3A_116, %mul3A_196 : i32
      "tpu.region"() ({
        %run_scoped3A = tpu.sem_alloc : memref<!tpu.dma_semaphore, #tpu.memory_space<semaphore_mem>>
        %dma_start3A_198 = arith.constant 0 : i32
        %dma_start3A_199 = tpu.memref_slice %arg6[%arg0, %mul3A_197, %dma_start3A_198] : memref<2x10112x128xf32, #tpu.memory_space<hbm>> -> memref<1x64x128xf32, #tpu.memory_space<hbm>>
        %dma_start3A_200 = tpu.memref_squeeze %dma_start3A_199 : memref<1x64x128xf32, #tpu.memory_space<hbm>> -> memref<64x128xf32, #tpu.memory_space<hbm>>
        %dma_start3A_201 = arith.constant 0 : i32
        %dma_start3A_202 = tpu.memref_slice %arg12[%mul3A_195, %dma_start3A_201] : memref<10112x128xf32, #tpu.memory_space<vmem_shared>> -> memref<64x128xf32, #tpu.memory_space<vmem_shared>>
        tpu.enqueue_dma source(%dma_start3A_202 : memref<64x128xf32, #tpu.memory_space<vmem_shared>>) target(%dma_start3A_200 : memref<64x128xf32, #tpu.memory_space<hbm>>) target_semaphore(%run_scoped3A : memref<!tpu.dma_semaphore, #tpu.memory_space<semaphore_mem>>)
        %dma_wait3A = arith.constant 0 : i32
        %dma_wait3A_203 = tpu.memref_slice %arg6[%arg0, %mul3A_197, %dma_wait3A] : memref<2x10112x128xf32, #tpu.memory_space<hbm>> -> memref<1x64x128xf32, #tpu.memory_space<hbm>>
        %dma_wait3A_204 = tpu.memref_squeeze %dma_wait3A_203 : memref<1x64x128xf32, #tpu.memory_space<hbm>> -> memref<64x128xf32, #tpu.memory_space<hbm>>
        %dma_wait3A_205 = arith.constant 0 : i32
        %dma_wait3A_206 = tpu.memref_slice %arg12[%mul3A_195, %dma_wait3A_205] : memref<10112x128xf32, #tpu.memory_space<vmem_shared>> -> memref<64x128xf32, #tpu.memory_space<vmem_shared>>
        tpu.wait_dma2 semaphore(%run_scoped3A : memref<!tpu.dma_semaphore, #tpu.memory_space<semaphore_mem>>) src(%dma_wait3A_206 : memref<64x128xf32, #tpu.memory_space<vmem_shared>>) dst(%dma_wait3A_204 : memref<64x128xf32, #tpu.memory_space<hbm>>)
        tpu.yield
      }) : () -> ()
    } else {
    }
    %mul3A_122 = arith.constant 10 : i32
    %mul3A_123 = arith.muli %arg1, %mul3A_122 : i32
    %add3A_124 = arith.constant 2 : i32
    %add3A_125 = arith.addi %mul3A_123, %add3A_124 : i32
    %lt3A_126 = arith.constant 158 : i32
    %lt3A_127 = arith.cmpi slt, %add3A_125, %lt3A_126 : i32
    %convert_element_type3A_128 = arith.extui %lt3A_127 : i1 to i32
    %cond3A_129 = arith.constant 0 : i32
    %cond3A_130 = arith.cmpi ne, %convert_element_type3A_128, %cond3A_129 : i32
    scf.if %cond3A_130 {
      %mul3A_194 = arith.constant 64 : i32
      %mul3A_195 = arith.muli %add3A_125, %mul3A_194 : i32
      %mul3A_196 = arith.constant 64 : i32
      %mul3A_197 = arith.muli %add3A_125, %mul3A_196 : i32
      "tpu.region"() ({
        %run_scoped3A = tpu.sem_alloc : memref<!tpu.dma_semaphore, #tpu.memory_space<semaphore_mem>>
        %dma_start3A_198 = arith.constant 0 : i32
        %dma_start3A_199 = tpu.memref_slice %arg6[%arg0, %mul3A_197, %dma_start3A_198] : memref<2x10112x128xf32, #tpu.memory_space<hbm>> -> memref<1x64x128xf32, #tpu.memory_space<hbm>>
        %dma_start3A_200 = tpu.memref_squeeze %dma_start3A_199 : memref<1x64x128xf32, #tpu.memory_space<hbm>> -> memref<64x128xf32, #tpu.memory_space<hbm>>
        %dma_start3A_201 = arith.constant 0 : i32
        %dma_start3A_202 = tpu.memref_slice %arg12[%mul3A_195, %dma_start3A_201] : memref<10112x128xf32, #tpu.memory_space<vmem_shared>> -> memref<64x128xf32, #tpu.memory_space<vmem_shared>>
        tpu.enqueue_dma source(%dma_start3A_202 : memref<64x128xf32, #tpu.memory_space<vmem_shared>>) target(%dma_start3A_200 : memref<64x128xf32, #tpu.memory_space<hbm>>) target_semaphore(%run_scoped3A : memref<!tpu.dma_semaphore, #tpu.memory_space<semaphore_mem>>)
        %dma_wait3A = arith.constant 0 : i32
        %dma_wait3A_203 = tpu.memref_slice %arg6[%arg0, %mul3A_197, %dma_wait3A] : memref<2x10112x128xf32, #tpu.memory_space<hbm>> -> memref<1x64x128xf32, #tpu.memory_space<hbm>>
        %dma_wait3A_204 = tpu.memref_squeeze %dma_wait3A_203 : memref<1x64x128xf32, #tpu.memory_space<hbm>> -> memref<64x128xf32, #tpu.memory_space<hbm>>
        %dma_wait3A_205 = arith.constant 0 : i32
        %dma_wait3A_206 = tpu.memref_slice %arg12[%mul3A_195, %dma_wait3A_205] : memref<10112x128xf32, #tpu.memory_space<vmem_shared>> -> memref<64x128xf32, #tpu.memory_space<vmem_shared>>
        tpu.wait_dma2 semaphore(%run_scoped3A : memref<!tpu.dma_semaphore, #tpu.memory_space<semaphore_mem>>) src(%dma_wait3A_206 : memref<64x128xf32, #tpu.memory_space<vmem_shared>>) dst(%dma_wait3A_204 : memref<64x128xf32, #tpu.memory_space<hbm>>)
        tpu.yield
      }) : () -> ()
    } else {
    }
    %mul3A_131 = arith.constant 10 : i32
    %mul3A_132 = arith.muli %arg1, %mul3A_131 : i32
    %add3A_133 = arith.constant 3 : i32
    %add3A_134 = arith.addi %mul3A_132, %add3A_133 : i32
    %lt3A_135 = arith.constant 158 : i32
    %lt3A_136 = arith.cmpi slt, %add3A_134, %lt3A_135 : i32
    %convert_element_type3A_137 = arith.extui %lt3A_136 : i1 to i32
    %cond3A_138 = arith.constant 0 : i32
    %cond3A_139 = arith.cmpi ne, %convert_element_type3A_137, %cond3A_138 : i32
    scf.if %cond3A_139 {
      %mul3A_194 = arith.constant 64 : i32
      %mul3A_195 = arith.muli %add3A_134, %mul3A_194 : i32
      %mul3A_196 = arith.constant 64 : i32
      %mul3A_197 = arith.muli %add3A_134, %mul3A_196 : i32
      "tpu.region"() ({
        %run_scoped3A = tpu.sem_alloc : memref<!tpu.dma_semaphore, #tpu.memory_space<semaphore_mem>>
        %dma_start3A_198 = arith.constant 0 : i32
        %dma_start3A_199 = tpu.memref_slice %arg6[%arg0, %mul3A_197, %dma_start3A_198] : memref<2x10112x128xf32, #tpu.memory_space<hbm>> -> memref<1x64x128xf32, #tpu.memory_space<hbm>>
        %dma_start3A_200 = tpu.memref_squeeze %dma_start3A_199 : memref<1x64x128xf32, #tpu.memory_space<hbm>> -> memref<64x128xf32, #tpu.memory_space<hbm>>
        %dma_start3A_201 = arith.constant 0 : i32
        %dma_start3A_202 = tpu.memref_slice %arg12[%mul3A_195, %dma_start3A_201] : memref<10112x128xf32, #tpu.memory_space<vmem_shared>> -> memref<64x128xf32, #tpu.memory_space<vmem_shared>>
        tpu.enqueue_dma source(%dma_start3A_202 : memref<64x128xf32, #tpu.memory_space<vmem_shared>>) target(%dma_start3A_200 : memref<64x128xf32, #tpu.memory_space<hbm>>) target_semaphore(%run_scoped3A : memref<!tpu.dma_semaphore, #tpu.memory_space<semaphore_mem>>)
        %dma_wait3A = arith.constant 0 : i32
        %dma_wait3A_203 = tpu.memref_slice %arg6[%arg0, %mul3A_197, %dma_wait3A] : memref<2x10112x128xf32, #tpu.memory_space<hbm>> -> memref<1x64x128xf32, #tpu.memory_space<hbm>>
        %dma_wait3A_204 = tpu.memref_squeeze %dma_wait3A_203 : memref<1x64x128xf32, #tpu.memory_space<hbm>> -> memref<64x128xf32, #tpu.memory_space<hbm>>
        %dma_wait3A_205 = arith.constant 0 : i32
        %dma_wait3A_206 = tpu.memref_slice %arg12[%mul3A_195, %dma_wait3A_205] : memref<10112x128xf32, #tpu.memory_space<vmem_shared>> -> memref<64x128xf32, #tpu.memory_space<vmem_shared>>
        tpu.wait_dma2 semaphore(%run_scoped3A : memref<!tpu.dma_semaphore, #tpu.memory_space<semaphore_mem>>) src(%dma_wait3A_206 : memref<64x128xf32, #tpu.memory_space<vmem_shared>>) dst(%dma_wait3A_204 : memref<64x128xf32, #tpu.memory_space<hbm>>)
        tpu.yield
      }) : () -> ()
    } else {
    }
    %mul3A_140 = arith.constant 10 : i32
    %mul3A_141 = arith.muli %arg1, %mul3A_140 : i32
    %add3A_142 = arith.constant 4 : i32
    %add3A_143 = arith.addi %mul3A_141, %add3A_142 : i32
    %lt3A_144 = arith.constant 158 : i32
    %lt3A_145 = arith.cmpi slt, %add3A_143, %lt3A_144 : i32
    %convert_element_type3A_146 = arith.extui %lt3A_145 : i1 to i32
    %cond3A_147 = arith.constant 0 : i32
    %cond3A_148 = arith.cmpi ne, %convert_element_type3A_146, %cond3A_147 : i32
    scf.if %cond3A_148 {
      %mul3A_194 = arith.constant 64 : i32
      %mul3A_195 = arith.muli %add3A_143, %mul3A_194 : i32
      %mul3A_196 = arith.constant 64 : i32
      %mul3A_197 = arith.muli %add3A_143, %mul3A_196 : i32
      "tpu.region"() ({
        %run_scoped3A = tpu.sem_alloc : memref<!tpu.dma_semaphore, #tpu.memory_space<semaphore_mem>>
        %dma_start3A_198 = arith.constant 0 : i32
        %dma_start3A_199 = tpu.memref_slice %arg6[%arg0, %mul3A_197, %dma_start3A_198] : memref<2x10112x128xf32, #tpu.memory_space<hbm>> -> memref<1x64x128xf32, #tpu.memory_space<hbm>>
        %dma_start3A_200 = tpu.memref_squeeze %dma_start3A_199 : memref<1x64x128xf32, #tpu.memory_space<hbm>> -> memref<64x128xf32, #tpu.memory_space<hbm>>
        %dma_start3A_201 = arith.constant 0 : i32
        %dma_start3A_202 = tpu.memref_slice %arg12[%mul3A_195, %dma_start3A_201] : memref<10112x128xf32, #tpu.memory_space<vmem_shared>> -> memref<64x128xf32, #tpu.memory_space<vmem_shared>>
        tpu.enqueue_dma source(%dma_start3A_202 : memref<64x128xf32, #tpu.memory_space<vmem_shared>>) target(%dma_start3A_200 : memref<64x128xf32, #tpu.memory_space<hbm>>) target_semaphore(%run_scoped3A : memref<!tpu.dma_semaphore, #tpu.memory_space<semaphore_mem>>)
        %dma_wait3A = arith.constant 0 : i32
        %dma_wait3A_203 = tpu.memref_slice %arg6[%arg0, %mul3A_197, %dma_wait3A] : memref<2x10112x128xf32, #tpu.memory_space<hbm>> -> memref<1x64x128xf32, #tpu.memory_space<hbm>>
        %dma_wait3A_204 = tpu.memref_squeeze %dma_wait3A_203 : memref<1x64x128xf32, #tpu.memory_space<hbm>> -> memref<64x128xf32, #tpu.memory_space<hbm>>
        %dma_wait3A_205 = arith.constant 0 : i32
        %dma_wait3A_206 = tpu.memref_slice %arg12[%mul3A_195, %dma_wait3A_205] : memref<10112x128xf32, #tpu.memory_space<vmem_shared>> -> memref<64x128xf32, #tpu.memory_space<vmem_shared>>
        tpu.wait_dma2 semaphore(%run_scoped3A : memref<!tpu.dma_semaphore, #tpu.memory_space<semaphore_mem>>) src(%dma_wait3A_206 : memref<64x128xf32, #tpu.memory_space<vmem_shared>>) dst(%dma_wait3A_204 : memref<64x128xf32, #tpu.memory_space<hbm>>)
        tpu.yield
      }) : () -> ()
    } else {
    }
    %mul3A_149 = arith.constant 10 : i32
    %mul3A_150 = arith.muli %arg1, %mul3A_149 : i32
    %add3A_151 = arith.constant 5 : i32
    %add3A_152 = arith.addi %mul3A_150, %add3A_151 : i32
    %lt3A_153 = arith.constant 158 : i32
    %lt3A_154 = arith.cmpi slt, %add3A_152, %lt3A_153 : i32
    %convert_element_type3A_155 = arith.extui %lt3A_154 : i1 to i32
    %cond3A_156 = arith.constant 0 : i32
    %cond3A_157 = arith.cmpi ne, %convert_element_type3A_155, %cond3A_156 : i32
    scf.if %cond3A_157 {
      %mul3A_194 = arith.constant 64 : i32
      %mul3A_195 = arith.muli %add3A_152, %mul3A_194 : i32
      %mul3A_196 = arith.constant 64 : i32
      %mul3A_197 = arith.muli %add3A_152, %mul3A_196 : i32
      "tpu.region"() ({
        %run_scoped3A = tpu.sem_alloc : memref<!tpu.dma_semaphore, #tpu.memory_space<semaphore_mem>>
        %dma_start3A_198 = arith.constant 0 : i32
        %dma_start3A_199 = tpu.memref_slice %arg6[%arg0, %mul3A_197, %dma_start3A_198] : memref<2x10112x128xf32, #tpu.memory_space<hbm>> -> memref<1x64x128xf32, #tpu.memory_space<hbm>>
        %dma_start3A_200 = tpu.memref_squeeze %dma_start3A_199 : memref<1x64x128xf32, #tpu.memory_space<hbm>> -> memref<64x128xf32, #tpu.memory_space<hbm>>
        %dma_start3A_201 = arith.constant 0 : i32
        %dma_start3A_202 = tpu.memref_slice %arg12[%mul3A_195, %dma_start3A_201] : memref<10112x128xf32, #tpu.memory_space<vmem_shared>> -> memref<64x128xf32, #tpu.memory_space<vmem_shared>>
        tpu.enqueue_dma source(%dma_start3A_202 : memref<64x128xf32, #tpu.memory_space<vmem_shared>>) target(%dma_start3A_200 : memref<64x128xf32, #tpu.memory_space<hbm>>) target_semaphore(%run_scoped3A : memref<!tpu.dma_semaphore, #tpu.memory_space<semaphore_mem>>)
        %dma_wait3A = arith.constant 0 : i32
        %dma_wait3A_203 = tpu.memref_slice %arg6[%arg0, %mul3A_197, %dma_wait3A] : memref<2x10112x128xf32, #tpu.memory_space<hbm>> -> memref<1x64x128xf32, #tpu.memory_space<hbm>>
        %dma_wait3A_204 = tpu.memref_squeeze %dma_wait3A_203 : memref<1x64x128xf32, #tpu.memory_space<hbm>> -> memref<64x128xf32, #tpu.memory_space<hbm>>
        %dma_wait3A_205 = arith.constant 0 : i32
        %dma_wait3A_206 = tpu.memref_slice %arg12[%mul3A_195, %dma_wait3A_205] : memref<10112x128xf32, #tpu.memory_space<vmem_shared>> -> memref<64x128xf32, #tpu.memory_space<vmem_shared>>
        tpu.wait_dma2 semaphore(%run_scoped3A : memref<!tpu.dma_semaphore, #tpu.memory_space<semaphore_mem>>) src(%dma_wait3A_206 : memref<64x128xf32, #tpu.memory_space<vmem_shared>>) dst(%dma_wait3A_204 : memref<64x128xf32, #tpu.memory_space<hbm>>)
        tpu.yield
      }) : () -> ()
    } else {
    }
    %mul3A_158 = arith.constant 10 : i32
    %mul3A_159 = arith.muli %arg1, %mul3A_158 : i32
    %add3A_160 = arith.constant 6 : i32
    %add3A_161 = arith.addi %mul3A_159, %add3A_160 : i32
    %lt3A_162 = arith.constant 158 : i32
    %lt3A_163 = arith.cmpi slt, %add3A_161, %lt3A_162 : i32
    %convert_element_type3A_164 = arith.extui %lt3A_163 : i1 to i32
    %cond3A_165 = arith.constant 0 : i32
    %cond3A_166 = arith.cmpi ne, %convert_element_type3A_164, %cond3A_165 : i32
    scf.if %cond3A_166 {
      %mul3A_194 = arith.constant 64 : i32
      %mul3A_195 = arith.muli %add3A_161, %mul3A_194 : i32
      %mul3A_196 = arith.constant 64 : i32
      %mul3A_197 = arith.muli %add3A_161, %mul3A_196 : i32
      "tpu.region"() ({
        %run_scoped3A = tpu.sem_alloc : memref<!tpu.dma_semaphore, #tpu.memory_space<semaphore_mem>>
        %dma_start3A_198 = arith.constant 0 : i32
        %dma_start3A_199 = tpu.memref_slice %arg6[%arg0, %mul3A_197, %dma_start3A_198] : memref<2x10112x128xf32, #tpu.memory_space<hbm>> -> memref<1x64x128xf32, #tpu.memory_space<hbm>>
        %dma_start3A_200 = tpu.memref_squeeze %dma_start3A_199 : memref<1x64x128xf32, #tpu.memory_space<hbm>> -> memref<64x128xf32, #tpu.memory_space<hbm>>
        %dma_start3A_201 = arith.constant 0 : i32
        %dma_start3A_202 = tpu.memref_slice %arg12[%mul3A_195, %dma_start3A_201] : memref<10112x128xf32, #tpu.memory_space<vmem_shared>> -> memref<64x128xf32, #tpu.memory_space<vmem_shared>>
        tpu.enqueue_dma source(%dma_start3A_202 : memref<64x128xf32, #tpu.memory_space<vmem_shared>>) target(%dma_start3A_200 : memref<64x128xf32, #tpu.memory_space<hbm>>) target_semaphore(%run_scoped3A : memref<!tpu.dma_semaphore, #tpu.memory_space<semaphore_mem>>)
        %dma_wait3A = arith.constant 0 : i32
        %dma_wait3A_203 = tpu.memref_slice %arg6[%arg0, %mul3A_197, %dma_wait3A] : memref<2x10112x128xf32, #tpu.memory_space<hbm>> -> memref<1x64x128xf32, #tpu.memory_space<hbm>>
        %dma_wait3A_204 = tpu.memref_squeeze %dma_wait3A_203 : memref<1x64x128xf32, #tpu.memory_space<hbm>> -> memref<64x128xf32, #tpu.memory_space<hbm>>
        %dma_wait3A_205 = arith.constant 0 : i32
        %dma_wait3A_206 = tpu.memref_slice %arg12[%mul3A_195, %dma_wait3A_205] : memref<10112x128xf32, #tpu.memory_space<vmem_shared>> -> memref<64x128xf32, #tpu.memory_space<vmem_shared>>
        tpu.wait_dma2 semaphore(%run_scoped3A : memref<!tpu.dma_semaphore, #tpu.memory_space<semaphore_mem>>) src(%dma_wait3A_206 : memref<64x128xf32, #tpu.memory_space<vmem_shared>>) dst(%dma_wait3A_204 : memref<64x128xf32, #tpu.memory_space<hbm>>)
        tpu.yield
      }) : () -> ()
    } else {
    }
    %mul3A_167 = arith.constant 10 : i32
    %mul3A_168 = arith.muli %arg1, %mul3A_167 : i32
    %add3A_169 = arith.constant 7 : i32
    %add3A_170 = arith.addi %mul3A_168, %add3A_169 : i32
    %lt3A_171 = arith.constant 158 : i32
    %lt3A_172 = arith.cmpi slt, %add3A_170, %lt3A_171 : i32
    %convert_element_type3A_173 = arith.extui %lt3A_172 : i1 to i32
    %cond3A_174 = arith.constant 0 : i32
    %cond3A_175 = arith.cmpi ne, %convert_element_type3A_173, %cond3A_174 : i32
    scf.if %cond3A_175 {
      %mul3A_194 = arith.constant 64 : i32
      %mul3A_195 = arith.muli %add3A_170, %mul3A_194 : i32
      %mul3A_196 = arith.constant 64 : i32
      %mul3A_197 = arith.muli %add3A_170, %mul3A_196 : i32
      "tpu.region"() ({
        %run_scoped3A = tpu.sem_alloc : memref<!tpu.dma_semaphore, #tpu.memory_space<semaphore_mem>>
        %dma_start3A_198 = arith.constant 0 : i32
        %dma_start3A_199 = tpu.memref_slice %arg6[%arg0, %mul3A_197, %dma_start3A_198] : memref<2x10112x128xf32, #tpu.memory_space<hbm>> -> memref<1x64x128xf32, #tpu.memory_space<hbm>>
        %dma_start3A_200 = tpu.memref_squeeze %dma_start3A_199 : memref<1x64x128xf32, #tpu.memory_space<hbm>> -> memref<64x128xf32, #tpu.memory_space<hbm>>
        %dma_start3A_201 = arith.constant 0 : i32
        %dma_start3A_202 = tpu.memref_slice %arg12[%mul3A_195, %dma_start3A_201] : memref<10112x128xf32, #tpu.memory_space<vmem_shared>> -> memref<64x128xf32, #tpu.memory_space<vmem_shared>>
        tpu.enqueue_dma source(%dma_start3A_202 : memref<64x128xf32, #tpu.memory_space<vmem_shared>>) target(%dma_start3A_200 : memref<64x128xf32, #tpu.memory_space<hbm>>) target_semaphore(%run_scoped3A : memref<!tpu.dma_semaphore, #tpu.memory_space<semaphore_mem>>)
        %dma_wait3A = arith.constant 0 : i32
        %dma_wait3A_203 = tpu.memref_slice %arg6[%arg0, %mul3A_197, %dma_wait3A] : memref<2x10112x128xf32, #tpu.memory_space<hbm>> -> memref<1x64x128xf32, #tpu.memory_space<hbm>>
        %dma_wait3A_204 = tpu.memref_squeeze %dma_wait3A_203 : memref<1x64x128xf32, #tpu.memory_space<hbm>> -> memref<64x128xf32, #tpu.memory_space<hbm>>
        %dma_wait3A_205 = arith.constant 0 : i32
        %dma_wait3A_206 = tpu.memref_slice %arg12[%mul3A_195, %dma_wait3A_205] : memref<10112x128xf32, #tpu.memory_space<vmem_shared>> -> memref<64x128xf32, #tpu.memory_space<vmem_shared>>
        tpu.wait_dma2 semaphore(%run_scoped3A : memref<!tpu.dma_semaphore, #tpu.memory_space<semaphore_mem>>) src(%dma_wait3A_206 : memref<64x128xf32, #tpu.memory_space<vmem_shared>>) dst(%dma_wait3A_204 : memref<64x128xf32, #tpu.memory_space<hbm>>)
        tpu.yield
      }) : () -> ()
    } else {
    }
    %mul3A_176 = arith.constant 10 : i32
    %mul3A_177 = arith.muli %arg1, %mul3A_176 : i32
    %add3A_178 = arith.constant 8 : i32
    %add3A_179 = arith.addi %mul3A_177, %add3A_178 : i32
    %lt3A_180 = arith.constant 158 : i32
    %lt3A_181 = arith.cmpi slt, %add3A_179, %lt3A_180 : i32
    %convert_element_type3A_182 = arith.extui %lt3A_181 : i1 to i32
    %cond3A_183 = arith.constant 0 : i32
    %cond3A_184 = arith.cmpi ne, %convert_element_type3A_182, %cond3A_183 : i32
    scf.if %cond3A_184 {
      %mul3A_194 = arith.constant 64 : i32
      %mul3A_195 = arith.muli %add3A_179, %mul3A_194 : i32
      %mul3A_196 = arith.constant 64 : i32
      %mul3A_197 = arith.muli %add3A_179, %mul3A_196 : i32
      "tpu.region"() ({
        %run_scoped3A = tpu.sem_alloc : memref<!tpu.dma_semaphore, #tpu.memory_space<semaphore_mem>>
        %dma_start3A_198 = arith.constant 0 : i32
        %dma_start3A_199 = tpu.memref_slice %arg6[%arg0, %mul3A_197, %dma_start3A_198] : memref<2x10112x128xf32, #tpu.memory_space<hbm>> -> memref<1x64x128xf32, #tpu.memory_space<hbm>>
        %dma_start3A_200 = tpu.memref_squeeze %dma_start3A_199 : memref<1x64x128xf32, #tpu.memory_space<hbm>> -> memref<64x128xf32, #tpu.memory_space<hbm>>
        %dma_start3A_201 = arith.constant 0 : i32
        %dma_start3A_202 = tpu.memref_slice %arg12[%mul3A_195, %dma_start3A_201] : memref<10112x128xf32, #tpu.memory_space<vmem_shared>> -> memref<64x128xf32, #tpu.memory_space<vmem_shared>>
        tpu.enqueue_dma source(%dma_start3A_202 : memref<64x128xf32, #tpu.memory_space<vmem_shared>>) target(%dma_start3A_200 : memref<64x128xf32, #tpu.memory_space<hbm>>) target_semaphore(%run_scoped3A : memref<!tpu.dma_semaphore, #tpu.memory_space<semaphore_mem>>)
        %dma_wait3A = arith.constant 0 : i32
        %dma_wait3A_203 = tpu.memref_slice %arg6[%arg0, %mul3A_197, %dma_wait3A] : memref<2x10112x128xf32, #tpu.memory_space<hbm>> -> memref<1x64x128xf32, #tpu.memory_space<hbm>>
        %dma_wait3A_204 = tpu.memref_squeeze %dma_wait3A_203 : memref<1x64x128xf32, #tpu.memory_space<hbm>> -> memref<64x128xf32, #tpu.memory_space<hbm>>
        %dma_wait3A_205 = arith.constant 0 : i32
        %dma_wait3A_206 = tpu.memref_slice %arg12[%mul3A_195, %dma_wait3A_205] : memref<10112x128xf32, #tpu.memory_space<vmem_shared>> -> memref<64x128xf32, #tpu.memory_space<vmem_shared>>
        tpu.wait_dma2 semaphore(%run_scoped3A : memref<!tpu.dma_semaphore, #tpu.memory_space<semaphore_mem>>) src(%dma_wait3A_206 : memref<64x128xf32, #tpu.memory_space<vmem_shared>>) dst(%dma_wait3A_204 : memref<64x128xf32, #tpu.memory_space<hbm>>)
        tpu.yield
      }) : () -> ()
    } else {
    }
    %mul3A_185 = arith.constant 10 : i32
    %mul3A_186 = arith.muli %arg1, %mul3A_185 : i32
    %add3A_187 = arith.constant 9 : i32
    %add3A_188 = arith.addi %mul3A_186, %add3A_187 : i32
    %lt3A_189 = arith.constant 158 : i32
    %lt3A_190 = arith.cmpi slt, %add3A_188, %lt3A_189 : i32
    %convert_element_type3A_191 = arith.extui %lt3A_190 : i1 to i32
    %cond3A_192 = arith.constant 0 : i32
    %cond3A_193 = arith.cmpi ne, %convert_element_type3A_191, %cond3A_192 : i32
    scf.if %cond3A_193 {
      %mul3A_194 = arith.constant 64 : i32
      %mul3A_195 = arith.muli %add3A_188, %mul3A_194 : i32
      %mul3A_196 = arith.constant 64 : i32
      %mul3A_197 = arith.muli %add3A_188, %mul3A_196 : i32
      "tpu.region"() ({
        %run_scoped3A = tpu.sem_alloc : memref<!tpu.dma_semaphore, #tpu.memory_space<semaphore_mem>>
        %dma_start3A_198 = arith.constant 0 : i32
        %dma_start3A_199 = tpu.memref_slice %arg6[%arg0, %mul3A_197, %dma_start3A_198] : memref<2x10112x128xf32, #tpu.memory_space<hbm>> -> memref<1x64x128xf32, #tpu.memory_space<hbm>>
        %dma_start3A_200 = tpu.memref_squeeze %dma_start3A_199 : memref<1x64x128xf32, #tpu.memory_space<hbm>> -> memref<64x128xf32, #tpu.memory_space<hbm>>
        %dma_start3A_201 = arith.constant 0 : i32
        %dma_start3A_202 = tpu.memref_slice %arg12[%mul3A_195, %dma_start3A_201] : memref<10112x128xf32, #tpu.memory_space<vmem_shared>> -> memref<64x128xf32, #tpu.memory_space<vmem_shared>>
        tpu.enqueue_dma source(%dma_start3A_202 : memref<64x128xf32, #tpu.memory_space<vmem_shared>>) target(%dma_start3A_200 : memref<64x128xf32, #tpu.memory_space<hbm>>) target_semaphore(%run_scoped3A : memref<!tpu.dma_semaphore, #tpu.memory_space<semaphore_mem>>)
        %dma_wait3A = arith.constant 0 : i32
        %dma_wait3A_203 = tpu.memref_slice %arg6[%arg0, %mul3A_197, %dma_wait3A] : memref<2x10112x128xf32, #tpu.memory_space<hbm>> -> memref<1x64x128xf32, #tpu.memory_space<hbm>>
        %dma_wait3A_204 = tpu.memref_squeeze %dma_wait3A_203 : memref<1x64x128xf32, #tpu.memory_space<hbm>> -> memref<64x128xf32, #tpu.memory_space<hbm>>
        %dma_wait3A_205 = arith.constant 0 : i32
        %dma_wait3A_206 = tpu.memref_slice %arg12[%mul3A_195, %dma_wait3A_205] : memref<10112x128xf32, #tpu.memory_space<vmem_shared>> -> memref<64x128xf32, #tpu.memory_space<vmem_shared>>
        tpu.wait_dma2 semaphore(%run_scoped3A : memref<!tpu.dma_semaphore, #tpu.memory_space<semaphore_mem>>) src(%dma_wait3A_206 : memref<64x128xf32, #tpu.memory_space<vmem_shared>>) dst(%dma_wait3A_204 : memref<64x128xf32, #tpu.memory_space<hbm>>)
        tpu.yield
      }) : () -> ()
    } else {
    }
    return
  }
}

#map = affine_map<(d0, d1) -> (0, 0)>
#map1 = affine_map<(d0, d1) -> (0, 0, 0)>
module attributes {stable_mosaic.version = 14 : i64} {
  func.func @spmm_kernel(%arg0: i32, %arg1: i32, %arg2: memref<10000x128xf32, #tpu.memory_space<hbm>>, %arg3: memref<32x79x128xi32, #tpu.memory_space<hbm>>, %arg4: memref<32x79x128xi32, #tpu.memory_space<hbm>>, %arg5: memref<32x79x128xf32, #tpu.memory_space<hbm>>, %arg6: memref<2x10112x128xf32, #tpu.memory_space<hbm>>, %arg7: memref<79x128xi32, #tpu.memory_space<vmem>>, %arg8: memref<79x128xi32, #tpu.memory_space<vmem>>, %arg9: memref<79x128xf32, #tpu.memory_space<vmem>>, %arg10: memref<64x128xf32, #tpu.memory_space<vmem>>, %arg11: memref<64x128xf32, #tpu.memory_space<vmem>>, %arg12: memref<10112x128xf32, #tpu.memory_space<vmem_shared>>, %arg13: memref<!tpu.dma_semaphore, #tpu.memory_space<semaphore_mem>>, %arg14: memref<!tpu.dma_semaphore, #tpu.memory_space<semaphore_mem>>) attributes {dimension_semantics = [#tpu.dimension_semantics<core_parallel>, #tpu.dimension_semantics<subcore_parallel>], iteration_bounds = array<i64: 2, 16>, scalar_prefetch = 0 : i64, scratch_operands = 8 : i64, tpu.core_type = #tpu.core_type<sc_vector_subcore>, window_params = [{transform_indices = #map}, {transform_indices = #map1}, {transform_indices = #map1}, {transform_indices = #map1}, {transform_indices = #map1}]} {
    %mul3A = arith.constant 16 : i32
    %mul3A_0 = arith.muli %arg0, %mul3A : i32
    %add3A = arith.addi %mul3A_0, %arg1 : i32
    %scan3A = arith.constant 0 : i32
    %scan3A_1 = arith.constant 64 : i32
    %scan3A_2 = arith.addi %scan3A, %scan3A_1 : i32
    %scan3A_3 = arith.constant 1 : i32
    scf.for %scan3A_194 = %scan3A to %scan3A_2 step %scan3A_3  : i32 {
      %mul3A_195 = arith.constant 1 : i32
      %mul3A_196 = arith.muli %scan3A_194, %mul3A_195 : i32
      %add3A_197 = arith.constant 0 : i32
      %add3A_198 = arith.addi %add3A_197, %mul3A_196 : i32
      %broadcast_in_dim3A = arith.constant 0.000000e+00 : f32
      %broadcast_in_dim3A_199 = vector.broadcast %broadcast_in_dim3A : f32 to vector<16xf32>
      %swap3A = arith.index_cast %add3A_198 : i32 to index
      %swap3A_200 = arith.constant 0 : index
      %swap3A_201 = tpu.vector_load %arg10[%swap3A, %swap3A_200] {strides = array<i32>} : memref<64x128xf32, #tpu.memory_space<vmem>>, vector<16xf32>,
      tpu.vector_store %arg10[%swap3A, %swap3A_200], %broadcast_in_dim3A_199 {strides = array<i32>} : memref<64x128xf32, #tpu.memory_space<vmem>>, vector<16xf32>,
      %broadcast_in_dim3A_202 = arith.constant 0.000000e+00 : f32
      %broadcast_in_dim3A_203 = vector.broadcast %broadcast_in_dim3A_202 : f32 to vector<16xf32>
      %swap3A_204 = arith.index_cast %add3A_198 : i32 to index
      %swap3A_205 = arith.constant 16 : index
      %swap3A_206 = tpu.vector_load %arg10[%swap3A_204, %swap3A_205] {strides = array<i32>} : memref<64x128xf32, #tpu.memory_space<vmem>>, vector<16xf32>,
      tpu.vector_store %arg10[%swap3A_204, %swap3A_205], %broadcast_in_dim3A_203 {strides = array<i32>} : memref<64x128xf32, #tpu.memory_space<vmem>>, vector<16xf32>,
      %broadcast_in_dim3A_207 = arith.constant 0.000000e+00 : f32
      %broadcast_in_dim3A_208 = vector.broadcast %broadcast_in_dim3A_207 : f32 to vector<16xf32>
      %swap3A_209 = arith.index_cast %add3A_198 : i32 to index
      %swap3A_210 = arith.constant 32 : index
      %swap3A_211 = tpu.vector_load %arg10[%swap3A_209, %swap3A_210] {strides = array<i32>} : memref<64x128xf32, #tpu.memory_space<vmem>>, vector<16xf32>,
      tpu.vector_store %arg10[%swap3A_209, %swap3A_210], %broadcast_in_dim3A_208 {strides = array<i32>} : memref<64x128xf32, #tpu.memory_space<vmem>>, vector<16xf32>,
      %broadcast_in_dim3A_212 = arith.constant 0.000000e+00 : f32
      %broadcast_in_dim3A_213 = vector.broadcast %broadcast_in_dim3A_212 : f32 to vector<16xf32>
      %swap3A_214 = arith.index_cast %add3A_198 : i32 to index
      %swap3A_215 = arith.constant 48 : index
      %swap3A_216 = tpu.vector_load %arg10[%swap3A_214, %swap3A_215] {strides = array<i32>} : memref<64x128xf32, #tpu.memory_space<vmem>>, vector<16xf32>,
      tpu.vector_store %arg10[%swap3A_214, %swap3A_215], %broadcast_in_dim3A_213 {strides = array<i32>} : memref<64x128xf32, #tpu.memory_space<vmem>>, vector<16xf32>,
      %broadcast_in_dim3A_217 = arith.constant 0.000000e+00 : f32
      %broadcast_in_dim3A_218 = vector.broadcast %broadcast_in_dim3A_217 : f32 to vector<16xf32>
      %swap3A_219 = arith.index_cast %add3A_198 : i32 to index
      %swap3A_220 = arith.constant 64 : index
      %swap3A_221 = tpu.vector_load %arg10[%swap3A_219, %swap3A_220] {strides = array<i32>} : memref<64x128xf32, #tpu.memory_space<vmem>>, vector<16xf32>,
      tpu.vector_store %arg10[%swap3A_219, %swap3A_220], %broadcast_in_dim3A_218 {strides = array<i32>} : memref<64x128xf32, #tpu.memory_space<vmem>>, vector<16xf32>,
      %broadcast_in_dim3A_222 = arith.constant 0.000000e+00 : f32
      %broadcast_in_dim3A_223 = vector.broadcast %broadcast_in_dim3A_222 : f32 to vector<16xf32>
      %swap3A_224 = arith.index_cast %add3A_198 : i32 to index
      %swap3A_225 = arith.constant 80 : index
      %swap3A_226 = tpu.vector_load %arg10[%swap3A_224, %swap3A_225] {strides = array<i32>} : memref<64x128xf32, #tpu.memory_space<vmem>>, vector<16xf32>,
      tpu.vector_store %arg10[%swap3A_224, %swap3A_225], %broadcast_in_dim3A_223 {strides = array<i32>} : memref<64x128xf32, #tpu.memory_space<vmem>>, vector<16xf32>,
      %broadcast_in_dim3A_227 = arith.constant 0.000000e+00 : f32
      %broadcast_in_dim3A_228 = vector.broadcast %broadcast_in_dim3A_227 : f32 to vector<16xf32>
      %swap3A_229 = arith.index_cast %add3A_198 : i32 to index
      %swap3A_230 = arith.constant 96 : index
      %swap3A_231 = tpu.vector_load %arg10[%swap3A_229, %swap3A_230] {strides = array<i32>} : memref<64x128xf32, #tpu.memory_space<vmem>>, vector<16xf32>,
      tpu.vector_store %arg10[%swap3A_229, %swap3A_230], %broadcast_in_dim3A_228 {strides = array<i32>} : memref<64x128xf32, #tpu.memory_space<vmem>>, vector<16xf32>,
      %broadcast_in_dim3A_232 = arith.constant 0.000000e+00 : f32
      %broadcast_in_dim3A_233 = vector.broadcast %broadcast_in_dim3A_232 : f32 to vector<16xf32>
      %swap3A_234 = arith.index_cast %add3A_198 : i32 to index
      %swap3A_235 = arith.constant 112 : index
      %swap3A_236 = tpu.vector_load %arg10[%swap3A_234, %swap3A_235] {strides = array<i32>} : memref<64x128xf32, #tpu.memory_space<vmem>>, vector<16xf32>,
      tpu.vector_store %arg10[%swap3A_234, %swap3A_235], %broadcast_in_dim3A_233 {strides = array<i32>} : memref<64x128xf32, #tpu.memory_space<vmem>>, vector<16xf32>,
    }
    %scan3A_4 = arith.constant 64 : i32
    %mul3A_5 = arith.constant 10 : i32
    %mul3A_6 = arith.muli %arg1, %mul3A_5 : i32
    %add3A_7 = arith.constant 0 : i32
    %add3A_8 = arith.addi %mul3A_6, %add3A_7 : i32
    %lt3A = arith.constant 158 : i32
    %lt3A_9 = arith.cmpi slt, %add3A_8, %lt3A : i32
    %convert_element_type3A = arith.extui %lt3A_9 : i1 to i32
    %cond3A = arith.constant 0 : i32
    %cond3A_10 = arith.cmpi ne, %convert_element_type3A, %cond3A : i32
    scf.if %cond3A_10 {
      %mul3A_194 = arith.constant 64 : i32
      %mul3A_195 = arith.muli %add3A_8, %mul3A_194 : i32
      "tpu.region"() ({
        %run_scoped3A = tpu.sem_alloc : memref<!tpu.dma_semaphore, #tpu.memory_space<semaphore_mem>>
        %dma_start3A_196 = arith.constant 0 : i32
        %dma_start3A_197 = tpu.memref_slice %arg12[%mul3A_195, %dma_start3A_196] : memref<10112x128xf32, #tpu.memory_space<vmem_shared>> -> memref<64x128xf32, #tpu.memory_space<vmem_shared>>
        %dma_start3A_198 = arith.constant 0 : i32
        %dma_start3A_199 = tpu.memref_slice %arg12[%mul3A_195, %dma_start3A_198] : memref<10112x128xf32, #tpu.memory_space<vmem_shared>> -> memref<64x128xf32, #tpu.memory_space<vmem_shared>>
        tpu.enqueue_dma source(%arg10 : memref<64x128xf32, #tpu.memory_space<vmem>>) target(%dma_start3A_199 : memref<64x128xf32, #tpu.memory_space<vmem_shared>>) target_semaphore(%run_scoped3A : memref<!tpu.dma_semaphore, #tpu.memory_space<semaphore_mem>>)
        %dma_wait3A = arith.constant 0 : i32
        %dma_wait3A_200 = tpu.memref_slice %arg12[%mul3A_195, %dma_wait3A] : memref<10112x128xf32, #tpu.memory_space<vmem_shared>> -> memref<64x128xf32, #tpu.memory_space<vmem_shared>>
        %dma_wait3A_201 = arith.constant 0 : i32
        %dma_wait3A_202 = tpu.memref_slice %arg12[%mul3A_195, %dma_wait3A_201] : memref<10112x128xf32, #tpu.memory_space<vmem_shared>> -> memref<64x128xf32, #tpu.memory_space<vmem_shared>>
        tpu.wait_dma2 semaphore(%run_scoped3A : memref<!tpu.dma_semaphore, #tpu.memory_space<semaphore_mem>>) src(%arg10 : memref<64x128xf32, #tpu.memory_space<vmem>>) dst(%dma_wait3A_202 : memref<64x128xf32, #tpu.memory_space<vmem_shared>>)
        tpu.yield
      }) : () -> ()
    } else {
    }
    %mul3A_11 = arith.constant 10 : i32
    %mul3A_12 = arith.muli %arg1, %mul3A_11 : i32
    %add3A_13 = arith.constant 1 : i32
    %add3A_14 = arith.addi %mul3A_12, %add3A_13 : i32
    %lt3A_15 = arith.constant 158 : i32
    %lt3A_16 = arith.cmpi slt, %add3A_14, %lt3A_15 : i32
    %convert_element_type3A_17 = arith.extui %lt3A_16 : i1 to i32
    %cond3A_18 = arith.constant 0 : i32
    %cond3A_19 = arith.cmpi ne, %convert_element_type3A_17, %cond3A_18 : i32
    scf.if %cond3A_19 {
      %mul3A_194 = arith.constant 64 : i32
      %mul3A_195 = arith.muli %add3A_14, %mul3A_194 : i32
      "tpu.region"() ({
        %run_scoped3A = tpu.sem_alloc : memref<!tpu.dma_semaphore, #tpu.memory_space<semaphore_mem>>
        %dma_start3A_196 = arith.constant 0 : i32
        %dma_start3A_197 = tpu.memref_slice %arg12[%mul3A_195, %dma_start3A_196] : memref<10112x128xf32, #tpu.memory_space<vmem_shared>> -> memref<64x128xf32, #tpu.memory_space<vmem_shared>>
        %dma_start3A_198 = arith.constant 0 : i32
        %dma_start3A_199 = tpu.memref_slice %arg12[%mul3A_195, %dma_start3A_198] : memref<10112x128xf32, #tpu.memory_space<vmem_shared>> -> memref<64x128xf32, #tpu.memory_space<vmem_shared>>
        tpu.enqueue_dma source(%arg10 : memref<64x128xf32, #tpu.memory_space<vmem>>) target(%dma_start3A_199 : memref<64x128xf32, #tpu.memory_space<vmem_shared>>) target_semaphore(%run_scoped3A : memref<!tpu.dma_semaphore, #tpu.memory_space<semaphore_mem>>)
        %dma_wait3A = arith.constant 0 : i32
        %dma_wait3A_200 = tpu.memref_slice %arg12[%mul3A_195, %dma_wait3A] : memref<10112x128xf32, #tpu.memory_space<vmem_shared>> -> memref<64x128xf32, #tpu.memory_space<vmem_shared>>
        %dma_wait3A_201 = arith.constant 0 : i32
        %dma_wait3A_202 = tpu.memref_slice %arg12[%mul3A_195, %dma_wait3A_201] : memref<10112x128xf32, #tpu.memory_space<vmem_shared>> -> memref<64x128xf32, #tpu.memory_space<vmem_shared>>
        tpu.wait_dma2 semaphore(%run_scoped3A : memref<!tpu.dma_semaphore, #tpu.memory_space<semaphore_mem>>) src(%arg10 : memref<64x128xf32, #tpu.memory_space<vmem>>) dst(%dma_wait3A_202 : memref<64x128xf32, #tpu.memory_space<vmem_shared>>)
        tpu.yield
      }) : () -> ()
    } else {
    }
    %mul3A_20 = arith.constant 10 : i32
    %mul3A_21 = arith.muli %arg1, %mul3A_20 : i32
    %add3A_22 = arith.constant 2 : i32
    %add3A_23 = arith.addi %mul3A_21, %add3A_22 : i32
    %lt3A_24 = arith.constant 158 : i32
    %lt3A_25 = arith.cmpi slt, %add3A_23, %lt3A_24 : i32
    %convert_element_type3A_26 = arith.extui %lt3A_25 : i1 to i32
    %cond3A_27 = arith.constant 0 : i32
    %cond3A_28 = arith.cmpi ne, %convert_element_type3A_26, %cond3A_27 : i32
    scf.if %cond3A_28 {
      %mul3A_194 = arith.constant 64 : i32
      %mul3A_195 = arith.muli %add3A_23, %mul3A_194 : i32
      "tpu.region"() ({
        %run_scoped3A = tpu.sem_alloc : memref<!tpu.dma_semaphore, #tpu.memory_space<semaphore_mem>>
        %dma_start3A_196 = arith.constant 0 : i32
        %dma_start3A_197 = tpu.memref_slice %arg12[%mul3A_195, %dma_start3A_196] : memref<10112x128xf32, #tpu.memory_space<vmem_shared>> -> memref<64x128xf32, #tpu.memory_space<vmem_shared>>
        %dma_start3A_198 = arith.constant 0 : i32
        %dma_start3A_199 = tpu.memref_slice %arg12[%mul3A_195, %dma_start3A_198] : memref<10112x128xf32, #tpu.memory_space<vmem_shared>> -> memref<64x128xf32, #tpu.memory_space<vmem_shared>>
        tpu.enqueue_dma source(%arg10 : memref<64x128xf32, #tpu.memory_space<vmem>>) target(%dma_start3A_199 : memref<64x128xf32, #tpu.memory_space<vmem_shared>>) target_semaphore(%run_scoped3A : memref<!tpu.dma_semaphore, #tpu.memory_space<semaphore_mem>>)
        %dma_wait3A = arith.constant 0 : i32
        %dma_wait3A_200 = tpu.memref_slice %arg12[%mul3A_195, %dma_wait3A] : memref<10112x128xf32, #tpu.memory_space<vmem_shared>> -> memref<64x128xf32, #tpu.memory_space<vmem_shared>>
        %dma_wait3A_201 = arith.constant 0 : i32
        %dma_wait3A_202 = tpu.memref_slice %arg12[%mul3A_195, %dma_wait3A_201] : memref<10112x128xf32, #tpu.memory_space<vmem_shared>> -> memref<64x128xf32, #tpu.memory_space<vmem_shared>>
        tpu.wait_dma2 semaphore(%run_scoped3A : memref<!tpu.dma_semaphore, #tpu.memory_space<semaphore_mem>>) src(%arg10 : memref<64x128xf32, #tpu.memory_space<vmem>>) dst(%dma_wait3A_202 : memref<64x128xf32, #tpu.memory_space<vmem_shared>>)
        tpu.yield
      }) : () -> ()
    } else {
    }
    %mul3A_29 = arith.constant 10 : i32
    %mul3A_30 = arith.muli %arg1, %mul3A_29 : i32
    %add3A_31 = arith.constant 3 : i32
    %add3A_32 = arith.addi %mul3A_30, %add3A_31 : i32
    %lt3A_33 = arith.constant 158 : i32
    %lt3A_34 = arith.cmpi slt, %add3A_32, %lt3A_33 : i32
    %convert_element_type3A_35 = arith.extui %lt3A_34 : i1 to i32
    %cond3A_36 = arith.constant 0 : i32
    %cond3A_37 = arith.cmpi ne, %convert_element_type3A_35, %cond3A_36 : i32
    scf.if %cond3A_37 {
      %mul3A_194 = arith.constant 64 : i32
      %mul3A_195 = arith.muli %add3A_32, %mul3A_194 : i32
      "tpu.region"() ({
        %run_scoped3A = tpu.sem_alloc : memref<!tpu.dma_semaphore, #tpu.memory_space<semaphore_mem>>
        %dma_start3A_196 = arith.constant 0 : i32
        %dma_start3A_197 = tpu.memref_slice %arg12[%mul3A_195, %dma_start3A_196] : memref<10112x128xf32, #tpu.memory_space<vmem_shared>> -> memref<64x128xf32, #tpu.memory_space<vmem_shared>>
        %dma_start3A_198 = arith.constant 0 : i32
        %dma_start3A_199 = tpu.memref_slice %arg12[%mul3A_195, %dma_start3A_198] : memref<10112x128xf32, #tpu.memory_space<vmem_shared>> -> memref<64x128xf32, #tpu.memory_space<vmem_shared>>
        tpu.enqueue_dma source(%arg10 : memref<64x128xf32, #tpu.memory_space<vmem>>) target(%dma_start3A_199 : memref<64x128xf32, #tpu.memory_space<vmem_shared>>) target_semaphore(%run_scoped3A : memref<!tpu.dma_semaphore, #tpu.memory_space<semaphore_mem>>)
        %dma_wait3A = arith.constant 0 : i32
        %dma_wait3A_200 = tpu.memref_slice %arg12[%mul3A_195, %dma_wait3A] : memref<10112x128xf32, #tpu.memory_space<vmem_shared>> -> memref<64x128xf32, #tpu.memory_space<vmem_shared>>
        %dma_wait3A_201 = arith.constant 0 : i32
        %dma_wait3A_202 = tpu.memref_slice %arg12[%mul3A_195, %dma_wait3A_201] : memref<10112x128xf32, #tpu.memory_space<vmem_shared>> -> memref<64x128xf32, #tpu.memory_space<vmem_shared>>
        tpu.wait_dma2 semaphore(%run_scoped3A : memref<!tpu.dma_semaphore, #tpu.memory_space<semaphore_mem>>) src(%arg10 : memref<64x128xf32, #tpu.memory_space<vmem>>) dst(%dma_wait3A_202 : memref<64x128xf32, #tpu.memory_space<vmem_shared>>)
        tpu.yield
      }) : () -> ()
    } else {
    }
    %mul3A_38 = arith.constant 10 : i32
    %mul3A_39 = arith.muli %arg1, %mul3A_38 : i32
    %add3A_40 = arith.constant 4 : i32
    %add3A_41 = arith.addi %mul3A_39, %add3A_40 : i32
    %lt3A_42 = arith.constant 158 : i32
    %lt3A_43 = arith.cmpi slt, %add3A_41, %lt3A_42 : i32
    %convert_element_type3A_44 = arith.extui %lt3A_43 : i1 to i32
    %cond3A_45 = arith.constant 0 : i32
    %cond3A_46 = arith.cmpi ne, %convert_element_type3A_44, %cond3A_45 : i32
    scf.if %cond3A_46 {
      %mul3A_194 = arith.constant 64 : i32
      %mul3A_195 = arith.muli %add3A_41, %mul3A_194 : i32
      "tpu.region"() ({
        %run_scoped3A = tpu.sem_alloc : memref<!tpu.dma_semaphore, #tpu.memory_space<semaphore_mem>>
        %dma_start3A_196 = arith.constant 0 : i32
        %dma_start3A_197 = tpu.memref_slice %arg12[%mul3A_195, %dma_start3A_196] : memref<10112x128xf32, #tpu.memory_space<vmem_shared>> -> memref<64x128xf32, #tpu.memory_space<vmem_shared>>
        %dma_start3A_198 = arith.constant 0 : i32
        %dma_start3A_199 = tpu.memref_slice %arg12[%mul3A_195, %dma_start3A_198] : memref<10112x128xf32, #tpu.memory_space<vmem_shared>> -> memref<64x128xf32, #tpu.memory_space<vmem_shared>>
        tpu.enqueue_dma source(%arg10 : memref<64x128xf32, #tpu.memory_space<vmem>>) target(%dma_start3A_199 : memref<64x128xf32, #tpu.memory_space<vmem_shared>>) target_semaphore(%run_scoped3A : memref<!tpu.dma_semaphore, #tpu.memory_space<semaphore_mem>>)
        %dma_wait3A = arith.constant 0 : i32
        %dma_wait3A_200 = tpu.memref_slice %arg12[%mul3A_195, %dma_wait3A] : memref<10112x128xf32, #tpu.memory_space<vmem_shared>> -> memref<64x128xf32, #tpu.memory_space<vmem_shared>>
        %dma_wait3A_201 = arith.constant 0 : i32
        %dma_wait3A_202 = tpu.memref_slice %arg12[%mul3A_195, %dma_wait3A_201] : memref<10112x128xf32, #tpu.memory_space<vmem_shared>> -> memref<64x128xf32, #tpu.memory_space<vmem_shared>>
        tpu.wait_dma2 semaphore(%run_scoped3A : memref<!tpu.dma_semaphore, #tpu.memory_space<semaphore_mem>>) src(%arg10 : memref<64x128xf32, #tpu.memory_space<vmem>>) dst(%dma_wait3A_202 : memref<64x128xf32, #tpu.memory_space<vmem_shared>>)
        tpu.yield
      }) : () -> ()
    } else {
    }
    %mul3A_47 = arith.constant 10 : i32
    %mul3A_48 = arith.muli %arg1, %mul3A_47 : i32
    %add3A_49 = arith.constant 5 : i32
    %add3A_50 = arith.addi %mul3A_48, %add3A_49 : i32
    %lt3A_51 = arith.constant 158 : i32
    %lt3A_52 = arith.cmpi slt, %add3A_50, %lt3A_51 : i32
    %convert_element_type3A_53 = arith.extui %lt3A_52 : i1 to i32
    %cond3A_54 = arith.constant 0 : i32
    %cond3A_55 = arith.cmpi ne, %convert_element_type3A_53, %cond3A_54 : i32
    scf.if %cond3A_55 {
      %mul3A_194 = arith.constant 64 : i32
      %mul3A_195 = arith.muli %add3A_50, %mul3A_194 : i32
      "tpu.region"() ({
        %run_scoped3A = tpu.sem_alloc : memref<!tpu.dma_semaphore, #tpu.memory_space<semaphore_mem>>
        %dma_start3A_196 = arith.constant 0 : i32
        %dma_start3A_197 = tpu.memref_slice %arg12[%mul3A_195, %dma_start3A_196] : memref<10112x128xf32, #tpu.memory_space<vmem_shared>> -> memref<64x128xf32, #tpu.memory_space<vmem_shared>>
        %dma_start3A_198 = arith.constant 0 : i32
        %dma_start3A_199 = tpu.memref_slice %arg12[%mul3A_195, %dma_start3A_198] : memref<10112x128xf32, #tpu.memory_space<vmem_shared>> -> memref<64x128xf32, #tpu.memory_space<vmem_shared>>
        tpu.enqueue_dma source(%arg10 : memref<64x128xf32, #tpu.memory_space<vmem>>) target(%dma_start3A_199 : memref<64x128xf32, #tpu.memory_space<vmem_shared>>) target_semaphore(%run_scoped3A : memref<!tpu.dma_semaphore, #tpu.memory_space<semaphore_mem>>)
        %dma_wait3A = arith.constant 0 : i32
        %dma_wait3A_200 = tpu.memref_slice %arg12[%mul3A_195, %dma_wait3A] : memref<10112x128xf32, #tpu.memory_space<vmem_shared>> -> memref<64x128xf32, #tpu.memory_space<vmem_shared>>
        %dma_wait3A_201 = arith.constant 0 : i32
        %dma_wait3A_202 = tpu.memref_slice %arg12[%mul3A_195, %dma_wait3A_201] : memref<10112x128xf32, #tpu.memory_space<vmem_shared>> -> memref<64x128xf32, #tpu.memory_space<vmem_shared>>
        tpu.wait_dma2 semaphore(%run_scoped3A : memref<!tpu.dma_semaphore, #tpu.memory_space<semaphore_mem>>) src(%arg10 : memref<64x128xf32, #tpu.memory_space<vmem>>) dst(%dma_wait3A_202 : memref<64x128xf32, #tpu.memory_space<vmem_shared>>)
        tpu.yield
      }) : () -> ()
    } else {
    }
    %mul3A_56 = arith.constant 10 : i32
    %mul3A_57 = arith.muli %arg1, %mul3A_56 : i32
    %add3A_58 = arith.constant 6 : i32
    %add3A_59 = arith.addi %mul3A_57, %add3A_58 : i32
    %lt3A_60 = arith.constant 158 : i32
    %lt3A_61 = arith.cmpi slt, %add3A_59, %lt3A_60 : i32
    %convert_element_type3A_62 = arith.extui %lt3A_61 : i1 to i32
    %cond3A_63 = arith.constant 0 : i32
    %cond3A_64 = arith.cmpi ne, %convert_element_type3A_62, %cond3A_63 : i32
    scf.if %cond3A_64 {
      %mul3A_194 = arith.constant 64 : i32
      %mul3A_195 = arith.muli %add3A_59, %mul3A_194 : i32
      "tpu.region"() ({
        %run_scoped3A = tpu.sem_alloc : memref<!tpu.dma_semaphore, #tpu.memory_space<semaphore_mem>>
        %dma_start3A_196 = arith.constant 0 : i32
        %dma_start3A_197 = tpu.memref_slice %arg12[%mul3A_195, %dma_start3A_196] : memref<10112x128xf32, #tpu.memory_space<vmem_shared>> -> memref<64x128xf32, #tpu.memory_space<vmem_shared>>
        %dma_start3A_198 = arith.constant 0 : i32
        %dma_start3A_199 = tpu.memref_slice %arg12[%mul3A_195, %dma_start3A_198] : memref<10112x128xf32, #tpu.memory_space<vmem_shared>> -> memref<64x128xf32, #tpu.memory_space<vmem_shared>>
        tpu.enqueue_dma source(%arg10 : memref<64x128xf32, #tpu.memory_space<vmem>>) target(%dma_start3A_199 : memref<64x128xf32, #tpu.memory_space<vmem_shared>>) target_semaphore(%run_scoped3A : memref<!tpu.dma_semaphore, #tpu.memory_space<semaphore_mem>>)
        %dma_wait3A = arith.constant 0 : i32
        %dma_wait3A_200 = tpu.memref_slice %arg12[%mul3A_195, %dma_wait3A] : memref<10112x128xf32, #tpu.memory_space<vmem_shared>> -> memref<64x128xf32, #tpu.memory_space<vmem_shared>>
        %dma_wait3A_201 = arith.constant 0 : i32
        %dma_wait3A_202 = tpu.memref_slice %arg12[%mul3A_195, %dma_wait3A_201] : memref<10112x128xf32, #tpu.memory_space<vmem_shared>> -> memref<64x128xf32, #tpu.memory_space<vmem_shared>>
        tpu.wait_dma2 semaphore(%run_scoped3A : memref<!tpu.dma_semaphore, #tpu.memory_space<semaphore_mem>>) src(%arg10 : memref<64x128xf32, #tpu.memory_space<vmem>>) dst(%dma_wait3A_202 : memref<64x128xf32, #tpu.memory_space<vmem_shared>>)
        tpu.yield
      }) : () -> ()
    } else {
    }
    %mul3A_65 = arith.constant 10 : i32
    %mul3A_66 = arith.muli %arg1, %mul3A_65 : i32
    %add3A_67 = arith.constant 7 : i32
    %add3A_68 = arith.addi %mul3A_66, %add3A_67 : i32
    %lt3A_69 = arith.constant 158 : i32
    %lt3A_70 = arith.cmpi slt, %add3A_68, %lt3A_69 : i32
    %convert_element_type3A_71 = arith.extui %lt3A_70 : i1 to i32
    %cond3A_72 = arith.constant 0 : i32
    %cond3A_73 = arith.cmpi ne, %convert_element_type3A_71, %cond3A_72 : i32
    scf.if %cond3A_73 {
      %mul3A_194 = arith.constant 64 : i32
      %mul3A_195 = arith.muli %add3A_68, %mul3A_194 : i32
      "tpu.region"() ({
        %run_scoped3A = tpu.sem_alloc : memref<!tpu.dma_semaphore, #tpu.memory_space<semaphore_mem>>
        %dma_start3A_196 = arith.constant 0 : i32
        %dma_start3A_197 = tpu.memref_slice %arg12[%mul3A_195, %dma_start3A_196] : memref<10112x128xf32, #tpu.memory_space<vmem_shared>> -> memref<64x128xf32, #tpu.memory_space<vmem_shared>>
        %dma_start3A_198 = arith.constant 0 : i32
        %dma_start3A_199 = tpu.memref_slice %arg12[%mul3A_195, %dma_start3A_198] : memref<10112x128xf32, #tpu.memory_space<vmem_shared>> -> memref<64x128xf32, #tpu.memory_space<vmem_shared>>
        tpu.enqueue_dma source(%arg10 : memref<64x128xf32, #tpu.memory_space<vmem>>) target(%dma_start3A_199 : memref<64x128xf32, #tpu.memory_space<vmem_shared>>) target_semaphore(%run_scoped3A : memref<!tpu.dma_semaphore, #tpu.memory_space<semaphore_mem>>)
        %dma_wait3A = arith.constant 0 : i32
        %dma_wait3A_200 = tpu.memref_slice %arg12[%mul3A_195, %dma_wait3A] : memref<10112x128xf32, #tpu.memory_space<vmem_shared>> -> memref<64x128xf32, #tpu.memory_space<vmem_shared>>
        %dma_wait3A_201 = arith.constant 0 : i32
        %dma_wait3A_202 = tpu.memref_slice %arg12[%mul3A_195, %dma_wait3A_201] : memref<10112x128xf32, #tpu.memory_space<vmem_shared>> -> memref<64x128xf32, #tpu.memory_space<vmem_shared>>
        tpu.wait_dma2 semaphore(%run_scoped3A : memref<!tpu.dma_semaphore, #tpu.memory_space<semaphore_mem>>) src(%arg10 : memref<64x128xf32, #tpu.memory_space<vmem>>) dst(%dma_wait3A_202 : memref<64x128xf32, #tpu.memory_space<vmem_shared>>)
        tpu.yield
      }) : () -> ()
    } else {
    }
    %mul3A_74 = arith.constant 10 : i32
    %mul3A_75 = arith.muli %arg1, %mul3A_74 : i32
    %add3A_76 = arith.constant 8 : i32
    %add3A_77 = arith.addi %mul3A_75, %add3A_76 : i32
    %lt3A_78 = arith.constant 158 : i32
    %lt3A_79 = arith.cmpi slt, %add3A_77, %lt3A_78 : i32
    %convert_element_type3A_80 = arith.extui %lt3A_79 : i1 to i32
    %cond3A_81 = arith.constant 0 : i32
    %cond3A_82 = arith.cmpi ne, %convert_element_type3A_80, %cond3A_81 : i32
    scf.if %cond3A_82 {
      %mul3A_194 = arith.constant 64 : i32
      %mul3A_195 = arith.muli %add3A_77, %mul3A_194 : i32
      "tpu.region"() ({
        %run_scoped3A = tpu.sem_alloc : memref<!tpu.dma_semaphore, #tpu.memory_space<semaphore_mem>>
        %dma_start3A_196 = arith.constant 0 : i32
        %dma_start3A_197 = tpu.memref_slice %arg12[%mul3A_195, %dma_start3A_196] : memref<10112x128xf32, #tpu.memory_space<vmem_shared>> -> memref<64x128xf32, #tpu.memory_space<vmem_shared>>
        %dma_start3A_198 = arith.constant 0 : i32
        %dma_start3A_199 = tpu.memref_slice %arg12[%mul3A_195, %dma_start3A_198] : memref<10112x128xf32, #tpu.memory_space<vmem_shared>> -> memref<64x128xf32, #tpu.memory_space<vmem_shared>>
        tpu.enqueue_dma source(%arg10 : memref<64x128xf32, #tpu.memory_space<vmem>>) target(%dma_start3A_199 : memref<64x128xf32, #tpu.memory_space<vmem_shared>>) target_semaphore(%run_scoped3A : memref<!tpu.dma_semaphore, #tpu.memory_space<semaphore_mem>>)
        %dma_wait3A = arith.constant 0 : i32
        %dma_wait3A_200 = tpu.memref_slice %arg12[%mul3A_195, %dma_wait3A] : memref<10112x128xf32, #tpu.memory_space<vmem_shared>> -> memref<64x128xf32, #tpu.memory_space<vmem_shared>>
        %dma_wait3A_201 = arith.constant 0 : i32
        %dma_wait3A_202 = tpu.memref_slice %arg12[%mul3A_195, %dma_wait3A_201] : memref<10112x128xf32, #tpu.memory_space<vmem_shared>> -> memref<64x128xf32, #tpu.memory_space<vmem_shared>>
        tpu.wait_dma2 semaphore(%run_scoped3A : memref<!tpu.dma_semaphore, #tpu.memory_space<semaphore_mem>>) src(%arg10 : memref<64x128xf32, #tpu.memory_space<vmem>>) dst(%dma_wait3A_202 : memref<64x128xf32, #tpu.memory_space<vmem_shared>>)
        tpu.yield
      }) : () -> ()
    } else {
    }
    %mul3A_83 = arith.constant 10 : i32
    %mul3A_84 = arith.muli %arg1, %mul3A_83 : i32
    %add3A_85 = arith.constant 9 : i32
    %add3A_86 = arith.addi %mul3A_84, %add3A_85 : i32
    %lt3A_87 = arith.constant 158 : i32
    %lt3A_88 = arith.cmpi slt, %add3A_86, %lt3A_87 : i32
    %convert_element_type3A_89 = arith.extui %lt3A_88 : i1 to i32
    %cond3A_90 = arith.constant 0 : i32
    %cond3A_91 = arith.cmpi ne, %convert_element_type3A_89, %cond3A_90 : i32
    scf.if %cond3A_91 {
      %mul3A_194 = arith.constant 64 : i32
      %mul3A_195 = arith.muli %add3A_86, %mul3A_194 : i32
      "tpu.region"() ({
        %run_scoped3A = tpu.sem_alloc : memref<!tpu.dma_semaphore, #tpu.memory_space<semaphore_mem>>
        %dma_start3A_196 = arith.constant 0 : i32
        %dma_start3A_197 = tpu.memref_slice %arg12[%mul3A_195, %dma_start3A_196] : memref<10112x128xf32, #tpu.memory_space<vmem_shared>> -> memref<64x128xf32, #tpu.memory_space<vmem_shared>>
        %dma_start3A_198 = arith.constant 0 : i32
        %dma_start3A_199 = tpu.memref_slice %arg12[%mul3A_195, %dma_start3A_198] : memref<10112x128xf32, #tpu.memory_space<vmem_shared>> -> memref<64x128xf32, #tpu.memory_space<vmem_shared>>
        tpu.enqueue_dma source(%arg10 : memref<64x128xf32, #tpu.memory_space<vmem>>) target(%dma_start3A_199 : memref<64x128xf32, #tpu.memory_space<vmem_shared>>) target_semaphore(%run_scoped3A : memref<!tpu.dma_semaphore, #tpu.memory_space<semaphore_mem>>)
        %dma_wait3A = arith.constant 0 : i32
        %dma_wait3A_200 = tpu.memref_slice %arg12[%mul3A_195, %dma_wait3A] : memref<10112x128xf32, #tpu.memory_space<vmem_shared>> -> memref<64x128xf32, #tpu.memory_space<vmem_shared>>
        %dma_wait3A_201 = arith.constant 0 : i32
        %dma_wait3A_202 = tpu.memref_slice %arg12[%mul3A_195, %dma_wait3A_201] : memref<10112x128xf32, #tpu.memory_space<vmem_shared>> -> memref<64x128xf32, #tpu.memory_space<vmem_shared>>
        tpu.wait_dma2 semaphore(%run_scoped3A : memref<!tpu.dma_semaphore, #tpu.memory_space<semaphore_mem>>) src(%arg10 : memref<64x128xf32, #tpu.memory_space<vmem>>) dst(%dma_wait3A_202 : memref<64x128xf32, #tpu.memory_space<vmem_shared>>)
        tpu.yield
      }) : () -> ()
    } else {
    }
    "tpu.region"() ({
      %run_scoped3A = tpu.sem_alloc : memref<!tpu.dma_semaphore, #tpu.memory_space<semaphore_mem>>
      %dma_start3A_194 = arith.constant 0 : i32
      %dma_start3A_195 = arith.constant 0 : i32
      %dma_start3A_196 = tpu.memref_slice %arg3[%add3A, %dma_start3A_194, %dma_start3A_195] : memref<32x79x128xi32, #tpu.memory_space<hbm>> -> memref<1x79x128xi32, #tpu.memory_space<hbm>>
      %dma_start3A_197 = tpu.memref_squeeze %dma_start3A_196 : memref<1x79x128xi32, #tpu.memory_space<hbm>> -> memref<79x128xi32, #tpu.memory_space<hbm>>
      %dma_start3A_198 = arith.constant 0 : i32
      %dma_start3A_199 = arith.constant 0 : i32
      %dma_start3A_200 = tpu.memref_slice %arg3[%add3A, %dma_start3A_198, %dma_start3A_199] : memref<32x79x128xi32, #tpu.memory_space<hbm>> -> memref<1x79x128xi32, #tpu.memory_space<hbm>>
      %dma_start3A_201 = tpu.memref_squeeze %dma_start3A_200 : memref<1x79x128xi32, #tpu.memory_space<hbm>> -> memref<79x128xi32, #tpu.memory_space<hbm>>
      tpu.enqueue_dma source(%dma_start3A_201 : memref<79x128xi32, #tpu.memory_space<hbm>>) target(%arg7 : memref<79x128xi32, #tpu.memory_space<vmem>>) target_semaphore(%run_scoped3A : memref<!tpu.dma_semaphore, #tpu.memory_space<semaphore_mem>>)
      %dma_wait3A = arith.constant 0 : i32
      %dma_wait3A_202 = arith.constant 0 : i32
      %dma_wait3A_203 = tpu.memref_slice %arg3[%add3A, %dma_wait3A, %dma_wait3A_202] : memref<32x79x128xi32, #tpu.memory_space<hbm>> -> memref<1x79x128xi32, #tpu.memory_space<hbm>>
      %dma_wait3A_204 = tpu.memref_squeeze %dma_wait3A_203 : memref<1x79x128xi32, #tpu.memory_space<hbm>> -> memref<79x128xi32, #tpu.memory_space<hbm>>
      %dma_wait3A_205 = arith.constant 0 : i32
      %dma_wait3A_206 = arith.constant 0 : i32
      %dma_wait3A_207 = tpu.memref_slice %arg3[%add3A, %dma_wait3A_205, %dma_wait3A_206] : memref<32x79x128xi32, #tpu.memory_space<hbm>> -> memref<1x79x128xi32, #tpu.memory_space<hbm>>
      %dma_wait3A_208 = tpu.memref_squeeze %dma_wait3A_207 : memref<1x79x128xi32, #tpu.memory_space<hbm>> -> memref<79x128xi32, #tpu.memory_space<hbm>>
      tpu.wait_dma2 semaphore(%run_scoped3A : memref<!tpu.dma_semaphore, #tpu.memory_space<semaphore_mem>>) src(%dma_wait3A_208 : memref<79x128xi32, #tpu.memory_space<hbm>>) dst(%arg7 : memref<79x128xi32, #tpu.memory_space<vmem>>)
      tpu.yield
    }) : () -> ()
    "tpu.region"() ({
      %run_scoped3A = tpu.sem_alloc : memref<!tpu.dma_semaphore, #tpu.memory_space<semaphore_mem>>
      %dma_start3A_194 = arith.constant 0 : i32
      %dma_start3A_195 = arith.constant 0 : i32
      %dma_start3A_196 = tpu.memref_slice %arg4[%add3A, %dma_start3A_194, %dma_start3A_195] : memref<32x79x128xi32, #tpu.memory_space<hbm>> -> memref<1x79x128xi32, #tpu.memory_space<hbm>>
      %dma_start3A_197 = tpu.memref_squeeze %dma_start3A_196 : memref<1x79x128xi32, #tpu.memory_space<hbm>> -> memref<79x128xi32, #tpu.memory_space<hbm>>
      %dma_start3A_198 = arith.constant 0 : i32
      %dma_start3A_199 = arith.constant 0 : i32
      %dma_start3A_200 = tpu.memref_slice %arg4[%add3A, %dma_start3A_198, %dma_start3A_199] : memref<32x79x128xi32, #tpu.memory_space<hbm>> -> memref<1x79x128xi32, #tpu.memory_space<hbm>>
      %dma_start3A_201 = tpu.memref_squeeze %dma_start3A_200 : memref<1x79x128xi32, #tpu.memory_space<hbm>> -> memref<79x128xi32, #tpu.memory_space<hbm>>
      tpu.enqueue_dma source(%dma_start3A_201 : memref<79x128xi32, #tpu.memory_space<hbm>>) target(%arg8 : memref<79x128xi32, #tpu.memory_space<vmem>>) target_semaphore(%run_scoped3A : memref<!tpu.dma_semaphore, #tpu.memory_space<semaphore_mem>>)
      %dma_wait3A = arith.constant 0 : i32
      %dma_wait3A_202 = arith.constant 0 : i32
      %dma_wait3A_203 = tpu.memref_slice %arg4[%add3A, %dma_wait3A, %dma_wait3A_202] : memref<32x79x128xi32, #tpu.memory_space<hbm>> -> memref<1x79x128xi32, #tpu.memory_space<hbm>>
      %dma_wait3A_204 = tpu.memref_squeeze %dma_wait3A_203 : memref<1x79x128xi32, #tpu.memory_space<hbm>> -> memref<79x128xi32, #tpu.memory_space<hbm>>
      %dma_wait3A_205 = arith.constant 0 : i32
      %dma_wait3A_206 = arith.constant 0 : i32
      %dma_wait3A_207 = tpu.memref_slice %arg4[%add3A, %dma_wait3A_205, %dma_wait3A_206] : memref<32x79x128xi32, #tpu.memory_space<hbm>> -> memref<1x79x128xi32, #tpu.memory_space<hbm>>
      %dma_wait3A_208 = tpu.memref_squeeze %dma_wait3A_207 : memref<1x79x128xi32, #tpu.memory_space<hbm>> -> memref<79x128xi32, #tpu.memory_space<hbm>>
      tpu.wait_dma2 semaphore(%run_scoped3A : memref<!tpu.dma_semaphore, #tpu.memory_space<semaphore_mem>>) src(%dma_wait3A_208 : memref<79x128xi32, #tpu.memory_space<hbm>>) dst(%arg8 : memref<79x128xi32, #tpu.memory_space<vmem>>)
      tpu.yield
    }) : () -> ()
    "tpu.region"() ({
      %run_scoped3A = tpu.sem_alloc : memref<!tpu.dma_semaphore, #tpu.memory_space<semaphore_mem>>
      %dma_start3A_194 = arith.constant 0 : i32
      %dma_start3A_195 = arith.constant 0 : i32
      %dma_start3A_196 = tpu.memref_slice %arg5[%add3A, %dma_start3A_194, %dma_start3A_195] : memref<32x79x128xf32, #tpu.memory_space<hbm>> -> memref<1x79x128xf32, #tpu.memory_space<hbm>>
      %dma_start3A_197 = tpu.memref_squeeze %dma_start3A_196 : memref<1x79x128xf32, #tpu.memory_space<hbm>> -> memref<79x128xf32, #tpu.memory_space<hbm>>
      %dma_start3A_198 = arith.constant 0 : i32
      %dma_start3A_199 = arith.constant 0 : i32
      %dma_start3A_200 = tpu.memref_slice %arg5[%add3A, %dma_start3A_198, %dma_start3A_199] : memref<32x79x128xf32, #tpu.memory_space<hbm>> -> memref<1x79x128xf32, #tpu.memory_space<hbm>>
      %dma_start3A_201 = tpu.memref_squeeze %dma_start3A_200 : memref<1x79x128xf32, #tpu.memory_space<hbm>> -> memref<79x128xf32, #tpu.memory_space<hbm>>
      tpu.enqueue_dma source(%dma_start3A_201 : memref<79x128xf32, #tpu.memory_space<hbm>>) target(%arg9 : memref<79x128xf32, #tpu.memory_space<vmem>>) target_semaphore(%run_scoped3A : memref<!tpu.dma_semaphore, #tpu.memory_space<semaphore_mem>>)
      %dma_wait3A = arith.constant 0 : i32
      %dma_wait3A_202 = arith.constant 0 : i32
      %dma_wait3A_203 = tpu.memref_slice %arg5[%add3A, %dma_wait3A, %dma_wait3A_202] : memref<32x79x128xf32, #tpu.memory_space<hbm>> -> memref<1x79x128xf32, #tpu.memory_space<hbm>>
      %dma_wait3A_204 = tpu.memref_squeeze %dma_wait3A_203 : memref<1x79x128xf32, #tpu.memory_space<hbm>> -> memref<79x128xf32, #tpu.memory_space<hbm>>
      %dma_wait3A_205 = arith.constant 0 : i32
      %dma_wait3A_206 = arith.constant 0 : i32
      %dma_wait3A_207 = tpu.memref_slice %arg5[%add3A, %dma_wait3A_205, %dma_wait3A_206] : memref<32x79x128xf32, #tpu.memory_space<hbm>> -> memref<1x79x128xf32, #tpu.memory_space<hbm>>
      %dma_wait3A_208 = tpu.memref_squeeze %dma_wait3A_207 : memref<1x79x128xf32, #tpu.memory_space<hbm>> -> memref<79x128xf32, #tpu.memory_space<hbm>>
      tpu.wait_dma2 semaphore(%run_scoped3A : memref<!tpu.dma_semaphore, #tpu.memory_space<semaphore_mem>>) src(%dma_wait3A_208 : memref<79x128xf32, #tpu.memory_space<hbm>>) dst(%arg9 : memref<79x128xf32, #tpu.memory_space<vmem>>)
      tpu.yield
    }) : () -> ()
    %barrier3A = arith.constant 0 : index
    tpu.barrier barrier_id(%barrier3A)
    %dma_start3A = arith.constant 0 : i32
    %dma_start3A_92 = arith.constant 0 : i32
    %dma_start3A_93 = tpu.memref_slice %arg7[%dma_start3A, %dma_start3A_92] : memref<79x128xi32, #tpu.memory_space<vmem>> -> memref<1x64xi32, #tpu.memory_space<vmem>>
    %dma_start3A_94 = tpu.memref_squeeze %dma_start3A_93 : memref<1x64xi32, #tpu.memory_space<vmem>> -> memref<64xi32, #tpu.memory_space<vmem>>
    %dma_start3A_95 = arith.constant 0 : i32
    %dma_start3A_96 = arith.constant 0 : i32
    %dma_start3A_97 = tpu.memref_slice %arg2[%dma_start3A_95, %dma_start3A_96] : memref<10000x128xf32, #tpu.memory_space<hbm>> -> memref<10000x128xf32, #tpu.memory_space<hbm>>
    tpu.enqueue_indirect_dma source(%dma_start3A_97 : memref<10000x128xf32, #tpu.memory_space<hbm>>) target(%arg10 : memref<64x128xf32, #tpu.memory_space<vmem>>) offsets(%dma_start3A_94 : memref<64xi32, #tpu.memory_space<vmem>>) semaphore(%arg13 : memref<!tpu.dma_semaphore, #tpu.memory_space<semaphore_mem>>)
    %scan3A_98 = arith.constant 0 : i32
    %scan3A_99 = arith.constant 79 : i32
    %scan3A_100 = arith.addi %scan3A_98, %scan3A_99 : i32
    %scan3A_101 = arith.constant 1 : i32
    scf.for %scan3A_194 = %scan3A_98 to %scan3A_100 step %scan3A_101  : i32 {
      %mul3A_195 = arith.constant 1 : i32
      %mul3A_196 = arith.muli %scan3A_194, %mul3A_195 : i32
      %add3A_197 = arith.constant 0 : i32
      %add3A_198 = arith.addi %add3A_197, %mul3A_196 : i32
      %dma_wait3A = arith.constant 0 : i32
      %dma_wait3A_199 = tpu.memref_slice %arg7[%add3A_198, %dma_wait3A] : memref<79x128xi32, #tpu.memory_space<vmem>> -> memref<1x64xi32, #tpu.memory_space<vmem>>
      %dma_wait3A_200 = tpu.memref_squeeze %dma_wait3A_199 : memref<1x64xi32, #tpu.memory_space<vmem>> -> memref<64xi32, #tpu.memory_space<vmem>>
      %dma_wait3A_201 = arith.constant 0 : i32
      %dma_wait3A_202 = arith.constant 0 : i32
      %dma_wait3A_203 = tpu.memref_slice %arg2[%dma_wait3A_201, %dma_wait3A_202] : memref<10000x128xf32, #tpu.memory_space<hbm>> -> memref<10000x128xf32, #tpu.memory_space<hbm>>
      tpu.wait_indirect_dma semaphore(%arg13 : memref<!tpu.dma_semaphore, #tpu.memory_space<semaphore_mem>>) src(%dma_wait3A_203 : memref<10000x128xf32, #tpu.memory_space<hbm>>) dst(%arg10 : memref<64x128xf32, #tpu.memory_space<vmem>>)
      %add3A_204 = arith.constant 0 : i32
      %add3A_205 = arith.addi %add3A_198, %add3A_204 : i32
      %lt3A_206 = arith.constant 79 : i32
      %lt3A_207 = arith.cmpi slt, %add3A_205, %lt3A_206 : i32
      %convert_element_type3A_208 = arith.extui %lt3A_207 : i1 to i32
      %cond3A_209 = arith.constant 0 : i32
      %cond3A_210 = arith.cmpi ne, %convert_element_type3A_208, %cond3A_209 : i32
      scf.if %cond3A_210 {
        %dma_start3A_348 = arith.constant 64 : i32
        %dma_start3A_349 = tpu.memref_slice %arg7[%add3A_205, %dma_start3A_348] : memref<79x128xi32, #tpu.memory_space<vmem>> -> memref<1x64xi32, #tpu.memory_space<vmem>>
        %dma_start3A_350 = tpu.memref_squeeze %dma_start3A_349 : memref<1x64xi32, #tpu.memory_space<vmem>> -> memref<64xi32, #tpu.memory_space<vmem>>
        %dma_start3A_351 = arith.constant 0 : i32
        %dma_start3A_352 = arith.constant 0 : i32
        %dma_start3A_353 = tpu.memref_slice %arg2[%dma_start3A_351, %dma_start3A_352] : memref<10000x128xf32, #tpu.memory_space<hbm>> -> memref<10000x128xf32, #tpu.memory_space<hbm>>
        tpu.enqueue_indirect_dma source(%dma_start3A_353 : memref<10000x128xf32, #tpu.memory_space<hbm>>) target(%arg11 : memref<64x128xf32, #tpu.memory_space<vmem>>) offsets(%dma_start3A_350 : memref<64xi32, #tpu.memory_space<vmem>>) semaphore(%arg13 : memref<!tpu.dma_semaphore, #tpu.memory_space<semaphore_mem>>)
      } else {
      }
      %parallel_loop3A = arith.constant 0 : i32
      %parallel_loop3A_211 = arith.constant 64 : i32
      %parallel_loop3A_212 = arith.constant 1 : i32
      scf.for %parallel_loop3A_348 = %parallel_loop3A to %parallel_loop3A_211 step %parallel_loop3A_212  : i32 {
        %parallel_loop3A_349 = vector.broadcast %add3A_198 : i32 to vector<16xi32>
        %parallel_loop3A_350 = arith.constant 0 : i32
        %parallel_loop3A_351 = arith.addi %parallel_loop3A_350, %parallel_loop3A_348 : i32
        %parallel_loop3A_352 = vector.broadcast %parallel_loop3A_351 : i32 to vector<16xi32>
        %parallel_loop3A_353 = tpu.vector_load_idx %arg9[%parallel_loop3A_349, %parallel_loop3A_352] : memref<79x128xf32, #tpu.memory_space<vmem>>[vector<16xi32>, vector<16xi32>], vector<16xf32>,
        %parallel_loop3A_354 = arith.index_cast %parallel_loop3A_348 : i32 to index
        %parallel_loop3A_355 = arith.constant 0 : index
        %parallel_loop3A_356 = tpu.vector_load %arg10[%parallel_loop3A_354, %parallel_loop3A_355] {strides = array<i32>} : memref<64x128xf32, #tpu.memory_space<vmem>>, vector<16xf32>,
        %parallel_loop3A_357 = arith.mulf %parallel_loop3A_356, %parallel_loop3A_353 : vector<16xf32>
        %parallel_loop3A_358 = arith.index_cast %parallel_loop3A_348 : i32 to index
        %parallel_loop3A_359 = arith.constant 0 : index
        %parallel_loop3A_360 = tpu.vector_load %arg10[%parallel_loop3A_358, %parallel_loop3A_359] {strides = array<i32>} : memref<64x128xf32, #tpu.memory_space<vmem>>, vector<16xf32>,
        tpu.vector_store %arg10[%parallel_loop3A_358, %parallel_loop3A_359], %parallel_loop3A_357 {strides = array<i32>} : memref<64x128xf32, #tpu.memory_space<vmem>>, vector<16xf32>,
        %parallel_loop3A_361 = arith.index_cast %parallel_loop3A_348 : i32 to index
        %parallel_loop3A_362 = arith.constant 16 : index
        %parallel_loop3A_363 = tpu.vector_load %arg10[%parallel_loop3A_361, %parallel_loop3A_362] {strides = array<i32>} : memref<64x128xf32, #tpu.memory_space<vmem>>, vector<16xf32>,
        %parallel_loop3A_364 = arith.mulf %parallel_loop3A_363, %parallel_loop3A_353 : vector<16xf32>
        %parallel_loop3A_365 = arith.index_cast %parallel_loop3A_348 : i32 to index
        %parallel_loop3A_366 = arith.constant 16 : index
        %parallel_loop3A_367 = tpu.vector_load %arg10[%parallel_loop3A_365, %parallel_loop3A_366] {strides = array<i32>} : memref<64x128xf32, #tpu.memory_space<vmem>>, vector<16xf32>,
        tpu.vector_store %arg10[%parallel_loop3A_365, %parallel_loop3A_366], %parallel_loop3A_364 {strides = array<i32>} : memref<64x128xf32, #tpu.memory_space<vmem>>, vector<16xf32>,
        %parallel_loop3A_368 = arith.index_cast %parallel_loop3A_348 : i32 to index
        %parallel_loop3A_369 = arith.constant 32 : index
        %parallel_loop3A_370 = tpu.vector_load %arg10[%parallel_loop3A_368, %parallel_loop3A_369] {strides = array<i32>} : memref<64x128xf32, #tpu.memory_space<vmem>>, vector<16xf32>,
        %parallel_loop3A_371 = arith.mulf %parallel_loop3A_370, %parallel_loop3A_353 : vector<16xf32>
        %parallel_loop3A_372 = arith.index_cast %parallel_loop3A_348 : i32 to index
        %parallel_loop3A_373 = arith.constant 32 : index
        %parallel_loop3A_374 = tpu.vector_load %arg10[%parallel_loop3A_372, %parallel_loop3A_373] {strides = array<i32>} : memref<64x128xf32, #tpu.memory_space<vmem>>, vector<16xf32>,
        tpu.vector_store %arg10[%parallel_loop3A_372, %parallel_loop3A_373], %parallel_loop3A_371 {strides = array<i32>} : memref<64x128xf32, #tpu.memory_space<vmem>>, vector<16xf32>,
        %parallel_loop3A_375 = arith.index_cast %parallel_loop3A_348 : i32 to index
        %parallel_loop3A_376 = arith.constant 48 : index
        %parallel_loop3A_377 = tpu.vector_load %arg10[%parallel_loop3A_375, %parallel_loop3A_376] {strides = array<i32>} : memref<64x128xf32, #tpu.memory_space<vmem>>, vector<16xf32>,
        %parallel_loop3A_378 = arith.mulf %parallel_loop3A_377, %parallel_loop3A_353 : vector<16xf32>
        %parallel_loop3A_379 = arith.index_cast %parallel_loop3A_348 : i32 to index
        %parallel_loop3A_380 = arith.constant 48 : index
        %parallel_loop3A_381 = tpu.vector_load %arg10[%parallel_loop3A_379, %parallel_loop3A_380] {strides = array<i32>} : memref<64x128xf32, #tpu.memory_space<vmem>>, vector<16xf32>,
        tpu.vector_store %arg10[%parallel_loop3A_379, %parallel_loop3A_380], %parallel_loop3A_378 {strides = array<i32>} : memref<64x128xf32, #tpu.memory_space<vmem>>, vector<16xf32>,
        %parallel_loop3A_382 = arith.index_cast %parallel_loop3A_348 : i32 to index
        %parallel_loop3A_383 = arith.constant 64 : index
        %parallel_loop3A_384 = tpu.vector_load %arg10[%parallel_loop3A_382, %parallel_loop3A_383] {strides = array<i32>} : memref<64x128xf32, #tpu.memory_space<vmem>>, vector<16xf32>,
        %parallel_loop3A_385 = arith.mulf %parallel_loop3A_384, %parallel_loop3A_353 : vector<16xf32>
        %parallel_loop3A_386 = arith.index_cast %parallel_loop3A_348 : i32 to index
        %parallel_loop3A_387 = arith.constant 64 : index
        %parallel_loop3A_388 = tpu.vector_load %arg10[%parallel_loop3A_386, %parallel_loop3A_387] {strides = array<i32>} : memref<64x128xf32, #tpu.memory_space<vmem>>, vector<16xf32>,
        tpu.vector_store %arg10[%parallel_loop3A_386, %parallel_loop3A_387], %parallel_loop3A_385 {strides = array<i32>} : memref<64x128xf32, #tpu.memory_space<vmem>>, vector<16xf32>,
        %parallel_loop3A_389 = arith.index_cast %parallel_loop3A_348 : i32 to index
        %parallel_loop3A_390 = arith.constant 80 : index
        %parallel_loop3A_391 = tpu.vector_load %arg10[%parallel_loop3A_389, %parallel_loop3A_390] {strides = array<i32>} : memref<64x128xf32, #tpu.memory_space<vmem>>, vector<16xf32>,
        %parallel_loop3A_392 = arith.mulf %parallel_loop3A_391, %parallel_loop3A_353 : vector<16xf32>
        %parallel_loop3A_393 = arith.index_cast %parallel_loop3A_348 : i32 to index
        %parallel_loop3A_394 = arith.constant 80 : index
        %parallel_loop3A_395 = tpu.vector_load %arg10[%parallel_loop3A_393, %parallel_loop3A_394] {strides = array<i32>} : memref<64x128xf32, #tpu.memory_space<vmem>>, vector<16xf32>,
        tpu.vector_store %arg10[%parallel_loop3A_393, %parallel_loop3A_394], %parallel_loop3A_392 {strides = array<i32>} : memref<64x128xf32, #tpu.memory_space<vmem>>, vector<16xf32>,
        %parallel_loop3A_396 = arith.index_cast %parallel_loop3A_348 : i32 to index
        %parallel_loop3A_397 = arith.constant 96 : index
        %parallel_loop3A_398 = tpu.vector_load %arg10[%parallel_loop3A_396, %parallel_loop3A_397] {strides = array<i32>} : memref<64x128xf32, #tpu.memory_space<vmem>>, vector<16xf32>,
        %parallel_loop3A_399 = arith.mulf %parallel_loop3A_398, %parallel_loop3A_353 : vector<16xf32>
        %parallel_loop3A_400 = arith.index_cast %parallel_loop3A_348 : i32 to index
        %parallel_loop3A_401 = arith.constant 96 : index
        %parallel_loop3A_402 = tpu.vector_load %arg10[%parallel_loop3A_400, %parallel_loop3A_401] {strides = array<i32>} : memref<64x128xf32, #tpu.memory_space<vmem>>, vector<16xf32>,
        tpu.vector_store %arg10[%parallel_loop3A_400, %parallel_loop3A_401], %parallel_loop3A_399 {strides = array<i32>} : memref<64x128xf32, #tpu.memory_space<vmem>>, vector<16xf32>,
        %parallel_loop3A_403 = arith.index_cast %parallel_loop3A_348 : i32 to index
        %parallel_loop3A_404 = arith.constant 112 : index
        %parallel_loop3A_405 = tpu.vector_load %arg10[%parallel_loop3A_403, %parallel_loop3A_404] {strides = array<i32>} : memref<64x128xf32, #tpu.memory_space<vmem>>, vector<16xf32>,
        %parallel_loop3A_406 = arith.mulf %parallel_loop3A_405, %parallel_loop3A_353 : vector<16xf32>
        %parallel_loop3A_407 = arith.index_cast %parallel_loop3A_348 : i32 to index
        %parallel_loop3A_408 = arith.constant 112 : index
        %parallel_loop3A_409 = tpu.vector_load %arg10[%parallel_loop3A_407, %parallel_loop3A_408] {strides = array<i32>} : memref<64x128xf32, #tpu.memory_space<vmem>>, vector<16xf32>,
        tpu.vector_store %arg10[%parallel_loop3A_407, %parallel_loop3A_408], %parallel_loop3A_406 {strides = array<i32>} : memref<64x128xf32, #tpu.memory_space<vmem>>, vector<16xf32>,
      } {sc.loop_unroll_factor = 4 : i64, sc.parallel_access}
      %get3A = arith.index_cast %add3A_198 : i32 to index
      %get3A_213 = arith.constant 0 : index
      %get3A_214 = tpu.vector_load %arg8[%get3A, %get3A_213] {strides = array<i32>} : memref<79x128xi32, #tpu.memory_space<vmem>>, vector<16xi32>,
      %dma_start3A_215 = arith.constant 0 : i32
      %dma_start3A_216 = arith.constant 0 : i32
      %dma_start3A_217 = tpu.memref_slice %arg10[%dma_start3A_215, %dma_start3A_216] : memref<64x128xf32, #tpu.memory_space<vmem>> -> memref<16x128xf32, #tpu.memory_space<vmem>>
      %dma_start3A_218 = arith.constant 0 : i32
      %dma_start3A_219 = arith.constant 0 : i32
      %dma_start3A_220 = tpu.memref_slice %arg12[%dma_start3A_218, %dma_start3A_219] : memref<10112x128xf32, #tpu.memory_space<vmem_shared>> -> memref<10112x128xf32, #tpu.memory_space<vmem_shared>>
      tpu.enqueue_indirect_dma source(%dma_start3A_217 : memref<16x128xf32, #tpu.memory_space<vmem>>) target(%dma_start3A_220 : memref<10112x128xf32, #tpu.memory_space<vmem_shared>>) offsets(%get3A_214 : vector<16xi32>) semaphore(%arg14 : memref<!tpu.dma_semaphore, #tpu.memory_space<semaphore_mem>>) {add = true}
      %get3A_221 = arith.index_cast %add3A_198 : i32 to index
      %get3A_222 = arith.constant 16 : index
      %get3A_223 = tpu.vector_load %arg8[%get3A_221, %get3A_222] {strides = array<i32>} : memref<79x128xi32, #tpu.memory_space<vmem>>, vector<16xi32>,
      %dma_start3A_224 = arith.constant 16 : i32
      %dma_start3A_225 = arith.constant 0 : i32
      %dma_start3A_226 = tpu.memref_slice %arg10[%dma_start3A_224, %dma_start3A_225] : memref<64x128xf32, #tpu.memory_space<vmem>> -> memref<16x128xf32, #tpu.memory_space<vmem>>
      %dma_start3A_227 = arith.constant 0 : i32
      %dma_start3A_228 = arith.constant 0 : i32
      %dma_start3A_229 = tpu.memref_slice %arg12[%dma_start3A_227, %dma_start3A_228] : memref<10112x128xf32, #tpu.memory_space<vmem_shared>> -> memref<10112x128xf32, #tpu.memory_space<vmem_shared>>
      tpu.enqueue_indirect_dma source(%dma_start3A_226 : memref<16x128xf32, #tpu.memory_space<vmem>>) target(%dma_start3A_229 : memref<10112x128xf32, #tpu.memory_space<vmem_shared>>) offsets(%get3A_223 : vector<16xi32>) semaphore(%arg14 : memref<!tpu.dma_semaphore, #tpu.memory_space<semaphore_mem>>) {add = true}
      %get3A_230 = arith.index_cast %add3A_198 : i32 to index
      %get3A_231 = arith.constant 32 : index
      %get3A_232 = tpu.vector_load %arg8[%get3A_230, %get3A_231] {strides = array<i32>} : memref<79x128xi32, #tpu.memory_space<vmem>>, vector<16xi32>,
      %dma_start3A_233 = arith.constant 32 : i32
      %dma_start3A_234 = arith.constant 0 : i32
      %dma_start3A_235 = tpu.memref_slice %arg10[%dma_start3A_233, %dma_start3A_234] : memref<64x128xf32, #tpu.memory_space<vmem>> -> memref<16x128xf32, #tpu.memory_space<vmem>>
      %dma_start3A_236 = arith.constant 0 : i32
      %dma_start3A_237 = arith.constant 0 : i32
      %dma_start3A_238 = tpu.memref_slice %arg12[%dma_start3A_236, %dma_start3A_237] : memref<10112x128xf32, #tpu.memory_space<vmem_shared>> -> memref<10112x128xf32, #tpu.memory_space<vmem_shared>>
      tpu.enqueue_indirect_dma source(%dma_start3A_235 : memref<16x128xf32, #tpu.memory_space<vmem>>) target(%dma_start3A_238 : memref<10112x128xf32, #tpu.memory_space<vmem_shared>>) offsets(%get3A_232 : vector<16xi32>) semaphore(%arg14 : memref<!tpu.dma_semaphore, #tpu.memory_space<semaphore_mem>>) {add = true}
      %get3A_239 = arith.index_cast %add3A_198 : i32 to index
      %get3A_240 = arith.constant 48 : index
      %get3A_241 = tpu.vector_load %arg8[%get3A_239, %get3A_240] {strides = array<i32>} : memref<79x128xi32, #tpu.memory_space<vmem>>, vector<16xi32>,
      %dma_start3A_242 = arith.constant 48 : i32
      %dma_start3A_243 = arith.constant 0 : i32
      %dma_start3A_244 = tpu.memref_slice %arg10[%dma_start3A_242, %dma_start3A_243] : memref<64x128xf32, #tpu.memory_space<vmem>> -> memref<16x128xf32, #tpu.memory_space<vmem>>
      %dma_start3A_245 = arith.constant 0 : i32
      %dma_start3A_246 = arith.constant 0 : i32
      %dma_start3A_247 = tpu.memref_slice %arg12[%dma_start3A_245, %dma_start3A_246] : memref<10112x128xf32, #tpu.memory_space<vmem_shared>> -> memref<10112x128xf32, #tpu.memory_space<vmem_shared>>
      tpu.enqueue_indirect_dma source(%dma_start3A_244 : memref<16x128xf32, #tpu.memory_space<vmem>>) target(%dma_start3A_247 : memref<10112x128xf32, #tpu.memory_space<vmem_shared>>) offsets(%get3A_241 : vector<16xi32>) semaphore(%arg14 : memref<!tpu.dma_semaphore, #tpu.memory_space<semaphore_mem>>) {add = true}
      %dma_wait3A_248 = arith.constant 64 : i32
      %dma_wait3A_249 = tpu.memref_slice %arg7[%add3A_198, %dma_wait3A_248] : memref<79x128xi32, #tpu.memory_space<vmem>> -> memref<1x64xi32, #tpu.memory_space<vmem>>
      %dma_wait3A_250 = tpu.memref_squeeze %dma_wait3A_249 : memref<1x64xi32, #tpu.memory_space<vmem>> -> memref<64xi32, #tpu.memory_space<vmem>>
      %dma_wait3A_251 = arith.constant 0 : i32
      %dma_wait3A_252 = arith.constant 0 : i32
      %dma_wait3A_253 = tpu.memref_slice %arg2[%dma_wait3A_251, %dma_wait3A_252] : memref<10000x128xf32, #tpu.memory_space<hbm>> -> memref<10000x128xf32, #tpu.memory_space<hbm>>
      tpu.wait_indirect_dma semaphore(%arg13 : memref<!tpu.dma_semaphore, #tpu.memory_space<semaphore_mem>>) src(%dma_wait3A_253 : memref<10000x128xf32, #tpu.memory_space<hbm>>) dst(%arg11 : memref<64x128xf32, #tpu.memory_space<vmem>>)
      %dma_wait3A_254 = arith.constant 0 : i32
      %dma_wait3A_255 = arith.constant 0 : i32
      %dma_wait3A_256 = tpu.memref_slice %arg10[%dma_wait3A_254, %dma_wait3A_255] : memref<64x128xf32, #tpu.memory_space<vmem>> -> memref<16x128xf32, #tpu.memory_space<vmem>>
      %dma_wait3A_257 = arith.constant 0 : i32
      %dma_wait3A_258 = arith.constant 0 : i32
      %dma_wait3A_259 = tpu.memref_slice %arg12[%dma_wait3A_257, %dma_wait3A_258] : memref<10112x128xf32, #tpu.memory_space<vmem_shared>> -> memref<10112x128xf32, #tpu.memory_space<vmem_shared>>
      tpu.wait_indirect_dma semaphore(%arg14 : memref<!tpu.dma_semaphore, #tpu.memory_space<semaphore_mem>>) src(%dma_wait3A_256 : memref<16x128xf32, #tpu.memory_space<vmem>>) dst(%dma_wait3A_259 : memref<10112x128xf32, #tpu.memory_space<vmem_shared>>)
      %dma_wait3A_260 = arith.constant 16 : i32
      %dma_wait3A_261 = arith.constant 0 : i32
      %dma_wait3A_262 = tpu.memref_slice %arg10[%dma_wait3A_260, %dma_wait3A_261] : memref<64x128xf32, #tpu.memory_space<vmem>> -> memref<16x128xf32, #tpu.memory_space<vmem>>
      %dma_wait3A_263 = arith.constant 0 : i32
      %dma_wait3A_264 = arith.constant 0 : i32
      %dma_wait3A_265 = tpu.memref_slice %arg12[%dma_wait3A_263, %dma_wait3A_264] : memref<10112x128xf32, #tpu.memory_space<vmem_shared>> -> memref<10112x128xf32, #tpu.memory_space<vmem_shared>>
      tpu.wait_indirect_dma semaphore(%arg14 : memref<!tpu.dma_semaphore, #tpu.memory_space<semaphore_mem>>) src(%dma_wait3A_262 : memref<16x128xf32, #tpu.memory_space<vmem>>) dst(%dma_wait3A_265 : memref<10112x128xf32, #tpu.memory_space<vmem_shared>>)
      %dma_wait3A_266 = arith.constant 32 : i32
      %dma_wait3A_267 = arith.constant 0 : i32
      %dma_wait3A_268 = tpu.memref_slice %arg10[%dma_wait3A_266, %dma_wait3A_267] : memref<64x128xf32, #tpu.memory_space<vmem>> -> memref<16x128xf32, #tpu.memory_space<vmem>>
      %dma_wait3A_269 = arith.constant 0 : i32
      %dma_wait3A_270 = arith.constant 0 : i32
      %dma_wait3A_271 = tpu.memref_slice %arg12[%dma_wait3A_269, %dma_wait3A_270] : memref<10112x128xf32, #tpu.memory_space<vmem_shared>> -> memref<10112x128xf32, #tpu.memory_space<vmem_shared>>
      tpu.wait_indirect_dma semaphore(%arg14 : memref<!tpu.dma_semaphore, #tpu.memory_space<semaphore_mem>>) src(%dma_wait3A_268 : memref<16x128xf32, #tpu.memory_space<vmem>>) dst(%dma_wait3A_271 : memref<10112x128xf32, #tpu.memory_space<vmem_shared>>)
      %dma_wait3A_272 = arith.constant 48 : i32
      %dma_wait3A_273 = arith.constant 0 : i32
      %dma_wait3A_274 = tpu.memref_slice %arg10[%dma_wait3A_272, %dma_wait3A_273] : memref<64x128xf32, #tpu.memory_space<vmem>> -> memref<16x128xf32, #tpu.memory_space<vmem>>
      %dma_wait3A_275 = arith.constant 0 : i32
      %dma_wait3A_276 = arith.constant 0 : i32
      %dma_wait3A_277 = tpu.memref_slice %arg12[%dma_wait3A_275, %dma_wait3A_276] : memref<10112x128xf32, #tpu.memory_space<vmem_shared>> -> memref<10112x128xf32, #tpu.memory_space<vmem_shared>>
      tpu.wait_indirect_dma semaphore(%arg14 : memref<!tpu.dma_semaphore, #tpu.memory_space<semaphore_mem>>) src(%dma_wait3A_274 : memref<16x128xf32, #tpu.memory_space<vmem>>) dst(%dma_wait3A_277 : memref<10112x128xf32, #tpu.memory_space<vmem_shared>>)
      %add3A_278 = arith.constant 1 : i32
      %add3A_279 = arith.addi %add3A_198, %add3A_278 : i32
      %lt3A_280 = arith.constant 79 : i32
      %lt3A_281 = arith.cmpi slt, %add3A_279, %lt3A_280 : i32
      %convert_element_type3A_282 = arith.extui %lt3A_281 : i1 to i32
      %cond3A_283 = arith.constant 0 : i32
      %cond3A_284 = arith.cmpi ne, %convert_element_type3A_282, %cond3A_283 : i32
      scf.if %cond3A_284 {
        %dma_start3A_348 = arith.constant 0 : i32
        %dma_start3A_349 = tpu.memref_slice %arg7[%add3A_279, %dma_start3A_348] : memref<79x128xi32, #tpu.memory_space<vmem>> -> memref<1x64xi32, #tpu.memory_space<vmem>>
        %dma_start3A_350 = tpu.memref_squeeze %dma_start3A_349 : memref<1x64xi32, #tpu.memory_space<vmem>> -> memref<64xi32, #tpu.memory_space<vmem>>
        %dma_start3A_351 = arith.constant 0 : i32
        %dma_start3A_352 = arith.constant 0 : i32
        %dma_start3A_353 = tpu.memref_slice %arg2[%dma_start3A_351, %dma_start3A_352] : memref<10000x128xf32, #tpu.memory_space<hbm>> -> memref<10000x128xf32, #tpu.memory_space<hbm>>
        tpu.enqueue_indirect_dma source(%dma_start3A_353 : memref<10000x128xf32, #tpu.memory_space<hbm>>) target(%arg10 : memref<64x128xf32, #tpu.memory_space<vmem>>) offsets(%dma_start3A_350 : memref<64xi32, #tpu.memory_space<vmem>>) semaphore(%arg13 : memref<!tpu.dma_semaphore, #tpu.memory_space<semaphore_mem>>)
      } else {
      }
      %parallel_loop3A_285 = arith.constant 0 : i32
      %parallel_loop3A_286 = arith.constant 64 : i32
      %parallel_loop3A_287 = arith.constant 1 : i32
      scf.for %parallel_loop3A_348 = %parallel_loop3A_285 to %parallel_loop3A_286 step %parallel_loop3A_287  : i32 {
        %parallel_loop3A_349 = vector.broadcast %add3A_198 : i32 to vector<16xi32>
        %parallel_loop3A_350 = arith.constant 64 : i32
        %parallel_loop3A_351 = arith.addi %parallel_loop3A_350, %parallel_loop3A_348 : i32
        %parallel_loop3A_352 = vector.broadcast %parallel_loop3A_351 : i32 to vector<16xi32>
        %parallel_loop3A_353 = tpu.vector_load_idx %arg9[%parallel_loop3A_349, %parallel_loop3A_352] : memref<79x128xf32, #tpu.memory_space<vmem>>[vector<16xi32>, vector<16xi32>], vector<16xf32>,
        %parallel_loop3A_354 = arith.index_cast %parallel_loop3A_348 : i32 to index
        %parallel_loop3A_355 = arith.constant 0 : index
        %parallel_loop3A_356 = tpu.vector_load %arg11[%parallel_loop3A_354, %parallel_loop3A_355] {strides = array<i32>} : memref<64x128xf32, #tpu.memory_space<vmem>>, vector<16xf32>,
        %parallel_loop3A_357 = arith.mulf %parallel_loop3A_356, %parallel_loop3A_353 : vector<16xf32>
        %parallel_loop3A_358 = arith.index_cast %parallel_loop3A_348 : i32 to index
        %parallel_loop3A_359 = arith.constant 0 : index
        %parallel_loop3A_360 = tpu.vector_load %arg11[%parallel_loop3A_358, %parallel_loop3A_359] {strides = array<i32>} : memref<64x128xf32, #tpu.memory_space<vmem>>, vector<16xf32>,
        tpu.vector_store %arg11[%parallel_loop3A_358, %parallel_loop3A_359], %parallel_loop3A_357 {strides = array<i32>} : memref<64x128xf32, #tpu.memory_space<vmem>>, vector<16xf32>,
        %parallel_loop3A_361 = arith.index_cast %parallel_loop3A_348 : i32 to index
        %parallel_loop3A_362 = arith.constant 16 : index
        %parallel_loop3A_363 = tpu.vector_load %arg11[%parallel_loop3A_361, %parallel_loop3A_362] {strides = array<i32>} : memref<64x128xf32, #tpu.memory_space<vmem>>, vector<16xf32>,
        %parallel_loop3A_364 = arith.mulf %parallel_loop3A_363, %parallel_loop3A_353 : vector<16xf32>
        %parallel_loop3A_365 = arith.index_cast %parallel_loop3A_348 : i32 to index
        %parallel_loop3A_366 = arith.constant 16 : index
        %parallel_loop3A_367 = tpu.vector_load %arg11[%parallel_loop3A_365, %parallel_loop3A_366] {strides = array<i32>} : memref<64x128xf32, #tpu.memory_space<vmem>>, vector<16xf32>,
        tpu.vector_store %arg11[%parallel_loop3A_365, %parallel_loop3A_366], %parallel_loop3A_364 {strides = array<i32>} : memref<64x128xf32, #tpu.memory_space<vmem>>, vector<16xf32>,
        %parallel_loop3A_368 = arith.index_cast %parallel_loop3A_348 : i32 to index
        %parallel_loop3A_369 = arith.constant 32 : index
        %parallel_loop3A_370 = tpu.vector_load %arg11[%parallel_loop3A_368, %parallel_loop3A_369] {strides = array<i32>} : memref<64x128xf32, #tpu.memory_space<vmem>>, vector<16xf32>,
        %parallel_loop3A_371 = arith.mulf %parallel_loop3A_370, %parallel_loop3A_353 : vector<16xf32>
        %parallel_loop3A_372 = arith.index_cast %parallel_loop3A_348 : i32 to index
        %parallel_loop3A_373 = arith.constant 32 : index
        %parallel_loop3A_374 = tpu.vector_load %arg11[%parallel_loop3A_372, %parallel_loop3A_373] {strides = array<i32>} : memref<64x128xf32, #tpu.memory_space<vmem>>, vector<16xf32>,
        tpu.vector_store %arg11[%parallel_loop3A_372, %parallel_loop3A_373], %parallel_loop3A_371 {strides = array<i32>} : memref<64x128xf32, #tpu.memory_space<vmem>>, vector<16xf32>,
        %parallel_loop3A_375 = arith.index_cast %parallel_loop3A_348 : i32 to index
        %parallel_loop3A_376 = arith.constant 48 : index
        %parallel_loop3A_377 = tpu.vector_load %arg11[%parallel_loop3A_375, %parallel_loop3A_376] {strides = array<i32>} : memref<64x128xf32, #tpu.memory_space<vmem>>, vector<16xf32>,
        %parallel_loop3A_378 = arith.mulf %parallel_loop3A_377, %parallel_loop3A_353 : vector<16xf32>
        %parallel_loop3A_379 = arith.index_cast %parallel_loop3A_348 : i32 to index
        %parallel_loop3A_380 = arith.constant 48 : index
        %parallel_loop3A_381 = tpu.vector_load %arg11[%parallel_loop3A_379, %parallel_loop3A_380] {strides = array<i32>} : memref<64x128xf32, #tpu.memory_space<vmem>>, vector<16xf32>,
        tpu.vector_store %arg11[%parallel_loop3A_379, %parallel_loop3A_380], %parallel_loop3A_378 {strides = array<i32>} : memref<64x128xf32, #tpu.memory_space<vmem>>, vector<16xf32>,
        %parallel_loop3A_382 = arith.index_cast %parallel_loop3A_348 : i32 to index
        %parallel_loop3A_383 = arith.constant 64 : index
        %parallel_loop3A_384 = tpu.vector_load %arg11[%parallel_loop3A_382, %parallel_loop3A_383] {strides = array<i32>} : memref<64x128xf32, #tpu.memory_space<vmem>>, vector<16xf32>,
        %parallel_loop3A_385 = arith.mulf %parallel_loop3A_384, %parallel_loop3A_353 : vector<16xf32>
        %parallel_loop3A_386 = arith.index_cast %parallel_loop3A_348 : i32 to index
        %parallel_loop3A_387 = arith.constant 64 : index
        %parallel_loop3A_388 = tpu.vector_load %arg11[%parallel_loop3A_386, %parallel_loop3A_387] {strides = array<i32>} : memref<64x128xf32, #tpu.memory_space<vmem>>, vector<16xf32>,
        tpu.vector_store %arg11[%parallel_loop3A_386, %parallel_loop3A_387], %parallel_loop3A_385 {strides = array<i32>} : memref<64x128xf32, #tpu.memory_space<vmem>>, vector<16xf32>,
        %parallel_loop3A_389 = arith.index_cast %parallel_loop3A_348 : i32 to index
        %parallel_loop3A_390 = arith.constant 80 : index
        %parallel_loop3A_391 = tpu.vector_load %arg11[%parallel_loop3A_389, %parallel_loop3A_390] {strides = array<i32>} : memref<64x128xf32, #tpu.memory_space<vmem>>, vector<16xf32>,
        %parallel_loop3A_392 = arith.mulf %parallel_loop3A_391, %parallel_loop3A_353 : vector<16xf32>
        %parallel_loop3A_393 = arith.index_cast %parallel_loop3A_348 : i32 to index
        %parallel_loop3A_394 = arith.constant 80 : index
        %parallel_loop3A_395 = tpu.vector_load %arg11[%parallel_loop3A_393, %parallel_loop3A_394] {strides = array<i32>} : memref<64x128xf32, #tpu.memory_space<vmem>>, vector<16xf32>,
        tpu.vector_store %arg11[%parallel_loop3A_393, %parallel_loop3A_394], %parallel_loop3A_392 {strides = array<i32>} : memref<64x128xf32, #tpu.memory_space<vmem>>, vector<16xf32>,
        %parallel_loop3A_396 = arith.index_cast %parallel_loop3A_348 : i32 to index
        %parallel_loop3A_397 = arith.constant 96 : index
        %parallel_loop3A_398 = tpu.vector_load %arg11[%parallel_loop3A_396, %parallel_loop3A_397] {strides = array<i32>} : memref<64x128xf32, #tpu.memory_space<vmem>>, vector<16xf32>,
        %parallel_loop3A_399 = arith.mulf %parallel_loop3A_398, %parallel_loop3A_353 : vector<16xf32>
        %parallel_loop3A_400 = arith.index_cast %parallel_loop3A_348 : i32 to index
        %parallel_loop3A_401 = arith.constant 96 : index
        %parallel_loop3A_402 = tpu.vector_load %arg11[%parallel_loop3A_400, %parallel_loop3A_401] {strides = array<i32>} : memref<64x128xf32, #tpu.memory_space<vmem>>, vector<16xf32>,
        tpu.vector_store %arg11[%parallel_loop3A_400, %parallel_loop3A_401], %parallel_loop3A_399 {strides = array<i32>} : memref<64x128xf32, #tpu.memory_space<vmem>>, vector<16xf32>,
        %parallel_loop3A_403 = arith.index_cast %parallel_loop3A_348 : i32 to index
        %parallel_loop3A_404 = arith.constant 112 : index
        %parallel_loop3A_405 = tpu.vector_load %arg11[%parallel_loop3A_403, %parallel_loop3A_404] {strides = array<i32>} : memref<64x128xf32, #tpu.memory_space<vmem>>, vector<16xf32>,
        %parallel_loop3A_406 = arith.mulf %parallel_loop3A_405, %parallel_loop3A_353 : vector<16xf32>
        %parallel_loop3A_407 = arith.index_cast %parallel_loop3A_348 : i32 to index
        %parallel_loop3A_408 = arith.constant 112 : index
        %parallel_loop3A_409 = tpu.vector_load %arg11[%parallel_loop3A_407, %parallel_loop3A_408] {strides = array<i32>} : memref<64x128xf32, #tpu.memory_space<vmem>>, vector<16xf32>,
        tpu.vector_store %arg11[%parallel_loop3A_407, %parallel_loop3A_408], %parallel_loop3A_406 {strides = array<i32>} : memref<64x128xf32, #tpu.memory_space<vmem>>, vector<16xf32>,
      } {sc.loop_unroll_factor = 4 : i64, sc.parallel_access}
      %get3A_288 = arith.index_cast %add3A_198 : i32 to index
      %get3A_289 = arith.constant 64 : index
      %get3A_290 = tpu.vector_load %arg8[%get3A_288, %get3A_289] {strides = array<i32>} : memref<79x128xi32, #tpu.memory_space<vmem>>, vector<16xi32>,
      %dma_start3A_291 = arith.constant 0 : i32
      %dma_start3A_292 = arith.constant 0 : i32
      %dma_start3A_293 = tpu.memref_slice %arg11[%dma_start3A_291, %dma_start3A_292] : memref<64x128xf32, #tpu.memory_space<vmem>> -> memref<16x128xf32, #tpu.memory_space<vmem>>
      %dma_start3A_294 = arith.constant 0 : i32
      %dma_start3A_295 = arith.constant 0 : i32
      %dma_start3A_296 = tpu.memref_slice %arg12[%dma_start3A_294, %dma_start3A_295] : memref<10112x128xf32, #tpu.memory_space<vmem_shared>> -> memref<10112x128xf32, #tpu.memory_space<vmem_shared>>
      tpu.enqueue_indirect_dma source(%dma_start3A_293 : memref<16x128xf32, #tpu.memory_space<vmem>>) target(%dma_start3A_296 : memref<10112x128xf32, #tpu.memory_space<vmem_shared>>) offsets(%get3A_290 : vector<16xi32>) semaphore(%arg14 : memref<!tpu.dma_semaphore, #tpu.memory_space<semaphore_mem>>) {add = true}
      %get3A_297 = arith.index_cast %add3A_198 : i32 to index
      %get3A_298 = arith.constant 80 : index
      %get3A_299 = tpu.vector_load %arg8[%get3A_297, %get3A_298] {strides = array<i32>} : memref<79x128xi32, #tpu.memory_space<vmem>>, vector<16xi32>,
      %dma_start3A_300 = arith.constant 16 : i32
      %dma_start3A_301 = arith.constant 0 : i32
      %dma_start3A_302 = tpu.memref_slice %arg11[%dma_start3A_300, %dma_start3A_301] : memref<64x128xf32, #tpu.memory_space<vmem>> -> memref<16x128xf32, #tpu.memory_space<vmem>>
      %dma_start3A_303 = arith.constant 0 : i32
      %dma_start3A_304 = arith.constant 0 : i32
      %dma_start3A_305 = tpu.memref_slice %arg12[%dma_start3A_303, %dma_start3A_304] : memref<10112x128xf32, #tpu.memory_space<vmem_shared>> -> memref<10112x128xf32, #tpu.memory_space<vmem_shared>>
      tpu.enqueue_indirect_dma source(%dma_start3A_302 : memref<16x128xf32, #tpu.memory_space<vmem>>) target(%dma_start3A_305 : memref<10112x128xf32, #tpu.memory_space<vmem_shared>>) offsets(%get3A_299 : vector<16xi32>) semaphore(%arg14 : memref<!tpu.dma_semaphore, #tpu.memory_space<semaphore_mem>>) {add = true}
      %get3A_306 = arith.index_cast %add3A_198 : i32 to index
      %get3A_307 = arith.constant 96 : index
      %get3A_308 = tpu.vector_load %arg8[%get3A_306, %get3A_307] {strides = array<i32>} : memref<79x128xi32, #tpu.memory_space<vmem>>, vector<16xi32>,
      %dma_start3A_309 = arith.constant 32 : i32
      %dma_start3A_310 = arith.constant 0 : i32
      %dma_start3A_311 = tpu.memref_slice %arg11[%dma_start3A_309, %dma_start3A_310] : memref<64x128xf32, #tpu.memory_space<vmem>> -> memref<16x128xf32, #tpu.memory_space<vmem>>
      %dma_start3A_312 = arith.constant 0 : i32
      %dma_start3A_313 = arith.constant 0 : i32
      %dma_start3A_314 = tpu.memref_slice %arg12[%dma_start3A_312, %dma_start3A_313] : memref<10112x128xf32, #tpu.memory_space<vmem_shared>> -> memref<10112x128xf32, #tpu.memory_space<vmem_shared>>
      tpu.enqueue_indirect_dma source(%dma_start3A_311 : memref<16x128xf32, #tpu.memory_space<vmem>>) target(%dma_start3A_314 : memref<10112x128xf32, #tpu.memory_space<vmem_shared>>) offsets(%get3A_308 : vector<16xi32>) semaphore(%arg14 : memref<!tpu.dma_semaphore, #tpu.memory_space<semaphore_mem>>) {add = true}
      %get3A_315 = arith.index_cast %add3A_198 : i32 to index
      %get3A_316 = arith.constant 112 : index
      %get3A_317 = tpu.vector_load %arg8[%get3A_315, %get3A_316] {strides = array<i32>} : memref<79x128xi32, #tpu.memory_space<vmem>>, vector<16xi32>,
      %dma_start3A_318 = arith.constant 48 : i32
      %dma_start3A_319 = arith.constant 0 : i32
      %dma_start3A_320 = tpu.memref_slice %arg11[%dma_start3A_318, %dma_start3A_319] : memref<64x128xf32, #tpu.memory_space<vmem>> -> memref<16x128xf32, #tpu.memory_space<vmem>>
      %dma_start3A_321 = arith.constant 0 : i32
      %dma_start3A_322 = arith.constant 0 : i32
      %dma_start3A_323 = tpu.memref_slice %arg12[%dma_start3A_321, %dma_start3A_322] : memref<10112x128xf32, #tpu.memory_space<vmem_shared>> -> memref<10112x128xf32, #tpu.memory_space<vmem_shared>>
      tpu.enqueue_indirect_dma source(%dma_start3A_320 : memref<16x128xf32, #tpu.memory_space<vmem>>) target(%dma_start3A_323 : memref<10112x128xf32, #tpu.memory_space<vmem_shared>>) offsets(%get3A_317 : vector<16xi32>) semaphore(%arg14 : memref<!tpu.dma_semaphore, #tpu.memory_space<semaphore_mem>>) {add = true}
      %dma_wait3A_324 = arith.constant 0 : i32
      %dma_wait3A_325 = arith.constant 0 : i32
      %dma_wait3A_326 = tpu.memref_slice %arg11[%dma_wait3A_324, %dma_wait3A_325] : memref<64x128xf32, #tpu.memory_space<vmem>> -> memref<16x128xf32, #tpu.memory_space<vmem>>
      %dma_wait3A_327 = arith.constant 0 : i32
      %dma_wait3A_328 = arith.constant 0 : i32
      %dma_wait3A_329 = tpu.memref_slice %arg12[%dma_wait3A_327, %dma_wait3A_328] : memref<10112x128xf32, #tpu.memory_space<vmem_shared>> -> memref<10112x128xf32, #tpu.memory_space<vmem_shared>>
      tpu.wait_indirect_dma semaphore(%arg14 : memref<!tpu.dma_semaphore, #tpu.memory_space<semaphore_mem>>) src(%dma_wait3A_326 : memref<16x128xf32, #tpu.memory_space<vmem>>) dst(%dma_wait3A_329 : memref<10112x128xf32, #tpu.memory_space<vmem_shared>>)
      %dma_wait3A_330 = arith.constant 16 : i32
      %dma_wait3A_331 = arith.constant 0 : i32
      %dma_wait3A_332 = tpu.memref_slice %arg11[%dma_wait3A_330, %dma_wait3A_331] : memref<64x128xf32, #tpu.memory_space<vmem>> -> memref<16x128xf32, #tpu.memory_space<vmem>>
      %dma_wait3A_333 = arith.constant 0 : i32
      %dma_wait3A_334 = arith.constant 0 : i32
      %dma_wait3A_335 = tpu.memref_slice %arg12[%dma_wait3A_333, %dma_wait3A_334] : memref<10112x128xf32, #tpu.memory_space<vmem_shared>> -> memref<10112x128xf32, #tpu.memory_space<vmem_shared>>
      tpu.wait_indirect_dma semaphore(%arg14 : memref<!tpu.dma_semaphore, #tpu.memory_space<semaphore_mem>>) src(%dma_wait3A_332 : memref<16x128xf32, #tpu.memory_space<vmem>>) dst(%dma_wait3A_335 : memref<10112x128xf32, #tpu.memory_space<vmem_shared>>)
      %dma_wait3A_336 = arith.constant 32 : i32
      %dma_wait3A_337 = arith.constant 0 : i32
      %dma_wait3A_338 = tpu.memref_slice %arg11[%dma_wait3A_336, %dma_wait3A_337] : memref<64x128xf32, #tpu.memory_space<vmem>> -> memref<16x128xf32, #tpu.memory_space<vmem>>
      %dma_wait3A_339 = arith.constant 0 : i32
      %dma_wait3A_340 = arith.constant 0 : i32
      %dma_wait3A_341 = tpu.memref_slice %arg12[%dma_wait3A_339, %dma_wait3A_340] : memref<10112x128xf32, #tpu.memory_space<vmem_shared>> -> memref<10112x128xf32, #tpu.memory_space<vmem_shared>>
      tpu.wait_indirect_dma semaphore(%arg14 : memref<!tpu.dma_semaphore, #tpu.memory_space<semaphore_mem>>) src(%dma_wait3A_338 : memref<16x128xf32, #tpu.memory_space<vmem>>) dst(%dma_wait3A_341 : memref<10112x128xf32, #tpu.memory_space<vmem_shared>>)
      %dma_wait3A_342 = arith.constant 48 : i32
      %dma_wait3A_343 = arith.constant 0 : i32
      %dma_wait3A_344 = tpu.memref_slice %arg11[%dma_wait3A_342, %dma_wait3A_343] : memref<64x128xf32, #tpu.memory_space<vmem>> -> memref<16x128xf32, #tpu.memory_space<vmem>>
      %dma_wait3A_345 = arith.constant 0 : i32
      %dma_wait3A_346 = arith.constant 0 : i32
      %dma_wait3A_347 = tpu.memref_slice %arg12[%dma_wait3A_345, %dma_wait3A_346] : memref<10112x128xf32, #tpu.memory_space<vmem_shared>> -> memref<10112x128xf32, #tpu.memory_space<vmem_shared>>
      tpu.wait_indirect_dma semaphore(%arg14 : memref<!tpu.dma_semaphore, #tpu.memory_space<semaphore_mem>>) src(%dma_wait3A_344 : memref<16x128xf32, #tpu.memory_space<vmem>>) dst(%dma_wait3A_347 : memref<10112x128xf32, #tpu.memory_space<vmem_shared>>)
    }
    %scan3A_102 = arith.constant 79 : i32
    %barrier3A_103 = arith.constant 0 : index
    tpu.barrier barrier_id(%barrier3A_103)
    %mul3A_104 = arith.constant 10 : i32
    %mul3A_105 = arith.muli %arg1, %mul3A_104 : i32
    %add3A_106 = arith.constant 0 : i32
    %add3A_107 = arith.addi %mul3A_105, %add3A_106 : i32
    %lt3A_108 = arith.constant 158 : i32
    %lt3A_109 = arith.cmpi slt, %add3A_107, %lt3A_108 : i32
    %convert_element_type3A_110 = arith.extui %lt3A_109 : i1 to i32
    %cond3A_111 = arith.constant 0 : i32
    %cond3A_112 = arith.cmpi ne, %convert_element_type3A_110, %cond3A_111 : i32
    scf.if %cond3A_112 {
      %mul3A_194 = arith.constant 64 : i32
      %mul3A_195 = arith.muli %add3A_107, %mul3A_194 : i32
      %mul3A_196 = arith.constant 64 : i32
      %mul3A_197 = arith.muli %add3A_107, %mul3A_196 : i32
      "tpu.region"() ({
        %run_scoped3A = tpu.sem_alloc : memref<!tpu.dma_semaphore, #tpu.memory_space<semaphore_mem>>
        %dma_start3A_198 = arith.constant 0 : i32
        %dma_start3A_199 = tpu.memref_slice %arg6[%arg0, %mul3A_197, %dma_start3A_198] : memref<2x10112x128xf32, #tpu.memory_space<hbm>> -> memref<1x64x128xf32, #tpu.memory_space<hbm>>
        %dma_start3A_200 = tpu.memref_squeeze %dma_start3A_199 : memref<1x64x128xf32, #tpu.memory_space<hbm>> -> memref<64x128xf32, #tpu.memory_space<hbm>>
        %dma_start3A_201 = arith.constant 0 : i32
        %dma_start3A_202 = tpu.memref_slice %arg12[%mul3A_195, %dma_start3A_201] : memref<10112x128xf32, #tpu.memory_space<vmem_shared>> -> memref<64x128xf32, #tpu.memory_space<vmem_shared>>
        tpu.enqueue_dma source(%dma_start3A_202 : memref<64x128xf32, #tpu.memory_space<vmem_shared>>) target(%dma_start3A_200 : memref<64x128xf32, #tpu.memory_space<hbm>>) target_semaphore(%run_scoped3A : memref<!tpu.dma_semaphore, #tpu.memory_space<semaphore_mem>>)
        %dma_wait3A = arith.constant 0 : i32
        %dma_wait3A_203 = tpu.memref_slice %arg6[%arg0, %mul3A_197, %dma_wait3A] : memref<2x10112x128xf32, #tpu.memory_space<hbm>> -> memref<1x64x128xf32, #tpu.memory_space<hbm>>
        %dma_wait3A_204 = tpu.memref_squeeze %dma_wait3A_203 : memref<1x64x128xf32, #tpu.memory_space<hbm>> -> memref<64x128xf32, #tpu.memory_space<hbm>>
        %dma_wait3A_205 = arith.constant 0 : i32
        %dma_wait3A_206 = tpu.memref_slice %arg12[%mul3A_195, %dma_wait3A_205] : memref<10112x128xf32, #tpu.memory_space<vmem_shared>> -> memref<64x128xf32, #tpu.memory_space<vmem_shared>>
        tpu.wait_dma2 semaphore(%run_scoped3A : memref<!tpu.dma_semaphore, #tpu.memory_space<semaphore_mem>>) src(%dma_wait3A_206 : memref<64x128xf32, #tpu.memory_space<vmem_shared>>) dst(%dma_wait3A_204 : memref<64x128xf32, #tpu.memory_space<hbm>>)
        tpu.yield
      }) : () -> ()
    } else {
    }
    %mul3A_113 = arith.constant 10 : i32
    %mul3A_114 = arith.muli %arg1, %mul3A_113 : i32
    %add3A_115 = arith.constant 1 : i32
    %add3A_116 = arith.addi %mul3A_114, %add3A_115 : i32
    %lt3A_117 = arith.constant 158 : i32
    %lt3A_118 = arith.cmpi slt, %add3A_116, %lt3A_117 : i32
    %convert_element_type3A_119 = arith.extui %lt3A_118 : i1 to i32
    %cond3A_120 = arith.constant 0 : i32
    %cond3A_121 = arith.cmpi ne, %convert_element_type3A_119, %cond3A_120 : i32
    scf.if %cond3A_121 {
      %mul3A_194 = arith.constant 64 : i32
      %mul3A_195 = arith.muli %add3A_116, %mul3A_194 : i32
      %mul3A_196 = arith.constant 64 : i32
      %mul3A_197 = arith.muli %add3A_116, %mul3A_196 : i32
      "tpu.region"() ({
        %run_scoped3A = tpu.sem_alloc : memref<!tpu.dma_semaphore, #tpu.memory_space<semaphore_mem>>
        %dma_start3A_198 = arith.constant 0 : i32
        %dma_start3A_199 = tpu.memref_slice %arg6[%arg0, %mul3A_197, %dma_start3A_198] : memref<2x10112x128xf32, #tpu.memory_space<hbm>> -> memref<1x64x128xf32, #tpu.memory_space<hbm>>
        %dma_start3A_200 = tpu.memref_squeeze %dma_start3A_199 : memref<1x64x128xf32, #tpu.memory_space<hbm>> -> memref<64x128xf32, #tpu.memory_space<hbm>>
        %dma_start3A_201 = arith.constant 0 : i32
        %dma_start3A_202 = tpu.memref_slice %arg12[%mul3A_195, %dma_start3A_201] : memref<10112x128xf32, #tpu.memory_space<vmem_shared>> -> memref<64x128xf32, #tpu.memory_space<vmem_shared>>
        tpu.enqueue_dma source(%dma_start3A_202 : memref<64x128xf32, #tpu.memory_space<vmem_shared>>) target(%dma_start3A_200 : memref<64x128xf32, #tpu.memory_space<hbm>>) target_semaphore(%run_scoped3A : memref<!tpu.dma_semaphore, #tpu.memory_space<semaphore_mem>>)
        %dma_wait3A = arith.constant 0 : i32
        %dma_wait3A_203 = tpu.memref_slice %arg6[%arg0, %mul3A_197, %dma_wait3A] : memref<2x10112x128xf32, #tpu.memory_space<hbm>> -> memref<1x64x128xf32, #tpu.memory_space<hbm>>
        %dma_wait3A_204 = tpu.memref_squeeze %dma_wait3A_203 : memref<1x64x128xf32, #tpu.memory_space<hbm>> -> memref<64x128xf32, #tpu.memory_space<hbm>>
        %dma_wait3A_205 = arith.constant 0 : i32
        %dma_wait3A_206 = tpu.memref_slice %arg12[%mul3A_195, %dma_wait3A_205] : memref<10112x128xf32, #tpu.memory_space<vmem_shared>> -> memref<64x128xf32, #tpu.memory_space<vmem_shared>>
        tpu.wait_dma2 semaphore(%run_scoped3A : memref<!tpu.dma_semaphore, #tpu.memory_space<semaphore_mem>>) src(%dma_wait3A_206 : memref<64x128xf32, #tpu.memory_space<vmem_shared>>) dst(%dma_wait3A_204 : memref<64x128xf32, #tpu.memory_space<hbm>>)
        tpu.yield
      }) : () -> ()
    } else {
    }
    %mul3A_122 = arith.constant 10 : i32
    %mul3A_123 = arith.muli %arg1, %mul3A_122 : i32
    %add3A_124 = arith.constant 2 : i32
    %add3A_125 = arith.addi %mul3A_123, %add3A_124 : i32
    %lt3A_126 = arith.constant 158 : i32
    %lt3A_127 = arith.cmpi slt, %add3A_125, %lt3A_126 : i32
    %convert_element_type3A_128 = arith.extui %lt3A_127 : i1 to i32
    %cond3A_129 = arith.constant 0 : i32
    %cond3A_130 = arith.cmpi ne, %convert_element_type3A_128, %cond3A_129 : i32
    scf.if %cond3A_130 {
      %mul3A_194 = arith.constant 64 : i32
      %mul3A_195 = arith.muli %add3A_125, %mul3A_194 : i32
      %mul3A_196 = arith.constant 64 : i32
      %mul3A_197 = arith.muli %add3A_125, %mul3A_196 : i32
      "tpu.region"() ({
        %run_scoped3A = tpu.sem_alloc : memref<!tpu.dma_semaphore, #tpu.memory_space<semaphore_mem>>
        %dma_start3A_198 = arith.constant 0 : i32
        %dma_start3A_199 = tpu.memref_slice %arg6[%arg0, %mul3A_197, %dma_start3A_198] : memref<2x10112x128xf32, #tpu.memory_space<hbm>> -> memref<1x64x128xf32, #tpu.memory_space<hbm>>
        %dma_start3A_200 = tpu.memref_squeeze %dma_start3A_199 : memref<1x64x128xf32, #tpu.memory_space<hbm>> -> memref<64x128xf32, #tpu.memory_space<hbm>>
        %dma_start3A_201 = arith.constant 0 : i32
        %dma_start3A_202 = tpu.memref_slice %arg12[%mul3A_195, %dma_start3A_201] : memref<10112x128xf32, #tpu.memory_space<vmem_shared>> -> memref<64x128xf32, #tpu.memory_space<vmem_shared>>
        tpu.enqueue_dma source(%dma_start3A_202 : memref<64x128xf32, #tpu.memory_space<vmem_shared>>) target(%dma_start3A_200 : memref<64x128xf32, #tpu.memory_space<hbm>>) target_semaphore(%run_scoped3A : memref<!tpu.dma_semaphore, #tpu.memory_space<semaphore_mem>>)
        %dma_wait3A = arith.constant 0 : i32
        %dma_wait3A_203 = tpu.memref_slice %arg6[%arg0, %mul3A_197, %dma_wait3A] : memref<2x10112x128xf32, #tpu.memory_space<hbm>> -> memref<1x64x128xf32, #tpu.memory_space<hbm>>
        %dma_wait3A_204 = tpu.memref_squeeze %dma_wait3A_203 : memref<1x64x128xf32, #tpu.memory_space<hbm>> -> memref<64x128xf32, #tpu.memory_space<hbm>>
        %dma_wait3A_205 = arith.constant 0 : i32
        %dma_wait3A_206 = tpu.memref_slice %arg12[%mul3A_195, %dma_wait3A_205] : memref<10112x128xf32, #tpu.memory_space<vmem_shared>> -> memref<64x128xf32, #tpu.memory_space<vmem_shared>>
        tpu.wait_dma2 semaphore(%run_scoped3A : memref<!tpu.dma_semaphore, #tpu.memory_space<semaphore_mem>>) src(%dma_wait3A_206 : memref<64x128xf32, #tpu.memory_space<vmem_shared>>) dst(%dma_wait3A_204 : memref<64x128xf32, #tpu.memory_space<hbm>>)
        tpu.yield
      }) : () -> ()
    } else {
    }
    %mul3A_131 = arith.constant 10 : i32
    %mul3A_132 = arith.muli %arg1, %mul3A_131 : i32
    %add3A_133 = arith.constant 3 : i32
    %add3A_134 = arith.addi %mul3A_132, %add3A_133 : i32
    %lt3A_135 = arith.constant 158 : i32
    %lt3A_136 = arith.cmpi slt, %add3A_134, %lt3A_135 : i32
    %convert_element_type3A_137 = arith.extui %lt3A_136 : i1 to i32
    %cond3A_138 = arith.constant 0 : i32
    %cond3A_139 = arith.cmpi ne, %convert_element_type3A_137, %cond3A_138 : i32
    scf.if %cond3A_139 {
      %mul3A_194 = arith.constant 64 : i32
      %mul3A_195 = arith.muli %add3A_134, %mul3A_194 : i32
      %mul3A_196 = arith.constant 64 : i32
      %mul3A_197 = arith.muli %add3A_134, %mul3A_196 : i32
      "tpu.region"() ({
        %run_scoped3A = tpu.sem_alloc : memref<!tpu.dma_semaphore, #tpu.memory_space<semaphore_mem>>
        %dma_start3A_198 = arith.constant 0 : i32
        %dma_start3A_199 = tpu.memref_slice %arg6[%arg0, %mul3A_197, %dma_start3A_198] : memref<2x10112x128xf32, #tpu.memory_space<hbm>> -> memref<1x64x128xf32, #tpu.memory_space<hbm>>
        %dma_start3A_200 = tpu.memref_squeeze %dma_start3A_199 : memref<1x64x128xf32, #tpu.memory_space<hbm>> -> memref<64x128xf32, #tpu.memory_space<hbm>>
        %dma_start3A_201 = arith.constant 0 : i32
        %dma_start3A_202 = tpu.memref_slice %arg12[%mul3A_195, %dma_start3A_201] : memref<10112x128xf32, #tpu.memory_space<vmem_shared>> -> memref<64x128xf32, #tpu.memory_space<vmem_shared>>
        tpu.enqueue_dma source(%dma_start3A_202 : memref<64x128xf32, #tpu.memory_space<vmem_shared>>) target(%dma_start3A_200 : memref<64x128xf32, #tpu.memory_space<hbm>>) target_semaphore(%run_scoped3A : memref<!tpu.dma_semaphore, #tpu.memory_space<semaphore_mem>>)
        %dma_wait3A = arith.constant 0 : i32
        %dma_wait3A_203 = tpu.memref_slice %arg6[%arg0, %mul3A_197, %dma_wait3A] : memref<2x10112x128xf32, #tpu.memory_space<hbm>> -> memref<1x64x128xf32, #tpu.memory_space<hbm>>
        %dma_wait3A_204 = tpu.memref_squeeze %dma_wait3A_203 : memref<1x64x128xf32, #tpu.memory_space<hbm>> -> memref<64x128xf32, #tpu.memory_space<hbm>>
        %dma_wait3A_205 = arith.constant 0 : i32
        %dma_wait3A_206 = tpu.memref_slice %arg12[%mul3A_195, %dma_wait3A_205] : memref<10112x128xf32, #tpu.memory_space<vmem_shared>> -> memref<64x128xf32, #tpu.memory_space<vmem_shared>>
        tpu.wait_dma2 semaphore(%run_scoped3A : memref<!tpu.dma_semaphore, #tpu.memory_space<semaphore_mem>>) src(%dma_wait3A_206 : memref<64x128xf32, #tpu.memory_space<vmem_shared>>) dst(%dma_wait3A_204 : memref<64x128xf32, #tpu.memory_space<hbm>>)
        tpu.yield
      }) : () -> ()
    } else {
    }
    %mul3A_140 = arith.constant 10 : i32
    %mul3A_141 = arith.muli %arg1, %mul3A_140 : i32
    %add3A_142 = arith.constant 4 : i32
    %add3A_143 = arith.addi %mul3A_141, %add3A_142 : i32
    %lt3A_144 = arith.constant 158 : i32
    %lt3A_145 = arith.cmpi slt, %add3A_143, %lt3A_144 : i32
    %convert_element_type3A_146 = arith.extui %lt3A_145 : i1 to i32
    %cond3A_147 = arith.constant 0 : i32
    %cond3A_148 = arith.cmpi ne, %convert_element_type3A_146, %cond3A_147 : i32
    scf.if %cond3A_148 {
      %mul3A_194 = arith.constant 64 : i32
      %mul3A_195 = arith.muli %add3A_143, %mul3A_194 : i32
      %mul3A_196 = arith.constant 64 : i32
      %mul3A_197 = arith.muli %add3A_143, %mul3A_196 : i32
      "tpu.region"() ({
        %run_scoped3A = tpu.sem_alloc : memref<!tpu.dma_semaphore, #tpu.memory_space<semaphore_mem>>
        %dma_start3A_198 = arith.constant 0 : i32
        %dma_start3A_199 = tpu.memref_slice %arg6[%arg0, %mul3A_197, %dma_start3A_198] : memref<2x10112x128xf32, #tpu.memory_space<hbm>> -> memref<1x64x128xf32, #tpu.memory_space<hbm>>
        %dma_start3A_200 = tpu.memref_squeeze %dma_start3A_199 : memref<1x64x128xf32, #tpu.memory_space<hbm>> -> memref<64x128xf32, #tpu.memory_space<hbm>>
        %dma_start3A_201 = arith.constant 0 : i32
        %dma_start3A_202 = tpu.memref_slice %arg12[%mul3A_195, %dma_start3A_201] : memref<10112x128xf32, #tpu.memory_space<vmem_shared>> -> memref<64x128xf32, #tpu.memory_space<vmem_shared>>
        tpu.enqueue_dma source(%dma_start3A_202 : memref<64x128xf32, #tpu.memory_space<vmem_shared>>) target(%dma_start3A_200 : memref<64x128xf32, #tpu.memory_space<hbm>>) target_semaphore(%run_scoped3A : memref<!tpu.dma_semaphore, #tpu.memory_space<semaphore_mem>>)
        %dma_wait3A = arith.constant 0 : i32
        %dma_wait3A_203 = tpu.memref_slice %arg6[%arg0, %mul3A_197, %dma_wait3A] : memref<2x10112x128xf32, #tpu.memory_space<hbm>> -> memref<1x64x128xf32, #tpu.memory_space<hbm>>
        %dma_wait3A_204 = tpu.memref_squeeze %dma_wait3A_203 : memref<1x64x128xf32, #tpu.memory_space<hbm>> -> memref<64x128xf32, #tpu.memory_space<hbm>>
        %dma_wait3A_205 = arith.constant 0 : i32
        %dma_wait3A_206 = tpu.memref_slice %arg12[%mul3A_195, %dma_wait3A_205] : memref<10112x128xf32, #tpu.memory_space<vmem_shared>> -> memref<64x128xf32, #tpu.memory_space<vmem_shared>>
        tpu.wait_dma2 semaphore(%run_scoped3A : memref<!tpu.dma_semaphore, #tpu.memory_space<semaphore_mem>>) src(%dma_wait3A_206 : memref<64x128xf32, #tpu.memory_space<vmem_shared>>) dst(%dma_wait3A_204 : memref<64x128xf32, #tpu.memory_space<hbm>>)
        tpu.yield
      }) : () -> ()
    } else {
    }
    %mul3A_149 = arith.constant 10 : i32
    %mul3A_150 = arith.muli %arg1, %mul3A_149 : i32
    %add3A_151 = arith.constant 5 : i32
    %add3A_152 = arith.addi %mul3A_150, %add3A_151 : i32
    %lt3A_153 = arith.constant 158 : i32
    %lt3A_154 = arith.cmpi slt, %add3A_152, %lt3A_153 : i32
    %convert_element_type3A_155 = arith.extui %lt3A_154 : i1 to i32
    %cond3A_156 = arith.constant 0 : i32
    %cond3A_157 = arith.cmpi ne, %convert_element_type3A_155, %cond3A_156 : i32
    scf.if %cond3A_157 {
      %mul3A_194 = arith.constant 64 : i32
      %mul3A_195 = arith.muli %add3A_152, %mul3A_194 : i32
      %mul3A_196 = arith.constant 64 : i32
      %mul3A_197 = arith.muli %add3A_152, %mul3A_196 : i32
      "tpu.region"() ({
        %run_scoped3A = tpu.sem_alloc : memref<!tpu.dma_semaphore, #tpu.memory_space<semaphore_mem>>
        %dma_start3A_198 = arith.constant 0 : i32
        %dma_start3A_199 = tpu.memref_slice %arg6[%arg0, %mul3A_197, %dma_start3A_198] : memref<2x10112x128xf32, #tpu.memory_space<hbm>> -> memref<1x64x128xf32, #tpu.memory_space<hbm>>
        %dma_start3A_200 = tpu.memref_squeeze %dma_start3A_199 : memref<1x64x128xf32, #tpu.memory_space<hbm>> -> memref<64x128xf32, #tpu.memory_space<hbm>>
        %dma_start3A_201 = arith.constant 0 : i32
        %dma_start3A_202 = tpu.memref_slice %arg12[%mul3A_195, %dma_start3A_201] : memref<10112x128xf32, #tpu.memory_space<vmem_shared>> -> memref<64x128xf32, #tpu.memory_space<vmem_shared>>
        tpu.enqueue_dma source(%dma_start3A_202 : memref<64x128xf32, #tpu.memory_space<vmem_shared>>) target(%dma_start3A_200 : memref<64x128xf32, #tpu.memory_space<hbm>>) target_semaphore(%run_scoped3A : memref<!tpu.dma_semaphore, #tpu.memory_space<semaphore_mem>>)
        %dma_wait3A = arith.constant 0 : i32
        %dma_wait3A_203 = tpu.memref_slice %arg6[%arg0, %mul3A_197, %dma_wait3A] : memref<2x10112x128xf32, #tpu.memory_space<hbm>> -> memref<1x64x128xf32, #tpu.memory_space<hbm>>
        %dma_wait3A_204 = tpu.memref_squeeze %dma_wait3A_203 : memref<1x64x128xf32, #tpu.memory_space<hbm>> -> memref<64x128xf32, #tpu.memory_space<hbm>>
        %dma_wait3A_205 = arith.constant 0 : i32
        %dma_wait3A_206 = tpu.memref_slice %arg12[%mul3A_195, %dma_wait3A_205] : memref<10112x128xf32, #tpu.memory_space<vmem_shared>> -> memref<64x128xf32, #tpu.memory_space<vmem_shared>>
        tpu.wait_dma2 semaphore(%run_scoped3A : memref<!tpu.dma_semaphore, #tpu.memory_space<semaphore_mem>>) src(%dma_wait3A_206 : memref<64x128xf32, #tpu.memory_space<vmem_shared>>) dst(%dma_wait3A_204 : memref<64x128xf32, #tpu.memory_space<hbm>>)
        tpu.yield
      }) : () -> ()
    } else {
    }
    %mul3A_158 = arith.constant 10 : i32
    %mul3A_159 = arith.muli %arg1, %mul3A_158 : i32
    %add3A_160 = arith.constant 6 : i32
    %add3A_161 = arith.addi %mul3A_159, %add3A_160 : i32
    %lt3A_162 = arith.constant 158 : i32
    %lt3A_163 = arith.cmpi slt, %add3A_161, %lt3A_162 : i32
    %convert_element_type3A_164 = arith.extui %lt3A_163 : i1 to i32
    %cond3A_165 = arith.constant 0 : i32
    %cond3A_166 = arith.cmpi ne, %convert_element_type3A_164, %cond3A_165 : i32
    scf.if %cond3A_166 {
      %mul3A_194 = arith.constant 64 : i32
      %mul3A_195 = arith.muli %add3A_161, %mul3A_194 : i32
      %mul3A_196 = arith.constant 64 : i32
      %mul3A_197 = arith.muli %add3A_161, %mul3A_196 : i32
      "tpu.region"() ({
        %run_scoped3A = tpu.sem_alloc : memref<!tpu.dma_semaphore, #tpu.memory_space<semaphore_mem>>
        %dma_start3A_198 = arith.constant 0 : i32
        %dma_start3A_199 = tpu.memref_slice %arg6[%arg0, %mul3A_197, %dma_start3A_198] : memref<2x10112x128xf32, #tpu.memory_space<hbm>> -> memref<1x64x128xf32, #tpu.memory_space<hbm>>
        %dma_start3A_200 = tpu.memref_squeeze %dma_start3A_199 : memref<1x64x128xf32, #tpu.memory_space<hbm>> -> memref<64x128xf32, #tpu.memory_space<hbm>>
        %dma_start3A_201 = arith.constant 0 : i32
        %dma_start3A_202 = tpu.memref_slice %arg12[%mul3A_195, %dma_start3A_201] : memref<10112x128xf32, #tpu.memory_space<vmem_shared>> -> memref<64x128xf32, #tpu.memory_space<vmem_shared>>
        tpu.enqueue_dma source(%dma_start3A_202 : memref<64x128xf32, #tpu.memory_space<vmem_shared>>) target(%dma_start3A_200 : memref<64x128xf32, #tpu.memory_space<hbm>>) target_semaphore(%run_scoped3A : memref<!tpu.dma_semaphore, #tpu.memory_space<semaphore_mem>>)
        %dma_wait3A = arith.constant 0 : i32
        %dma_wait3A_203 = tpu.memref_slice %arg6[%arg0, %mul3A_197, %dma_wait3A] : memref<2x10112x128xf32, #tpu.memory_space<hbm>> -> memref<1x64x128xf32, #tpu.memory_space<hbm>>
        %dma_wait3A_204 = tpu.memref_squeeze %dma_wait3A_203 : memref<1x64x128xf32, #tpu.memory_space<hbm>> -> memref<64x128xf32, #tpu.memory_space<hbm>>
        %dma_wait3A_205 = arith.constant 0 : i32
        %dma_wait3A_206 = tpu.memref_slice %arg12[%mul3A_195, %dma_wait3A_205] : memref<10112x128xf32, #tpu.memory_space<vmem_shared>> -> memref<64x128xf32, #tpu.memory_space<vmem_shared>>
        tpu.wait_dma2 semaphore(%run_scoped3A : memref<!tpu.dma_semaphore, #tpu.memory_space<semaphore_mem>>) src(%dma_wait3A_206 : memref<64x128xf32, #tpu.memory_space<vmem_shared>>) dst(%dma_wait3A_204 : memref<64x128xf32, #tpu.memory_space<hbm>>)
        tpu.yield
      }) : () -> ()
    } else {
    }
    %mul3A_167 = arith.constant 10 : i32
    %mul3A_168 = arith.muli %arg1, %mul3A_167 : i32
    %add3A_169 = arith.constant 7 : i32
    %add3A_170 = arith.addi %mul3A_168, %add3A_169 : i32
    %lt3A_171 = arith.constant 158 : i32
    %lt3A_172 = arith.cmpi slt, %add3A_170, %lt3A_171 : i32
    %convert_element_type3A_173 = arith.extui %lt3A_172 : i1 to i32
    %cond3A_174 = arith.constant 0 : i32
    %cond3A_175 = arith.cmpi ne, %convert_element_type3A_173, %cond3A_174 : i32
    scf.if %cond3A_175 {
      %mul3A_194 = arith.constant 64 : i32
      %mul3A_195 = arith.muli %add3A_170, %mul3A_194 : i32
      %mul3A_196 = arith.constant 64 : i32
      %mul3A_197 = arith.muli %add3A_170, %mul3A_196 : i32
      "tpu.region"() ({
        %run_scoped3A = tpu.sem_alloc : memref<!tpu.dma_semaphore, #tpu.memory_space<semaphore_mem>>
        %dma_start3A_198 = arith.constant 0 : i32
        %dma_start3A_199 = tpu.memref_slice %arg6[%arg0, %mul3A_197, %dma_start3A_198] : memref<2x10112x128xf32, #tpu.memory_space<hbm>> -> memref<1x64x128xf32, #tpu.memory_space<hbm>>
        %dma_start3A_200 = tpu.memref_squeeze %dma_start3A_199 : memref<1x64x128xf32, #tpu.memory_space<hbm>> -> memref<64x128xf32, #tpu.memory_space<hbm>>
        %dma_start3A_201 = arith.constant 0 : i32
        %dma_start3A_202 = tpu.memref_slice %arg12[%mul3A_195, %dma_start3A_201] : memref<10112x128xf32, #tpu.memory_space<vmem_shared>> -> memref<64x128xf32, #tpu.memory_space<vmem_shared>>
        tpu.enqueue_dma source(%dma_start3A_202 : memref<64x128xf32, #tpu.memory_space<vmem_shared>>) target(%dma_start3A_200 : memref<64x128xf32, #tpu.memory_space<hbm>>) target_semaphore(%run_scoped3A : memref<!tpu.dma_semaphore, #tpu.memory_space<semaphore_mem>>)
        %dma_wait3A = arith.constant 0 : i32
        %dma_wait3A_203 = tpu.memref_slice %arg6[%arg0, %mul3A_197, %dma_wait3A] : memref<2x10112x128xf32, #tpu.memory_space<hbm>> -> memref<1x64x128xf32, #tpu.memory_space<hbm>>
        %dma_wait3A_204 = tpu.memref_squeeze %dma_wait3A_203 : memref<1x64x128xf32, #tpu.memory_space<hbm>> -> memref<64x128xf32, #tpu.memory_space<hbm>>
        %dma_wait3A_205 = arith.constant 0 : i32
        %dma_wait3A_206 = tpu.memref_slice %arg12[%mul3A_195, %dma_wait3A_205] : memref<10112x128xf32, #tpu.memory_space<vmem_shared>> -> memref<64x128xf32, #tpu.memory_space<vmem_shared>>
        tpu.wait_dma2 semaphore(%run_scoped3A : memref<!tpu.dma_semaphore, #tpu.memory_space<semaphore_mem>>) src(%dma_wait3A_206 : memref<64x128xf32, #tpu.memory_space<vmem_shared>>) dst(%dma_wait3A_204 : memref<64x128xf32, #tpu.memory_space<hbm>>)
        tpu.yield
      }) : () -> ()
    } else {
    }
    %mul3A_176 = arith.constant 10 : i32
    %mul3A_177 = arith.muli %arg1, %mul3A_176 : i32
    %add3A_178 = arith.constant 8 : i32
    %add3A_179 = arith.addi %mul3A_177, %add3A_178 : i32
    %lt3A_180 = arith.constant 158 : i32
    %lt3A_181 = arith.cmpi slt, %add3A_179, %lt3A_180 : i32
    %convert_element_type3A_182 = arith.extui %lt3A_181 : i1 to i32
    %cond3A_183 = arith.constant 0 : i32
    %cond3A_184 = arith.cmpi ne, %convert_element_type3A_182, %cond3A_183 : i32
    scf.if %cond3A_184 {
      %mul3A_194 = arith.constant 64 : i32
      %mul3A_195 = arith.muli %add3A_179, %mul3A_194 : i32
      %mul3A_196 = arith.constant 64 : i32
      %mul3A_197 = arith.muli %add3A_179, %mul3A_196 : i32
      "tpu.region"() ({
        %run_scoped3A = tpu.sem_alloc : memref<!tpu.dma_semaphore, #tpu.memory_space<semaphore_mem>>
        %dma_start3A_198 = arith.constant 0 : i32
        %dma_start3A_199 = tpu.memref_slice %arg6[%arg0, %mul3A_197, %dma_start3A_198] : memref<2x10112x128xf32, #tpu.memory_space<hbm>> -> memref<1x64x128xf32, #tpu.memory_space<hbm>>
        %dma_start3A_200 = tpu.memref_squeeze %dma_start3A_199 : memref<1x64x128xf32, #tpu.memory_space<hbm>> -> memref<64x128xf32, #tpu.memory_space<hbm>>
        %dma_start3A_201 = arith.constant 0 : i32
        %dma_start3A_202 = tpu.memref_slice %arg12[%mul3A_195, %dma_start3A_201] : memref<10112x128xf32, #tpu.memory_space<vmem_shared>> -> memref<64x128xf32, #tpu.memory_space<vmem_shared>>
        tpu.enqueue_dma source(%dma_start3A_202 : memref<64x128xf32, #tpu.memory_space<vmem_shared>>) target(%dma_start3A_200 : memref<64x128xf32, #tpu.memory_space<hbm>>) target_semaphore(%run_scoped3A : memref<!tpu.dma_semaphore, #tpu.memory_space<semaphore_mem>>)
        %dma_wait3A = arith.constant 0 : i32
        %dma_wait3A_203 = tpu.memref_slice %arg6[%arg0, %mul3A_197, %dma_wait3A] : memref<2x10112x128xf32, #tpu.memory_space<hbm>> -> memref<1x64x128xf32, #tpu.memory_space<hbm>>
        %dma_wait3A_204 = tpu.memref_squeeze %dma_wait3A_203 : memref<1x64x128xf32, #tpu.memory_space<hbm>> -> memref<64x128xf32, #tpu.memory_space<hbm>>
        %dma_wait3A_205 = arith.constant 0 : i32
        %dma_wait3A_206 = tpu.memref_slice %arg12[%mul3A_195, %dma_wait3A_205] : memref<10112x128xf32, #tpu.memory_space<vmem_shared>> -> memref<64x128xf32, #tpu.memory_space<vmem_shared>>
        tpu.wait_dma2 semaphore(%run_scoped3A : memref<!tpu.dma_semaphore, #tpu.memory_space<semaphore_mem>>) src(%dma_wait3A_206 : memref<64x128xf32, #tpu.memory_space<vmem_shared>>) dst(%dma_wait3A_204 : memref<64x128xf32, #tpu.memory_space<hbm>>)
        tpu.yield
      }) : () -> ()
    } else {
    }
    %mul3A_185 = arith.constant 10 : i32
    %mul3A_186 = arith.muli %arg1, %mul3A_185 : i32
    %add3A_187 = arith.constant 9 : i32
    %add3A_188 = arith.addi %mul3A_186, %add3A_187 : i32
    %lt3A_189 = arith.constant 158 : i32
    %lt3A_190 = arith.cmpi slt, %add3A_188, %lt3A_189 : i32
    %convert_element_type3A_191 = arith.extui %lt3A_190 : i1 to i32
    %cond3A_192 = arith.constant 0 : i32
    %cond3A_193 = arith.cmpi ne, %convert_element_type3A_191, %cond3A_192 : i32
    scf.if %cond3A_193 {
      %mul3A_194 = arith.constant 64 : i32
      %mul3A_195 = arith.muli %add3A_188, %mul3A_194 : i32
      %mul3A_196 = arith.constant 64 : i32
      %mul3A_197 = arith.muli %add3A_188, %mul3A_196 : i32
      "tpu.region"() ({
        %run_scoped3A = tpu.sem_alloc : memref<!tpu.dma_semaphore, #tpu.memory_space<semaphore_mem>>
        %dma_start3A_198 = arith.constant 0 : i32
        %dma_start3A_199 = tpu.memref_slice %arg6[%arg0, %mul3A_197, %dma_start3A_198] : memref<2x10112x128xf32, #tpu.memory_space<hbm>> -> memref<1x64x128xf32, #tpu.memory_space<hbm>>
        %dma_start3A_200 = tpu.memref_squeeze %dma_start3A_199 : memref<1x64x128xf32, #tpu.memory_space<hbm>> -> memref<64x128xf32, #tpu.memory_space<hbm>>
        %dma_start3A_201 = arith.constant 0 : i32
        %dma_start3A_202 = tpu.memref_slice %arg12[%mul3A_195, %dma_start3A_201] : memref<10112x128xf32, #tpu.memory_space<vmem_shared>> -> memref<64x128xf32, #tpu.memory_space<vmem_shared>>
        tpu.enqueue_dma source(%dma_start3A_202 : memref<64x128xf32, #tpu.memory_space<vmem_shared>>) target(%dma_start3A_200 : memref<64x128xf32, #tpu.memory_space<hbm>>) target_semaphore(%run_scoped3A : memref<!tpu.dma_semaphore, #tpu.memory_space<semaphore_mem>>)
        %dma_wait3A = arith.constant 0 : i32
        %dma_wait3A_203 = tpu.memref_slice %arg6[%arg0, %mul3A_197, %dma_wait3A] : memref<2x10112x128xf32, #tpu.memory_space<hbm>> -> memref<1x64x128xf32, #tpu.memory_space<hbm>>
        %dma_wait3A_204 = tpu.memref_squeeze %dma_wait3A_203 : memref<1x64x128xf32, #tpu.memory_space<hbm>> -> memref<64x128xf32, #tpu.memory_space<hbm>>
        %dma_wait3A_205 = arith.constant 0 : i32
        %dma_wait3A_206 = tpu.memref_slice %arg12[%mul3A_195, %dma_wait3A_205] : memref<10112x128xf32, #tpu.memory_space<vmem_shared>> -> memref<64x128xf32, #tpu.memory_space<vmem_shared>>
        tpu.wait_dma2 semaphore(%run_scoped3A : memref<!tpu.dma_semaphore, #tpu.memory_space<semaphore_mem>>) src(%dma_wait3A_206 : memref<64x128xf32, #tpu.memory_space<vmem_shared>>) dst(%dma_wait3A_204 : memref<64x128xf32, #tpu.memory_space<hbm>>)
        tpu.yield
      }) : () -> ()
    } else {
    }
    return
  }
}

module attributes {stable_mosaic.version = 14 : i64} {
  func.func @_tc_linear_body(%arg0: i32, %arg1: memref<2x1000x128xf32, #tpu.memory_space<vmem>>, %arg2: memref<128x128xf32, #tpu.memory_space<vmem>>, %arg3: memref<1x128xf32, #tpu.memory_space<vmem>>, %arg4: memref<1000x128xf32, #tpu.memory_space<vmem>>) attributes {dimension_semantics = [#tpu.dimension_semantics<arbitrary>], iteration_bounds = array<i64: 10>, scalar_prefetch = 0 : i64, scratch_operands = 0 : i64, tpu.core_type = #tpu.core_type<tc>, window_params = [{transform_indices = @transform_0, window_bounds = array<i64: 2, 1000, 128>}, {pipeline_mode = #tpu.pipeline_mode<synchronous>, transform_indices = @transform_1, window_bounds = array<i64: 128, 128>}, {pipeline_mode = #tpu.pipeline_mode<synchronous>, transform_indices = @transform_2, window_bounds = array<i64: 1, 128>}, {transform_indices = @transform_3, window_bounds = array<i64: 1000, 128>}]} {
    %get3A = arith.constant 0 : index
    %get3A_0 = arith.constant 0 : index
    %get3A_1 = arith.constant 0 : index
    %get3A_2 = vector.load %arg1[%get3A, %get3A_0, %get3A_1] : memref<2x1000x128xf32, #tpu.memory_space<vmem>>, vector<1x1000x128xf32>
    %get3A_3 = vector.shape_cast %get3A_2 : vector<1x1000x128xf32> to vector<1000x128xf32>
    %get3A_4 = arith.constant 1 : index
    %get3A_5 = arith.constant 0 : index
    %get3A_6 = arith.constant 0 : index
    %get3A_7 = vector.load %arg1[%get3A_4, %get3A_5, %get3A_6] : memref<2x1000x128xf32, #tpu.memory_space<vmem>>, vector<1x1000x128xf32>
    %get3A_8 = vector.shape_cast %get3A_7 : vector<1x1000x128xf32> to vector<1000x128xf32>
    %add3A = arith.addf %get3A_3, %get3A_8 : vector<1000x128xf32>
    %get3A_9 = arith.constant 0 : index
    %get3A_10 = arith.constant 0 : index
    %get3A_11 = vector.load %arg2[%get3A_9, %get3A_10] : memref<128x128xf32, #tpu.memory_space<vmem>>, vector<128x128xf32>
    %dot_general3A = arith.constant dense<0.000000e+00> : vector<1000x128xf32>
    %dot_general3A_12 = tpu.matmul %add3A, %get3A_11, %dot_general3A {dimension_numbers = #tpu.dot_dimension_numbers<[1], [1], [0], [0], [0, 0, 1, 0], [], []>, precision = #tpu.contract_precision<fp32>, transpose_lhs_hint = false} : vector<1000x128xf32>, vector<128x128xf32>, vector<1000x128xf32> -> vector<1000x128xf32>
    %get3A_13 = arith.constant 0 : index
    %get3A_14 = arith.constant 0 : index
    %get3A_15 = vector.load %arg3[%get3A_13, %get3A_14] : memref<1x128xf32, #tpu.memory_space<vmem>>, vector<1x128xf32>
    %add3A_16 = vector.broadcast %get3A_15 : vector<1x128xf32> to vector<1000x128xf32>
    %add3A_17 = arith.addf %dot_general3A_12, %add3A_16 : vector<1000x128xf32>
    %max3A = arith.constant 0.000000e+00 : f32
    %max3A_18 = vector.broadcast %max3A : f32 to vector<1000x128xf32>
    %max3A_19 = arith.maximumf %add3A_17, %max3A_18 : vector<1000x128xf32>
    %swap3A = arith.constant 0 : index
    %swap3A_20 = arith.constant 0 : index
    %swap3A_21 = vector.load %arg4[%swap3A, %swap3A_20] : memref<1000x128xf32, #tpu.memory_space<vmem>>, vector<1000x128xf32>
    tpu.vector_store %arg4[%swap3A, %swap3A_20], %max3A_19 {strides = array<i32>} : memref<1000x128xf32, #tpu.memory_space<vmem>>, vector<1000x128xf32>,
    return
  }
  func.func @transform_0(%arg0: i32) -> (i32, i32, i32) {
    %c0_i32 = arith.constant 0 : i32
    %c0_i32_0 = arith.constant 0 : i32
    %c0_i32_1 = arith.constant 0 : i32
    return %c0_i32, %arg0, %c0_i32_0 : i32, i32, i32
  }
  func.func @transform_1(%arg0: i32) -> (i32, i32) {
    %c0_i32 = arith.constant 0 : i32
    %c0_i32_0 = arith.constant 0 : i32
    %c0_i32_1 = arith.constant 0 : i32
    return %c0_i32, %c0_i32_0 : i32, i32
  }
  func.func @transform_2(%arg0: i32) -> (i32, i32) {
    %c0_i32 = arith.constant 0 : i32
    %c0_i32_0 = arith.constant 0 : i32
    %c0_i32_1 = arith.constant 0 : i32
    return %c0_i32, %c0_i32_0 : i32, i32
  }
  func.func @transform_3(%arg0: i32) -> (i32, i32) {
    %c0_i32 = arith.constant 0 : i32
    %c0_i32_0 = arith.constant 0 : i32
    return %arg0, %c0_i32 : i32, i32
  }
}

module attributes {stable_mosaic.version = 14 : i64} {
  func.func @_tc_final_body(%arg0: i32, %arg1: memref<2x1000x128xf32, #tpu.memory_space<vmem>>, %arg2: memref<128x128xf32, #tpu.memory_space<vmem>>, %arg3: memref<1x128xf32, #tpu.memory_space<vmem>>, %arg4: memref<1000x128xf32, #tpu.memory_space<vmem>>) attributes {dimension_semantics = [#tpu.dimension_semantics<arbitrary>], iteration_bounds = array<i64: 10>, scalar_prefetch = 0 : i64, scratch_operands = 0 : i64, tpu.core_type = #tpu.core_type<tc>, window_params = [{transform_indices = @transform_0, window_bounds = array<i64: 2, 1000, 128>}, {pipeline_mode = #tpu.pipeline_mode<synchronous>, transform_indices = @transform_1, window_bounds = array<i64: 128, 128>}, {pipeline_mode = #tpu.pipeline_mode<synchronous>, transform_indices = @transform_2, window_bounds = array<i64: 1, 128>}, {transform_indices = @transform_3, window_bounds = array<i64: 1000, 128>}]} {
    %get3A = arith.constant 0 : index
    %get3A_0 = arith.constant 0 : index
    %get3A_1 = arith.constant 0 : index
    %get3A_2 = vector.load %arg1[%get3A, %get3A_0, %get3A_1] : memref<2x1000x128xf32, #tpu.memory_space<vmem>>, vector<1x1000x128xf32>
    %get3A_3 = vector.shape_cast %get3A_2 : vector<1x1000x128xf32> to vector<1000x128xf32>
    %get3A_4 = arith.constant 1 : index
    %get3A_5 = arith.constant 0 : index
    %get3A_6 = arith.constant 0 : index
    %get3A_7 = vector.load %arg1[%get3A_4, %get3A_5, %get3A_6] : memref<2x1000x128xf32, #tpu.memory_space<vmem>>, vector<1x1000x128xf32>
    %get3A_8 = vector.shape_cast %get3A_7 : vector<1x1000x128xf32> to vector<1000x128xf32>
    %add3A = arith.addf %get3A_3, %get3A_8 : vector<1000x128xf32>
    %get3A_9 = arith.constant 0 : index
    %get3A_10 = arith.constant 0 : index
    %get3A_11 = vector.load %arg2[%get3A_9, %get3A_10] : memref<128x128xf32, #tpu.memory_space<vmem>>, vector<128x128xf32>
    %dot_general3A = arith.constant dense<0.000000e+00> : vector<1000x128xf32>
    %dot_general3A_12 = tpu.matmul %add3A, %get3A_11, %dot_general3A {dimension_numbers = #tpu.dot_dimension_numbers<[1], [1], [0], [0], [0, 0, 1, 0], [], []>, precision = #tpu.contract_precision<fp32>, transpose_lhs_hint = false} : vector<1000x128xf32>, vector<128x128xf32>, vector<1000x128xf32> -> vector<1000x128xf32>
    %get3A_13 = arith.constant 0 : index
    %get3A_14 = arith.constant 0 : index
    %get3A_15 = vector.load %arg3[%get3A_13, %get3A_14] : memref<1x128xf32, #tpu.memory_space<vmem>>, vector<1x128xf32>
    %add3A_16 = vector.broadcast %get3A_15 : vector<1x128xf32> to vector<1000x128xf32>
    %add3A_17 = arith.addf %dot_general3A_12, %add3A_16 : vector<1000x128xf32>
    %mul3A = arith.mulf %add3A_17, %add3A_17 : vector<1000x128xf32>
    %reduce_sum3A = arith.constant dense<0.000000e+00> : vector<1000xf32>
    %reduce_sum3A_18 = vector.multi_reduction <add>, %mul3A, %reduce_sum3A [1] : vector<1000x128xf32> to vector<1000xf32>
    %broadcast_in_dim3A = vector.shape_cast %reduce_sum3A_18 : vector<1000xf32> to vector<1000x1xf32>
    %sqrt3A = math.sqrt %broadcast_in_dim3A : vector<1000x1xf32>
    %max3A = arith.constant 9.99999996E-13 : f32
    %max3A_19 = vector.broadcast %max3A : f32 to vector<1000x1xf32>
    %max3A_20 = arith.maximumf %sqrt3A, %max3A_19 : vector<1000x1xf32>
    %div3A = vector.broadcast %max3A_20 : vector<1000x1xf32> to vector<1000x128xf32>
    %div3A_21 = arith.divf %add3A_17, %div3A : vector<1000x128xf32>
    %swap3A = arith.constant 0 : index
    %swap3A_22 = arith.constant 0 : index
    %swap3A_23 = vector.load %arg4[%swap3A, %swap3A_22] : memref<1000x128xf32, #tpu.memory_space<vmem>>, vector<1000x128xf32>
    tpu.vector_store %arg4[%swap3A, %swap3A_22], %div3A_21 {strides = array<i32>} : memref<1000x128xf32, #tpu.memory_space<vmem>>, vector<1000x128xf32>,
    return
  }
  func.func @transform_0(%arg0: i32) -> (i32, i32, i32) {
    %c0_i32 = arith.constant 0 : i32
    %c0_i32_0 = arith.constant 0 : i32
    %c0_i32_1 = arith.constant 0 : i32
    return %c0_i32, %arg0, %c0_i32_0 : i32, i32, i32
  }
  func.func @transform_1(%arg0: i32) -> (i32, i32) {
    %c0_i32 = arith.constant 0 : i32
    %c0_i32_0 = arith.constant 0 : i32
    %c0_i32_1 = arith.constant 0 : i32
    return %c0_i32, %c0_i32_0 : i32, i32
  }
  func.func @transform_2(%arg0: i32) -> (i32, i32) {
    %c0_i32 = arith.constant 0 : i32
    %c0_i32_0 = arith.constant 0 : i32
    %c0_i32_1 = arith.constant 0 : i32
    return %c0_i32, %c0_i32_0 : i32, i32
  }
  func.func @transform_3(%arg0: i32) -> (i32, i32) {
    %c0_i32 = arith.constant 0 : i32
    %c0_i32_0 = arith.constant 0 : i32
    return %arg0, %c0_i32 : i32, i32
  }
}

</mosaic_0001>

<sc_bundles>
// kernel: kernel.11.cloned.1.call-start
scs
__scs_entry_jumppad:
0x0: {  	(pc) =	sbr.rel $0x88, $3  }
0x1: {  	(tag) =	ssettag $0x0;
	lr =	simm.s32 $0x1  }
0x2: {  	[smem:$0x3F98] =	sst lr;
	_ =	strace $0xD0000000  }
0x3: {  	_ = 	snop  }
0x4: {  	_ = 	snop  }
0x5: {  	_ = 	snop  }
0x6: {  	_ = 	snop  }
0x7: {  	_ = 	snop  }
__scs_overlays_trampoline_lowered:
0x8: {  	[smem:$0x3FA7] =	sst s0  }
0x9: {  	[smem:$0x3FA8] =	sst s1  }
0xa: {  	[smem:$0x3FA9] =	sst s2  }
0xb: {  	[smem:$0x3FAA] =	sst s3  }
0xc: {  	[smem:$0x3FAB] =	sst s4  }
0xd: {  	[smem:$0x3FAC] =	sst s5  }
0xe: {  	[smem:$0x3FAD] =	sst s6  }
0xf: {  	[smem:$0x3FAE] =	sst s7  }
0x10: {  	[smem:$0x3FAF] =	sst s8  }
0x11: {  	[smem:$0x3FB0] =	sst s9;
	s0 =	simm.s32 @!p0 $0x0  }
0x12: {  	s1 =	sld [smem:$0x3F96];
	s0 =	simm.s32 @p0 $0x1  }
0x13: {  	[smem:$0x3FB1] =	sst s0;
	s0 =	simm.s32 @!p1 $0x0  }
0x14: {  	s2 =	sld [smem:$0x3F95];
	s0 =	simm.s32 @p1 $0x1  }
0x15: {  	[smem:$0x3FB2] =	sst s0;
	s0 =	simm.s32 @!p2 $0x0  }
0x16: {  	s3 =	sld [smem:$0x3FDB];
	s0 =	simm.s32 @p2 $0x1  }
0x17: {  	s4 =	simm.s32 $0x1BF5;
	[smem:$0x3FB4] =	sst s0  }
0x18: {  	s0 =	sld [smem:$0x3F97];
	_ =	swait.ge [sflag:s4], $0x0  }
0x19: {  	s7 =	sld [smem:$0x3F98]  }
0x1a: {  	s8 =	sadd.s32 $0xFFFFE003, lr  }
0x1b: {  	s9 =	sadd.s32 $0xFFFFFEF7, lr;
	s5 =	simm.s32 $0xFFFFFFFF;
	p2 =	slt.u32 s8, $0xFFFFF086  }
0x1c: {  	p1 =	slt.u32 s9, $0xF7A;
	s5 =	simm.s32 @!p2 $0x0  }
0x1d: {  	s5 =	simm.s32 @p1 $0x1;
	p0 =	seq.s32 s7, s2  }
0x1e: {  	s7 =	smul.u32 @!p0 $0xF7A, s2;
	p2 =	seq.s32 @!p0 s5, $0x0  }
0x1f: {  	s9 =	smul.u32 $0xF7A, s1;
	s8 =	simm.s32 @!p0 $0x1BF5;
	p2 =	por !p2, p0  }
0x20: {  	[sflag:s8] =	ssyncset.s32 @!p0 $0xFFFFF086;
	s6 =	sadd.s32 @!p0 s3, s7;
	s7 =	simm.s32 @!p0 $0x108  }
0x21: {  	s3 =	sadd.s32 s3, s9;
	s6 =	sadd.s32 @!p0 $0x88, s6;
	s7 =	simm.s32 @p2 $0x1082  }
0x22: {  	[simem:s7], [sflag:s8] =	dma.local @!p0 [hbm:s6], $0xF7A  }
0x23: {  	s9 =	sor.u32 $0xD0000000, s2;
	s6 =	simm.s32 $0x108;
	_ =	swait.ge @!p0 [sflag:s8], $0x0  }
0x24: {  	s3 =	sadd.s32 $0x88, s3;
	s6 =	simm.s32 @!p1 $0x1082;
	[sflag:s4] =	ssyncset.s32 $0xFFFFF086  }
0x25: {  	[simem:s6], [sflag:s4] =	dma.local [hbm:s3], $0xF7A  }
0x26: {  	[smem:$0x3F98] =	sst s1;
	(tag) =	ssettag s2;
	_ =	strace s9  }
0x27: {  	s1 =	sld [smem:$0x3FA8]  }
0x28: {  	s2 =	sld [smem:$0x3FA9]  }
0x29: {  	s4 =	sld [smem:$0x3FAB]  }
0x2a: {  	p0 =	seq.s32 s5, $0x0;
	s5 =	sld [smem:$0x3FAC]  }
0x2b: {  	s6 =	sld [smem:$0x3FAD]  }
0x2c: {  	s7 =	sld [smem:$0x3FAE]  }
0x2d: {  	s3 =	simm.s32 $0x108;
	s8 =	sld [smem:$0x3FAF]  }
0x2e: {  	s3 =	simm.s32 @!p0 $0x1082;
	s9 =	sld [smem:$0x3FB0]  }
0x2f: {  	lr =	sadd.s32 s0, s3;
	s0 =	sld [smem:$0x3FA7]  }
0x30: {  	s3 =	sld [smem:$0x3FAA]  }
0x31: {  	[smem:$0x3FB3] =	sst s10  }
0x32: {  	s10 =	sld [smem:$0x3FB1];
	_ =	sdelay $0x3  }
0x33: {  	p0 =	seq.s32 s10, $0x1;
	s10 =	sld [smem:$0x3FB3];
	_ =	sdelay $0x3  }
0x34: {  	[smem:$0x3FB3] =	sst s10  }
0x35: {  	s10 =	sld [smem:$0x3FB2];
	_ =	sdelay $0x3  }
0x36: {  	p1 =	seq.s32 s10, $0x1;
	s10 =	sld [smem:$0x3FB3];
	_ =	sdelay $0x3  }
0x37: {  	[smem:$0x3FB3] =	sst s10  }
0x38: {  	s10 =	sld [smem:$0x3FB4]  }
0x39: {  	_ = 	snop;
	(pc) =	sbr.ind lr, $3  }
0x3a: {  	_ = 	snop  }
0x3b: {  	_ = 	snop  }
0x3c: {  	p2 =	seq.s32 s10, $0x1;
	s10 =	sld [smem:$0x3FB3]  }
0x3d: {  	_ =	shalt  }
0x3e: {  	_ =	shalt  }
0x3f: {  	_ =	shalt  }
0x40: {  	_ =	shalt  }
0x41: {  	_ =	shalt  }
0x42: {  	_ =	shalt  }
0x43: {  	_ =	shalt  }
0x44: {  	_ =	shalt  }
0x45: {  	_ =	shalt  }
0x46: {  	_ =	shalt  }
0x47: {  	_ =	shalt  }
0x48: {  	_ =	shalt  }
0x49: {  	_ =	shalt  }
0x4a: {  	_ =	shalt  }
0x4b: {  	_ =	shalt  }
0x4c: {  	_ =	shalt  }
0x4d: {  	_ =	shalt  }
0x4e: {  	_ =	shalt  }
0x4f: {  	_ =	shalt  }
0x50: {  	_ =	shalt  }
0x51: {  	_ =	shalt  }
0x52: {  	_ =	shalt  }
0x53: {  	_ =	shalt  }
0x54: {  	_ =	shalt  }
0x55: {  	_ =	shalt  }
0x56: {  	_ =	shalt  }
0x57: {  	_ =	shalt  }
0x58: {  	_ =	shalt  }
0x59: {  	_ =	shalt  }
0x5a: {  	_ =	shalt  }
0x5b: {  	_ =	shalt  }
0x5c: {  	_ =	shalt  }
0x5d: {  	_ =	shalt  }
0x5e: {  	_ =	shalt  }
0x5f: {  	_ =	shalt  }
0x60: {  	_ =	shalt  }
0x61: {  	_ =	shalt  }
0x62: {  	_ =	shalt  }
0x63: {  	_ =	shalt  }
0x64: {  	_ =	shalt  }
0x65: {  	_ =	shalt  }
0x66: {  	_ =	shalt  }
0x67: {  	_ =	shalt  }
0x68: {  	_ =	shalt  }
0x69: {  	_ =	shalt  }
0x6a: {  	_ =	shalt  }
0x6b: {  	_ =	shalt  }
0x6c: {  	_ =	shalt  }
0x6d: {  	_ =	shalt  }
0x6e: {  	_ =	shalt  }
0x6f: {  	_ =	shalt  }
0x70: {  	_ =	shalt  }
0x71: {  	_ =	shalt  }
0x72: {  	_ =	shalt  }
0x73: {  	_ =	shalt  }
0x74: {  	_ =	shalt  }
0x75: {  	_ =	shalt  }
0x76: {  	_ =	shalt  }
0x77: {  	_ =	shalt  }
0x78: {  	_ =	shalt  }
0x79: {  	_ =	shalt  }
0x7a: {  	_ =	shalt  }
0x7b: {  	_ =	shalt  }
0x7c: {  	_ =	shalt  }
0x7d: {  	_ =	shalt  }
0x7e: {  	_ =	shalt  }
0x7f: {  	_ =	shalt  }
0x80: {  	_ =	shalt  }
0x81: {  	_ =	shalt  }
0x82: {  	_ =	shalt  }
0x83: {  	_ =	shalt  }
0x84: {  	_ =	shalt  }
0x85: {  	_ =	shalt  }
0x86: {  	_ =	shalt  }
0x87: {  	_ =	shalt  }
.Lfunc_end0:
.L_simem_size_0:
called_computation.1_lowered:
.L_overlay_start_0:
0x88: {  	s2 =	sld [smem:$0x3FD9]  }
0x89: {  	s3 =	sld [smem:$0x3FFE];
	_ =	sdelay $0x1  }
0x8a: {  	s1 =	srdreg.scid  }
0x8b: {  	s0 =	sand.u32 $0x1, s1  }
0x8c: {  	s17 =	sshll.u32 s0, $0xA;
	s2 =	sadd.s32 s3, s2  }
0x8d: {  	s2 =	sadd.s32 s2, s17  }
0x8e: {  	[smem:$0x3FBF] =	sst s2  }
0x8f: {  	_ = 	snop  }
0x90: {  	s2 =	sld [smem:$0x3FD0];
	(tm) =	ssettm $0x1  }
0x91: {  	s18 =	sld [smem:$0x3FFB];
	_ =	sdelay $0x3  }
0x92: {  	_ =	strace s18  }
0x93: {  	s3 =	sld [smem:$0x3FFC];
	_ =	sdelay $0x3  }
0x94: {  	_ =	strace s3  }
0x95: {  	s3 =	sld [smem:$0x3FFD];
	_ =	sdelay $0x3  }
0x96: {  	_ =	strace s3  }
0x97: {  	_ =	strace $0x8FFFFFFF  }
0x98: {  	s19 =	sld [smem:$0x3FDB];
	_ =	sdelay $0x1  }
0x99: {  	s4 =	simm.s32 $_scs_section_size  }
0x9a: {  	s5 =	simm.s32 $_size__tile_overlayer_lowered;
	s6 =	simm.s32 $_tile_overlayer_lowered  }
0x9b: {  	s22 =	simm.s32 $0x1BFF;
	s21 =	sshll.u32 s6, $0x1;
	s3 =	sadd.s32 s4, s19  }
0x9c: {  	s7 =	simm.s32 $0x0;
	s20 =	sshll.u32 s5, $0x1;
	s5 =	sadd.s32 s21, s3  }
0x9d: {  	[timem:s7], [sflag:s22] =	dma.local [hbm:s5], s20  }
0x9e: {  	_ =	swait.ge [sflag:s22], s20  }
0x9f: {  	s4 =	ssub.s32 $0x0, s20;
	[sflag:s22] =	ssyncset.done $0x0  }
0xa0: {  	[sflag:s22] =	ssyncadd.s32 s4;
	_ =	sdelay $0x1  }
0xa1: {  	s23 =	simm.s32 $0x1B8B  }
0xa2: {  	_ =	swait.ge [sflag:s23], $0x1  }
0xa3: {  	[sflag:s23] =	ssyncset.done $0x0  }
0xa4: {  	s25 =	simm.s32 $0x1B8E;
	s24 =	sld [smem:$0x3FFE];
	[sflag:s23] =	ssyncadd.s32 $0xFFFFFFFF  }
0xa5: {  	s26 =	simm.s32 $execute0_lowered;
	[smem:$0x3FD2] =	sst s25  }
0xa6: {  	s5 =	sshll.u32 s26, $0x1;
	_ =	strace $0x80000049;
	[dreg:$0x1] =	wrdreg $0xFFFFFFFF  }
0xa7: {  	s28 =	simm.s32 $_size_execute0_lowered;
	s3 =	sadd.s32 s3, s5;
	[dreg:$0x0] =	wrdreg $0x0  }
0xa8: {  	s5 =	sshll.u32 s28, $0x1;
	[dreg:$0x2] =	wrdreg s3  }
0xa9: {  	[dreg:$0x3] =	wrdreg s5  }
0xaa: {  	[dreg:$0x4] =	wrdreg $0xC0  }
0xab: {  	_ =	task [dreg:s7], $0x5FFFF  }
0xac: {  	[dreg:$0x1] =	wrdreg $0xFFFFFFFF  }
0xad: {  	[dreg:$0x0] =	wrdreg $0x60  }
0xae: {  	[dreg:$0x2] =	wrdreg s2  }
0xaf: {  	[dreg:$0x3] =	wrdreg s24  }
0xb0: {  	[dreg:$0x4] =	wrdreg $0xB8000  }
0xb1: {  	[dreg:$0x5] =	wrdreg $0x9  }
0xb2: {  	_ =	task.clear_ibuf [dreg:s7], $0x6FFFF;
	_ =	strace $0x90000049  }
0xb3: {  	s29 =	simm.s32 $0x9;
	_ =	strace $0x8000004B  }
0xb4: {  	_ =	swait.ge [sflag:s29], $0x1  }
0xb5: {  	[sflag:s29] =	ssyncadd.s32 $0xFFFFFFFF  }
0xb6: {  	_ =	strace $0x9000004B  }
0xb7: {  	_ =	sfence  }
0xb8: {  	s30 =	sld [smem:$0x0];
	_ =	sdelay $0x2  }
0xb9: {  	s31 =	sshll.u32 s1, $0xD;
	s1 =	sshrl.u32 s1, $0x2  }
0xba: {  	s3 =	sand.u32 $0x4000, s31;
	s1 =	sadd.s32 s1, s30  }
0xbb: {  	s0 =	sor.u32 s3, s0;
	s1 =	sshll.u32 s1, $0x11  }
0xbc: {  	s0 =	sor.u32 s1, s0  }
0xbd: {  	s0 =	sadd.s32 $0x8F2B, s0  }
0xbe: {  	[sflag:s0] =	ssyncadd.remote.s32 $0x1  }
0xbf: {  	_ =	sfence.sel $0xFFFF  }
0xc0: {  	[dreg:$0x0] =	wrdreg $0xFFFFFFFF;
	(pc) =	sbr.abs _section_cstart, $3  }
0xc1: {  	[dreg:$0x1] =	wrdreg $0xFFFFFFFF  }
0xc2: {  	_ =	task.clear_ibuf [dreg:s7], $0x2FFFF;
	_ =	strace $0x9FFFFFFF  }
0xc3: {  	(tm) =	ssettm $0x7FFFFFFF  }
tec
execute0_lowered:
.L_overlay_start_1:
0x0: {  	(tag) =	ssettag $0x1  }
0x1: {  	s0 =	rddreg [dreg:$0x0]  }
0x2: {  	s1 =	srdreg.scid;
	s2 =	rddreg [dreg:$0x1]  }
0x3: {  	s3 =	rddreg [dreg:$0x2];
	s9 =	stileid.u32  }
0x4: {  	s4 =	simm.s32 $0x0;
	s1 =	sand.u32 $0x1, s1;
	s6 =	smul.u32 $0x50000, s9  }
0x5: {  	[smem:$0x7FF] =	sst s4;
	s8 =	smul.u32 $0xA, s9;
	s17 =	sadd.s32 $0x1FC00, s2  }
0x6: {  	s14 =	smul.u32 $0x14000, s9;
	p0 =	seq.s32 s9, $0xF;
	s5 =	sshll.u32 s1, $0x4  }
0x7: {  	_ =	strace $0x8000004A;
	s7 =	ssub.s32 $0x2, s1;
	s18 =	smul.u32 $0x13C000, s1  }
0x8: {  	[dreg:$0x4] =	wrdreg s17;
	s5 =	sor.u32 s9, s5;
	s24 =	sshrl.u32 s7, $0x1  }
0x9: {  	s6 =	sshrl.u32 s6, $0x2;
	s25 =	sshll.u32 s8, $0xD;
	s8 =	sadd.s32 $0x9, s8  }
0xa: {  	s5 =	smul.u32 $0x500, s5;
	s28 =	sadd.s32 s6, s3;
	s26 =	sor.u32 $0x2000, s25  }
0xb: {  	s10 =	sadd.s32 $0x4000, s25;
	s11 =	sadd.s32 $0x6000, s25;
	s19 =	sadd.s32 $0x8000, s25  }
0xc: {  	s13 =	sadd.s32 $0xA000, s25;
	s20 =	sadd.s32 $0xC000, s25;
	s15 =	sadd.s32 $0xE000, s25  }
0xd: {  	s6 =	sadd.s32 $0x10000, s25;
	s16 =	sshll.u32 s8, $0xD;
	s14 =	sadd.s32 s14, s18  }
0xe: {  	[dreg:$0x6] =	wrdreg s18;
	s8 =	simm.s32 @p0 $0x9F;
	s29 =	sadd.s32 s26, s3  }
0xf: {  	s30 =	sadd.s32 s10, s3;
	s12 =	sadd.s32 s11, s3;
	s16 =	sadd.s32 s16, s3  }
0x10: {  	s23 =	sshrl.u32 s14, $0x3;
	s25 =	sadd.s32 s18, s10;
	s10 =	sadd.s32 s19, s3  }
0x11: {  	s14 =	sadd.s32 s13, s3;
	s1 =	sadd.s32 s18, s20;
	s31 =	sshll.u32 @!p0 s8, $0xD  }
0x12: {  	s5 =	sadd.s32 s5, s2;
	s2 =	ssub.s32 s7, s24;
	[dreg:$0x5] =	wrdreg s12  }
0x13: {  	[dreg:$0x7] =	wrdreg s16;
	s24 =	sadd.s32 s18, s26;
	s7 =	sshrl.u32 s25, $0x3  }
0x14: {  	s26 =	sadd.s32 s18, s11;
	s12 =	sadd.s32 s18, s19;
	[dreg:$0xf] =	wrdreg s14  }
0x15: {  	s16 =	sadd.s32 s18, s13;
	s19 =	sadd.s32 s20, s3;
	s1 =	sshrl.u32 s1, $0x3  }
0x16: {  	s13 =	simm.s32 $0x1;
	s14 =	simm.s32 $0x9800;
	s21 =	sadd.s32 $0xBC00, s5  }
0x17: {  	s22 =	sadd.s32 $0x15C00, s5;
	s5 =	sadd.s32 $0x1C00, s5;
	[dreg:$0x10] =	wrdreg s19  }
0x18: {  	s7 =	sadd.s32 s17, s7;
	s11 =	sshrl.u32 s26, $0x3;
	[dreg:$0x8] =	wrdreg s21  }
0x19: {  	s1 =	sadd.s32 s17, s1;
	s26 =	sadd.s32 s6, s3;
	[dreg:$0x9] =	wrdreg s22  }
0x1a: {  	s25 =	smax.u32 s2, $0x1;
	s2 =	simm.s32 $0x3;
	[dreg:$0xa] =	wrdreg s5  }
0x1b: {  	s5 =	sadd.s32 s17, s23;
	[dreg:$0xd] =	wrdreg s7;
	s7 =	sshrl.u32 s16, $0x3  }
0x1c: {  	[dreg:$0x13] =	wrdreg s1;
	s21 =	sadd.s32 s15, s3;
	s22 =	sadd.s32 s18, s15  }
0x1d: {  	s23 =	sadd.s32 s18, s6;
	[dreg:$0x17] =	wrdreg s25;
	s15 =	simm.s32 $0x8000  }
0x1e: {  	s16 =	simm.s32 $0x8800;
	s18 =	simm.s32 $0x2;
	[dreg:$0xb] =	wrdreg s5  }
0x1f: {  	s5 =	sshrl.u32 s24, $0x3;
	s20 =	sadd.s32 s17, s7;
	[dreg:$0x14] =	wrdreg s21  }
0x20: {  	s1 =	sshrl.u32 s22, $0x3;
	s24 =	sshrl.u32 s23, $0x3;
	s22 =	simm.s32 $0xA000  }
0x21: {  	s23 =	simm.s32 $0xA800;
	s5 =	sadd.s32 s17, s5;
	[dreg:$0x12] =	wrdreg s20  }
0x22: {  	s1 =	sadd.s32 s17, s1;
	[dreg:$0xc] =	wrdreg s5;
	s5 =	sadd.s32 s17, s11  }
0x23: {  	[dreg:$0x15] =	wrdreg s1;
	s1 =	sadd.s32 s17, s24;
	s11 =	simm.s32 $0x5000  }
0x24: {  	s24 =	simm.s32 $0xB000;
	[dreg:$0xe] =	wrdreg s5;
	s5 =	sshrl.u32 s12, $0x3  }
0x25: {  	[dreg:$0x16] =	wrdreg s1;
	s1 =	simm.s32 $0x7800;
	s5 =	sadd.s32 s17, s5  }
0x26: {  	v0 =	vimm.f32 $0.0e+00;
	vm0 =	vmmov $0xffff;
	s12 =	simm.s32 $0x40;
	s17 =	simm.s32 $0x9000;
	[dreg:$0x11] =	wrdreg s5  }
.LBB2_1:
0x27: {  	s5 =	simm.s32 $0x0;
	s6 =	simm.s32 $0x200  }
.LBB2_2:
0x28: {  	p1 =	sne.s32 s6, $0x7E00;
	[tilespmem:s5+$0x7870] =	vst v0  }
0x29: {  	[tilespmem:s5+$0x7800] =	vst v0  }
0x2a: {  	[tilespmem:s5+$0x7810] =	vst v0  }
.Ltmp0:
0x2b: {  	[tilespmem:s5+$0x7820] =	vst v0;
	(pc) =	sbr.rel @p1 .LBB2_2-.Ltmp0, $4  }
0x2c: {  	[tilespmem:s5+$0x7830] =	vst v0  }
0x2d: {  	[tilespmem:s5+$0x7840] =	vst v0  }
0x2e: {  	[tilespmem:s5+$0x7850] =	vst v0  }
0x2f: {  	[tilespmem:s5+$0x7860] =	vst v0;
	s5 =	sshra.s32 s6, $0x2;
	s6 =	sadd.s32 $0x200, s6  }
0x30: {  	[tilespmem:s5+$0x7870] =	vst v0  }
0x31: {  	[tilespmem:s5+$0x7800] =	vst v0  }
0x32: {  	[tilespmem:s5+$0x7810] =	vst v0  }
0x33: {  	[tilespmem:s5+$0x7820] =	vst v0  }
0x34: {  	[tilespmem:s5+$0x7830] =	vst v0  }
0x35: {  	[tilespmem:s5+$0x7840] =	vst v0  }
0x36: {  	[tilespmem:s5+$0x7850] =	vst v0  }
0x37: {  	[tilespmem:s5+$0x7860] =	vst v0  }
0x38: {  	[spmem:s28] =	stream.linear.scatter [tilespmem:s1], [sflag:$0x3], $0x2000, $0x38;
	[tilespmem:$0x1F400] =	vst v63  }
0x39: {  	_ =	swait.ge [sflag:s2], $0x2000  }
0x3a: {  	[sflag:s2] =	ssyncset.done $0x0  }
0x3b: {  	[sflag:s2] =	ssyncadd.s32 $0xFFFFE000  }
0x3c: {  	[spmem:s29] =	stream.linear.scatter [tilespmem:s1], [sflag:$0x3], $0x2000, $0x38;
	[tilespmem:$0x1F400] =	vst v63  }
0x3d: {  	_ =	swait.ge [sflag:s2], $0x2000  }
0x3e: {  	[sflag:s2] =	ssyncset.done $0x0  }
0x3f: {  	[sflag:s2] =	ssyncadd.s32 $0xFFFFE000  }
0x40: {  	[spmem:s30] =	stream.linear.scatter [tilespmem:s1], [sflag:$0x3], $0x2000, $0x38;
	[tilespmem:$0x1F400] =	vst v63  }
0x41: {  	_ =	swait.ge [sflag:s2], $0x2000  }
0x42: {  	[sflag:s2] =	ssyncset.done $0x0  }
0x43: {  	s21 =	smov.u32 s30;
	s30 =	rddreg [dreg:$0x5];
	[sflag:s2] =	ssyncadd.s32 $0xFFFFE000  }
0x44: {  	[spmem:s30] =	stream.linear.scatter [tilespmem:s1], [sflag:$0x3], $0x2000, $0x38;
	[tilespmem:$0x1F400] =	vst v63  }
0x45: {  	_ =	swait.ge [sflag:s2], $0x2000  }
0x46: {  	[sflag:s2] =	ssyncset.done $0x0  }
0x47: {  	[sflag:s2] =	ssyncadd.s32 $0xFFFFE000  }
0x48: {  	[spmem:s10] =	stream.linear.scatter [tilespmem:s1], [sflag:$0x3], $0x2000, $0x38;
	[tilespmem:$0x1F400] =	vst v63  }
0x49: {  	_ =	swait.ge [sflag:s2], $0x2000  }
0x4a: {  	[sflag:s2] =	ssyncset.done $0x0  }
0x4b: {  	s6 =	rddreg [dreg:$0xf];
	[sflag:s2] =	ssyncadd.s32 $0xFFFFE000  }
0x4c: {  	[spmem:s6] =	stream.linear.scatter [tilespmem:s1], [sflag:$0x3], $0x2000, $0x38;
	[tilespmem:$0x1F400] =	vst v63  }
0x4d: {  	_ =	swait.ge [sflag:s2], $0x2000  }
0x4e: {  	[sflag:s2] =	ssyncset.done $0x0  }
0x4f: {  	s7 =	rddreg [dreg:$0x10];
	[sflag:s2] =	ssyncadd.s32 $0xFFFFE000  }
0x50: {  	[spmem:s7] =	stream.linear.scatter [tilespmem:s1], [sflag:$0x3], $0x2000, $0x38;
	[tilespmem:$0x1F400] =	vst v63  }
0x51: {  	_ =	swait.ge [sflag:s2], $0x2000  }
0x52: {  	[sflag:s2] =	ssyncset.done $0x0  }
0x53: {  	s8 =	rddreg [dreg:$0x14];
	[sflag:s2] =	ssyncadd.s32 $0xFFFFE000  }
0x54: {  	[spmem:s8] =	stream.linear.scatter [tilespmem:s1], [sflag:$0x3], $0x2000, $0x38;
	[tilespmem:$0x1F400] =	vst v63  }
0x55: {  	_ =	swait.ge [sflag:s2], $0x2000  }
0x56: {  	[sflag:s2] =	ssyncset.done $0x0  }
0x57: {  	s5 =	simm.s32 @!p0 $0x7800;
	s6 =	simm.s32 @!p0 $0x3;
	[sflag:s2] =	ssyncadd.s32 $0xFFFFE000  }
0x58: {  	[spmem:s26] =	stream.linear.scatter @!p0 [tilespmem:s5], [sflag:$0x3], $0x2000, $0x38;
	[tilespmem:$0x1F400] =	vst v63  }
0x59: {  	_ =	swait.ge @!p0 [sflag:s6], $0x2000  }
0x5a: {  	[sflag:s6] =	ssyncset.done @!p0 $0x0  }
0x5b: {  	s7 =	rddreg [dreg:$0x7];
	[sflag:s6] =	ssyncadd.s32 @!p0 $0xFFFFE000  }
0x5c: {  	[spmem:s7] =	stream.linear.scatter @!p0 [tilespmem:s5], [sflag:$0x3], $0x2000, $0x38;
	[tilespmem:$0x1F400] =	vst v63  }
0x5d: {  	_ =	swait.ge @!p0 [sflag:s6], $0x2000  }
0x5e: {  	s19 =	smov.u32 s28;
	[sflag:s6] =	ssyncset.done @!p0 $0x0  }
0x5f: {  	s28 =	simm.s32 $0x0;
	s9 =	rddreg [dreg:$0x8];
	[sflag:s6] =	ssyncadd.s32 @!p0 $0xFFFFE000  }
0x60: {  	[tilespmem:s28], [sflag:$0x3] =	stream.linear.gather [hbm4b:s9+s28], $0x2780, $0x38;
	[tilespmem:$0x1F400] =	vst v63  }
0x61: {  	_ =	swait.ge [sflag:s2], $0x2780  }
0x62: {  	s20 =	smov.u32 s29;
	s25 =	smov.u32 s10;
	[sflag:s2] =	ssyncset.done $0x0  }
0x63: {  	s29 =	simm.s32 $0x2800;
	s10 =	rddreg [dreg:$0x9];
	[sflag:s2] =	ssyncadd.s32 $0xFFFFD880  }
0x64: {  	[tilespmem:s29], [sflag:$0x3] =	stream.linear.gather [hbm4b:s10+s28], $0x2780, $0x38;
	[tilespmem:$0x1F400] =	vst v63  }
0x65: {  	_ =	swait.ge [sflag:s2], $0x2780  }
0x66: {  	[sflag:s2] =	ssyncset.done $0x0  }
0x67: {  	s30 =	rddreg [dreg:$0xa];
	[sflag:s2] =	ssyncadd.s32 $0xFFFFD880  }
0x68: {  	[tilespmem:s11], [sflag:$0x3] =	stream.linear.gather [hbm4b:s30+s28], $0x2780, $0x38;
	[tilespmem:$0x1F400] =	vst v63  }
0x69: {  	_ =	swait.ge [sflag:s2], $0x2780  }
0x6a: {  	[sflag:s2] =	ssyncset.done $0x0  }
0x6b: {  	[sflag:s2] =	ssyncadd.s32 $0xFFFFD880  }
0x6c: {  	s5 =	simm.s32 $0x0;
	[bflag:$0x0] =	sbarrier.arrive $0xFFFF  }
0x6d: {  	[tilespmem:s1], [sflag:$0x1] =	stream.indirect.gather [hbm4b:s0+s12], $0x80, s28, s12, $0xb8;
	[tilespmem:$0x1F400] =	vst v63  }
.LBB2_4:
0x6e: {  	s29 =	sshll.u32 s5, $0x7;
	v2 =	vmov s28;
	s6 =	simm.s32 $0x3  }
0x6f: {  	v1 =	vmov s29;
	v2 =	vand.u32 $0x7C, v2;
	v3 =	vmov s6  }
0x70: {  	v2 =	vor.u32 v1, v2;
	v3 =	vand.u32 $0x7F, v3  }
0x71: {  	_ =	swait.ge [sflag:s13], $0x2000;
	v2 =	vbroadcast v2, $0x0;
	v3 =	vor.u32 v1, v3  }
0x72: {  	[sflag:s13] =	ssyncset.done $0x0;
	v3 =	vbroadcast v3, $0x0  }
0x73: {  	s10 =	simm.s32 $0x7900;
	s30 =	sor.u32 $0x40, s29;
	[sflag:s13] =	ssyncadd.s32 $0xFFFFE000  }
0x74: {  	[tilespmem:s14], [sflag:$0x1] =	stream.indirect.gather [hbm4b:s0+s12], $0x80, s30, s12, $0xb8;
	[tilespmem:$0x1F400] =	vst v63  }
0x75: {  	v6 =	vld [tilespmem:s10+$0xFFFFFF00]  }
0x76: {  	s8 =	simm.s32 $0x1;
	v7 =	vld [tilespmem:s10+$0xFFFFFF10]  }
0x77: {  	v5 =	vmov s8;
	v4 =	vld.idx.msk [tilespmem:v2+s11+$0x0], $0xffff  }
0x78: {  	v2 =	vld.idx.msk [tilespmem:v3+s11+$0x0], $0xffff;
	v3 =	vand.u32 $0x7D, v5  }
0x79: {  	v8 =	vld [tilespmem:s10+$0xFFFFFF20];
	v3 =	vor.u32 v1, v3  }
0x7a: {  	v9 =	vld [tilespmem:s10+$0xFFFFFF30];
	v3 =	vbroadcast v3, $0x0  }
0x7b: {  	v5 =	vld [tilespmem:s10+$0xF0]  }
0x7c: {  	v10 =	vld [tilespmem:s10+$0xFFFFFF40]  }
0x7d: {  	v11 =	vld [tilespmem:s10+$0xFFFFFF50];
	v6 =	vmul.f32 v6, v4  }
0x7e: {  	v12 =	vld [tilespmem:s10+$0xFFFFFF60]  }
0x7f: {  	s9 =	simm.s32 $0x2;
	v7 =	vmul.f32 v7, v4;
	[tilespmem:s10+$0xFFFFFF00] =	vst v6;
	v6 =	vld [tilespmem:s10+$0xFFFFFF70]  }
0x80: {  	v13 =	vmov s9;
	v5 =	vmul.f32 v5, v2;
	v14 =	vld.idx.msk [tilespmem:v3+s11+$0x0], $0xffff  }
0x81: {  	[tilespmem:s10+$0xFFFFFF10] =	vst v7;
	v7 =	vmul.f32 v9, v4;
	v3 =	vand.u32 $0x7E, v13;
	v13 =	vld [tilespmem:s10+$0xFFFFFF80]  }
0x82: {  	v9 =	vld [tilespmem:s10+$0xFFFFFFA0];
	[tilespmem:s10+$0xF0] =	vst v5;
	v5 =	vmul.f32 v8, v4;
	v3 =	vor.u32 v1, v3  }
0x83: {  	v8 =	vld [tilespmem:s10+$0xFFFFFF90];
	[tilespmem:s10+$0xFFFFFF30] =	vst v7;
	v7 =	vmul.f32 v11, v4;
	v3 =	vbroadcast v3, $0x0  }
0x84: {  	v11 =	vld [tilespmem:s10+$0xFFFFFFC0];
	[tilespmem:s10+$0xFFFFFF20] =	vst v5;
	v5 =	vmul.f32 v10, v4  }
0x85: {  	v12 =	vmul.f32 v12, v4;
	v10 =	vld [tilespmem:s10+$0xFFFFFFB0];
	[tilespmem:s10+$0xFFFFFF50] =	vst v7;
	v4 =	vmul.f32 v6, v4  }
0x86: {  	v7 =	vld [tilespmem:s10+$0xFFFFFFE0];
	[tilespmem:s10+$0xFFFFFF40] =	vst v5;
	v5 =	vmul.f32 v13, v14  }
0x87: {  	v13 =	vld [tilespmem:s10+$0xFFFFFFD0];
	[tilespmem:s10+$0xFFFFFF70] =	vst v4  }
0x88: {  	v4 =	vmul.f32 v9, v14;
	[tilespmem:s10+$0xFFFFFF80] =	vst v5;
	v5 =	vmul.f32 v8, v14;
	v8 =	vld [tilespmem:s10+$0x0]  }
0x89: {  	[tilespmem:s10+$0xFFFFFF60] =	vst v12;
	v3 =	vld.idx.msk [tilespmem:v3+s11+$0x0], $0xffff  }
0x8a: {  	v6 =	vld [tilespmem:s10+$0xFFFFFFF0];
	[tilespmem:s10+$0xFFFFFFA0] =	vst v4;
	v4 =	vmul.f32 v11, v14  }
0x8b: {  	v9 =	vld [tilespmem:s10+$0x10];
	[tilespmem:s10+$0xFFFFFF90] =	vst v5;
	v5 =	vmul.f32 v10, v14  }
0x8c: {  	s7 =	simm.s32 $0x4;
	v7 =	vmul.f32 v7, v14;
	v10 =	vld [tilespmem:s10+$0x20];
	[tilespmem:s10+$0xFFFFFFC0] =	vst v4  }
0x8d: {  	v12 =	vmov s7;
	v11 =	vld [tilespmem:s10+$0x30];
	[tilespmem:s10+$0xFFFFFFB0] =	vst v5;
	v5 =	vmul.f32 v13, v14  }
0x8e: {  	v12 =	vand.u32 $0x7C, v12;
	v4 =	vld [tilespmem:s10+$0x40];
	[tilespmem:s10+$0xFFFFFFE0] =	vst v7;
	v8 =	vmul.f32 v8, v3  }
0x8f: {  	s8 =	simm.s32 $0x5;
	s9 =	simm.s32 $0x6;
	v7 =	vor.u32 v1, v12;
	v13 =	vmul.f32 v6, v14;
	[tilespmem:s10+$0xFFFFFFD0] =	vst v5;
	v5 =	vld [tilespmem:s10+$0x50]  }
0x90: {  	v14 =	vmov s8;
	v6 =	vld [tilespmem:s10+$0x60];
	v9 =	vmul.f32 v9, v3;
	[tilespmem:s10+$0x0] =	vst v8;
	v8 =	vmov s9  }
0x91: {  	[tilespmem:s10+$0xFFFFFFF0] =	vst v13;
	v13 =	vand.u32 $0x7D, v14;
	v10 =	vmul.f32 v10, v3;
	v12 =	vand.u32 $0x7E, v8;
	v8 =	vld [tilespmem:s10+$0x70]  }
0x92: {  	s6 =	simm.s32 $0x7900;
	s7 =	simm.s32 $0x8;
	v7 =	vbroadcast v7, $0x0;
	s8 =	simm.s32 $0x7;
	v11 =	vmul.f32 v11, v3;
	v13 =	vor.u32 v1, v13;
	[tilespmem:s10+$0x10] =	vst v9;
	v9 =	vld [tilespmem:s10+$0x80]  }
.LBB2_5:
0x93: {  	p1 =	slt.u32 s7, $0x3C;
	v12 =	vor.u32 v1, v12;
	v14 =	vmov s8;
	[tilespmem:s10+$0x20] =	vst v10;
	v4 =	vmul.f32 v4, v3;
	v10 =	vld [tilespmem:s10+$0x90]  }
0x94: {  	v13 =	vbroadcast v13, $0x0;
	v14 =	vand.u32 $0x7F, v14;
	[tilespmem:s10+$0x30] =	vst v11;
	v5 =	vmul.f32 v5, v3;
	v11 =	vld [tilespmem:s10+$0xA0]  }
0x95: {  	v12 =	vbroadcast v12, $0x0;
	v14 =	vor.u32 v1, v14;
	[tilespmem:s10+$0x40] =	vst v4;
	v4 =	vmul.f32 v6, v3;
	v6 =	vld [tilespmem:s10+$0xB0]  }
0x96: {  	v14 =	vbroadcast v14, $0x0;
	[tilespmem:s10+$0x50] =	vst v5;
	v3 =	vmul.f32 v8, v3;
	v5 =	vld [tilespmem:s10+$0xC0]  }
0x97: {  	[tilespmem:s10+$0x60] =	vst v4;
	v4 =	vmul.f32 v9, v2;
	v8 =	vld [tilespmem:s10+$0xD0]  }
0x98: {  	[tilespmem:s10+$0x70] =	vst v3;
	v3 =	vmul.f32 v10, v2;
	v9 =	vld [tilespmem:s10+$0xE0]  }
0x99: {  	v7 =	vld.idx.msk [tilespmem:v7+s11+$0x0], $0xffff;
	[tilespmem:s10+$0x80] =	vst v4;
	v4 =	vmul.f32 v11, v2  }
0x9a: {  	v10 =	vld.idx.msk [tilespmem:v13+s11+$0x0], $0xffff;
	[tilespmem:s10+$0x90] =	vst v3;
	v6 =	vmul.f32 v6, v2  }
0x9b: {  	v3 =	vld.idx.msk [tilespmem:v12+s11+$0x0], $0xffff;
	[tilespmem:s10+$0xA0] =	vst v4;
	v4 =	vmul.f32 v5, v2  }
0x9c: {  	s10 =	sadd.s32 $0x200, s10;
	v5 =	vld.idx.msk [tilespmem:v14+s11+$0x0], $0xffff;
	[tilespmem:s6+$0xB0] =	vst v6;
	v6 =	vmul.f32 v8, v2  }
0x9d: {  	v8 =	vld [tilespmem:s10+$0xF0];
	[tilespmem:s6+$0xC0] =	vst v4;
	v2 =	vmul.f32 v9, v2  }
0x9e: {  	v4 =	vld [tilespmem:s10+$0xFFFFFF00];
	[tilespmem:s6+$0xD0] =	vst v6  }
0x9f: {  	v6 =	vld [tilespmem:s10+$0xFFFFFF10];
	[tilespmem:s6+$0xE0] =	vst v2;
	s6 =	smov.u32 s10  }
0xa0: {  	v9 =	vld [tilespmem:s10+$0xFFFFFF20]  }
0xa1: {  	v11 =	vld [tilespmem:s10+$0xFFFFFF30]  }
0xa2: {  	v2 =	vmov v5;
	v12 =	vld [tilespmem:s10+$0xFFFFFF40];
	v8 =	vmul.f32 v8, v5  }
0xa3: {  	v4 =	vmul.f32 v4, v7;
	v5 =	vld [tilespmem:s10+$0xFFFFFF50]  }
0xa4: {  	v6 =	vmul.f32 v6, v7;
	v13 =	vld [tilespmem:s10+$0xFFFFFF60];
	[tilespmem:s10+$0xF0] =	vst v8  }
0xa5: {  	[tilespmem:s10+$0xFFFFFF00] =	vst v4;
	v4 =	vmul.f32 v9, v7;
	v8 =	vld [tilespmem:s10+$0xFFFFFF70]  }
0xa6: {  	[tilespmem:s10+$0xFFFFFF10] =	vst v6;
	v6 =	vmul.f32 v11, v7;
	v9 =	vld [tilespmem:s10+$0xFFFFFF80]  }
0xa7: {  	[tilespmem:s10+$0xFFFFFF20] =	vst v4;
	v4 =	vmul.f32 v12, v7;
	v11 =	vld [tilespmem:s10+$0xFFFFFF90]  }
0xa8: {  	[tilespmem:s10+$0xFFFFFF30] =	vst v6;
	v5 =	vmul.f32 v5, v7;
	v6 =	vld [tilespmem:s10+$0xFFFFFFA0]  }
0xa9: {  	[tilespmem:s10+$0xFFFFFF40] =	vst v4;
	v4 =	vmul.f32 v13, v7;
	v12 =	vld [tilespmem:s10+$0xFFFFFFB0]  }
0xaa: {  	[tilespmem:s10+$0xFFFFFF50] =	vst v5;
	v5 =	vmul.f32 v8, v7;
	v7 =	vld [tilespmem:s10+$0xFFFFFFC0]  }
0xab: {  	[tilespmem:s10+$0xFFFFFF60] =	vst v4;
	v4 =	vmul.f32 v9, v10;
	v8 =	vld [tilespmem:s10+$0xFFFFFFD0]  }
0xac: {  	[tilespmem:s10+$0xFFFFFF70] =	vst v5;
	v5 =	vmul.f32 v11, v10;
	v9 =	vld [tilespmem:s10+$0xFFFFFFE0]  }
0xad: {  	[tilespmem:s10+$0xFFFFFF80] =	vst v4;
	v4 =	vmul.f32 v6, v10;
	v6 =	vld [tilespmem:s10+$0xFFFFFFF0]  }
0xae: {  	[tilespmem:s10+$0xFFFFFF90] =	vst v5;
	v5 =	vmul.f32 v12, v10;
	v11 =	vld [tilespmem:s10+$0x0]  }
0xaf: {  	[tilespmem:s10+$0xFFFFFFA0] =	vst v4;
	v4 =	vmul.f32 v7, v10;
	v7 =	vld [tilespmem:s10+$0x10]  }
0xb0: {  	[tilespmem:s10+$0xFFFFFFB0] =	vst v5;
	v5 =	vmul.f32 v8, v10;
	v8 =	vld [tilespmem:s10+$0x20]  }
0xb1: {  	[tilespmem:s10+$0xFFFFFFC0] =	vst v4;
	v9 =	vmul.f32 v9, v10;
	v14 =	vld [tilespmem:s10+$0x30]  }
.Ltmp1:
0xb2: {  	s8 =	sadd.s32 $0x1, s7;
	v12 =	vmov s7;
	[tilespmem:s10+$0xFFFFFFD0] =	vst v5;
	v6 =	vmul.f32 v6, v10;
	v4 =	vld [tilespmem:s10+$0x40];
	(pc) =	sbr.rel @p1 .LBB2_5-.Ltmp1, $4  }
0xb3: {  	v10 =	vand.u32 $0x7C, v12;
	v12 =	vmov s8;
	s8 =	sadd.s32 $0x2, s7;
	[tilespmem:s10+$0xFFFFFFE0] =	vst v9;
	v9 =	vmul.f32 v11, v3;
	v5 =	vld [tilespmem:s10+$0x50]  }
0xb4: {  	v11 =	vor.u32 v1, v10;
	v10 =	vmov s8;
	[tilespmem:s10+$0xFFFFFFF0] =	vst v6;
	v15 =	vmul.f32 v7, v3;
	v6 =	vld [tilespmem:s10+$0x60]  }
0xb5: {  	v13 =	vand.u32 $0x7D, v12;
	v12 =	vand.u32 $0x7E, v10;
	[tilespmem:s10+$0x0] =	vst v9;
	v10 =	vmul.f32 v8, v3;
	v8 =	vld [tilespmem:s10+$0x70]  }
0xb6: {  	s8 =	sadd.s32 $0x3, s7;
	s7 =	sadd.s32 $0x4, s7;
	v7 =	vbroadcast v11, $0x0;
	v13 =	vor.u32 v1, v13;
	[tilespmem:s10+$0x10] =	vst v15;
	v11 =	vmul.f32 v14, v3;
	v9 =	vld [tilespmem:s10+$0x80]  }
0xb7: {  	v15 =	vld [tilespmem:s10+$0x90]  }
0xb8: {  	v16 =	vld [tilespmem:s10+$0xA0]  }
0xb9: {  	v14 =	vmov s8;
	v17 =	vld [tilespmem:s10+$0xB0]  }
0xba: {  	v18 =	vld [tilespmem:s10+$0xC0];
	[tilespmem:s10+$0x20] =	vst v10;
	v4 =	vmul.f32 v4, v3;
	v14 =	vand.u32 $0x7F, v14  }
0xbb: {  	v10 =	vld [tilespmem:s10+$0xD0];
	[tilespmem:s10+$0x30] =	vst v11;
	v14 =	vor.u32 v1, v14  }
0xbc: {  	s7 =	sadd.s32 $0x200, s10;
	v11 =	vld [tilespmem:s10+$0xE0];
	[tilespmem:s10+$0x40] =	vst v4;
	v4 =	vmul.f32 v6, v3;
	v14 =	vbroadcast v14, $0x0  }
0xbd: {  	v5 =	vmul.f32 v5, v3;
	v53 =	vld [tilespmem:s7+$0xFFFFFF00];
	v3 =	vmul.f32 v8, v3  }
0xbe: {  	v54 =	vld [tilespmem:s7+$0xFFFFFF10];
	[tilespmem:s10+$0x60] =	vst v4;
	v4 =	vmul.f32 v9, v2  }
0xbf: {  	v56 =	vld [tilespmem:s7+$0xFFFFFF60];
	[tilespmem:s10+$0x70] =	vst v3;
	v3 =	vmul.f32 v15, v2  }
0xc0: {  	v6 =	vld.idx.msk [tilespmem:v7+s11+$0x0], $0xffff;
	[tilespmem:s10+$0x80] =	vst v4;
	v4 =	vmul.f32 v16, v2  }
0xc1: {  	v9 =	vld [tilespmem:s7+$0xF0];
	[tilespmem:s10+$0x90] =	vst v3;
	v3 =	vmul.f32 v17, v2  }
0xc2: {  	v13 =	vbroadcast v13, $0x0;
	[tilespmem:s10+$0xA0] =	vst v4;
	v4 =	vmul.f32 v18, v2;
	v8 =	vld.idx.msk [tilespmem:v14+s11+$0x0], $0xffff  }
0xc3: {  	v57 =	vld [tilespmem:s7+$0xFFFFFFB0];
	[tilespmem:s6+$0xB0] =	vst v3;
	v3 =	vmul.f32 v10, v2  }
0xc4: {  	v10 =	vld [tilespmem:s7+$0xFFFFFF20];
	v2 =	vmul.f32 v11, v2;
	[tilespmem:s6+$0xC0] =	vst v4  }
0xc5: {  	v4 =	vld [tilespmem:s7+$0xFFFFFF30];
	[tilespmem:s6+$0xD0] =	vst v3  }
0xc6: {  	v12 =	vor.u32 v1, v12;
	v3 =	vld [tilespmem:s7+$0xFFFFFF40];
	[tilespmem:s6+$0xE0] =	vst v2;
	v2 =	vmul.f32 v53, v6  }
0xc7: {  	v12 =	vbroadcast v12, $0x0;
	[tilespmem:s10+$0x50] =	vst v5;
	v11 =	vld [tilespmem:s7+$0xFFFFFF50];
	v9 =	vmul.f32 v9, v8  }
0xc8: {  	v5 =	vld.idx.msk [tilespmem:v13+s11+$0x0], $0xffff;
	v55 =	vmul.f32 v54, v6;
	[tilespmem:s7+$0xFFFFFF00] =	vst v2  }
0xc9: {  	v2 =	vmul.f32 v10, v6;
	[tilespmem:s7+$0xF0] =	vst v9;
	v9 =	vld [tilespmem:s7+$0xFFFFFF70]  }
0xca: {  	[tilespmem:s7+$0xFFFFFF10] =	vst v55;
	v10 =	vld [tilespmem:s7+$0xFFFFFF80];
	v4 =	vmul.f32 v4, v6  }
0xcb: {  	[tilespmem:s7+$0xFFFFFF20] =	vst v2;
	v2 =	vmul.f32 v3, v6;
	v3 =	vld [tilespmem:s7+$0xFFFFFF90]  }
0xcc: {  	[tilespmem:s7+$0xFFFFFF30] =	vst v4;
	v4 =	vmul.f32 v11, v6;
	v11 =	vld [tilespmem:s7+$0xFFFFFFA0]  }
0xcd: {  	v7 =	vld.idx.msk [tilespmem:v12+s11+$0x0], $0xffff;
	[tilespmem:s7+$0xFFFFFF40] =	vst v2;
	v2 =	vmul.f32 v56, v6  }
0xce: {  	[tilespmem:s7+$0xFFFFFF50] =	vst v4;
	v4 =	vmul.f32 v9, v6;
	v6 =	vld [tilespmem:s7+$0xFFFFFFC0]  }
0xcf: {  	[tilespmem:s7+$0xFFFFFF60] =	vst v2;
	v2 =	vmul.f32 v10, v5;
	v9 =	vld [tilespmem:s7+$0xFFFFFFD0]  }
0xd0: {  	v3 =	vmul.f32 v3, v5;
	[tilespmem:s7+$0xFFFFFF70] =	vst v4;
	v4 =	vld [tilespmem:s7+$0xFFFFFFE0]  }
0xd1: {  	v10 =	vld [tilespmem:s7+$0xFFFFFFF0];
	[tilespmem:s7+$0xFFFFFF80] =	vst v2;
	v2 =	vmul.f32 v11, v5  }
0xd2: {  	v11 =	vld [tilespmem:s7+$0x0];
	[tilespmem:s7+$0xFFFFFF90] =	vst v3;
	v3 =	vmul.f32 v57, v5  }
0xd3: {  	[tilespmem:s7+$0xFFFFFFA0] =	vst v2;
	v2 =	vmul.f32 v6, v5;
	v6 =	vld [tilespmem:s7+$0x10]  }
0xd4: {  	[tilespmem:s7+$0xFFFFFFB0] =	vst v3;
	v3 =	vmul.f32 v9, v5;
	v9 =	vld [tilespmem:s7+$0x20]  }
0xd5: {  	[tilespmem:s7+$0xFFFFFFC0] =	vst v2;
	v2 =	vmul.f32 v4, v5;
	v4 =	vld [tilespmem:s7+$0x30]  }
0xd6: {  	[tilespmem:s7+$0xFFFFFFD0] =	vst v3;
	v3 =	vmul.f32 v10, v5;
	v5 =	vld [tilespmem:s7+$0x40]  }
0xd7: {  	v10 =	vld [tilespmem:s7+$0x50];
	[tilespmem:s7+$0xFFFFFFE0] =	vst v2;
	v2 =	vmul.f32 v11, v7  }
0xd8: {  	[tilespmem:s7+$0xFFFFFFF0] =	vst v3;
	v3 =	vmul.f32 v6, v7;
	v6 =	vld [tilespmem:s7+$0x60]  }
0xd9: {  	[tilespmem:s7+$0x0] =	vst v2;
	v2 =	vmul.f32 v9, v7;
	v9 =	vld [tilespmem:s7+$0x70]  }
0xda: {  	[tilespmem:s7+$0x10] =	vst v3;
	v3 =	vmul.f32 v4, v7;
	v4 =	vld [tilespmem:s7+$0x80]  }
0xdb: {  	[tilespmem:s7+$0x20] =	vst v2;
	v2 =	vmul.f32 v5, v7;
	v5 =	vld [tilespmem:s7+$0x90]  }
0xdc: {  	[tilespmem:s7+$0x30] =	vst v3;
	v3 =	vmul.f32 v10, v7;
	v10 =	vld [tilespmem:s7+$0xA0]  }
0xdd: {  	[tilespmem:s7+$0x40] =	vst v2;
	v2 =	vmul.f32 v6, v7;
	v6 =	vld [tilespmem:s7+$0xB0]  }
0xde: {  	[tilespmem:s7+$0x50] =	vst v3;
	v3 =	vmul.f32 v9, v7;
	v7 =	vld [tilespmem:s7+$0xC0]  }
0xdf: {  	[tilespmem:s7+$0x60] =	vst v2;
	v2 =	vmul.f32 v4, v8;
	v4 =	vld [tilespmem:s7+$0xD0]  }
0xe0: {  	[tilespmem:s7+$0x70] =	vst v3;
	v3 =	vmul.f32 v5, v8;
	v5 =	vld [tilespmem:s7+$0xE0]  }
0xe1: {  	[tilespmem:s7+$0x80] =	vst v2;
	v2 =	vmul.f32 v10, v8  }
0xe2: {  	[tilespmem:s7+$0x90] =	vst v3;
	v3 =	vmul.f32 v6, v8  }
0xe3: {  	[tilespmem:s7+$0xA0] =	vst v2;
	v2 =	vmul.f32 v7, v8  }
0xe4: {  	[tilespmem:s7+$0xB0] =	vst v3;
	v3 =	vmul.f32 v4, v8  }
0xe5: {  	[tilespmem:s7+$0xC0] =	vst v2;
	v2 =	vmul.f32 v5, v8  }
0xe6: {  	[tilespmem:s7+$0xD0] =	vst v3  }
0xe7: {  	[tilespmem:s7+$0xE0] =	vst v2  }
0xe8: {  	v2 =	vld [tilespmem:s29+$0x2800];
	_ =	sdelay $0x7  }
0xe9: {  	[spmem:s3] =	stream.indirect_vreg.scatter.add.f32 [tilespmem:s1], [sflag:$0x2], $0x80, v2, vm0, $0xb8;
	[tilespmem:$0x1F400] =	vst v63  }
0xea: {  	v2 =	vld [tilespmem:s29+$0x2810];
	_ =	sdelay $0x7  }
0xeb: {  	[spmem:s3] =	stream.indirect_vreg.scatter.add.f32 [tilespmem:s15], [sflag:$0x2], $0x80, v2, vm0, $0xb8;
	[tilespmem:$0x1F400] =	vst v63  }
0xec: {  	v2 =	vld [tilespmem:s29+$0x2820];
	_ =	sdelay $0x7  }
0xed: {  	[spmem:s3] =	stream.indirect_vreg.scatter.add.f32 [tilespmem:s16], [sflag:$0x2], $0x80, v2, vm0, $0xb8;
	[tilespmem:$0x1F400] =	vst v63  }
0xee: {  	v2 =	vld [tilespmem:s29+$0x2830];
	_ =	sdelay $0x7  }
0xef: {  	[spmem:s3] =	stream.indirect_vreg.scatter.add.f32 [tilespmem:s17], [sflag:$0x2], $0x80, v2, vm0, $0xb8;
	[tilespmem:$0x1F400] =	vst v63  }
0xf0: {  	_ =	swait.ge [sflag:s13], $0x2000  }
0xf1: {  	[sflag:s13] =	ssyncset.done $0x0  }
0xf2: {  	[sflag:s13] =	ssyncadd.s32 $0xFFFFE000  }
0xf3: {  	_ =	swait.ge [sflag:s18], $0x800  }
0xf4: {  	[sflag:s18] =	ssyncset.done $0x0  }
0xf5: {  	[sflag:s18] =	ssyncadd.s32 $0xFFFFF800  }
0xf6: {  	s10 =	simm.s32 $0x40;
	_ =	swait.ge [sflag:s18], $0x800  }
0xf7: {  	s7 =	simm.s32 $0x43;
	v2 =	vmov s10;
	[sflag:s18] =	ssyncset.done $0x0  }
0xf8: {  	v3 =	vmov s7;
	v2 =	vand.u32 $0x7C, v2;
	[sflag:s18] =	ssyncadd.s32 $0xFFFFF800  }
0xf9: {  	v3 =	vand.u32 $0x7F, v3;
	v2 =	vor.u32 v1, v2;
	_ =	swait.ge [sflag:s18], $0x800  }
0xfa: {  	v3 =	vor.u32 v1, v3;
	v2 =	vbroadcast v2, $0x0;
	[sflag:s18] =	ssyncset.done $0x0  }
0xfb: {  	v3 =	vbroadcast v3, $0x0;
	[sflag:s18] =	ssyncadd.s32 $0xFFFFF800  }
0xfc: {  	p1 =	seq.s32 s5, $0x4E;
	s10 =	sadd.s32 $0x1, s5;
	_ =	swait.ge [sflag:s18], $0x800  }
0xfd: {  	s6 =	simm.s32 @!p1 $0x40;
	s5 =	sshll.u32 @!p1 s10, $0x7;
	[sflag:s18] =	ssyncset.done $0x0  }
0xfe: {  	s7 =	simm.s32 @!p1 $0x7800;
	s5 =	sand.u32 @!p1 $0x3FFFFF80, s5;
	[sflag:s18] =	ssyncadd.s32 $0xFFFFF800  }
0xff: {  	[tilespmem:s7], [sflag:$0x1] =	stream.indirect.gather @!p1 [hbm4b:s0+s6], $0x80, s5, s6, $0xb8;
	[tilespmem:$0x1F400] =	vst v63  }
0x100: {  	s8 =	simm.s32 $0x41;
	v5 =	vld.idx.msk [tilespmem:v2+s11+$0x0], $0xffff  }
0x101: {  	v4 =	vmov s8;
	s5 =	simm.s32 $0x9900;
	v2 =	vld.idx.msk [tilespmem:v3+s11+$0x0], $0xffff  }
0x102: {  	v3 =	vand.u32 $0x7D, v4;
	v6 =	vld [tilespmem:s5+$0xF0]  }
0x103: {  	v4 =	vld [tilespmem:s5+$0xFFFFFF00];
	v3 =	vor.u32 v1, v3  }
0x104: {  	v7 =	vld [tilespmem:s5+$0xFFFFFF10];
	v3 =	vbroadcast v3, $0x0  }
0x105: {  	v8 =	vld [tilespmem:s5+$0xFFFFFF20]  }
0x106: {  	v9 =	vld [tilespmem:s5+$0xFFFFFF30]  }
0x107: {  	v10 =	vld [tilespmem:s5+$0xFFFFFF40]  }
0x108: {  	v58 =	vld [tilespmem:s5+$0xFFFFFF50]  }
0x109: {  	s9 =	simm.s32 $0x42;
	v59 =	vld [tilespmem:s5+$0xFFFFFF60];
	v11 =	vmul.f32 v4, v5  }
0x10a: {  	v60 =	vmov s9;
	v4 =	vld.idx.msk [tilespmem:v3+s11+$0x0], $0xffff;
	v3 =	vmul.f32 v6, v2  }
0x10b: {  	v61 =	vld [tilespmem:s5+$0xFFFFFFB0];
	v7 =	vmul.f32 v7, v5;
	[tilespmem:s5+$0xFFFFFF00] =	vst v11;
	v6 =	vand.u32 $0x7E, v60  }
0x10c: {  	v11 =	vld [tilespmem:s5+$0xFFFFFF70];
	v6 =	vor.u32 v1, v6;
	[tilespmem:s5+$0xF0] =	vst v3;
	v3 =	vmul.f32 v8, v5  }
0x10d: {  	[tilespmem:s5+$0xFFFFFF10] =	vst v7;
	v7 =	vmul.f32 v9, v5;
	v8 =	vld [tilespmem:s5+$0xFFFFFF80];
	v6 =	vbroadcast v6, $0x0  }
0x10e: {  	v9 =	vld [tilespmem:s5+$0xFFFFFF90];
	[tilespmem:s5+$0xFFFFFF20] =	vst v3;
	v3 =	vmul.f32 v10, v5  }
0x10f: {  	[tilespmem:s5+$0xFFFFFF30] =	vst v7;
	v7 =	vmul.f32 v58, v5;
	v10 =	vld [tilespmem:s5+$0xFFFFFFA0]  }
0x110: {  	v62 =	vld [tilespmem:s5+$0xFFFFFFC0];
	[tilespmem:s5+$0xFFFFFF40] =	vst v3;
	v3 =	vmul.f32 v59, v5  }
0x111: {  	v63 =	vld [tilespmem:s5+$0xFFFFFFD0];
	[tilespmem:s5+$0xFFFFFF50] =	vst v7;
	v5 =	vmul.f32 v11, v5  }
0x112: {  	v7 =	vmul.f32 v8, v4;
	v8 =	vld [tilespmem:s5+$0xFFFFFFE0];
	[tilespmem:s5+$0xFFFFFF60] =	vst v3  }
0x113: {  	v3 =	vld.idx.msk [tilespmem:v6+s11+$0x0], $0xffff;
	v6 =	vmul.f32 v9, v4;
	[tilespmem:s5+$0xFFFFFF70] =	vst v5  }
0x114: {  	[tilespmem:s5+$0xFFFFFF80] =	vst v7;
	v5 =	vmul.f32 v10, v4;
	v7 =	vld [tilespmem:s5+$0xFFFFFFF0]  }
0x115: {  	v9 =	vld [tilespmem:s5+$0x0];
	[tilespmem:s5+$0xFFFFFF90] =	vst v6;
	v6 =	vmul.f32 v61, v4  }
0x116: {  	v11 =	vmul.f32 v62, v4;
	[tilespmem:s5+$0xFFFFFFA0] =	vst v5;
	v5 =	vld [tilespmem:s5+$0x10]  }
0x117: {  	s7 =	simm.s32 $0x0;
	s6 =	simm.s32 $0x9900;
	v10 =	vmul.f32 v63, v4;
	[tilespmem:s5+$0xFFFFFFB0] =	vst v6;
	v6 =	vld [tilespmem:s5+$0x20]  }
.LBB2_7:
0x118: {  	s8 =	sadd.s32 $0x44, s7;
	[tilespmem:s5+$0xFFFFFFC0] =	vst v11;
	v8 =	vmul.f32 v8, v4;
	v11 =	vld [tilespmem:s5+$0x30]  }
0x119: {  	s9 =	sadd.s32 $0x46, s7;
	v12 =	vmov s8;
	s8 =	sadd.s32 $0x45, s7;
	[tilespmem:s5+$0xFFFFFFD0] =	vst v10;
	v4 =	vmul.f32 v7, v4;
	v7 =	vld [tilespmem:s5+$0x40]  }
0x11a: {  	v13 =	vmov s9;
	v10 =	vmov s8;
	[tilespmem:s5+$0xFFFFFFE0] =	vst v8;
	v8 =	vmul.f32 v9, v3;
	v9 =	vld [tilespmem:s5+$0x50]  }
0x11b: {  	v12 =	vand.u32 $0x7C, v12;
	v10 =	vand.u32 $0x7D, v10;
	[tilespmem:s5+$0xFFFFFFF0] =	vst v4;
	v4 =	vmul.f32 v5, v3;
	v5 =	vld [tilespmem:s5+$0x60]  }
0x11c: {  	v13 =	vand.u32 $0x7E, v13;
	v12 =	vor.u32 v1, v12;
	[tilespmem:s5+$0x0] =	vst v8;
	v6 =	vmul.f32 v6, v3;
	v8 =	vld [tilespmem:s5+$0x70]  }
0x11d: {  	s8 =	sadd.s32 $0x47, s7;
	s7 =	sadd.s32 $0x4, s7;
	v13 =	vor.u32 v1, v13;
	v10 =	vor.u32 v1, v10;
	[tilespmem:s5+$0x10] =	vst v4;
	v4 =	vmul.f32 v11, v3;
	v11 =	vld [tilespmem:s5+$0x80]  }
0x11e: {  	v14 =	vmov s8;
	p1 =	slt.u32 s7, $0x3C;
	v12 =	vbroadcast v12, $0x0;
	[tilespmem:s5+$0x20] =	vst v6;
	v6 =	vmul.f32 v7, v3;
	v7 =	vld [tilespmem:s5+$0x90]  }
0x11f: {  	v14 =	vand.u32 $0x7F, v14;
	v10 =	vbroadcast v10, $0x0;
	[tilespmem:s5+$0x30] =	vst v4;
	v4 =	vmul.f32 v9, v3;
	v9 =	vld [tilespmem:s5+$0xA0]  }
0x120: {  	v13 =	vbroadcast v13, $0x0;
	v14 =	vor.u32 v1, v14;
	[tilespmem:s5+$0x40] =	vst v6;
	v5 =	vmul.f32 v5, v3;
	v6 =	vld [tilespmem:s5+$0xB0]  }
0x121: {  	v14 =	vbroadcast v14, $0x0;
	[tilespmem:s5+$0x50] =	vst v4;
	v3 =	vmul.f32 v8, v3;
	v8 =	vld [tilespmem:s5+$0xC0]  }
0x122: {  	[tilespmem:s5+$0x60] =	vst v5;
	v4 =	vmul.f32 v11, v2;
	v5 =	vld [tilespmem:s5+$0xD0]  }
0x123: {  	[tilespmem:s5+$0x70] =	vst v3;
	v3 =	vmul.f32 v7, v2;
	v7 =	vld [tilespmem:s5+$0xE0]  }
0x124: {  	v11 =	vld.idx.msk [tilespmem:v12+s11+$0x0], $0xffff;
	[tilespmem:s5+$0x80] =	vst v4;
	v9 =	vmul.f32 v9, v2  }
0x125: {  	v4 =	vld.idx.msk [tilespmem:v10+s11+$0x0], $0xffff;
	[tilespmem:s5+$0x90] =	vst v3;
	v6 =	vmul.f32 v6, v2  }
0x126: {  	v3 =	vld.idx.msk [tilespmem:v13+s11+$0x0], $0xffff;
	[tilespmem:s5+$0xA0] =	vst v9;
	v8 =	vmul.f32 v8, v2  }
0x127: {  	s5 =	sadd.s32 $0x200, s5;
	v9 =	vld.idx.msk [tilespmem:v14+s11+$0x0], $0xffff;
	[tilespmem:s6+$0xB0] =	vst v6;
	v5 =	vmul.f32 v5, v2  }
0x128: {  	v6 =	vld [tilespmem:s5+$0xF0];
	[tilespmem:s6+$0xC0] =	vst v8;
	v2 =	vmul.f32 v7, v2  }
0x129: {  	v7 =	vld [tilespmem:s5+$0xFFFFFF00];
	[tilespmem:s6+$0xD0] =	vst v5  }
0x12a: {  	v5 =	vld [tilespmem:s5+$0xFFFFFF10];
	[tilespmem:s6+$0xE0] =	vst v2;
	s6 =	smov.u32 s5  }
0x12b: {  	v8 =	vld [tilespmem:s5+$0xFFFFFF20]  }
0x12c: {  	v10 =	vld [tilespmem:s5+$0xFFFFFF30]  }
0x12d: {  	v2 =	vmov v9;
	v12 =	vld [tilespmem:s5+$0xFFFFFF40];
	v6 =	vmul.f32 v6, v9  }
0x12e: {  	v7 =	vmul.f32 v7, v11;
	v9 =	vld [tilespmem:s5+$0xFFFFFF50]  }
0x12f: {  	v5 =	vmul.f32 v5, v11;
	v13 =	vld [tilespmem:s5+$0xFFFFFF60];
	[tilespmem:s5+$0xF0] =	vst v6  }
0x130: {  	[tilespmem:s5+$0xFFFFFF00] =	vst v7;
	v6 =	vmul.f32 v8, v11;
	v7 =	vld [tilespmem:s5+$0xFFFFFF70]  }
0x131: {  	[tilespmem:s5+$0xFFFFFF10] =	vst v5;
	v5 =	vmul.f32 v10, v11;
	v8 =	vld [tilespmem:s5+$0xFFFFFF80]  }
0x132: {  	[tilespmem:s5+$0xFFFFFF20] =	vst v6;
	v6 =	vmul.f32 v12, v11;
	v10 =	vld [tilespmem:s5+$0xFFFFFF90]  }
0x133: {  	[tilespmem:s5+$0xFFFFFF30] =	vst v5;
	v5 =	vmul.f32 v9, v11;
	v9 =	vld [tilespmem:s5+$0xFFFFFFA0]  }
0x134: {  	[tilespmem:s5+$0xFFFFFF40] =	vst v6;
	v6 =	vmul.f32 v13, v11;
	v12 =	vld [tilespmem:s5+$0xFFFFFFB0]  }
0x135: {  	[tilespmem:s5+$0xFFFFFF50] =	vst v5;
	v5 =	vmul.f32 v7, v11;
	v11 =	vld [tilespmem:s5+$0xFFFFFFC0]  }
0x136: {  	[tilespmem:s5+$0xFFFFFF60] =	vst v6;
	v6 =	vmul.f32 v8, v4;
	v13 =	vld [tilespmem:s5+$0xFFFFFFD0]  }
.Ltmp2:
0x137: {  	[tilespmem:s5+$0xFFFFFF70] =	vst v5;
	v5 =	vmul.f32 v10, v4;
	v8 =	vld [tilespmem:s5+$0xFFFFFFE0];
	(pc) =	sbr.rel @p1 .LBB2_7-.Ltmp2, $4  }
0x138: {  	[tilespmem:s5+$0xFFFFFF80] =	vst v6;
	v6 =	vmul.f32 v9, v4;
	v7 =	vld [tilespmem:s5+$0xFFFFFFF0]  }
0x139: {  	[tilespmem:s5+$0xFFFFFF90] =	vst v5;
	v10 =	vmul.f32 v12, v4;
	v9 =	vld [tilespmem:s5+$0x0]  }
0x13a: {  	[tilespmem:s5+$0xFFFFFFA0] =	vst v6;
	v11 =	vmul.f32 v11, v4;
	v5 =	vld [tilespmem:s5+$0x10]  }
0x13b: {  	[tilespmem:s5+$0xFFFFFFB0] =	vst v10;
	v10 =	vmul.f32 v13, v4;
	v6 =	vld [tilespmem:s5+$0x20]  }
0x13c: {  	v1 =	vld [tilespmem:s5+$0x30];
	[tilespmem:s5+$0xFFFFFFC0] =	vst v11;
	v8 =	vmul.f32 v8, v4  }
0x13d: {  	v48 =	vld [tilespmem:s5+$0x40];
	[tilespmem:s5+$0xFFFFFFD0] =	vst v10;
	v50 =	vmul.f32 v7, v4  }
0x13e: {  	v49 =	vld [tilespmem:s5+$0x50];
	v9 =	vmul.f32 v9, v3;
	[tilespmem:s5+$0xFFFFFFE0] =	vst v8  }
0x13f: {  	v51 =	vld [tilespmem:s5+$0x60];
	v5 =	vmul.f32 v5, v3;
	[tilespmem:s5+$0xFFFFFFF0] =	vst v50  }
0x140: {  	v53 =	vld [tilespmem:s5+$0x70];
	[tilespmem:s5+$0x0] =	vst v9;
	v52 =	vmul.f32 v6, v3  }
0x141: {  	v54 =	vld [tilespmem:s5+$0x80];
	[tilespmem:s5+$0x10] =	vst v5;
	v1 =	vmul.f32 v1, v3  }
0x142: {  	v56 =	vld [tilespmem:s5+$0x90];
	v55 =	vmul.f32 v48, v3;
	[tilespmem:s5+$0x20] =	vst v52  }
0x143: {  	v57 =	vld [tilespmem:s5+$0xA0];
	[tilespmem:s5+$0x30] =	vst v1;
	v1 =	vmul.f32 v49, v3  }
0x144: {  	v59 =	vld [tilespmem:s5+$0xB0];
	v58 =	vmul.f32 v51, v3;
	[tilespmem:s5+$0x40] =	vst v55  }
0x145: {  	[tilespmem:s5+$0x50] =	vst v1;
	v1 =	vmul.f32 v53, v3;
	v3 =	vld [tilespmem:s5+$0xC0]  }
0x146: {  	v61 =	vld [tilespmem:s5+$0xD0];
	v60 =	vmul.f32 v54, v2;
	[tilespmem:s5+$0x60] =	vst v58  }
0x147: {  	v62 =	vld [tilespmem:s5+$0xE0];
	[tilespmem:s5+$0x70] =	vst v1;
	v1 =	vmul.f32 v56, v2  }
0x148: {  	v63 =	vmul.f32 v57, v2;
	[tilespmem:s5+$0x80] =	vst v60  }
0x149: {  	[tilespmem:s5+$0x90] =	vst v1;
	v1 =	vmul.f32 v59, v2  }
0x14a: {  	[tilespmem:s5+$0xA0] =	vst v63;
	v3 =	vmul.f32 v3, v2  }
0x14b: {  	[tilespmem:s6+$0xB0] =	vst v1;
	v1 =	vmul.f32 v61, v2  }
0x14c: {  	v2 =	vmul.f32 v62, v2;
	[tilespmem:s6+$0xC0] =	vst v3  }
0x14d: {  	[tilespmem:s6+$0xD0] =	vst v1  }
0x14e: {  	[tilespmem:s6+$0xE0] =	vst v2  }
0x14f: {  	v1 =	vld [tilespmem:s30+$0x2800];
	_ =	sdelay $0x7  }
0x150: {  	[spmem:s3] =	stream.indirect_vreg.scatter.add.f32 [tilespmem:s14], [sflag:$0x2], $0x80, v1, vm0, $0xb8;
	[tilespmem:$0x1F400] =	vst v63  }
0x151: {  	v1 =	vld [tilespmem:s29+$0x2850];
	_ =	sdelay $0x7  }
0x152: {  	[spmem:s3] =	stream.indirect_vreg.scatter.add.f32 [tilespmem:s22], [sflag:$0x2], $0x80, v1, vm0, $0xb8;
	[tilespmem:$0x1F400] =	vst v63  }
0x153: {  	v1 =	vld [tilespmem:s29+$0x2860];
	_ =	sdelay $0x7  }
0x154: {  	[spmem:s3] =	stream.indirect_vreg.scatter.add.f32 [tilespmem:s23], [sflag:$0x2], $0x80, v1, vm0, $0xb8;
	[tilespmem:$0x1F400] =	vst v63  }
0x155: {  	v1 =	vld [tilespmem:s29+$0x2870];
	_ =	sdelay $0x7  }
0x156: {  	[spmem:s3] =	stream.indirect_vreg.scatter.add.f32 [tilespmem:s24], [sflag:$0x2], $0x80, v1, vm0, $0xb8;
	[tilespmem:$0x1F400] =	vst v63  }
0x157: {  	_ =	swait.ge [sflag:s18], $0x800  }
0x158: {  	[sflag:s18] =	ssyncset.done $0x0  }
0x159: {  	[sflag:s18] =	ssyncadd.s32 $0xFFFFF800  }
0x15a: {  	_ =	swait.ge [sflag:s18], $0x800  }
0x15b: {  	[sflag:s18] =	ssyncset.done $0x0  }
0x15c: {  	[sflag:s18] =	ssyncadd.s32 $0xFFFFF800  }
0x15d: {  	p1 =	sne.s32 s10, $0x4F;
	_ =	swait.ge [sflag:s18], $0x800  }
.Ltmp3:
0x15e: {  	[sflag:s18] =	ssyncset.done $0x0;
	(pc) =	sbr.rel @p1 .LBB2_4-.Ltmp3, $4  }
0x15f: {  	[sflag:s18] =	ssyncadd.s32 $0xFFFFF800  }
0x160: {  	_ =	swait.ge [sflag:s18], $0x800  }
0x161: {  	[sflag:s18] =	ssyncset.done $0x0  }
0x162: {  	s5 =	smov.u32 s10;
	[sflag:s18] =	ssyncadd.s32 $0xFFFFF800  }
0x163: {  	s5 =	stileid.u32  }
0x164: {  	[bflag:$0x0] =	sbarrier.arrive $0xFFFF;
	s5 =	sshll.u32 s5, $0x6  }
0x165: {  	s6 =	sshrl.u32 s19, $0x3;
	s7 =	rddreg [dreg:$0xb];
	s5 =	sor.u32 $0x1C03, s5  }
0x166: {  	[hbm:s7], [sflag:s5] =	dma.local [spmem:s6], $0x400  }
0x167: {  	_ =	swait.ge [sflag:s2], $0x400  }
0x168: {  	[sflag:s2] =	ssyncset.done $0x0  }
0x169: {  	s7 =	sshrl.u32 s20, $0x3;
	s8 =	rddreg [dreg:$0xc];
	[sflag:s2] =	ssyncadd.s32 $0xFFFFFC00  }
0x16a: {  	[hbm:s8], [sflag:s5] =	dma.local [spmem:s7], $0x400  }
0x16b: {  	_ =	swait.ge [sflag:s2], $0x400  }
0x16c: {  	[sflag:s2] =	ssyncset.done $0x0  }
0x16d: {  	s9 =	sshrl.u32 s21, $0x3;
	s10 =	rddreg [dreg:$0xd];
	[sflag:s2] =	ssyncadd.s32 $0xFFFFFC00  }
0x16e: {  	[hbm:s10], [sflag:s5] =	dma.local [spmem:s9], $0x400  }
0x16f: {  	s28 =	smov.u32 s19;
	_ =	swait.ge [sflag:s2], $0x400  }
0x170: {  	s29 =	smov.u32 s20;
	[sflag:s2] =	ssyncset.done $0x0;
	s19 =	rddreg [dreg:$0x5]  }
0x171: {  	s20 =	rddreg [dreg:$0xe];
	[sflag:s2] =	ssyncadd.s32 $0xFFFFFC00;
	s6 =	sshrl.u32 s19, $0x3  }
0x172: {  	[hbm:s20], [sflag:s5] =	dma.local [spmem:s6], $0x400  }
0x173: {  	_ =	swait.ge [sflag:s2], $0x400  }
0x174: {  	s30 =	smov.u32 s21;
	s21 =	sshrl.u32 s25, $0x3;
	[sflag:s2] =	ssyncset.done $0x0  }
0x175: {  	s10 =	smov.u32 s25;
	s25 =	rddreg [dreg:$0x11];
	[sflag:s2] =	ssyncadd.s32 $0xFFFFFC00  }
0x176: {  	[hbm:s25], [sflag:s5] =	dma.local [spmem:s21], $0x400  }
0x177: {  	_ =	swait.ge [sflag:s2], $0x400  }
0x178: {  	[sflag:s2] =	ssyncset.done $0x0;
	s7 =	rddreg [dreg:$0xf]  }
0x179: {  	s8 =	rddreg [dreg:$0x12];
	[sflag:s2] =	ssyncadd.s32 $0xFFFFFC00;
	s6 =	sshrl.u32 s7, $0x3  }
0x17a: {  	[hbm:s8], [sflag:s5] =	dma.local [spmem:s6], $0x400  }
0x17b: {  	_ =	swait.ge [sflag:s2], $0x400  }
0x17c: {  	[sflag:s2] =	ssyncset.done $0x0;
	s9 =	rddreg [dreg:$0x10]  }
0x17d: {  	s19 =	rddreg [dreg:$0x13];
	[sflag:s2] =	ssyncadd.s32 $0xFFFFFC00;
	s6 =	sshrl.u32 s9, $0x3  }
0x17e: {  	[hbm:s19], [sflag:s5] =	dma.local [spmem:s6], $0x400  }
0x17f: {  	_ =	swait.ge [sflag:s2], $0x400  }
0x180: {  	[sflag:s2] =	ssyncset.done $0x0;
	s20 =	rddreg [dreg:$0x14]  }
0x181: {  	s21 =	rddreg [dreg:$0x15];
	[sflag:s2] =	ssyncadd.s32 $0xFFFFFC00;
	s6 =	sshrl.u32 s20, $0x3  }
0x182: {  	[hbm:s21], [sflag:s5] =	dma.local [spmem:s6], $0x400  }
0x183: {  	_ =	swait.ge [sflag:s2], $0x400  }
0x184: {  	[sflag:s2] =	ssyncset.done $0x0  }
0x185: {  	s6 =	sshrl.u32 @!p0 s26, $0x3;
	s7 =	rddreg [dreg:$0x16];
	[sflag:s2] =	ssyncadd.s32 $0xFFFFFC00  }
0x186: {  	[hbm:s7], [sflag:s5] =	dma.local @!p0 [spmem:s6], $0x400  }
0x187: {  	s6 =	simm.s32 @!p0 $0x3  }
0x188: {  	_ =	swait.ge @!p0 [sflag:s6], $0x400  }
0x189: {  	s7 =	rddreg [dreg:$0x6]  }
0x18a: {  	s8 =	sadd.s32 @!p0 s31, s3;
	s7 =	sadd.s32 @!p0 s7, s31  }
0x18b: {  	[sflag:s6] =	ssyncset.done @!p0 $0x0;
	s9 =	rddreg [dreg:$0x4];
	s7 =	sshrl.u32 @!p0 s7, $0x3  }
0x18c: {  	s8 =	sshrl.u32 @!p0 s8, $0x3;
	[sflag:s6] =	ssyncadd.s32 @!p0 $0xFFFFFC00;
	s7 =	sadd.s32 @!p0 s9, s7  }
0x18d: {  	[hbm:s7], [sflag:s5] =	dma.local @!p0 [spmem:s8], $0x400  }
0x18e: {  	_ =	swait.ge @!p0 [sflag:s6], $0x400  }
0x18f: {  	s4 =	sadd.s32 $0x1, s4;
	s25 =	rddreg [dreg:$0x17]  }
0x190: {  	p1 =	sne.s32 s4, s25  }
.Ltmp4:
0x191: {  	_ = 	snop;
	(pc) =	sbr.rel @p1 .LBB2_1-.Ltmp4, $3  }
0x192: {  	_ =	sdelay $0x1  }
0x193: {  	[sflag:s6] =	ssyncset.done @!p0 $0x0  }
0x194: {  	[sflag:s6] =	ssyncadd.s32 @!p0 $0xFFFFFC00  }
0x195: {  	_ =	sfence.sel $0x180000  }
0x196: {  	[bflag:$0x0] =	sbarrier.arrive $0xFFFF  }
0x197: {  	_ =	strace $0x9000004A  }
0x198: {  	s0 =	stileid.u32;
	[bflag:$0x2] =	sbarrier.arrive $0xFFFF  }
0x199: {  	p0 =	sne.s32 s0, $0x0;
	s0 =	rddreg [dreg:$0x3]  }
0x19a: {  	s0 =	sadd.s32 @!p0 $0x100000, s0  }
0x19b: {  	[sflag:s0] =	ssyncadd.tile.s32 @!p0 $0x1;
	_ =	shalt  }
.Lfunc_end2:
_tile_overlayer_lowered:
.L_overlay_start_2:
0x19c: {  	(tag) =	ssettag $0x2  }
0x19d: {  	s0 =	rddreg [dreg:$0x0];
	s2 =	stileid.u32  }
0x19e: {  	s1 =	rddreg [dreg:$0x1];
	p0 =	sne.s32 s2, $0x0  }
0x19f: {  	s3 =	rddreg [dreg:$0x2];
	[bflag:$0x3] =	sbarrier.arrive $0xFFFF;
	s2 =	simm.s32 @!p0 $0x1C03  }
0x1a0: {  	[timem:s3], [sflag:s2] =	dma.local @!p0 [hbm:s0], s1  }
0x1a1: {  	s0 =	simm.s32 @!p0 $0x3  }
0x1a2: {  	_ =	swait.ge @!p0 [sflag:s0], s1  }
0x1a3: {  	s1 =	ssub.s32 @!p0 $0x0, s1;
	[sflag:s0] =	ssyncset.done @!p0 $0x0  }
0x1a4: {  	[sflag:s0] =	ssyncadd.s32 @!p0 s1  }
0x1a5: {  	[bflag:$0x3] =	sbarrier.arrive $0xFFFF  }
0x1a6: {  	_ =	shalt  }

// kernel: kernel.14.cloned.1.call-start
scs
__scs_entry_jumppad:
0x0: {  	(pc) =	sbr.rel $0x88, $3  }
0x1: {  	(tag) =	ssettag $0x0;
	lr =	simm.s32 $0x1  }
0x2: {  	[smem:$0x3F98] =	sst lr;
	_ =	strace $0xD0000000  }
0x3: {  	_ = 	snop  }
0x4: {  	_ = 	snop  }
0x5: {  	_ = 	snop  }
0x6: {  	_ = 	snop  }
0x7: {  	_ = 	snop  }
__scs_overlays_trampoline_lowered:
0x8: {  	[smem:$0x3FA7] =	sst s0  }
0x9: {  	[smem:$0x3FA8] =	sst s1  }
0xa: {  	[smem:$0x3FA9] =	sst s2  }
0xb: {  	[smem:$0x3FAA] =	sst s3  }
0xc: {  	[smem:$0x3FAB] =	sst s4  }
0xd: {  	[smem:$0x3FAC] =	sst s5  }
0xe: {  	[smem:$0x3FAD] =	sst s6  }
0xf: {  	[smem:$0x3FAE] =	sst s7  }
0x10: {  	[smem:$0x3FAF] =	sst s8  }
0x11: {  	[smem:$0x3FB0] =	sst s9;
	s0 =	simm.s32 @!p0 $0x0  }
0x12: {  	s1 =	sld [smem:$0x3F96];
	s0 =	simm.s32 @p0 $0x1  }
0x13: {  	[smem:$0x3FB1] =	sst s0;
	s0 =	simm.s32 @!p1 $0x0  }
0x14: {  	s2 =	sld [smem:$0x3F95];
	s0 =	simm.s32 @p1 $0x1  }
0x15: {  	[smem:$0x3FB2] =	sst s0;
	s0 =	simm.s32 @!p2 $0x0  }
0x16: {  	s3 =	sld [smem:$0x3FDB];
	s0 =	simm.s32 @p2 $0x1  }
0x17: {  	s4 =	simm.s32 $0x1BF5;
	[smem:$0x3FB4] =	sst s0  }
0x18: {  	s0 =	sld [smem:$0x3F97];
	_ =	swait.ge [sflag:s4], $0x0  }
0x19: {  	s7 =	sld [smem:$0x3F98]  }
0x1a: {  	s8 =	sadd.s32 $0xFFFFE003, lr  }
0x1b: {  	s9 =	sadd.s32 $0xFFFFFEF7, lr;
	s5 =	simm.s32 $0xFFFFFFFF;
	p2 =	slt.u32 s8, $0xFFFFF086  }
0x1c: {  	p1 =	slt.u32 s9, $0xF7A;
	s5 =	simm.s32 @!p2 $0x0  }
0x1d: {  	s5 =	simm.s32 @p1 $0x1;
	p0 =	seq.s32 s7, s2  }
0x1e: {  	s7 =	smul.u32 @!p0 $0xF7A, s2;
	p2 =	seq.s32 @!p0 s5, $0x0  }
0x1f: {  	s9 =	smul.u32 $0xF7A, s1;
	s8 =	simm.s32 @!p0 $0x1BF5;
	p2 =	por !p2, p0  }
0x20: {  	[sflag:s8] =	ssyncset.s32 @!p0 $0xFFFFF086;
	s6 =	sadd.s32 @!p0 s3, s7;
	s7 =	simm.s32 @!p0 $0x108  }
0x21: {  	s3 =	sadd.s32 s3, s9;
	s6 =	sadd.s32 @!p0 $0x88, s6;
	s7 =	simm.s32 @p2 $0x1082  }
0x22: {  	[simem:s7], [sflag:s8] =	dma.local @!p0 [hbm:s6], $0xF7A  }
0x23: {  	s9 =	sor.u32 $0xD0000000, s2;
	s6 =	simm.s32 $0x108;
	_ =	swait.ge @!p0 [sflag:s8], $0x0  }
0x24: {  	s3 =	sadd.s32 $0x88, s3;
	s6 =	simm.s32 @!p1 $0x1082;
	[sflag:s4] =	ssyncset.s32 $0xFFFFF086  }
0x25: {  	[simem:s6], [sflag:s4] =	dma.local [hbm:s3], $0xF7A  }
0x26: {  	[smem:$0x3F98] =	sst s1;
	(tag) =	ssettag s2;
	_ =	strace s9  }
0x27: {  	s1 =	sld [smem:$0x3FA8]  }
0x28: {  	s2 =	sld [smem:$0x3FA9]  }
0x29: {  	s4 =	sld [smem:$0x3FAB]  }
0x2a: {  	p0 =	seq.s32 s5, $0x0;
	s5 =	sld [smem:$0x3FAC]  }
0x2b: {  	s6 =	sld [smem:$0x3FAD]  }
0x2c: {  	s7 =	sld [smem:$0x3FAE]  }
0x2d: {  	s3 =	simm.s32 $0x108;
	s8 =	sld [smem:$0x3FAF]  }
0x2e: {  	s3 =	simm.s32 @!p0 $0x1082;
	s9 =	sld [smem:$0x3FB0]  }
0x2f: {  	lr =	sadd.s32 s0, s3;
	s0 =	sld [smem:$0x3FA7]  }
0x30: {  	s3 =	sld [smem:$0x3FAA]  }
0x31: {  	[smem:$0x3FB3] =	sst s10  }
0x32: {  	s10 =	sld [smem:$0x3FB1];
	_ =	sdelay $0x3  }
0x33: {  	p0 =	seq.s32 s10, $0x1;
	s10 =	sld [smem:$0x3FB3];
	_ =	sdelay $0x3  }
0x34: {  	[smem:$0x3FB3] =	sst s10  }
0x35: {  	s10 =	sld [smem:$0x3FB2];
	_ =	sdelay $0x3  }
0x36: {  	p1 =	seq.s32 s10, $0x1;
	s10 =	sld [smem:$0x3FB3];
	_ =	sdelay $0x3  }
0x37: {  	[smem:$0x3FB3] =	sst s10  }
0x38: {  	s10 =	sld [smem:$0x3FB4]  }
0x39: {  	_ = 	snop;
	(pc) =	sbr.ind lr, $3  }
0x3a: {  	_ = 	snop  }
0x3b: {  	_ = 	snop  }
0x3c: {  	p2 =	seq.s32 s10, $0x1;
	s10 =	sld [smem:$0x3FB3]  }
0x3d: {  	_ =	shalt  }
0x3e: {  	_ =	shalt  }
0x3f: {  	_ =	shalt  }
0x40: {  	_ =	shalt  }
0x41: {  	_ =	shalt  }
0x42: {  	_ =	shalt  }
0x43: {  	_ =	shalt  }
0x44: {  	_ =	shalt  }
0x45: {  	_ =	shalt  }
0x46: {  	_ =	shalt  }
0x47: {  	_ =	shalt  }
0x48: {  	_ =	shalt  }
0x49: {  	_ =	shalt  }
0x4a: {  	_ =	shalt  }
0x4b: {  	_ =	shalt  }
0x4c: {  	_ =	shalt  }
0x4d: {  	_ =	shalt  }
0x4e: {  	_ =	shalt  }
0x4f: {  	_ =	shalt  }
0x50: {  	_ =	shalt  }
0x51: {  	_ =	shalt  }
0x52: {  	_ =	shalt  }
0x53: {  	_ =	shalt  }
0x54: {  	_ =	shalt  }
0x55: {  	_ =	shalt  }
0x56: {  	_ =	shalt  }
0x57: {  	_ =	shalt  }
0x58: {  	_ =	shalt  }
0x59: {  	_ =	shalt  }
0x5a: {  	_ =	shalt  }
0x5b: {  	_ =	shalt  }
0x5c: {  	_ =	shalt  }
0x5d: {  	_ =	shalt  }
0x5e: {  	_ =	shalt  }
0x5f: {  	_ =	shalt  }
0x60: {  	_ =	shalt  }
0x61: {  	_ =	shalt  }
0x62: {  	_ =	shalt  }
0x63: {  	_ =	shalt  }
0x64: {  	_ =	shalt  }
0x65: {  	_ =	shalt  }
0x66: {  	_ =	shalt  }
0x67: {  	_ =	shalt  }
0x68: {  	_ =	shalt  }
0x69: {  	_ =	shalt  }
0x6a: {  	_ =	shalt  }
0x6b: {  	_ =	shalt  }
0x6c: {  	_ =	shalt  }
0x6d: {  	_ =	shalt  }
0x6e: {  	_ =	shalt  }
0x6f: {  	_ =	shalt  }
0x70: {  	_ =	shalt  }
0x71: {  	_ =	shalt  }
0x72: {  	_ =	shalt  }
0x73: {  	_ =	shalt  }
0x74: {  	_ =	shalt  }
0x75: {  	_ =	shalt  }
0x76: {  	_ =	shalt  }
0x77: {  	_ =	shalt  }
0x78: {  	_ =	shalt  }
0x79: {  	_ =	shalt  }
0x7a: {  	_ =	shalt  }
0x7b: {  	_ =	shalt  }
0x7c: {  	_ =	shalt  }
0x7d: {  	_ =	shalt  }
0x7e: {  	_ =	shalt  }
0x7f: {  	_ =	shalt  }
0x80: {  	_ =	shalt  }
0x81: {  	_ =	shalt  }
0x82: {  	_ =	shalt  }
0x83: {  	_ =	shalt  }
0x84: {  	_ =	shalt  }
0x85: {  	_ =	shalt  }
0x86: {  	_ =	shalt  }
0x87: {  	_ =	shalt  }
.Lfunc_end0:
.L_simem_size_0:
called_computation.2_lowered:
.L_overlay_start_0:
0x88: {  	s2 =	sld [smem:$0x3FD9]  }
0x89: {  	s3 =	sld [smem:$0x3FFE];
	_ =	sdelay $0x1  }
0x8a: {  	s1 =	srdreg.scid  }
0x8b: {  	s0 =	sand.u32 $0x1, s1  }
0x8c: {  	s17 =	sshll.u32 s0, $0xA;
	s2 =	sadd.s32 s3, s2  }
0x8d: {  	s2 =	sadd.s32 s2, s17  }
0x8e: {  	[smem:$0x3FBF] =	sst s2  }
0x8f: {  	_ = 	snop  }
0x90: {  	s2 =	sld [smem:$0x3FD0];
	(tm) =	ssettm $0x1  }
0x91: {  	s18 =	sld [smem:$0x3FFB];
	_ =	sdelay $0x3  }
0x92: {  	_ =	strace s18  }
0x93: {  	s3 =	sld [smem:$0x3FFC];
	_ =	sdelay $0x3  }
0x94: {  	_ =	strace s3  }
0x95: {  	s3 =	sld [smem:$0x3FFD];
	_ =	sdelay $0x3  }
0x96: {  	_ =	strace s3  }
0x97: {  	_ =	strace $0x8FFFFFFF  }
0x98: {  	s19 =	sld [smem:$0x3FDB];
	_ =	sdelay $0x1  }
0x99: {  	s4 =	simm.s32 $_scs_section_size  }
0x9a: {  	s5 =	simm.s32 $_size__tile_overlayer_lowered;
	s6 =	simm.s32 $_tile_overlayer_lowered  }
0x9b: {  	s22 =	simm.s32 $0x1BFF;
	s21 =	sshll.u32 s6, $0x1;
	s3 =	sadd.s32 s4, s19  }
0x9c: {  	s7 =	simm.s32 $0x0;
	s20 =	sshll.u32 s5, $0x1;
	s5 =	sadd.s32 s21, s3  }
0x9d: {  	[timem:s7], [sflag:s22] =	dma.local [hbm:s5], s20  }
0x9e: {  	_ =	swait.ge [sflag:s22], s20  }
0x9f: {  	s4 =	ssub.s32 $0x0, s20;
	[sflag:s22] =	ssyncset.done $0x0  }
0xa0: {  	[sflag:s22] =	ssyncadd.s32 s4;
	_ =	sdelay $0x1  }
0xa1: {  	s23 =	simm.s32 $0x1B8B  }
0xa2: {  	_ =	swait.ge [sflag:s23], $0x1  }
0xa3: {  	[sflag:s23] =	ssyncset.done $0x0  }
0xa4: {  	s25 =	simm.s32 $0x1B8E;
	s24 =	sld [smem:$0x3FFE];
	[sflag:s23] =	ssyncadd.s32 $0xFFFFFFFF  }
0xa5: {  	s26 =	simm.s32 $execute0_lowered;
	[smem:$0x3FD2] =	sst s25  }
0xa6: {  	s5 =	sshll.u32 s26, $0x1;
	_ =	strace $0x8000004C;
	[dreg:$0x1] =	wrdreg $0xFFFFFFFF  }
0xa7: {  	s28 =	simm.s32 $_size_execute0_lowered;
	s3 =	sadd.s32 s3, s5;
	[dreg:$0x0] =	wrdreg $0x0  }
0xa8: {  	s5 =	sshll.u32 s28, $0x1;
	[dreg:$0x2] =	wrdreg s3  }
0xa9: {  	[dreg:$0x3] =	wrdreg s5  }
0xaa: {  	[dreg:$0x4] =	wrdreg $0xC0  }
0xab: {  	_ =	task [dreg:s7], $0x5FFFF  }
0xac: {  	[dreg:$0x1] =	wrdreg $0xFFFFFFFF  }
0xad: {  	[dreg:$0x0] =	wrdreg $0x60  }
0xae: {  	[dreg:$0x2] =	wrdreg s2  }
0xaf: {  	[dreg:$0x3] =	wrdreg s24  }
0xb0: {  	[dreg:$0x4] =	wrdreg $0xB8000  }
0xb1: {  	[dreg:$0x5] =	wrdreg $0x9  }
0xb2: {  	_ =	task.clear_ibuf [dreg:s7], $0x6FFFF;
	_ =	strace $0x9000004C  }
0xb3: {  	s29 =	simm.s32 $0x9;
	_ =	strace $0x8000004E  }
0xb4: {  	_ =	swait.ge [sflag:s29], $0x1  }
0xb5: {  	[sflag:s29] =	ssyncadd.s32 $0xFFFFFFFF  }
0xb6: {  	_ =	strace $0x9000004E  }
0xb7: {  	_ =	sfence  }
0xb8: {  	s30 =	sld [smem:$0x0];
	_ =	sdelay $0x2  }
0xb9: {  	s31 =	sshll.u32 s1, $0xD;
	s1 =	sshrl.u32 s1, $0x2  }
0xba: {  	s3 =	sand.u32 $0x4000, s31;
	s1 =	sadd.s32 s1, s30  }
0xbb: {  	s0 =	sor.u32 s3, s0;
	s1 =	sshll.u32 s1, $0x11  }
0xbc: {  	s0 =	sor.u32 s1, s0  }
0xbd: {  	s0 =	sadd.s32 $0x8F2B, s0  }
0xbe: {  	[sflag:s0] =	ssyncadd.remote.s32 $0x1  }
0xbf: {  	_ =	sfence.sel $0xFFFF  }
0xc0: {  	[dreg:$0x0] =	wrdreg $0xFFFFFFFF;
	(pc) =	sbr.abs _section_cstart, $3  }
0xc1: {  	[dreg:$0x1] =	wrdreg $0xFFFFFFFF  }
0xc2: {  	_ =	task.clear_ibuf [dreg:s7], $0x2FFFF;
	_ =	strace $0x9FFFFFFF  }
0xc3: {  	(tm) =	ssettm $0x7FFFFFFF  }
tec
execute0_lowered:
.L_overlay_start_1:
0x0: {  	(tag) =	ssettag $0x1  }
0x1: {  	s0 =	rddreg [dreg:$0x0]  }
0x2: {  	s1 =	srdreg.scid;
	s2 =	rddreg [dreg:$0x1]  }
0x3: {  	s3 =	rddreg [dreg:$0x2];
	s9 =	stileid.u32  }
0x4: {  	s4 =	simm.s32 $0x0;
	s1 =	sand.u32 $0x1, s1;
	s6 =	smul.u32 $0x50000, s9  }
0x5: {  	[smem:$0x7FF] =	sst s4;
	s8 =	smul.u32 $0xA, s9;
	s17 =	sadd.s32 $0x1FC00, s2  }
0x6: {  	s14 =	smul.u32 $0x14000, s9;
	p0 =	seq.s32 s9, $0xF;
	s5 =	sshll.u32 s1, $0x4  }
0x7: {  	_ =	strace $0x8000004D;
	s7 =	ssub.s32 $0x2, s1;
	s18 =	smul.u32 $0x13C000, s1  }
0x8: {  	[dreg:$0x4] =	wrdreg s17;
	s5 =	sor.u32 s9, s5;
	s24 =	sshrl.u32 s7, $0x1  }
0x9: {  	s6 =	sshrl.u32 s6, $0x2;
	s25 =	sshll.u32 s8, $0xD;
	s8 =	sadd.s32 $0x9, s8  }
0xa: {  	s5 =	smul.u32 $0x500, s5;
	s28 =	sadd.s32 s6, s3;
	s26 =	sor.u32 $0x2000, s25  }
0xb: {  	s10 =	sadd.s32 $0x4000, s25;
	s11 =	sadd.s32 $0x6000, s25;
	s19 =	sadd.s32 $0x8000, s25  }
0xc: {  	s13 =	sadd.s32 $0xA000, s25;
	s20 =	sadd.s32 $0xC000, s25;
	s15 =	sadd.s32 $0xE000, s25  }
0xd: {  	s6 =	sadd.s32 $0x10000, s25;
	s16 =	sshll.u32 s8, $0xD;
	s14 =	sadd.s32 s14, s18  }
0xe: {  	[dreg:$0x6] =	wrdreg s18;
	s8 =	simm.s32 @p0 $0x9F;
	s29 =	sadd.s32 s26, s3  }
0xf: {  	s30 =	sadd.s32 s10, s3;
	s12 =	sadd.s32 s11, s3;
	s16 =	sadd.s32 s16, s3  }
0x10: {  	s23 =	sshrl.u32 s14, $0x3;
	s25 =	sadd.s32 s18, s10;
	s10 =	sadd.s32 s19, s3  }
0x11: {  	s14 =	sadd.s32 s13, s3;
	s1 =	sadd.s32 s18, s20;
	s31 =	sshll.u32 @!p0 s8, $0xD  }
0x12: {  	s5 =	sadd.s32 s5, s2;
	s2 =	ssub.s32 s7, s24;
	[dreg:$0x5] =	wrdreg s12  }
0x13: {  	[dreg:$0x7] =	wrdreg s16;
	s24 =	sadd.s32 s18, s26;
	s7 =	sshrl.u32 s25, $0x3  }
0x14: {  	s26 =	sadd.s32 s18, s11;
	s12 =	sadd.s32 s18, s19;
	[dreg:$0xf] =	wrdreg s14  }
0x15: {  	s16 =	sadd.s32 s18, s13;
	s19 =	sadd.s32 s20, s3;
	s1 =	sshrl.u32 s1, $0x3  }
0x16: {  	s13 =	simm.s32 $0x1;
	s14 =	simm.s32 $0x9800;
	s21 =	sadd.s32 $0xBC00, s5  }
0x17: {  	s22 =	sadd.s32 $0x15C00, s5;
	s5 =	sadd.s32 $0x1C00, s5;
	[dreg:$0x10] =	wrdreg s19  }
0x18: {  	s7 =	sadd.s32 s17, s7;
	s11 =	sshrl.u32 s26, $0x3;
	[dreg:$0x8] =	wrdreg s21  }
0x19: {  	s1 =	sadd.s32 s17, s1;
	s26 =	sadd.s32 s6, s3;
	[dreg:$0x9] =	wrdreg s22  }
0x1a: {  	s25 =	smax.u32 s2, $0x1;
	s2 =	simm.s32 $0x3;
	[dreg:$0xa] =	wrdreg s5  }
0x1b: {  	s5 =	sadd.s32 s17, s23;
	[dreg:$0xd] =	wrdreg s7;
	s7 =	sshrl.u32 s16, $0x3  }
0x1c: {  	[dreg:$0x13] =	wrdreg s1;
	s21 =	sadd.s32 s15, s3;
	s22 =	sadd.s32 s18, s15  }
0x1d: {  	s23 =	sadd.s32 s18, s6;
	[dreg:$0x17] =	wrdreg s25;
	s15 =	simm.s32 $0x8000  }
0x1e: {  	s16 =	simm.s32 $0x8800;
	s18 =	simm.s32 $0x2;
	[dreg:$0xb] =	wrdreg s5  }
0x1f: {  	s5 =	sshrl.u32 s24, $0x3;
	s20 =	sadd.s32 s17, s7;
	[dreg:$0x14] =	wrdreg s21  }
0x20: {  	s1 =	sshrl.u32 s22, $0x3;
	s24 =	sshrl.u32 s23, $0x3;
	s22 =	simm.s32 $0xA000  }
0x21: {  	s23 =	simm.s32 $0xA800;
	s5 =	sadd.s32 s17, s5;
	[dreg:$0x12] =	wrdreg s20  }
0x22: {  	s1 =	sadd.s32 s17, s1;
	[dreg:$0xc] =	wrdreg s5;
	s5 =	sadd.s32 s17, s11  }
0x23: {  	[dreg:$0x15] =	wrdreg s1;
	s1 =	sadd.s32 s17, s24;
	s11 =	simm.s32 $0x5000  }
0x24: {  	s24 =	simm.s32 $0xB000;
	[dreg:$0xe] =	wrdreg s5;
	s5 =	sshrl.u32 s12, $0x3  }
0x25: {  	[dreg:$0x16] =	wrdreg s1;
	s1 =	simm.s32 $0x7800;
	s5 =	sadd.s32 s17, s5  }
0x26: {  	v0 =	vimm.f32 $0.0e+00;
	vm0 =	vmmov $0xffff;
	s12 =	simm.s32 $0x40;
	s17 =	simm.s32 $0x9000;
	[dreg:$0x11] =	wrdreg s5  }
.LBB2_1:
0x27: {  	s5 =	simm.s32 $0x0;
	s6 =	simm.s32 $0x200  }
.LBB2_2:
0x28: {  	p1 =	sne.s32 s6, $0x7E00;
	[tilespmem:s5+$0x7870] =	vst v0  }
0x29: {  	[tilespmem:s5+$0x7800] =	vst v0  }
0x2a: {  	[tilespmem:s5+$0x7810] =	vst v0  }
.Ltmp0:
0x2b: {  	[tilespmem:s5+$0x7820] =	vst v0;
	(pc) =	sbr.rel @p1 .LBB2_2-.Ltmp0, $4  }
0x2c: {  	[tilespmem:s5+$0x7830] =	vst v0  }
0x2d: {  	[tilespmem:s5+$0x7840] =	vst v0  }
0x2e: {  	[tilespmem:s5+$0x7850] =	vst v0  }
0x2f: {  	[tilespmem:s5+$0x7860] =	vst v0;
	s5 =	sshra.s32 s6, $0x2;
	s6 =	sadd.s32 $0x200, s6  }
0x30: {  	[tilespmem:s5+$0x7870] =	vst v0  }
0x31: {  	[tilespmem:s5+$0x7800] =	vst v0  }
0x32: {  	[tilespmem:s5+$0x7810] =	vst v0  }
0x33: {  	[tilespmem:s5+$0x7820] =	vst v0  }
0x34: {  	[tilespmem:s5+$0x7830] =	vst v0  }
0x35: {  	[tilespmem:s5+$0x7840] =	vst v0  }
0x36: {  	[tilespmem:s5+$0x7850] =	vst v0  }
0x37: {  	[tilespmem:s5+$0x7860] =	vst v0  }
0x38: {  	[spmem:s28] =	stream.linear.scatter [tilespmem:s1], [sflag:$0x3], $0x2000, $0x38;
	[tilespmem:$0x1F400] =	vst v63  }
0x39: {  	_ =	swait.ge [sflag:s2], $0x2000  }
0x3a: {  	[sflag:s2] =	ssyncset.done $0x0  }
0x3b: {  	[sflag:s2] =	ssyncadd.s32 $0xFFFFE000  }
0x3c: {  	[spmem:s29] =	stream.linear.scatter [tilespmem:s1], [sflag:$0x3], $0x2000, $0x38;
	[tilespmem:$0x1F400] =	vst v63  }
0x3d: {  	_ =	swait.ge [sflag:s2], $0x2000  }
0x3e: {  	[sflag:s2] =	ssyncset.done $0x0  }
0x3f: {  	[sflag:s2] =	ssyncadd.s32 $0xFFFFE000  }
0x40: {  	[spmem:s30] =	stream.linear.scatter [tilespmem:s1], [sflag:$0x3], $0x2000, $0x38;
	[tilespmem:$0x1F400] =	vst v63  }
0x41: {  	_ =	swait.ge [sflag:s2], $0x2000  }
0x42: {  	[sflag:s2] =	ssyncset.done $0x0  }
0x43: {  	s21 =	smov.u32 s30;
	s30 =	rddreg [dreg:$0x5];
	[sflag:s2] =	ssyncadd.s32 $0xFFFFE000  }
0x44: {  	[spmem:s30] =	stream.linear.scatter [tilespmem:s1], [sflag:$0x3], $0x2000, $0x38;
	[tilespmem:$0x1F400] =	vst v63  }
0x45: {  	_ =	swait.ge [sflag:s2], $0x2000  }
0x46: {  	[sflag:s2] =	ssyncset.done $0x0  }
0x47: {  	[sflag:s2] =	ssyncadd.s32 $0xFFFFE000  }
0x48: {  	[spmem:s10] =	stream.linear.scatter [tilespmem:s1], [sflag:$0x3], $0x2000, $0x38;
	[tilespmem:$0x1F400] =	vst v63  }
0x49: {  	_ =	swait.ge [sflag:s2], $0x2000  }
0x4a: {  	[sflag:s2] =	ssyncset.done $0x0  }
0x4b: {  	s6 =	rddreg [dreg:$0xf];
	[sflag:s2] =	ssyncadd.s32 $0xFFFFE000  }
0x4c: {  	[spmem:s6] =	stream.linear.scatter [tilespmem:s1], [sflag:$0x3], $0x2000, $0x38;
	[tilespmem:$0x1F400] =	vst v63  }
0x4d: {  	_ =	swait.ge [sflag:s2], $0x2000  }
0x4e: {  	[sflag:s2] =	ssyncset.done $0x0  }
0x4f: {  	s7 =	rddreg [dreg:$0x10];
	[sflag:s2] =	ssyncadd.s32 $0xFFFFE000  }
0x50: {  	[spmem:s7] =	stream.linear.scatter [tilespmem:s1], [sflag:$0x3], $0x2000, $0x38;
	[tilespmem:$0x1F400] =	vst v63  }
0x51: {  	_ =	swait.ge [sflag:s2], $0x2000  }
0x52: {  	[sflag:s2] =	ssyncset.done $0x0  }
0x53: {  	s8 =	rddreg [dreg:$0x14];
	[sflag:s2] =	ssyncadd.s32 $0xFFFFE000  }
0x54: {  	[spmem:s8] =	stream.linear.scatter [tilespmem:s1], [sflag:$0x3], $0x2000, $0x38;
	[tilespmem:$0x1F400] =	vst v63  }
0x55: {  	_ =	swait.ge [sflag:s2], $0x2000  }
0x56: {  	[sflag:s2] =	ssyncset.done $0x0  }
0x57: {  	s5 =	simm.s32 @!p0 $0x7800;
	s6 =	simm.s32 @!p0 $0x3;
	[sflag:s2] =	ssyncadd.s32 $0xFFFFE000  }
0x58: {  	[spmem:s26] =	stream.linear.scatter @!p0 [tilespmem:s5], [sflag:$0x3], $0x2000, $0x38;
	[tilespmem:$0x1F400] =	vst v63  }
0x59: {  	_ =	swait.ge @!p0 [sflag:s6], $0x2000  }
0x5a: {  	[sflag:s6] =	ssyncset.done @!p0 $0x0  }
0x5b: {  	s7 =	rddreg [dreg:$0x7];
	[sflag:s6] =	ssyncadd.s32 @!p0 $0xFFFFE000  }
0x5c: {  	[spmem:s7] =	stream.linear.scatter @!p0 [tilespmem:s5], [sflag:$0x3], $0x2000, $0x38;
	[tilespmem:$0x1F400] =	vst v63  }
0x5d: {  	_ =	swait.ge @!p0 [sflag:s6], $0x2000  }
0x5e: {  	s19 =	smov.u32 s28;
	[sflag:s6] =	ssyncset.done @!p0 $0x0  }
0x5f: {  	s28 =	simm.s32 $0x0;
	s9 =	rddreg [dreg:$0x8];
	[sflag:s6] =	ssyncadd.s32 @!p0 $0xFFFFE000  }
0x60: {  	[tilespmem:s28], [sflag:$0x3] =	stream.linear.gather [hbm4b:s9+s28], $0x2780, $0x38;
	[tilespmem:$0x1F400] =	vst v63  }
0x61: {  	_ =	swait.ge [sflag:s2], $0x2780  }
0x62: {  	s20 =	smov.u32 s29;
	s25 =	smov.u32 s10;
	[sflag:s2] =	ssyncset.done $0x0  }
0x63: {  	s29 =	simm.s32 $0x2800;
	s10 =	rddreg [dreg:$0x9];
	[sflag:s2] =	ssyncadd.s32 $0xFFFFD880  }
0x64: {  	[tilespmem:s29], [sflag:$0x3] =	stream.linear.gather [hbm4b:s10+s28], $0x2780, $0x38;
	[tilespmem:$0x1F400] =	vst v63  }
0x65: {  	_ =	swait.ge [sflag:s2], $0x2780  }
0x66: {  	[sflag:s2] =	ssyncset.done $0x0  }
0x67: {  	s30 =	rddreg [dreg:$0xa];
	[sflag:s2] =	ssyncadd.s32 $0xFFFFD880  }
0x68: {  	[tilespmem:s11], [sflag:$0x3] =	stream.linear.gather [hbm4b:s30+s28], $0x2780, $0x38;
	[tilespmem:$0x1F400] =	vst v63  }
0x69: {  	_ =	swait.ge [sflag:s2], $0x2780  }
0x6a: {  	[sflag:s2] =	ssyncset.done $0x0  }
0x6b: {  	[sflag:s2] =	ssyncadd.s32 $0xFFFFD880  }
0x6c: {  	s5 =	simm.s32 $0x0;
	[bflag:$0x0] =	sbarrier.arrive $0xFFFF  }
0x6d: {  	[tilespmem:s1], [sflag:$0x1] =	stream.indirect.gather [hbm4b:s0+s12], $0x80, s28, s12, $0xb8;
	[tilespmem:$0x1F400] =	vst v63  }
.LBB2_4:
0x6e: {  	s29 =	sshll.u32 s5, $0x7;
	v2 =	vmov s28;
	s6 =	simm.s32 $0x3  }
0x6f: {  	v1 =	vmov s29;
	v2 =	vand.u32 $0x7C, v2;
	v3 =	vmov s6  }
0x70: {  	v2 =	vor.u32 v1, v2;
	v3 =	vand.u32 $0x7F, v3  }
0x71: {  	_ =	swait.ge [sflag:s13], $0x2000;
	v2 =	vbroadcast v2, $0x0;
	v3 =	vor.u32 v1, v3  }
0x72: {  	[sflag:s13] =	ssyncset.done $0x0;
	v3 =	vbroadcast v3, $0x0  }
0x73: {  	s10 =	simm.s32 $0x7900;
	s30 =	sor.u32 $0x40, s29;
	[sflag:s13] =	ssyncadd.s32 $0xFFFFE000  }
0x74: {  	[tilespmem:s14], [sflag:$0x1] =	stream.indirect.gather [hbm4b:s0+s12], $0x80, s30, s12, $0xb8;
	[tilespmem:$0x1F400] =	vst v63  }
0x75: {  	v6 =	vld [tilespmem:s10+$0xFFFFFF00]  }
0x76: {  	s8 =	simm.s32 $0x1;
	v7 =	vld [tilespmem:s10+$0xFFFFFF10]  }
0x77: {  	v5 =	vmov s8;
	v4 =	vld.idx.msk [tilespmem:v2+s11+$0x0], $0xffff  }
0x78: {  	v2 =	vld.idx.msk [tilespmem:v3+s11+$0x0], $0xffff;
	v3 =	vand.u32 $0x7D, v5  }
0x79: {  	v8 =	vld [tilespmem:s10+$0xFFFFFF20];
	v3 =	vor.u32 v1, v3  }
0x7a: {  	v9 =	vld [tilespmem:s10+$0xFFFFFF30];
	v3 =	vbroadcast v3, $0x0  }
0x7b: {  	v5 =	vld [tilespmem:s10+$0xF0]  }
0x7c: {  	v10 =	vld [tilespmem:s10+$0xFFFFFF40]  }
0x7d: {  	v11 =	vld [tilespmem:s10+$0xFFFFFF50];
	v6 =	vmul.f32 v6, v4  }
0x7e: {  	v12 =	vld [tilespmem:s10+$0xFFFFFF60]  }
0x7f: {  	s9 =	simm.s32 $0x2;
	v7 =	vmul.f32 v7, v4;
	[tilespmem:s10+$0xFFFFFF00] =	vst v6;
	v6 =	vld [tilespmem:s10+$0xFFFFFF70]  }
0x80: {  	v13 =	vmov s9;
	v5 =	vmul.f32 v5, v2;
	v14 =	vld.idx.msk [tilespmem:v3+s11+$0x0], $0xffff  }
0x81: {  	[tilespmem:s10+$0xFFFFFF10] =	vst v7;
	v7 =	vmul.f32 v9, v4;
	v3 =	vand.u32 $0x7E, v13;
	v13 =	vld [tilespmem:s10+$0xFFFFFF80]  }
0x82: {  	v9 =	vld [tilespmem:s10+$0xFFFFFFA0];
	[tilespmem:s10+$0xF0] =	vst v5;
	v5 =	vmul.f32 v8, v4;
	v3 =	vor.u32 v1, v3  }
0x83: {  	v8 =	vld [tilespmem:s10+$0xFFFFFF90];
	[tilespmem:s10+$0xFFFFFF30] =	vst v7;
	v7 =	vmul.f32 v11, v4;
	v3 =	vbroadcast v3, $0x0  }
0x84: {  	v11 =	vld [tilespmem:s10+$0xFFFFFFC0];
	[tilespmem:s10+$0xFFFFFF20] =	vst v5;
	v5 =	vmul.f32 v10, v4  }
0x85: {  	v12 =	vmul.f32 v12, v4;
	v10 =	vld [tilespmem:s10+$0xFFFFFFB0];
	[tilespmem:s10+$0xFFFFFF50] =	vst v7;
	v4 =	vmul.f32 v6, v4  }
0x86: {  	v7 =	vld [tilespmem:s10+$0xFFFFFFE0];
	[tilespmem:s10+$0xFFFFFF40] =	vst v5;
	v5 =	vmul.f32 v13, v14  }
0x87: {  	v13 =	vld [tilespmem:s10+$0xFFFFFFD0];
	[tilespmem:s10+$0xFFFFFF70] =	vst v4  }
0x88: {  	v4 =	vmul.f32 v9, v14;
	[tilespmem:s10+$0xFFFFFF80] =	vst v5;
	v5 =	vmul.f32 v8, v14;
	v8 =	vld [tilespmem:s10+$0x0]  }
0x89: {  	[tilespmem:s10+$0xFFFFFF60] =	vst v12;
	v3 =	vld.idx.msk [tilespmem:v3+s11+$0x0], $0xffff  }
0x8a: {  	v6 =	vld [tilespmem:s10+$0xFFFFFFF0];
	[tilespmem:s10+$0xFFFFFFA0] =	vst v4;
	v4 =	vmul.f32 v11, v14  }
0x8b: {  	v9 =	vld [tilespmem:s10+$0x10];
	[tilespmem:s10+$0xFFFFFF90] =	vst v5;
	v5 =	vmul.f32 v10, v14  }
0x8c: {  	s7 =	simm.s32 $0x4;
	v7 =	vmul.f32 v7, v14;
	v10 =	vld [tilespmem:s10+$0x20];
	[tilespmem:s10+$0xFFFFFFC0] =	vst v4  }
0x8d: {  	v12 =	vmov s7;
	v11 =	vld [tilespmem:s10+$0x30];
	[tilespmem:s10+$0xFFFFFFB0] =	vst v5;
	v5 =	vmul.f32 v13, v14  }
0x8e: {  	v12 =	vand.u32 $0x7C, v12;
	v4 =	vld [tilespmem:s10+$0x40];
	[tilespmem:s10+$0xFFFFFFE0] =	vst v7;
	v8 =	vmul.f32 v8, v3  }
0x8f: {  	s8 =	simm.s32 $0x5;
	s9 =	simm.s32 $0x6;
	v7 =	vor.u32 v1, v12;
	v13 =	vmul.f32 v6, v14;
	[tilespmem:s10+$0xFFFFFFD0] =	vst v5;
	v5 =	vld [tilespmem:s10+$0x50]  }
0x90: {  	v14 =	vmov s8;
	v6 =	vld [tilespmem:s10+$0x60];
	v9 =	vmul.f32 v9, v3;
	[tilespmem:s10+$0x0] =	vst v8;
	v8 =	vmov s9  }
0x91: {  	[tilespmem:s10+$0xFFFFFFF0] =	vst v13;
	v13 =	vand.u32 $0x7D, v14;
	v10 =	vmul.f32 v10, v3;
	v12 =	vand.u32 $0x7E, v8;
	v8 =	vld [tilespmem:s10+$0x70]  }
0x92: {  	s6 =	simm.s32 $0x7900;
	s7 =	simm.s32 $0x8;
	v7 =	vbroadcast v7, $0x0;
	s8 =	simm.s32 $0x7;
	v11 =	vmul.f32 v11, v3;
	v13 =	vor.u32 v1, v13;
	[tilespmem:s10+$0x10] =	vst v9;
	v9 =	vld [tilespmem:s10+$0x80]  }
.LBB2_5:
0x93: {  	p1 =	slt.u32 s7, $0x3C;
	v12 =	vor.u32 v1, v12;
	v14 =	vmov s8;
	[tilespmem:s10+$0x20] =	vst v10;
	v4 =	vmul.f32 v4, v3;
	v10 =	vld [tilespmem:s10+$0x90]  }
0x94: {  	v13 =	vbroadcast v13, $0x0;
	v14 =	vand.u32 $0x7F, v14;
	[tilespmem:s10+$0x30] =	vst v11;
	v5 =	vmul.f32 v5, v3;
	v11 =	vld [tilespmem:s10+$0xA0]  }
0x95: {  	v12 =	vbroadcast v12, $0x0;
	v14 =	vor.u32 v1, v14;
	[tilespmem:s10+$0x40] =	vst v4;
	v4 =	vmul.f32 v6, v3;
	v6 =	vld [tilespmem:s10+$0xB0]  }
0x96: {  	v14 =	vbroadcast v14, $0x0;
	[tilespmem:s10+$0x50] =	vst v5;
	v3 =	vmul.f32 v8, v3;
	v5 =	vld [tilespmem:s10+$0xC0]  }
0x97: {  	[tilespmem:s10+$0x60] =	vst v4;
	v4 =	vmul.f32 v9, v2;
	v8 =	vld [tilespmem:s10+$0xD0]  }
0x98: {  	[tilespmem:s10+$0x70] =	vst v3;
	v3 =	vmul.f32 v10, v2;
	v9 =	vld [tilespmem:s10+$0xE0]  }
0x99: {  	v7 =	vld.idx.msk [tilespmem:v7+s11+$0x0], $0xffff;
	[tilespmem:s10+$0x80] =	vst v4;
	v4 =	vmul.f32 v11, v2  }
0x9a: {  	v10 =	vld.idx.msk [tilespmem:v13+s11+$0x0], $0xffff;
	[tilespmem:s10+$0x90] =	vst v3;
	v6 =	vmul.f32 v6, v2  }
0x9b: {  	v3 =	vld.idx.msk [tilespmem:v12+s11+$0x0], $0xffff;
	[tilespmem:s10+$0xA0] =	vst v4;
	v4 =	vmul.f32 v5, v2  }
0x9c: {  	s10 =	sadd.s32 $0x200, s10;
	v5 =	vld.idx.msk [tilespmem:v14+s11+$0x0], $0xffff;
	[tilespmem:s6+$0xB0] =	vst v6;
	v6 =	vmul.f32 v8, v2  }
0x9d: {  	v8 =	vld [tilespmem:s10+$0xF0];
	[tilespmem:s6+$0xC0] =	vst v4;
	v2 =	vmul.f32 v9, v2  }
0x9e: {  	v4 =	vld [tilespmem:s10+$0xFFFFFF00];
	[tilespmem:s6+$0xD0] =	vst v6  }
0x9f: {  	v6 =	vld [tilespmem:s10+$0xFFFFFF10];
	[tilespmem:s6+$0xE0] =	vst v2;
	s6 =	smov.u32 s10  }
0xa0: {  	v9 =	vld [tilespmem:s10+$0xFFFFFF20]  }
0xa1: {  	v11 =	vld [tilespmem:s10+$0xFFFFFF30]  }
0xa2: {  	v2 =	vmov v5;
	v12 =	vld [tilespmem:s10+$0xFFFFFF40];
	v8 =	vmul.f32 v8, v5  }
0xa3: {  	v4 =	vmul.f32 v4, v7;
	v5 =	vld [tilespmem:s10+$0xFFFFFF50]  }
0xa4: {  	v6 =	vmul.f32 v6, v7;
	v13 =	vld [tilespmem:s10+$0xFFFFFF60];
	[tilespmem:s10+$0xF0] =	vst v8  }
0xa5: {  	[tilespmem:s10+$0xFFFFFF00] =	vst v4;
	v4 =	vmul.f32 v9, v7;
	v8 =	vld [tilespmem:s10+$0xFFFFFF70]  }
0xa6: {  	[tilespmem:s10+$0xFFFFFF10] =	vst v6;
	v6 =	vmul.f32 v11, v7;
	v9 =	vld [tilespmem:s10+$0xFFFFFF80]  }
0xa7: {  	[tilespmem:s10+$0xFFFFFF20] =	vst v4;
	v4 =	vmul.f32 v12, v7;
	v11 =	vld [tilespmem:s10+$0xFFFFFF90]  }
0xa8: {  	[tilespmem:s10+$0xFFFFFF30] =	vst v6;
	v5 =	vmul.f32 v5, v7;
	v6 =	vld [tilespmem:s10+$0xFFFFFFA0]  }
0xa9: {  	[tilespmem:s10+$0xFFFFFF40] =	vst v4;
	v4 =	vmul.f32 v13, v7;
	v12 =	vld [tilespmem:s10+$0xFFFFFFB0]  }
0xaa: {  	[tilespmem:s10+$0xFFFFFF50] =	vst v5;
	v5 =	vmul.f32 v8, v7;
	v7 =	vld [tilespmem:s10+$0xFFFFFFC0]  }
0xab: {  	[tilespmem:s10+$0xFFFFFF60] =	vst v4;
	v4 =	vmul.f32 v9, v10;
	v8 =	vld [tilespmem:s10+$0xFFFFFFD0]  }
0xac: {  	[tilespmem:s10+$0xFFFFFF70] =	vst v5;
	v5 =	vmul.f32 v11, v10;
	v9 =	vld [tilespmem:s10+$0xFFFFFFE0]  }
0xad: {  	[tilespmem:s10+$0xFFFFFF80] =	vst v4;
	v4 =	vmul.f32 v6, v10;
	v6 =	vld [tilespmem:s10+$0xFFFFFFF0]  }
0xae: {  	[tilespmem:s10+$0xFFFFFF90] =	vst v5;
	v5 =	vmul.f32 v12, v10;
	v11 =	vld [tilespmem:s10+$0x0]  }
0xaf: {  	[tilespmem:s10+$0xFFFFFFA0] =	vst v4;
	v4 =	vmul.f32 v7, v10;
	v7 =	vld [tilespmem:s10+$0x10]  }
0xb0: {  	[tilespmem:s10+$0xFFFFFFB0] =	vst v5;
	v5 =	vmul.f32 v8, v10;
	v8 =	vld [tilespmem:s10+$0x20]  }
0xb1: {  	[tilespmem:s10+$0xFFFFFFC0] =	vst v4;
	v9 =	vmul.f32 v9, v10;
	v14 =	vld [tilespmem:s10+$0x30]  }
.Ltmp1:
0xb2: {  	s8 =	sadd.s32 $0x1, s7;
	v12 =	vmov s7;
	[tilespmem:s10+$0xFFFFFFD0] =	vst v5;
	v6 =	vmul.f32 v6, v10;
	v4 =	vld [tilespmem:s10+$0x40];
	(pc) =	sbr.rel @p1 .LBB2_5-.Ltmp1, $4  }
0xb3: {  	v10 =	vand.u32 $0x7C, v12;
	v12 =	vmov s8;
	s8 =	sadd.s32 $0x2, s7;
	[tilespmem:s10+$0xFFFFFFE0] =	vst v9;
	v9 =	vmul.f32 v11, v3;
	v5 =	vld [tilespmem:s10+$0x50]  }
0xb4: {  	v11 =	vor.u32 v1, v10;
	v10 =	vmov s8;
	[tilespmem:s10+$0xFFFFFFF0] =	vst v6;
	v15 =	vmul.f32 v7, v3;
	v6 =	vld [tilespmem:s10+$0x60]  }
0xb5: {  	v13 =	vand.u32 $0x7D, v12;
	v12 =	vand.u32 $0x7E, v10;
	[tilespmem:s10+$0x0] =	vst v9;
	v10 =	vmul.f32 v8, v3;
	v8 =	vld [tilespmem:s10+$0x70]  }
0xb6: {  	s8 =	sadd.s32 $0x3, s7;
	s7 =	sadd.s32 $0x4, s7;
	v7 =	vbroadcast v11, $0x0;
	v13 =	vor.u32 v1, v13;
	[tilespmem:s10+$0x10] =	vst v15;
	v11 =	vmul.f32 v14, v3;
	v9 =	vld [tilespmem:s10+$0x80]  }
0xb7: {  	v15 =	vld [tilespmem:s10+$0x90]  }
0xb8: {  	v16 =	vld [tilespmem:s10+$0xA0]  }
0xb9: {  	v14 =	vmov s8;
	v17 =	vld [tilespmem:s10+$0xB0]  }
0xba: {  	v18 =	vld [tilespmem:s10+$0xC0];
	[tilespmem:s10+$0x20] =	vst v10;
	v4 =	vmul.f32 v4, v3;
	v14 =	vand.u32 $0x7F, v14  }
0xbb: {  	v10 =	vld [tilespmem:s10+$0xD0];
	[tilespmem:s10+$0x30] =	vst v11;
	v14 =	vor.u32 v1, v14  }
0xbc: {  	s7 =	sadd.s32 $0x200, s10;
	v11 =	vld [tilespmem:s10+$0xE0];
	[tilespmem:s10+$0x40] =	vst v4;
	v4 =	vmul.f32 v6, v3;
	v14 =	vbroadcast v14, $0x0  }
0xbd: {  	v5 =	vmul.f32 v5, v3;
	v53 =	vld [tilespmem:s7+$0xFFFFFF00];
	v3 =	vmul.f32 v8, v3  }
0xbe: {  	v54 =	vld [tilespmem:s7+$0xFFFFFF10];
	[tilespmem:s10+$0x60] =	vst v4;
	v4 =	vmul.f32 v9, v2  }
0xbf: {  	v56 =	vld [tilespmem:s7+$0xFFFFFF60];
	[tilespmem:s10+$0x70] =	vst v3;
	v3 =	vmul.f32 v15, v2  }
0xc0: {  	v6 =	vld.idx.msk [tilespmem:v7+s11+$0x0], $0xffff;
	[tilespmem:s10+$0x80] =	vst v4;
	v4 =	vmul.f32 v16, v2  }
0xc1: {  	v9 =	vld [tilespmem:s7+$0xF0];
	[tilespmem:s10+$0x90] =	vst v3;
	v3 =	vmul.f32 v17, v2  }
0xc2: {  	v13 =	vbroadcast v13, $0x0;
	[tilespmem:s10+$0xA0] =	vst v4;
	v4 =	vmul.f32 v18, v2;
	v8 =	vld.idx.msk [tilespmem:v14+s11+$0x0], $0xffff  }
0xc3: {  	v57 =	vld [tilespmem:s7+$0xFFFFFFB0];
	[tilespmem:s6+$0xB0] =	vst v3;
	v3 =	vmul.f32 v10, v2  }
0xc4: {  	v10 =	vld [tilespmem:s7+$0xFFFFFF20];
	v2 =	vmul.f32 v11, v2;
	[tilespmem:s6+$0xC0] =	vst v4  }
0xc5: {  	v4 =	vld [tilespmem:s7+$0xFFFFFF30];
	[tilespmem:s6+$0xD0] =	vst v3  }
0xc6: {  	v12 =	vor.u32 v1, v12;
	v3 =	vld [tilespmem:s7+$0xFFFFFF40];
	[tilespmem:s6+$0xE0] =	vst v2;
	v2 =	vmul.f32 v53, v6  }
0xc7: {  	v12 =	vbroadcast v12, $0x0;
	[tilespmem:s10+$0x50] =	vst v5;
	v11 =	vld [tilespmem:s7+$0xFFFFFF50];
	v9 =	vmul.f32 v9, v8  }
0xc8: {  	v5 =	vld.idx.msk [tilespmem:v13+s11+$0x0], $0xffff;
	v55 =	vmul.f32 v54, v6;
	[tilespmem:s7+$0xFFFFFF00] =	vst v2  }
0xc9: {  	v2 =	vmul.f32 v10, v6;
	[tilespmem:s7+$0xF0] =	vst v9;
	v9 =	vld [tilespmem:s7+$0xFFFFFF70]  }
0xca: {  	[tilespmem:s7+$0xFFFFFF10] =	vst v55;
	v10 =	vld [tilespmem:s7+$0xFFFFFF80];
	v4 =	vmul.f32 v4, v6  }
0xcb: {  	[tilespmem:s7+$0xFFFFFF20] =	vst v2;
	v2 =	vmul.f32 v3, v6;
	v3 =	vld [tilespmem:s7+$0xFFFFFF90]  }
0xcc: {  	[tilespmem:s7+$0xFFFFFF30] =	vst v4;
	v4 =	vmul.f32 v11, v6;
	v11 =	vld [tilespmem:s7+$0xFFFFFFA0]  }
0xcd: {  	v7 =	vld.idx.msk [tilespmem:v12+s11+$0x0], $0xffff;
	[tilespmem:s7+$0xFFFFFF40] =	vst v2;
	v2 =	vmul.f32 v56, v6  }
0xce: {  	[tilespmem:s7+$0xFFFFFF50] =	vst v4;
	v4 =	vmul.f32 v9, v6;
	v6 =	vld [tilespmem:s7+$0xFFFFFFC0]  }
0xcf: {  	[tilespmem:s7+$0xFFFFFF60] =	vst v2;
	v2 =	vmul.f32 v10, v5;
	v9 =	vld [tilespmem:s7+$0xFFFFFFD0]  }
0xd0: {  	v3 =	vmul.f32 v3, v5;
	[tilespmem:s7+$0xFFFFFF70] =	vst v4;
	v4 =	vld [tilespmem:s7+$0xFFFFFFE0]  }
0xd1: {  	v10 =	vld [tilespmem:s7+$0xFFFFFFF0];
	[tilespmem:s7+$0xFFFFFF80] =	vst v2;
	v2 =	vmul.f32 v11, v5  }
0xd2: {  	v11 =	vld [tilespmem:s7+$0x0];
	[tilespmem:s7+$0xFFFFFF90] =	vst v3;
	v3 =	vmul.f32 v57, v5  }
0xd3: {  	[tilespmem:s7+$0xFFFFFFA0] =	vst v2;
	v2 =	vmul.f32 v6, v5;
	v6 =	vld [tilespmem:s7+$0x10]  }
0xd4: {  	[tilespmem:s7+$0xFFFFFFB0] =	vst v3;
	v3 =	vmul.f32 v9, v5;
	v9 =	vld [tilespmem:s7+$0x20]  }
0xd5: {  	[tilespmem:s7+$0xFFFFFFC0] =	vst v2;
	v2 =	vmul.f32 v4, v5;
	v4 =	vld [tilespmem:s7+$0x30]  }
0xd6: {  	[tilespmem:s7+$0xFFFFFFD0] =	vst v3;
	v3 =	vmul.f32 v10, v5;
	v5 =	vld [tilespmem:s7+$0x40]  }
0xd7: {  	v10 =	vld [tilespmem:s7+$0x50];
	[tilespmem:s7+$0xFFFFFFE0] =	vst v2;
	v2 =	vmul.f32 v11, v7  }
0xd8: {  	[tilespmem:s7+$0xFFFFFFF0] =	vst v3;
	v3 =	vmul.f32 v6, v7;
	v6 =	vld [tilespmem:s7+$0x60]  }
0xd9: {  	[tilespmem:s7+$0x0] =	vst v2;
	v2 =	vmul.f32 v9, v7;
	v9 =	vld [tilespmem:s7+$0x70]  }
0xda: {  	[tilespmem:s7+$0x10] =	vst v3;
	v3 =	vmul.f32 v4, v7;
	v4 =	vld [tilespmem:s7+$0x80]  }
0xdb: {  	[tilespmem:s7+$0x20] =	vst v2;
	v2 =	vmul.f32 v5, v7;
	v5 =	vld [tilespmem:s7+$0x90]  }
0xdc: {  	[tilespmem:s7+$0x30] =	vst v3;
	v3 =	vmul.f32 v10, v7;
	v10 =	vld [tilespmem:s7+$0xA0]  }
0xdd: {  	[tilespmem:s7+$0x40] =	vst v2;
	v2 =	vmul.f32 v6, v7;
	v6 =	vld [tilespmem:s7+$0xB0]  }
0xde: {  	[tilespmem:s7+$0x50] =	vst v3;
	v3 =	vmul.f32 v9, v7;
	v7 =	vld [tilespmem:s7+$0xC0]  }
0xdf: {  	[tilespmem:s7+$0x60] =	vst v2;
	v2 =	vmul.f32 v4, v8;
	v4 =	vld [tilespmem:s7+$0xD0]  }
0xe0: {  	[tilespmem:s7+$0x70] =	vst v3;
	v3 =	vmul.f32 v5, v8;
	v5 =	vld [tilespmem:s7+$0xE0]  }
0xe1: {  	[tilespmem:s7+$0x80] =	vst v2;
	v2 =	vmul.f32 v10, v8  }
0xe2: {  	[tilespmem:s7+$0x90] =	vst v3;
	v3 =	vmul.f32 v6, v8  }
0xe3: {  	[tilespmem:s7+$0xA0] =	vst v2;
	v2 =	vmul.f32 v7, v8  }
0xe4: {  	[tilespmem:s7+$0xB0] =	vst v3;
	v3 =	vmul.f32 v4, v8  }
0xe5: {  	[tilespmem:s7+$0xC0] =	vst v2;
	v2 =	vmul.f32 v5, v8  }
0xe6: {  	[tilespmem:s7+$0xD0] =	vst v3  }
0xe7: {  	[tilespmem:s7+$0xE0] =	vst v2  }
0xe8: {  	v2 =	vld [tilespmem:s29+$0x2800];
	_ =	sdelay $0x7  }
0xe9: {  	[spmem:s3] =	stream.indirect_vreg.scatter.add.f32 [tilespmem:s1], [sflag:$0x2], $0x80, v2, vm0, $0xb8;
	[tilespmem:$0x1F400] =	vst v63  }
0xea: {  	v2 =	vld [tilespmem:s29+$0x2810];
	_ =	sdelay $0x7  }
0xeb: {  	[spmem:s3] =	stream.indirect_vreg.scatter.add.f32 [tilespmem:s15], [sflag:$0x2], $0x80, v2, vm0, $0xb8;
	[tilespmem:$0x1F400] =	vst v63  }
0xec: {  	v2 =	vld [tilespmem:s29+$0x2820];
	_ =	sdelay $0x7  }
0xed: {  	[spmem:s3] =	stream.indirect_vreg.scatter.add.f32 [tilespmem:s16], [sflag:$0x2], $0x80, v2, vm0, $0xb8;
	[tilespmem:$0x1F400] =	vst v63  }
0xee: {  	v2 =	vld [tilespmem:s29+$0x2830];
	_ =	sdelay $0x7  }
0xef: {  	[spmem:s3] =	stream.indirect_vreg.scatter.add.f32 [tilespmem:s17], [sflag:$0x2], $0x80, v2, vm0, $0xb8;
	[tilespmem:$0x1F400] =	vst v63  }
0xf0: {  	_ =	swait.ge [sflag:s13], $0x2000  }
0xf1: {  	[sflag:s13] =	ssyncset.done $0x0  }
0xf2: {  	[sflag:s13] =	ssyncadd.s32 $0xFFFFE000  }
0xf3: {  	_ =	swait.ge [sflag:s18], $0x800  }
0xf4: {  	[sflag:s18] =	ssyncset.done $0x0  }
0xf5: {  	[sflag:s18] =	ssyncadd.s32 $0xFFFFF800  }
0xf6: {  	s10 =	simm.s32 $0x40;
	_ =	swait.ge [sflag:s18], $0x800  }
0xf7: {  	s7 =	simm.s32 $0x43;
	v2 =	vmov s10;
	[sflag:s18] =	ssyncset.done $0x0  }
0xf8: {  	v3 =	vmov s7;
	v2 =	vand.u32 $0x7C, v2;
	[sflag:s18] =	ssyncadd.s32 $0xFFFFF800  }
0xf9: {  	v3 =	vand.u32 $0x7F, v3;
	v2 =	vor.u32 v1, v2;
	_ =	swait.ge [sflag:s18], $0x800  }
0xfa: {  	v3 =	vor.u32 v1, v3;
	v2 =	vbroadcast v2, $0x0;
	[sflag:s18] =	ssyncset.done $0x0  }
0xfb: {  	v3 =	vbroadcast v3, $0x0;
	[sflag:s18] =	ssyncadd.s32 $0xFFFFF800  }
0xfc: {  	p1 =	seq.s32 s5, $0x4E;
	s10 =	sadd.s32 $0x1, s5;
	_ =	swait.ge [sflag:s18], $0x800  }
0xfd: {  	s6 =	simm.s32 @!p1 $0x40;
	s5 =	sshll.u32 @!p1 s10, $0x7;
	[sflag:s18] =	ssyncset.done $0x0  }
0xfe: {  	s7 =	simm.s32 @!p1 $0x7800;
	s5 =	sand.u32 @!p1 $0x3FFFFF80, s5;
	[sflag:s18] =	ssyncadd.s32 $0xFFFFF800  }
0xff: {  	[tilespmem:s7], [sflag:$0x1] =	stream.indirect.gather @!p1 [hbm4b:s0+s6], $0x80, s5, s6, $0xb8;
	[tilespmem:$0x1F400] =	vst v63  }
0x100: {  	s8 =	simm.s32 $0x41;
	v5 =	vld.idx.msk [tilespmem:v2+s11+$0x0], $0xffff  }
0x101: {  	v4 =	vmov s8;
	s5 =	simm.s32 $0x9900;
	v2 =	vld.idx.msk [tilespmem:v3+s11+$0x0], $0xffff  }
0x102: {  	v3 =	vand.u32 $0x7D, v4;
	v6 =	vld [tilespmem:s5+$0xF0]  }
0x103: {  	v4 =	vld [tilespmem:s5+$0xFFFFFF00];
	v3 =	vor.u32 v1, v3  }
0x104: {  	v7 =	vld [tilespmem:s5+$0xFFFFFF10];
	v3 =	vbroadcast v3, $0x0  }
0x105: {  	v8 =	vld [tilespmem:s5+$0xFFFFFF20]  }
0x106: {  	v9 =	vld [tilespmem:s5+$0xFFFFFF30]  }
0x107: {  	v10 =	vld [tilespmem:s5+$0xFFFFFF40]  }
0x108: {  	v58 =	vld [tilespmem:s5+$0xFFFFFF50]  }
0x109: {  	s9 =	simm.s32 $0x42;
	v59 =	vld [tilespmem:s5+$0xFFFFFF60];
	v11 =	vmul.f32 v4, v5  }
0x10a: {  	v60 =	vmov s9;
	v4 =	vld.idx.msk [tilespmem:v3+s11+$0x0], $0xffff;
	v3 =	vmul.f32 v6, v2  }
0x10b: {  	v61 =	vld [tilespmem:s5+$0xFFFFFFB0];
	v7 =	vmul.f32 v7, v5;
	[tilespmem:s5+$0xFFFFFF00] =	vst v11;
	v6 =	vand.u32 $0x7E, v60  }
0x10c: {  	v11 =	vld [tilespmem:s5+$0xFFFFFF70];
	v6 =	vor.u32 v1, v6;
	[tilespmem:s5+$0xF0] =	vst v3;
	v3 =	vmul.f32 v8, v5  }
0x10d: {  	[tilespmem:s5+$0xFFFFFF10] =	vst v7;
	v7 =	vmul.f32 v9, v5;
	v8 =	vld [tilespmem:s5+$0xFFFFFF80];
	v6 =	vbroadcast v6, $0x0  }
0x10e: {  	v9 =	vld [tilespmem:s5+$0xFFFFFF90];
	[tilespmem:s5+$0xFFFFFF20] =	vst v3;
	v3 =	vmul.f32 v10, v5  }
0x10f: {  	[tilespmem:s5+$0xFFFFFF30] =	vst v7;
	v7 =	vmul.f32 v58, v5;
	v10 =	vld [tilespmem:s5+$0xFFFFFFA0]  }
0x110: {  	v62 =	vld [tilespmem:s5+$0xFFFFFFC0];
	[tilespmem:s5+$0xFFFFFF40] =	vst v3;
	v3 =	vmul.f32 v59, v5  }
0x111: {  	v63 =	vld [tilespmem:s5+$0xFFFFFFD0];
	[tilespmem:s5+$0xFFFFFF50] =	vst v7;
	v5 =	vmul.f32 v11, v5  }
0x112: {  	v7 =	vmul.f32 v8, v4;
	v8 =	vld [tilespmem:s5+$0xFFFFFFE0];
	[tilespmem:s5+$0xFFFFFF60] =	vst v3  }
0x113: {  	v3 =	vld.idx.msk [tilespmem:v6+s11+$0x0], $0xffff;
	v6 =	vmul.f32 v9, v4;
	[tilespmem:s5+$0xFFFFFF70] =	vst v5  }
0x114: {  	[tilespmem:s5+$0xFFFFFF80] =	vst v7;
	v5 =	vmul.f32 v10, v4;
	v7 =	vld [tilespmem:s5+$0xFFFFFFF0]  }
0x115: {  	v9 =	vld [tilespmem:s5+$0x0];
	[tilespmem:s5+$0xFFFFFF90] =	vst v6;
	v6 =	vmul.f32 v61, v4  }
0x116: {  	v11 =	vmul.f32 v62, v4;
	[tilespmem:s5+$0xFFFFFFA0] =	vst v5;
	v5 =	vld [tilespmem:s5+$0x10]  }
0x117: {  	s7 =	simm.s32 $0x0;
	s6 =	simm.s32 $0x9900;
	v10 =	vmul.f32 v63, v4;
	[tilespmem:s5+$0xFFFFFFB0] =	vst v6;
	v6 =	vld [tilespmem:s5+$0x20]  }
.LBB2_7:
0x118: {  	s8 =	sadd.s32 $0x44, s7;
	[tilespmem:s5+$0xFFFFFFC0] =	vst v11;
	v8 =	vmul.f32 v8, v4;
	v11 =	vld [tilespmem:s5+$0x30]  }
0x119: {  	s9 =	sadd.s32 $0x46, s7;
	v12 =	vmov s8;
	s8 =	sadd.s32 $0x45, s7;
	[tilespmem:s5+$0xFFFFFFD0] =	vst v10;
	v4 =	vmul.f32 v7, v4;
	v7 =	vld [tilespmem:s5+$0x40]  }
0x11a: {  	v13 =	vmov s9;
	v10 =	vmov s8;
	[tilespmem:s5+$0xFFFFFFE0] =	vst v8;
	v8 =	vmul.f32 v9, v3;
	v9 =	vld [tilespmem:s5+$0x50]  }
0x11b: {  	v12 =	vand.u32 $0x7C, v12;
	v10 =	vand.u32 $0x7D, v10;
	[tilespmem:s5+$0xFFFFFFF0] =	vst v4;
	v4 =	vmul.f32 v5, v3;
	v5 =	vld [tilespmem:s5+$0x60]  }
0x11c: {  	v13 =	vand.u32 $0x7E, v13;
	v12 =	vor.u32 v1, v12;
	[tilespmem:s5+$0x0] =	vst v8;
	v6 =	vmul.f32 v6, v3;
	v8 =	vld [tilespmem:s5+$0x70]  }
0x11d: {  	s8 =	sadd.s32 $0x47, s7;
	s7 =	sadd.s32 $0x4, s7;
	v13 =	vor.u32 v1, v13;
	v10 =	vor.u32 v1, v10;
	[tilespmem:s5+$0x10] =	vst v4;
	v4 =	vmul.f32 v11, v3;
	v11 =	vld [tilespmem:s5+$0x80]  }
0x11e: {  	v14 =	vmov s8;
	p1 =	slt.u32 s7, $0x3C;
	v12 =	vbroadcast v12, $0x0;
	[tilespmem:s5+$0x20] =	vst v6;
	v6 =	vmul.f32 v7, v3;
	v7 =	vld [tilespmem:s5+$0x90]  }
0x11f: {  	v14 =	vand.u32 $0x7F, v14;
	v10 =	vbroadcast v10, $0x0;
	[tilespmem:s5+$0x30] =	vst v4;
	v4 =	vmul.f32 v9, v3;
	v9 =	vld [tilespmem:s5+$0xA0]  }
0x120: {  	v13 =	vbroadcast v13, $0x0;
	v14 =	vor.u32 v1, v14;
	[tilespmem:s5+$0x40] =	vst v6;
	v5 =	vmul.f32 v5, v3;
	v6 =	vld [tilespmem:s5+$0xB0]  }
0x121: {  	v14 =	vbroadcast v14, $0x0;
	[tilespmem:s5+$0x50] =	vst v4;
	v3 =	vmul.f32 v8, v3;
	v8 =	vld [tilespmem:s5+$0xC0]  }
0x122: {  	[tilespmem:s5+$0x60] =	vst v5;
	v4 =	vmul.f32 v11, v2;
	v5 =	vld [tilespmem:s5+$0xD0]  }
0x123: {  	[tilespmem:s5+$0x70] =	vst v3;
	v3 =	vmul.f32 v7, v2;
	v7 =	vld [tilespmem:s5+$0xE0]  }
0x124: {  	v11 =	vld.idx.msk [tilespmem:v12+s11+$0x0], $0xffff;
	[tilespmem:s5+$0x80] =	vst v4;
	v9 =	vmul.f32 v9, v2  }
0x125: {  	v4 =	vld.idx.msk [tilespmem:v10+s11+$0x0], $0xffff;
	[tilespmem:s5+$0x90] =	vst v3;
	v6 =	vmul.f32 v6, v2  }
0x126: {  	v3 =	vld.idx.msk [tilespmem:v13+s11+$0x0], $0xffff;
	[tilespmem:s5+$0xA0] =	vst v9;
	v8 =	vmul.f32 v8, v2  }
0x127: {  	s5 =	sadd.s32 $0x200, s5;
	v9 =	vld.idx.msk [tilespmem:v14+s11+$0x0], $0xffff;
	[tilespmem:s6+$0xB0] =	vst v6;
	v5 =	vmul.f32 v5, v2  }
0x128: {  	v6 =	vld [tilespmem:s5+$0xF0];
	[tilespmem:s6+$0xC0] =	vst v8;
	v2 =	vmul.f32 v7, v2  }
0x129: {  	v7 =	vld [tilespmem:s5+$0xFFFFFF00];
	[tilespmem:s6+$0xD0] =	vst v5  }
0x12a: {  	v5 =	vld [tilespmem:s5+$0xFFFFFF10];
	[tilespmem:s6+$0xE0] =	vst v2;
	s6 =	smov.u32 s5  }
0x12b: {  	v8 =	vld [tilespmem:s5+$0xFFFFFF20]  }
0x12c: {  	v10 =	vld [tilespmem:s5+$0xFFFFFF30]  }
0x12d: {  	v2 =	vmov v9;
	v12 =	vld [tilespmem:s5+$0xFFFFFF40];
	v6 =	vmul.f32 v6, v9  }
0x12e: {  	v7 =	vmul.f32 v7, v11;
	v9 =	vld [tilespmem:s5+$0xFFFFFF50]  }
0x12f: {  	v5 =	vmul.f32 v5, v11;
	v13 =	vld [tilespmem:s5+$0xFFFFFF60];
	[tilespmem:s5+$0xF0] =	vst v6  }
0x130: {  	[tilespmem:s5+$0xFFFFFF00] =	vst v7;
	v6 =	vmul.f32 v8, v11;
	v7 =	vld [tilespmem:s5+$0xFFFFFF70]  }
0x131: {  	[tilespmem:s5+$0xFFFFFF10] =	vst v5;
	v5 =	vmul.f32 v10, v11;
	v8 =	vld [tilespmem:s5+$0xFFFFFF80]  }
0x132: {  	[tilespmem:s5+$0xFFFFFF20] =	vst v6;
	v6 =	vmul.f32 v12, v11;
	v10 =	vld [tilespmem:s5+$0xFFFFFF90]  }
0x133: {  	[tilespmem:s5+$0xFFFFFF30] =	vst v5;
	v5 =	vmul.f32 v9, v11;
	v9 =	vld [tilespmem:s5+$0xFFFFFFA0]  }
0x134: {  	[tilespmem:s5+$0xFFFFFF40] =	vst v6;
	v6 =	vmul.f32 v13, v11;
	v12 =	vld [tilespmem:s5+$0xFFFFFFB0]  }
0x135: {  	[tilespmem:s5+$0xFFFFFF50] =	vst v5;
	v5 =	vmul.f32 v7, v11;
	v11 =	vld [tilespmem:s5+$0xFFFFFFC0]  }
0x136: {  	[tilespmem:s5+$0xFFFFFF60] =	vst v6;
	v6 =	vmul.f32 v8, v4;
	v13 =	vld [tilespmem:s5+$0xFFFFFFD0]  }
.Ltmp2:
0x137: {  	[tilespmem:s5+$0xFFFFFF70] =	vst v5;
	v5 =	vmul.f32 v10, v4;
	v8 =	vld [tilespmem:s5+$0xFFFFFFE0];
	(pc) =	sbr.rel @p1 .LBB2_7-.Ltmp2, $4  }
0x138: {  	[tilespmem:s5+$0xFFFFFF80] =	vst v6;
	v6 =	vmul.f32 v9, v4;
	v7 =	vld [tilespmem:s5+$0xFFFFFFF0]  }
0x139: {  	[tilespmem:s5+$0xFFFFFF90] =	vst v5;
	v10 =	vmul.f32 v12, v4;
	v9 =	vld [tilespmem:s5+$0x0]  }
0x13a: {  	[tilespmem:s5+$0xFFFFFFA0] =	vst v6;
	v11 =	vmul.f32 v11, v4;
	v5 =	vld [tilespmem:s5+$0x10]  }
0x13b: {  	[tilespmem:s5+$0xFFFFFFB0] =	vst v10;
	v10 =	vmul.f32 v13, v4;
	v6 =	vld [tilespmem:s5+$0x20]  }
0x13c: {  	v1 =	vld [tilespmem:s5+$0x30];
	[tilespmem:s5+$0xFFFFFFC0] =	vst v11;
	v8 =	vmul.f32 v8, v4  }
0x13d: {  	v48 =	vld [tilespmem:s5+$0x40];
	[tilespmem:s5+$0xFFFFFFD0] =	vst v10;
	v50 =	vmul.f32 v7, v4  }
0x13e: {  	v49 =	vld [tilespmem:s5+$0x50];
	v9 =	vmul.f32 v9, v3;
	[tilespmem:s5+$0xFFFFFFE0] =	vst v8  }
0x13f: {  	v51 =	vld [tilespmem:s5+$0x60];
	v5 =	vmul.f32 v5, v3;
	[tilespmem:s5+$0xFFFFFFF0] =	vst v50  }
0x140: {  	v53 =	vld [tilespmem:s5+$0x70];
	[tilespmem:s5+$0x0] =	vst v9;
	v52 =	vmul.f32 v6, v3  }
0x141: {  	v54 =	vld [tilespmem:s5+$0x80];
	[tilespmem:s5+$0x10] =	vst v5;
	v1 =	vmul.f32 v1, v3  }
0x142: {  	v56 =	vld [tilespmem:s5+$0x90];
	v55 =	vmul.f32 v48, v3;
	[tilespmem:s5+$0x20] =	vst v52  }
0x143: {  	v57 =	vld [tilespmem:s5+$0xA0];
	[tilespmem:s5+$0x30] =	vst v1;
	v1 =	vmul.f32 v49, v3  }
0x144: {  	v59 =	vld [tilespmem:s5+$0xB0];
	v58 =	vmul.f32 v51, v3;
	[tilespmem:s5+$0x40] =	vst v55  }
0x145: {  	[tilespmem:s5+$0x50] =	vst v1;
	v1 =	vmul.f32 v53, v3;
	v3 =	vld [tilespmem:s5+$0xC0]  }
0x146: {  	v61 =	vld [tilespmem:s5+$0xD0];
	v60 =	vmul.f32 v54, v2;
	[tilespmem:s5+$0x60] =	vst v58  }
0x147: {  	v62 =	vld [tilespmem:s5+$0xE0];
	[tilespmem:s5+$0x70] =	vst v1;
	v1 =	vmul.f32 v56, v2  }
0x148: {  	v63 =	vmul.f32 v57, v2;
	[tilespmem:s5+$0x80] =	vst v60  }
0x149: {  	[tilespmem:s5+$0x90] =	vst v1;
	v1 =	vmul.f32 v59, v2  }
0x14a: {  	[tilespmem:s5+$0xA0] =	vst v63;
	v3 =	vmul.f32 v3, v2  }
0x14b: {  	[tilespmem:s6+$0xB0] =	vst v1;
	v1 =	vmul.f32 v61, v2  }
0x14c: {  	v2 =	vmul.f32 v62, v2;
	[tilespmem:s6+$0xC0] =	vst v3  }
0x14d: {  	[tilespmem:s6+$0xD0] =	vst v1  }
0x14e: {  	[tilespmem:s6+$0xE0] =	vst v2  }
0x14f: {  	v1 =	vld [tilespmem:s30+$0x2800];
	_ =	sdelay $0x7  }
0x150: {  	[spmem:s3] =	stream.indirect_vreg.scatter.add.f32 [tilespmem:s14], [sflag:$0x2], $0x80, v1, vm0, $0xb8;
	[tilespmem:$0x1F400] =	vst v63  }
0x151: {  	v1 =	vld [tilespmem:s29+$0x2850];
	_ =	sdelay $0x7  }
0x152: {  	[spmem:s3] =	stream.indirect_vreg.scatter.add.f32 [tilespmem:s22], [sflag:$0x2], $0x80, v1, vm0, $0xb8;
	[tilespmem:$0x1F400] =	vst v63  }
0x153: {  	v1 =	vld [tilespmem:s29+$0x2860];
	_ =	sdelay $0x7  }
0x154: {  	[spmem:s3] =	stream.indirect_vreg.scatter.add.f32 [tilespmem:s23], [sflag:$0x2], $0x80, v1, vm0, $0xb8;
	[tilespmem:$0x1F400] =	vst v63  }
0x155: {  	v1 =	vld [tilespmem:s29+$0x2870];
	_ =	sdelay $0x7  }
0x156: {  	[spmem:s3] =	stream.indirect_vreg.scatter.add.f32 [tilespmem:s24], [sflag:$0x2], $0x80, v1, vm0, $0xb8;
	[tilespmem:$0x1F400] =	vst v63  }
0x157: {  	_ =	swait.ge [sflag:s18], $0x800  }
0x158: {  	[sflag:s18] =	ssyncset.done $0x0  }
0x159: {  	[sflag:s18] =	ssyncadd.s32 $0xFFFFF800  }
0x15a: {  	_ =	swait.ge [sflag:s18], $0x800  }
0x15b: {  	[sflag:s18] =	ssyncset.done $0x0  }
0x15c: {  	[sflag:s18] =	ssyncadd.s32 $0xFFFFF800  }
0x15d: {  	p1 =	sne.s32 s10, $0x4F;
	_ =	swait.ge [sflag:s18], $0x800  }
.Ltmp3:
0x15e: {  	[sflag:s18] =	ssyncset.done $0x0;
	(pc) =	sbr.rel @p1 .LBB2_4-.Ltmp3, $4  }
0x15f: {  	[sflag:s18] =	ssyncadd.s32 $0xFFFFF800  }
0x160: {  	_ =	swait.ge [sflag:s18], $0x800  }
0x161: {  	[sflag:s18] =	ssyncset.done $0x0  }
0x162: {  	s5 =	smov.u32 s10;
	[sflag:s18] =	ssyncadd.s32 $0xFFFFF800  }
0x163: {  	s5 =	stileid.u32  }
0x164: {  	[bflag:$0x0] =	sbarrier.arrive $0xFFFF;
	s5 =	sshll.u32 s5, $0x6  }
0x165: {  	s6 =	sshrl.u32 s19, $0x3;
	s7 =	rddreg [dreg:$0xb];
	s5 =	sor.u32 $0x1C03, s5  }
0x166: {  	[hbm:s7], [sflag:s5] =	dma.local [spmem:s6], $0x400  }
0x167: {  	_ =	swait.ge [sflag:s2], $0x400  }
0x168: {  	[sflag:s2] =	ssyncset.done $0x0  }
0x169: {  	s7 =	sshrl.u32 s20, $0x3;
	s8 =	rddreg [dreg:$0xc];
	[sflag:s2] =	ssyncadd.s32 $0xFFFFFC00  }
0x16a: {  	[hbm:s8], [sflag:s5] =	dma.local [spmem:s7], $0x400  }
0x16b: {  	_ =	swait.ge [sflag:s2], $0x400  }
0x16c: {  	[sflag:s2] =	ssyncset.done $0x0  }
0x16d: {  	s9 =	sshrl.u32 s21, $0x3;
	s10 =	rddreg [dreg:$0xd];
	[sflag:s2] =	ssyncadd.s32 $0xFFFFFC00  }
0x16e: {  	[hbm:s10], [sflag:s5] =	dma.local [spmem:s9], $0x400  }
0x16f: {  	s28 =	smov.u32 s19;
	_ =	swait.ge [sflag:s2], $0x400  }
0x170: {  	s29 =	smov.u32 s20;
	[sflag:s2] =	ssyncset.done $0x0;
	s19 =	rddreg [dreg:$0x5]  }
0x171: {  	s20 =	rddreg [dreg:$0xe];
	[sflag:s2] =	ssyncadd.s32 $0xFFFFFC00;
	s6 =	sshrl.u32 s19, $0x3  }
0x172: {  	[hbm:s20], [sflag:s5] =	dma.local [spmem:s6], $0x400  }
0x173: {  	_ =	swait.ge [sflag:s2], $0x400  }
0x174: {  	s30 =	smov.u32 s21;
	s21 =	sshrl.u32 s25, $0x3;
	[sflag:s2] =	ssyncset.done $0x0  }
0x175: {  	s10 =	smov.u32 s25;
	s25 =	rddreg [dreg:$0x11];
	[sflag:s2] =	ssyncadd.s32 $0xFFFFFC00  }
0x176: {  	[hbm:s25], [sflag:s5] =	dma.local [spmem:s21], $0x400  }
0x177: {  	_ =	swait.ge [sflag:s2], $0x400  }
0x178: {  	[sflag:s2] =	ssyncset.done $0x0;
	s7 =	rddreg [dreg:$0xf]  }
0x179: {  	s8 =	rddreg [dreg:$0x12];
	[sflag:s2] =	ssyncadd.s32 $0xFFFFFC00;
	s6 =	sshrl.u32 s7, $0x3  }
0x17a: {  	[hbm:s8], [sflag:s5] =	dma.local [spmem:s6], $0x400  }
0x17b: {  	_ =	swait.ge [sflag:s2], $0x400  }
0x17c: {  	[sflag:s2] =	ssyncset.done $0x0;
	s9 =	rddreg [dreg:$0x10]  }
0x17d: {  	s19 =	rddreg [dreg:$0x13];
	[sflag:s2] =	ssyncadd.s32 $0xFFFFFC00;
	s6 =	sshrl.u32 s9, $0x3  }
0x17e: {  	[hbm:s19], [sflag:s5] =	dma.local [spmem:s6], $0x400  }
0x17f: {  	_ =	swait.ge [sflag:s2], $0x400  }
0x180: {  	[sflag:s2] =	ssyncset.done $0x0;
	s20 =	rddreg [dreg:$0x14]  }
0x181: {  	s21 =	rddreg [dreg:$0x15];
	[sflag:s2] =	ssyncadd.s32 $0xFFFFFC00;
	s6 =	sshrl.u32 s20, $0x3  }
0x182: {  	[hbm:s21], [sflag:s5] =	dma.local [spmem:s6], $0x400  }
0x183: {  	_ =	swait.ge [sflag:s2], $0x400  }
0x184: {  	[sflag:s2] =	ssyncset.done $0x0  }
0x185: {  	s6 =	sshrl.u32 @!p0 s26, $0x3;
	s7 =	rddreg [dreg:$0x16];
	[sflag:s2] =	ssyncadd.s32 $0xFFFFFC00  }
0x186: {  	[hbm:s7], [sflag:s5] =	dma.local @!p0 [spmem:s6], $0x400  }
0x187: {  	s6 =	simm.s32 @!p0 $0x3  }
0x188: {  	_ =	swait.ge @!p0 [sflag:s6], $0x400  }
0x189: {  	s7 =	rddreg [dreg:$0x6]  }
0x18a: {  	s8 =	sadd.s32 @!p0 s31, s3;
	s7 =	sadd.s32 @!p0 s7, s31  }
0x18b: {  	[sflag:s6] =	ssyncset.done @!p0 $0x0;
	s9 =	rddreg [dreg:$0x4];
	s7 =	sshrl.u32 @!p0 s7, $0x3  }
0x18c: {  	s8 =	sshrl.u32 @!p0 s8, $0x3;
	[sflag:s6] =	ssyncadd.s32 @!p0 $0xFFFFFC00;
	s7 =	sadd.s32 @!p0 s9, s7  }
0x18d: {  	[hbm:s7], [sflag:s5] =	dma.local @!p0 [spmem:s8], $0x400  }
0x18e: {  	_ =	swait.ge @!p0 [sflag:s6], $0x400  }
0x18f: {  	s4 =	sadd.s32 $0x1, s4;
	s25 =	rddreg [dreg:$0x17]  }
0x190: {  	p1 =	sne.s32 s4, s25  }
.Ltmp4:
0x191: {  	_ = 	snop;
	(pc) =	sbr.rel @p1 .LBB2_1-.Ltmp4, $3  }
0x192: {  	_ =	sdelay $0x1  }
0x193: {  	[sflag:s6] =	ssyncset.done @!p0 $0x0  }
0x194: {  	[sflag:s6] =	ssyncadd.s32 @!p0 $0xFFFFFC00  }
0x195: {  	_ =	sfence.sel $0x180000  }
0x196: {  	[bflag:$0x0] =	sbarrier.arrive $0xFFFF  }
0x197: {  	_ =	strace $0x9000004D  }
0x198: {  	s0 =	stileid.u32;
	[bflag:$0x2] =	sbarrier.arrive $0xFFFF  }
0x199: {  	p0 =	sne.s32 s0, $0x0;
	s0 =	rddreg [dreg:$0x3]  }
0x19a: {  	s0 =	sadd.s32 @!p0 $0x100000, s0  }
0x19b: {  	[sflag:s0] =	ssyncadd.tile.s32 @!p0 $0x1;
	_ =	shalt  }
.Lfunc_end2:
_tile_overlayer_lowered:
.L_overlay_start_2:
0x19c: {  	(tag) =	ssettag $0x2  }
0x19d: {  	s0 =	rddreg [dreg:$0x0];
	s2 =	stileid.u32  }
0x19e: {  	s1 =	rddreg [dreg:$0x1];
	p0 =	sne.s32 s2, $0x0  }
0x19f: {  	s3 =	rddreg [dreg:$0x2];
	[bflag:$0x3] =	sbarrier.arrive $0xFFFF;
	s2 =	simm.s32 @!p0 $0x1C03  }
0x1a0: {  	[timem:s3], [sflag:s2] =	dma.local @!p0 [hbm:s0], s1  }
0x1a1: {  	s0 =	simm.s32 @!p0 $0x3  }
0x1a2: {  	_ =	swait.ge @!p0 [sflag:s0], s1  }
0x1a3: {  	s1 =	ssub.s32 @!p0 $0x0, s1;
	[sflag:s0] =	ssyncset.done @!p0 $0x0  }
0x1a4: {  	[sflag:s0] =	ssyncadd.s32 @!p0 s1  }
0x1a5: {  	[bflag:$0x3] =	sbarrier.arrive $0xFFFF  }
0x1a6: {  	_ =	shalt  }

// kernel: kernel.8.cloned.1.call-start
scs
__scs_entry_jumppad:
0x0: {  	(pc) =	sbr.rel $0x88, $3  }
0x1: {  	(tag) =	ssettag $0x0;
	lr =	simm.s32 $0x1  }
0x2: {  	[smem:$0x3F98] =	sst lr;
	_ =	strace $0xD0000000  }
0x3: {  	_ = 	snop  }
0x4: {  	_ = 	snop  }
0x5: {  	_ = 	snop  }
0x6: {  	_ = 	snop  }
0x7: {  	_ = 	snop  }
__scs_overlays_trampoline_lowered:
0x8: {  	[smem:$0x3FA7] =	sst s0  }
0x9: {  	[smem:$0x3FA8] =	sst s1  }
0xa: {  	[smem:$0x3FA9] =	sst s2  }
0xb: {  	[smem:$0x3FAA] =	sst s3  }
0xc: {  	[smem:$0x3FAB] =	sst s4  }
0xd: {  	[smem:$0x3FAC] =	sst s5  }
0xe: {  	[smem:$0x3FAD] =	sst s6  }
0xf: {  	[smem:$0x3FAE] =	sst s7  }
0x10: {  	[smem:$0x3FAF] =	sst s8  }
0x11: {  	[smem:$0x3FB0] =	sst s9;
	s0 =	simm.s32 @!p0 $0x0  }
0x12: {  	s1 =	sld [smem:$0x3F96];
	s0 =	simm.s32 @p0 $0x1  }
0x13: {  	[smem:$0x3FB1] =	sst s0;
	s0 =	simm.s32 @!p1 $0x0  }
0x14: {  	s2 =	sld [smem:$0x3F95];
	s0 =	simm.s32 @p1 $0x1  }
0x15: {  	[smem:$0x3FB2] =	sst s0;
	s0 =	simm.s32 @!p2 $0x0  }
0x16: {  	s3 =	sld [smem:$0x3FDB];
	s0 =	simm.s32 @p2 $0x1  }
0x17: {  	s4 =	simm.s32 $0x1BF5;
	[smem:$0x3FB4] =	sst s0  }
0x18: {  	s0 =	sld [smem:$0x3F97];
	_ =	swait.ge [sflag:s4], $0x0  }
0x19: {  	s7 =	sld [smem:$0x3F98]  }
0x1a: {  	s8 =	sadd.s32 $0xFFFFE003, lr  }
0x1b: {  	s9 =	sadd.s32 $0xFFFFFEF7, lr;
	s5 =	simm.s32 $0xFFFFFFFF;
	p2 =	slt.u32 s8, $0xFFFFF086  }
0x1c: {  	p1 =	slt.u32 s9, $0xF7A;
	s5 =	simm.s32 @!p2 $0x0  }
0x1d: {  	s5 =	simm.s32 @p1 $0x1;
	p0 =	seq.s32 s7, s2  }
0x1e: {  	s7 =	smul.u32 @!p0 $0xF7A, s2;
	p2 =	seq.s32 @!p0 s5, $0x0  }
0x1f: {  	s9 =	smul.u32 $0xF7A, s1;
	s8 =	simm.s32 @!p0 $0x1BF5;
	p2 =	por !p2, p0  }
0x20: {  	[sflag:s8] =	ssyncset.s32 @!p0 $0xFFFFF086;
	s6 =	sadd.s32 @!p0 s3, s7;
	s7 =	simm.s32 @!p0 $0x108  }
0x21: {  	s3 =	sadd.s32 s3, s9;
	s6 =	sadd.s32 @!p0 $0x88, s6;
	s7 =	simm.s32 @p2 $0x1082  }
0x22: {  	[simem:s7], [sflag:s8] =	dma.local @!p0 [hbm:s6], $0xF7A  }
0x23: {  	s9 =	sor.u32 $0xD0000000, s2;
	s6 =	simm.s32 $0x108;
	_ =	swait.ge @!p0 [sflag:s8], $0x0  }
0x24: {  	s3 =	sadd.s32 $0x88, s3;
	s6 =	simm.s32 @!p1 $0x1082;
	[sflag:s4] =	ssyncset.s32 $0xFFFFF086  }
0x25: {  	[simem:s6], [sflag:s4] =	dma.local [hbm:s3], $0xF7A  }
0x26: {  	[smem:$0x3F98] =	sst s1;
	(tag) =	ssettag s2;
	_ =	strace s9  }
0x27: {  	s1 =	sld [smem:$0x3FA8]  }
0x28: {  	s2 =	sld [smem:$0x3FA9]  }
0x29: {  	s4 =	sld [smem:$0x3FAB]  }
0x2a: {  	p0 =	seq.s32 s5, $0x0;
	s5 =	sld [smem:$0x3FAC]  }
0x2b: {  	s6 =	sld [smem:$0x3FAD]  }
0x2c: {  	s7 =	sld [smem:$0x3FAE]  }
0x2d: {  	s3 =	simm.s32 $0x108;
	s8 =	sld [smem:$0x3FAF]  }
0x2e: {  	s3 =	simm.s32 @!p0 $0x1082;
	s9 =	sld [smem:$0x3FB0]  }
0x2f: {  	lr =	sadd.s32 s0, s3;
	s0 =	sld [smem:$0x3FA7]  }
0x30: {  	s3 =	sld [smem:$0x3FAA]  }
0x31: {  	[smem:$0x3FB3] =	sst s10  }
0x32: {  	s10 =	sld [smem:$0x3FB1];
	_ =	sdelay $0x3  }
0x33: {  	p0 =	seq.s32 s10, $0x1;
	s10 =	sld [smem:$0x3FB3];
	_ =	sdelay $0x3  }
0x34: {  	[smem:$0x3FB3] =	sst s10  }
0x35: {  	s10 =	sld [smem:$0x3FB2];
	_ =	sdelay $0x3  }
0x36: {  	p1 =	seq.s32 s10, $0x1;
	s10 =	sld [smem:$0x3FB3];
	_ =	sdelay $0x3  }
0x37: {  	[smem:$0x3FB3] =	sst s10  }
0x38: {  	s10 =	sld [smem:$0x3FB4]  }
0x39: {  	_ = 	snop;
	(pc) =	sbr.ind lr, $3  }
0x3a: {  	_ = 	snop  }
0x3b: {  	_ = 	snop  }
0x3c: {  	p2 =	seq.s32 s10, $0x1;
	s10 =	sld [smem:$0x3FB3]  }
0x3d: {  	_ =	shalt  }
0x3e: {  	_ =	shalt  }
0x3f: {  	_ =	shalt  }
0x40: {  	_ =	shalt  }
0x41: {  	_ =	shalt  }
0x42: {  	_ =	shalt  }
0x43: {  	_ =	shalt  }
0x44: {  	_ =	shalt  }
0x45: {  	_ =	shalt  }
0x46: {  	_ =	shalt  }
0x47: {  	_ =	shalt  }
0x48: {  	_ =	shalt  }
0x49: {  	_ =	shalt  }
0x4a: {  	_ =	shalt  }
0x4b: {  	_ =	shalt  }
0x4c: {  	_ =	shalt  }
0x4d: {  	_ =	shalt  }
0x4e: {  	_ =	shalt  }
0x4f: {  	_ =	shalt  }
0x50: {  	_ =	shalt  }
0x51: {  	_ =	shalt  }
0x52: {  	_ =	shalt  }
0x53: {  	_ =	shalt  }
0x54: {  	_ =	shalt  }
0x55: {  	_ =	shalt  }
0x56: {  	_ =	shalt  }
0x57: {  	_ =	shalt  }
0x58: {  	_ =	shalt  }
0x59: {  	_ =	shalt  }
0x5a: {  	_ =	shalt  }
0x5b: {  	_ =	shalt  }
0x5c: {  	_ =	shalt  }
0x5d: {  	_ =	shalt  }
0x5e: {  	_ =	shalt  }
0x5f: {  	_ =	shalt  }
0x60: {  	_ =	shalt  }
0x61: {  	_ =	shalt  }
0x62: {  	_ =	shalt  }
0x63: {  	_ =	shalt  }
0x64: {  	_ =	shalt  }
0x65: {  	_ =	shalt  }
0x66: {  	_ =	shalt  }
0x67: {  	_ =	shalt  }
0x68: {  	_ =	shalt  }
0x69: {  	_ =	shalt  }
0x6a: {  	_ =	shalt  }
0x6b: {  	_ =	shalt  }
0x6c: {  	_ =	shalt  }
0x6d: {  	_ =	shalt  }
0x6e: {  	_ =	shalt  }
0x6f: {  	_ =	shalt  }
0x70: {  	_ =	shalt  }
0x71: {  	_ =	shalt  }
0x72: {  	_ =	shalt  }
0x73: {  	_ =	shalt  }
0x74: {  	_ =	shalt  }
0x75: {  	_ =	shalt  }
0x76: {  	_ =	shalt  }
0x77: {  	_ =	shalt  }
0x78: {  	_ =	shalt  }
0x79: {  	_ =	shalt  }
0x7a: {  	_ =	shalt  }
0x7b: {  	_ =	shalt  }
0x7c: {  	_ =	shalt  }
0x7d: {  	_ =	shalt  }
0x7e: {  	_ =	shalt  }
0x7f: {  	_ =	shalt  }
0x80: {  	_ =	shalt  }
0x81: {  	_ =	shalt  }
0x82: {  	_ =	shalt  }
0x83: {  	_ =	shalt  }
0x84: {  	_ =	shalt  }
0x85: {  	_ =	shalt  }
0x86: {  	_ =	shalt  }
0x87: {  	_ =	shalt  }
.Lfunc_end0:
.L_simem_size_0:
called_computation_lowered:
.L_overlay_start_0:
0x88: {  	s2 =	sld [smem:$0x3FD9]  }
0x89: {  	s3 =	sld [smem:$0x3FFE];
	_ =	sdelay $0x1  }
0x8a: {  	s1 =	srdreg.scid  }
0x8b: {  	s0 =	sand.u32 $0x1, s1  }
0x8c: {  	s17 =	sshll.u32 s0, $0xA;
	s2 =	sadd.s32 s3, s2  }
0x8d: {  	s2 =	sadd.s32 s2, s17  }
0x8e: {  	[smem:$0x3FBF] =	sst s2  }
0x8f: {  	_ = 	snop  }
0x90: {  	s2 =	sld [smem:$0x3FC9];
	(tm) =	ssettm $0x1  }
0x91: {  	s18 =	sld [smem:$0x3FFB];
	_ =	sdelay $0x3  }
0x92: {  	_ =	strace s18  }
0x93: {  	s3 =	sld [smem:$0x3FFC];
	_ =	sdelay $0x3  }
0x94: {  	_ =	strace s3  }
0x95: {  	s3 =	sld [smem:$0x3FFD];
	_ =	sdelay $0x3  }
0x96: {  	_ =	strace s3  }
0x97: {  	_ =	strace $0x8FFFFFFF  }
0x98: {  	s19 =	sld [smem:$0x3FDB];
	_ =	sdelay $0x1  }
0x99: {  	s4 =	simm.s32 $_scs_section_size  }
0x9a: {  	s5 =	simm.s32 $_size__tile_overlayer_lowered;
	s6 =	simm.s32 $_tile_overlayer_lowered  }
0x9b: {  	s22 =	simm.s32 $0x1BFF;
	s21 =	sshll.u32 s6, $0x1;
	s3 =	sadd.s32 s4, s19  }
0x9c: {  	s7 =	simm.s32 $0x0;
	s20 =	sshll.u32 s5, $0x1;
	s5 =	sadd.s32 s21, s3  }
0x9d: {  	[timem:s7], [sflag:s22] =	dma.local [hbm:s5], s20  }
0x9e: {  	_ =	swait.ge [sflag:s22], s20  }
0x9f: {  	s4 =	ssub.s32 $0x0, s20;
	[sflag:s22] =	ssyncset.done $0x0  }
0xa0: {  	[sflag:s22] =	ssyncadd.s32 s4;
	_ =	sdelay $0x1  }
0xa1: {  	s23 =	simm.s32 $0x1B8B  }
0xa2: {  	_ =	swait.ge [sflag:s23], $0x1  }
0xa3: {  	[sflag:s23] =	ssyncset.done $0x0  }
0xa4: {  	s25 =	simm.s32 $0x1B8E;
	s24 =	sld [smem:$0x3FFE];
	[sflag:s23] =	ssyncadd.s32 $0xFFFFFFFF  }
0xa5: {  	s26 =	simm.s32 $execute0_lowered;
	[smem:$0x3FD2] =	sst s25  }
0xa6: {  	s5 =	sshll.u32 s26, $0x1;
	_ =	strace $0x80000046;
	[dreg:$0x1] =	wrdreg $0xFFFFFFFF  }
0xa7: {  	s28 =	simm.s32 $_size_execute0_lowered;
	s3 =	sadd.s32 s3, s5;
	[dreg:$0x0] =	wrdreg $0x0  }
0xa8: {  	s5 =	sshll.u32 s28, $0x1;
	[dreg:$0x2] =	wrdreg s3  }
0xa9: {  	[dreg:$0x3] =	wrdreg s5  }
0xaa: {  	[dreg:$0x4] =	wrdreg $0xC0  }
0xab: {  	_ =	task [dreg:s7], $0x5FFFF  }
0xac: {  	[dreg:$0x1] =	wrdreg $0xFFFFFFFF  }
0xad: {  	[dreg:$0x0] =	wrdreg $0x60  }
0xae: {  	[dreg:$0x2] =	wrdreg s2  }
0xaf: {  	[dreg:$0x3] =	wrdreg s24  }
0xb0: {  	[dreg:$0x4] =	wrdreg $0xB8000  }
0xb1: {  	[dreg:$0x5] =	wrdreg $0x9  }
0xb2: {  	_ =	task.clear_ibuf [dreg:s7], $0x6FFFF;
	_ =	strace $0x90000046  }
0xb3: {  	s29 =	simm.s32 $0x9;
	_ =	strace $0x80000048  }
0xb4: {  	_ =	swait.ge [sflag:s29], $0x1  }
0xb5: {  	[sflag:s29] =	ssyncadd.s32 $0xFFFFFFFF  }
0xb6: {  	_ =	strace $0x90000048  }
0xb7: {  	_ =	sfence  }
0xb8: {  	s30 =	sld [smem:$0x0];
	_ =	sdelay $0x2  }
0xb9: {  	s31 =	sshll.u32 s1, $0xD;
	s1 =	sshrl.u32 s1, $0x2  }
0xba: {  	s3 =	sand.u32 $0x4000, s31;
	s1 =	sadd.s32 s1, s30  }
0xbb: {  	s0 =	sor.u32 s3, s0;
	s1 =	sshll.u32 s1, $0x11  }
0xbc: {  	s0 =	sor.u32 s1, s0  }
0xbd: {  	s0 =	sadd.s32 $0x8F2B, s0  }
0xbe: {  	[sflag:s0] =	ssyncadd.remote.s32 $0x1  }
0xbf: {  	_ =	sfence.sel $0xFFFF  }
0xc0: {  	[dreg:$0x0] =	wrdreg $0xFFFFFFFF;
	(pc) =	sbr.abs _section_cstart, $3  }
0xc1: {  	[dreg:$0x1] =	wrdreg $0xFFFFFFFF  }
0xc2: {  	_ =	task.clear_ibuf [dreg:s7], $0x2FFFF;
	_ =	strace $0x9FFFFFFF  }
0xc3: {  	(tm) =	ssettm $0x7FFFFFFF  }
tec
execute0_lowered:
.L_overlay_start_1:
0x0: {  	(tag) =	ssettag $0x1  }
0x1: {  	s0 =	rddreg [dreg:$0x0]  }
0x2: {  	s1 =	srdreg.scid;
	s2 =	rddreg [dreg:$0x1]  }
0x3: {  	s3 =	rddreg [dreg:$0x2];
	s9 =	stileid.u32  }
0x4: {  	s4 =	simm.s32 $0x0;
	s1 =	sand.u32 $0x1, s1;
	s6 =	smul.u32 $0x50000, s9  }
0x5: {  	[smem:$0x7FF] =	sst s4;
	s8 =	smul.u32 $0xA, s9;
	s17 =	sadd.s32 $0x1FC00, s2  }
0x6: {  	s14 =	smul.u32 $0x14000, s9;
	p0 =	seq.s32 s9, $0xF;
	s5 =	sshll.u32 s1, $0x4  }
0x7: {  	_ =	strace $0x80000047;
	s7 =	ssub.s32 $0x2, s1;
	s18 =	smul.u32 $0x13C000, s1  }
0x8: {  	[dreg:$0x4] =	wrdreg s17;
	s5 =	sor.u32 s9, s5;
	s24 =	sshrl.u32 s7, $0x1  }
0x9: {  	s6 =	sshrl.u32 s6, $0x2;
	s25 =	sshll.u32 s8, $0xD;
	s8 =	sadd.s32 $0x9, s8  }
0xa: {  	s5 =	smul.u32 $0x500, s5;
	s28 =	sadd.s32 s6, s3;
	s26 =	sor.u32 $0x2000, s25  }
0xb: {  	s10 =	sadd.s32 $0x4000, s25;
	s11 =	sadd.s32 $0x6000, s25;
	s19 =	sadd.s32 $0x8000, s25  }
0xc: {  	s13 =	sadd.s32 $0xA000, s25;
	s20 =	sadd.s32 $0xC000, s25;
	s15 =	sadd.s32 $0xE000, s25  }
0xd: {  	s6 =	sadd.s32 $0x10000, s25;
	s16 =	sshll.u32 s8, $0xD;
	s14 =	sadd.s32 s14, s18  }
0xe: {  	[dreg:$0x6] =	wrdreg s18;
	s8 =	simm.s32 @p0 $0x9F;
	s29 =	sadd.s32 s26, s3  }
0xf: {  	s30 =	sadd.s32 s10, s3;
	s12 =	sadd.s32 s11, s3;
	s16 =	sadd.s32 s16, s3  }
0x10: {  	s23 =	sshrl.u32 s14, $0x3;
	s25 =	sadd.s32 s18, s10;
	s10 =	sadd.s32 s19, s3  }
0x11: {  	s14 =	sadd.s32 s13, s3;
	s1 =	sadd.s32 s18, s20;
	s31 =	sshll.u32 @!p0 s8, $0xD  }
0x12: {  	s5 =	sadd.s32 s5, s2;
	s2 =	ssub.s32 s7, s24;
	[dreg:$0x5] =	wrdreg s12  }
0x13: {  	[dreg:$0x7] =	wrdreg s16;
	s24 =	sadd.s32 s18, s26;
	s7 =	sshrl.u32 s25, $0x3  }
0x14: {  	s26 =	sadd.s32 s18, s11;
	s12 =	sadd.s32 s18, s19;
	[dreg:$0xf] =	wrdreg s14  }
0x15: {  	s16 =	sadd.s32 s18, s13;
	s19 =	sadd.s32 s20, s3;
	s1 =	sshrl.u32 s1, $0x3  }
0x16: {  	s13 =	simm.s32 $0x1;
	s14 =	simm.s32 $0x9800;
	s21 =	sadd.s32 $0xBC00, s5  }
0x17: {  	s22 =	sadd.s32 $0x15C00, s5;
	s5 =	sadd.s32 $0x1C00, s5;
	[dreg:$0x10] =	wrdreg s19  }
0x18: {  	s7 =	sadd.s32 s17, s7;
	s11 =	sshrl.u32 s26, $0x3;
	[dreg:$0x8] =	wrdreg s21  }
0x19: {  	s1 =	sadd.s32 s17, s1;
	s26 =	sadd.s32 s6, s3;
	[dreg:$0x9] =	wrdreg s22  }
0x1a: {  	s25 =	smax.u32 s2, $0x1;
	s2 =	simm.s32 $0x3;
	[dreg:$0xa] =	wrdreg s5  }
0x1b: {  	s5 =	sadd.s32 s17, s23;
	[dreg:$0xd] =	wrdreg s7;
	s7 =	sshrl.u32 s16, $0x3  }
0x1c: {  	[dreg:$0x13] =	wrdreg s1;
	s21 =	sadd.s32 s15, s3;
	s22 =	sadd.s32 s18, s15  }
0x1d: {  	s23 =	sadd.s32 s18, s6;
	[dreg:$0x17] =	wrdreg s25;
	s15 =	simm.s32 $0x8000  }
0x1e: {  	s16 =	simm.s32 $0x8800;
	s18 =	simm.s32 $0x2;
	[dreg:$0xb] =	wrdreg s5  }
0x1f: {  	s5 =	sshrl.u32 s24, $0x3;
	s20 =	sadd.s32 s17, s7;
	[dreg:$0x14] =	wrdreg s21  }
0x20: {  	s1 =	sshrl.u32 s22, $0x3;
	s24 =	sshrl.u32 s23, $0x3;
	s22 =	simm.s32 $0xA000  }
0x21: {  	s23 =	simm.s32 $0xA800;
	s5 =	sadd.s32 s17, s5;
	[dreg:$0x12] =	wrdreg s20  }
0x22: {  	s1 =	sadd.s32 s17, s1;
	[dreg:$0xc] =	wrdreg s5;
	s5 =	sadd.s32 s17, s11  }
0x23: {  	[dreg:$0x15] =	wrdreg s1;
	s1 =	sadd.s32 s17, s24;
	s11 =	simm.s32 $0x5000  }
0x24: {  	s24 =	simm.s32 $0xB000;
	[dreg:$0xe] =	wrdreg s5;
	s5 =	sshrl.u32 s12, $0x3  }
0x25: {  	[dreg:$0x16] =	wrdreg s1;
	s1 =	simm.s32 $0x7800;
	s5 =	sadd.s32 s17, s5  }
0x26: {  	v0 =	vimm.f32 $0.0e+00;
	vm0 =	vmmov $0xffff;
	s12 =	simm.s32 $0x40;
	s17 =	simm.s32 $0x9000;
	[dreg:$0x11] =	wrdreg s5  }
.LBB2_1:
0x27: {  	s5 =	simm.s32 $0x0;
	s6 =	simm.s32 $0x200  }
.LBB2_2:
0x28: {  	p1 =	sne.s32 s6, $0x7E00;
	[tilespmem:s5+$0x7870] =	vst v0  }
0x29: {  	[tilespmem:s5+$0x7800] =	vst v0  }
0x2a: {  	[tilespmem:s5+$0x7810] =	vst v0  }
.Ltmp0:
0x2b: {  	[tilespmem:s5+$0x7820] =	vst v0;
	(pc) =	sbr.rel @p1 .LBB2_2-.Ltmp0, $4  }
0x2c: {  	[tilespmem:s5+$0x7830] =	vst v0  }
0x2d: {  	[tilespmem:s5+$0x7840] =	vst v0  }
0x2e: {  	[tilespmem:s5+$0x7850] =	vst v0  }
0x2f: {  	[tilespmem:s5+$0x7860] =	vst v0;
	s5 =	sshra.s32 s6, $0x2;
	s6 =	sadd.s32 $0x200, s6  }
0x30: {  	[tilespmem:s5+$0x7870] =	vst v0  }
0x31: {  	[tilespmem:s5+$0x7800] =	vst v0  }
0x32: {  	[tilespmem:s5+$0x7810] =	vst v0  }
0x33: {  	[tilespmem:s5+$0x7820] =	vst v0  }
0x34: {  	[tilespmem:s5+$0x7830] =	vst v0  }
0x35: {  	[tilespmem:s5+$0x7840] =	vst v0  }
0x36: {  	[tilespmem:s5+$0x7850] =	vst v0  }
0x37: {  	[tilespmem:s5+$0x7860] =	vst v0  }
0x38: {  	[spmem:s28] =	stream.linear.scatter [tilespmem:s1], [sflag:$0x3], $0x2000, $0x38;
	[tilespmem:$0x1F400] =	vst v63  }
0x39: {  	_ =	swait.ge [sflag:s2], $0x2000  }
0x3a: {  	[sflag:s2] =	ssyncset.done $0x0  }
0x3b: {  	[sflag:s2] =	ssyncadd.s32 $0xFFFFE000  }
0x3c: {  	[spmem:s29] =	stream.linear.scatter [tilespmem:s1], [sflag:$0x3], $0x2000, $0x38;
	[tilespmem:$0x1F400] =	vst v63  }
0x3d: {  	_ =	swait.ge [sflag:s2], $0x2000  }
0x3e: {  	[sflag:s2] =	ssyncset.done $0x0  }
0x3f: {  	[sflag:s2] =	ssyncadd.s32 $0xFFFFE000  }
0x40: {  	[spmem:s30] =	stream.linear.scatter [tilespmem:s1], [sflag:$0x3], $0x2000, $0x38;
	[tilespmem:$0x1F400] =	vst v63  }
0x41: {  	_ =	swait.ge [sflag:s2], $0x2000  }
0x42: {  	[sflag:s2] =	ssyncset.done $0x0  }
0x43: {  	s21 =	smov.u32 s30;
	s30 =	rddreg [dreg:$0x5];
	[sflag:s2] =	ssyncadd.s32 $0xFFFFE000  }
0x44: {  	[spmem:s30] =	stream.linear.scatter [tilespmem:s1], [sflag:$0x3], $0x2000, $0x38;
	[tilespmem:$0x1F400] =	vst v63  }
0x45: {  	_ =	swait.ge [sflag:s2], $0x2000  }
0x46: {  	[sflag:s2] =	ssyncset.done $0x0  }
0x47: {  	[sflag:s2] =	ssyncadd.s32 $0xFFFFE000  }
0x48: {  	[spmem:s10] =	stream.linear.scatter [tilespmem:s1], [sflag:$0x3], $0x2000, $0x38;
	[tilespmem:$0x1F400] =	vst v63  }
0x49: {  	_ =	swait.ge [sflag:s2], $0x2000  }
0x4a: {  	[sflag:s2] =	ssyncset.done $0x0  }
0x4b: {  	s6 =	rddreg [dreg:$0xf];
	[sflag:s2] =	ssyncadd.s32 $0xFFFFE000  }
0x4c: {  	[spmem:s6] =	stream.linear.scatter [tilespmem:s1], [sflag:$0x3], $0x2000, $0x38;
	[tilespmem:$0x1F400] =	vst v63  }
0x4d: {  	_ =	swait.ge [sflag:s2], $0x2000  }
0x4e: {  	[sflag:s2] =	ssyncset.done $0x0  }
0x4f: {  	s7 =	rddreg [dreg:$0x10];
	[sflag:s2] =	ssyncadd.s32 $0xFFFFE000  }
0x50: {  	[spmem:s7] =	stream.linear.scatter [tilespmem:s1], [sflag:$0x3], $0x2000, $0x38;
	[tilespmem:$0x1F400] =	vst v63  }
0x51: {  	_ =	swait.ge [sflag:s2], $0x2000  }
0x52: {  	[sflag:s2] =	ssyncset.done $0x0  }
0x53: {  	s8 =	rddreg [dreg:$0x14];
	[sflag:s2] =	ssyncadd.s32 $0xFFFFE000  }
0x54: {  	[spmem:s8] =	stream.linear.scatter [tilespmem:s1], [sflag:$0x3], $0x2000, $0x38;
	[tilespmem:$0x1F400] =	vst v63  }
0x55: {  	_ =	swait.ge [sflag:s2], $0x2000  }
0x56: {  	[sflag:s2] =	ssyncset.done $0x0  }
0x57: {  	s5 =	simm.s32 @!p0 $0x7800;
	s6 =	simm.s32 @!p0 $0x3;
	[sflag:s2] =	ssyncadd.s32 $0xFFFFE000  }
0x58: {  	[spmem:s26] =	stream.linear.scatter @!p0 [tilespmem:s5], [sflag:$0x3], $0x2000, $0x38;
	[tilespmem:$0x1F400] =	vst v63  }
0x59: {  	_ =	swait.ge @!p0 [sflag:s6], $0x2000  }
0x5a: {  	[sflag:s6] =	ssyncset.done @!p0 $0x0  }
0x5b: {  	s7 =	rddreg [dreg:$0x7];
	[sflag:s6] =	ssyncadd.s32 @!p0 $0xFFFFE000  }
0x5c: {  	[spmem:s7] =	stream.linear.scatter @!p0 [tilespmem:s5], [sflag:$0x3], $0x2000, $0x38;
	[tilespmem:$0x1F400] =	vst v63  }
0x5d: {  	_ =	swait.ge @!p0 [sflag:s6], $0x2000  }
0x5e: {  	s19 =	smov.u32 s28;
	[sflag:s6] =	ssyncset.done @!p0 $0x0  }
0x5f: {  	s28 =	simm.s32 $0x0;
	s9 =	rddreg [dreg:$0x8];
	[sflag:s6] =	ssyncadd.s32 @!p0 $0xFFFFE000  }
0x60: {  	[tilespmem:s28], [sflag:$0x3] =	stream.linear.gather [hbm4b:s9+s28], $0x2780, $0x38;
	[tilespmem:$0x1F400] =	vst v63  }
0x61: {  	_ =	swait.ge [sflag:s2], $0x2780  }
0x62: {  	s20 =	smov.u32 s29;
	s25 =	smov.u32 s10;
	[sflag:s2] =	ssyncset.done $0x0  }
0x63: {  	s29 =	simm.s32 $0x2800;
	s10 =	rddreg [dreg:$0x9];
	[sflag:s2] =	ssyncadd.s32 $0xFFFFD880  }
0x64: {  	[tilespmem:s29], [sflag:$0x3] =	stream.linear.gather [hbm4b:s10+s28], $0x2780, $0x38;
	[tilespmem:$0x1F400] =	vst v63  }
0x65: {  	_ =	swait.ge [sflag:s2], $0x2780  }
0x66: {  	[sflag:s2] =	ssyncset.done $0x0  }
0x67: {  	s30 =	rddreg [dreg:$0xa];
	[sflag:s2] =	ssyncadd.s32 $0xFFFFD880  }
0x68: {  	[tilespmem:s11], [sflag:$0x3] =	stream.linear.gather [hbm4b:s30+s28], $0x2780, $0x38;
	[tilespmem:$0x1F400] =	vst v63  }
0x69: {  	_ =	swait.ge [sflag:s2], $0x2780  }
0x6a: {  	[sflag:s2] =	ssyncset.done $0x0  }
0x6b: {  	[sflag:s2] =	ssyncadd.s32 $0xFFFFD880  }
0x6c: {  	s5 =	simm.s32 $0x0;
	[bflag:$0x0] =	sbarrier.arrive $0xFFFF  }
0x6d: {  	[tilespmem:s1], [sflag:$0x1] =	stream.indirect.gather [hbm4b:s0+s12], $0x80, s28, s12, $0xb8;
	[tilespmem:$0x1F400] =	vst v63  }
.LBB2_4:
0x6e: {  	s29 =	sshll.u32 s5, $0x7;
	v2 =	vmov s28;
	s6 =	simm.s32 $0x3  }
0x6f: {  	v1 =	vmov s29;
	v2 =	vand.u32 $0x7C, v2;
	v3 =	vmov s6  }
0x70: {  	v2 =	vor.u32 v1, v2;
	v3 =	vand.u32 $0x7F, v3  }
0x71: {  	_ =	swait.ge [sflag:s13], $0x2000;
	v2 =	vbroadcast v2, $0x0;
	v3 =	vor.u32 v1, v3  }
0x72: {  	[sflag:s13] =	ssyncset.done $0x0;
	v3 =	vbroadcast v3, $0x0  }
0x73: {  	s10 =	simm.s32 $0x7900;
	s30 =	sor.u32 $0x40, s29;
	[sflag:s13] =	ssyncadd.s32 $0xFFFFE000  }
0x74: {  	[tilespmem:s14], [sflag:$0x1] =	stream.indirect.gather [hbm4b:s0+s12], $0x80, s30, s12, $0xb8;
	[tilespmem:$0x1F400] =	vst v63  }
0x75: {  	v6 =	vld [tilespmem:s10+$0xFFFFFF00]  }
0x76: {  	s8 =	simm.s32 $0x1;
	v7 =	vld [tilespmem:s10+$0xFFFFFF10]  }
0x77: {  	v5 =	vmov s8;
	v4 =	vld.idx.msk [tilespmem:v2+s11+$0x0], $0xffff  }
0x78: {  	v2 =	vld.idx.msk [tilespmem:v3+s11+$0x0], $0xffff;
	v3 =	vand.u32 $0x7D, v5  }
0x79: {  	v8 =	vld [tilespmem:s10+$0xFFFFFF20];
	v3 =	vor.u32 v1, v3  }
0x7a: {  	v9 =	vld [tilespmem:s10+$0xFFFFFF30];
	v3 =	vbroadcast v3, $0x0  }
0x7b: {  	v5 =	vld [tilespmem:s10+$0xF0]  }
0x7c: {  	v10 =	vld [tilespmem:s10+$0xFFFFFF40]  }
0x7d: {  	v11 =	vld [tilespmem:s10+$0xFFFFFF50];
	v6 =	vmul.f32 v6, v4  }
0x7e: {  	v12 =	vld [tilespmem:s10+$0xFFFFFF60]  }
0x7f: {  	s9 =	simm.s32 $0x2;
	v7 =	vmul.f32 v7, v4;
	[tilespmem:s10+$0xFFFFFF00] =	vst v6;
	v6 =	vld [tilespmem:s10+$0xFFFFFF70]  }
0x80: {  	v13 =	vmov s9;
	v5 =	vmul.f32 v5, v2;
	v14 =	vld.idx.msk [tilespmem:v3+s11+$0x0], $0xffff  }
0x81: {  	[tilespmem:s10+$0xFFFFFF10] =	vst v7;
	v7 =	vmul.f32 v9, v4;
	v3 =	vand.u32 $0x7E, v13;
	v13 =	vld [tilespmem:s10+$0xFFFFFF80]  }
0x82: {  	v9 =	vld [tilespmem:s10+$0xFFFFFFA0];
	[tilespmem:s10+$0xF0] =	vst v5;
	v5 =	vmul.f32 v8, v4;
	v3 =	vor.u32 v1, v3  }
0x83: {  	v8 =	vld [tilespmem:s10+$0xFFFFFF90];
	[tilespmem:s10+$0xFFFFFF30] =	vst v7;
	v7 =	vmul.f32 v11, v4;
	v3 =	vbroadcast v3, $0x0  }
0x84: {  	v11 =	vld [tilespmem:s10+$0xFFFFFFC0];
	[tilespmem:s10+$0xFFFFFF20] =	vst v5;
	v5 =	vmul.f32 v10, v4  }
0x85: {  	v12 =	vmul.f32 v12, v4;
	v10 =	vld [tilespmem:s10+$0xFFFFFFB0];
	[tilespmem:s10+$0xFFFFFF50] =	vst v7;
	v4 =	vmul.f32 v6, v4  }
0x86: {  	v7 =	vld [tilespmem:s10+$0xFFFFFFE0];
	[tilespmem:s10+$0xFFFFFF40] =	vst v5;
	v5 =	vmul.f32 v13, v14  }
0x87: {  	v13 =	vld [tilespmem:s10+$0xFFFFFFD0];
	[tilespmem:s10+$0xFFFFFF70] =	vst v4  }
0x88: {  	v4 =	vmul.f32 v9, v14;
	[tilespmem:s10+$0xFFFFFF80] =	vst v5;
	v5 =	vmul.f32 v8, v14;
	v8 =	vld [tilespmem:s10+$0x0]  }
0x89: {  	[tilespmem:s10+$0xFFFFFF60] =	vst v12;
	v3 =	vld.idx.msk [tilespmem:v3+s11+$0x0], $0xffff  }
0x8a: {  	v6 =	vld [tilespmem:s10+$0xFFFFFFF0];
	[tilespmem:s10+$0xFFFFFFA0] =	vst v4;
	v4 =	vmul.f32 v11, v14  }
0x8b: {  	v9 =	vld [tilespmem:s10+$0x10];
	[tilespmem:s10+$0xFFFFFF90] =	vst v5;
	v5 =	vmul.f32 v10, v14  }
0x8c: {  	s7 =	simm.s32 $0x4;
	v7 =	vmul.f32 v7, v14;
	v10 =	vld [tilespmem:s10+$0x20];
	[tilespmem:s10+$0xFFFFFFC0] =	vst v4  }
0x8d: {  	v12 =	vmov s7;
	v11 =	vld [tilespmem:s10+$0x30];
	[tilespmem:s10+$0xFFFFFFB0] =	vst v5;
	v5 =	vmul.f32 v13, v14  }
0x8e: {  	v12 =	vand.u32 $0x7C, v12;
	v4 =	vld [tilespmem:s10+$0x40];
	[tilespmem:s10+$0xFFFFFFE0] =	vst v7;
	v8 =	vmul.f32 v8, v3  }
0x8f: {  	s8 =	simm.s32 $0x5;
	s9 =	simm.s32 $0x6;
	v7 =	vor.u32 v1, v12;
	v13 =	vmul.f32 v6, v14;
	[tilespmem:s10+$0xFFFFFFD0] =	vst v5;
	v5 =	vld [tilespmem:s10+$0x50]  }
0x90: {  	v14 =	vmov s8;
	v6 =	vld [tilespmem:s10+$0x60];
	v9 =	vmul.f32 v9, v3;
	[tilespmem:s10+$0x0] =	vst v8;
	v8 =	vmov s9  }
0x91: {  	[tilespmem:s10+$0xFFFFFFF0] =	vst v13;
	v13 =	vand.u32 $0x7D, v14;
	v10 =	vmul.f32 v10, v3;
	v12 =	vand.u32 $0x7E, v8;
	v8 =	vld [tilespmem:s10+$0x70]  }
0x92: {  	s6 =	simm.s32 $0x7900;
	s7 =	simm.s32 $0x8;
	v7 =	vbroadcast v7, $0x0;
	s8 =	simm.s32 $0x7;
	v11 =	vmul.f32 v11, v3;
	v13 =	vor.u32 v1, v13;
	[tilespmem:s10+$0x10] =	vst v9;
	v9 =	vld [tilespmem:s10+$0x80]  }
.LBB2_5:
0x93: {  	p1 =	slt.u32 s7, $0x3C;
	v12 =	vor.u32 v1, v12;
	v14 =	vmov s8;
	[tilespmem:s10+$0x20] =	vst v10;
	v4 =	vmul.f32 v4, v3;
	v10 =	vld [tilespmem:s10+$0x90]  }
0x94: {  	v13 =	vbroadcast v13, $0x0;
	v14 =	vand.u32 $0x7F, v14;
	[tilespmem:s10+$0x30] =	vst v11;
	v5 =	vmul.f32 v5, v3;
	v11 =	vld [tilespmem:s10+$0xA0]  }
0x95: {  	v12 =	vbroadcast v12, $0x0;
	v14 =	vor.u32 v1, v14;
	[tilespmem:s10+$0x40] =	vst v4;
	v4 =	vmul.f32 v6, v3;
	v6 =	vld [tilespmem:s10+$0xB0]  }
0x96: {  	v14 =	vbroadcast v14, $0x0;
	[tilespmem:s10+$0x50] =	vst v5;
	v3 =	vmul.f32 v8, v3;
	v5 =	vld [tilespmem:s10+$0xC0]  }
0x97: {  	[tilespmem:s10+$0x60] =	vst v4;
	v4 =	vmul.f32 v9, v2;
	v8 =	vld [tilespmem:s10+$0xD0]  }
0x98: {  	[tilespmem:s10+$0x70] =	vst v3;
	v3 =	vmul.f32 v10, v2;
	v9 =	vld [tilespmem:s10+$0xE0]  }
0x99: {  	v7 =	vld.idx.msk [tilespmem:v7+s11+$0x0], $0xffff;
	[tilespmem:s10+$0x80] =	vst v4;
	v4 =	vmul.f32 v11, v2  }
0x9a: {  	v10 =	vld.idx.msk [tilespmem:v13+s11+$0x0], $0xffff;
	[tilespmem:s10+$0x90] =	vst v3;
	v6 =	vmul.f32 v6, v2  }
0x9b: {  	v3 =	vld.idx.msk [tilespmem:v12+s11+$0x0], $0xffff;
	[tilespmem:s10+$0xA0] =	vst v4;
	v4 =	vmul.f32 v5, v2  }
0x9c: {  	s10 =	sadd.s32 $0x200, s10;
	v5 =	vld.idx.msk [tilespmem:v14+s11+$0x0], $0xffff;
	[tilespmem:s6+$0xB0] =	vst v6;
	v6 =	vmul.f32 v8, v2  }
0x9d: {  	v8 =	vld [tilespmem:s10+$0xF0];
	[tilespmem:s6+$0xC0] =	vst v4;
	v2 =	vmul.f32 v9, v2  }
0x9e: {  	v4 =	vld [tilespmem:s10+$0xFFFFFF00];
	[tilespmem:s6+$0xD0] =	vst v6  }
0x9f: {  	v6 =	vld [tilespmem:s10+$0xFFFFFF10];
	[tilespmem:s6+$0xE0] =	vst v2;
	s6 =	smov.u32 s10  }
0xa0: {  	v9 =	vld [tilespmem:s10+$0xFFFFFF20]  }
0xa1: {  	v11 =	vld [tilespmem:s10+$0xFFFFFF30]  }
0xa2: {  	v2 =	vmov v5;
	v12 =	vld [tilespmem:s10+$0xFFFFFF40];
	v8 =	vmul.f32 v8, v5  }
0xa3: {  	v4 =	vmul.f32 v4, v7;
	v5 =	vld [tilespmem:s10+$0xFFFFFF50]  }
0xa4: {  	v6 =	vmul.f32 v6, v7;
	v13 =	vld [tilespmem:s10+$0xFFFFFF60];
	[tilespmem:s10+$0xF0] =	vst v8  }
0xa5: {  	[tilespmem:s10+$0xFFFFFF00] =	vst v4;
	v4 =	vmul.f32 v9, v7;
	v8 =	vld [tilespmem:s10+$0xFFFFFF70]  }
0xa6: {  	[tilespmem:s10+$0xFFFFFF10] =	vst v6;
	v6 =	vmul.f32 v11, v7;
	v9 =	vld [tilespmem:s10+$0xFFFFFF80]  }
0xa7: {  	[tilespmem:s10+$0xFFFFFF20] =	vst v4;
	v4 =	vmul.f32 v12, v7;
	v11 =	vld [tilespmem:s10+$0xFFFFFF90]  }
0xa8: {  	[tilespmem:s10+$0xFFFFFF30] =	vst v6;
	v5 =	vmul.f32 v5, v7;
	v6 =	vld [tilespmem:s10+$0xFFFFFFA0]  }
0xa9: {  	[tilespmem:s10+$0xFFFFFF40] =	vst v4;
	v4 =	vmul.f32 v13, v7;
	v12 =	vld [tilespmem:s10+$0xFFFFFFB0]  }
0xaa: {  	[tilespmem:s10+$0xFFFFFF50] =	vst v5;
	v5 =	vmul.f32 v8, v7;
	v7 =	vld [tilespmem:s10+$0xFFFFFFC0]  }
0xab: {  	[tilespmem:s10+$0xFFFFFF60] =	vst v4;
	v4 =	vmul.f32 v9, v10;
	v8 =	vld [tilespmem:s10+$0xFFFFFFD0]  }
0xac: {  	[tilespmem:s10+$0xFFFFFF70] =	vst v5;
	v5 =	vmul.f32 v11, v10;
	v9 =	vld [tilespmem:s10+$0xFFFFFFE0]  }
0xad: {  	[tilespmem:s10+$0xFFFFFF80] =	vst v4;
	v4 =	vmul.f32 v6, v10;
	v6 =	vld [tilespmem:s10+$0xFFFFFFF0]  }
0xae: {  	[tilespmem:s10+$0xFFFFFF90] =	vst v5;
	v5 =	vmul.f32 v12, v10;
	v11 =	vld [tilespmem:s10+$0x0]  }
0xaf: {  	[tilespmem:s10+$0xFFFFFFA0] =	vst v4;
	v4 =	vmul.f32 v7, v10;
	v7 =	vld [tilespmem:s10+$0x10]  }
0xb0: {  	[tilespmem:s10+$0xFFFFFFB0] =	vst v5;
	v5 =	vmul.f32 v8, v10;
	v8 =	vld [tilespmem:s10+$0x20]  }
0xb1: {  	[tilespmem:s10+$0xFFFFFFC0] =	vst v4;
	v9 =	vmul.f32 v9, v10;
	v14 =	vld [tilespmem:s10+$0x30]  }
.Ltmp1:
0xb2: {  	s8 =	sadd.s32 $0x1, s7;
	v12 =	vmov s7;
	[tilespmem:s10+$0xFFFFFFD0] =	vst v5;
	v6 =	vmul.f32 v6, v10;
	v4 =	vld [tilespmem:s10+$0x40];
	(pc) =	sbr.rel @p1 .LBB2_5-.Ltmp1, $4  }
0xb3: {  	v10 =	vand.u32 $0x7C, v12;
	v12 =	vmov s8;
	s8 =	sadd.s32 $0x2, s7;
	[tilespmem:s10+$0xFFFFFFE0] =	vst v9;
	v9 =	vmul.f32 v11, v3;
	v5 =	vld [tilespmem:s10+$0x50]  }
0xb4: {  	v11 =	vor.u32 v1, v10;
	v10 =	vmov s8;
	[tilespmem:s10+$0xFFFFFFF0] =	vst v6;
	v15 =	vmul.f32 v7, v3;
	v6 =	vld [tilespmem:s10+$0x60]  }
0xb5: {  	v13 =	vand.u32 $0x7D, v12;
	v12 =	vand.u32 $0x7E, v10;
	[tilespmem:s10+$0x0] =	vst v9;
	v10 =	vmul.f32 v8, v3;
	v8 =	vld [tilespmem:s10+$0x70]  }
0xb6: {  	s8 =	sadd.s32 $0x3, s7;
	s7 =	sadd.s32 $0x4, s7;
	v7 =	vbroadcast v11, $0x0;
	v13 =	vor.u32 v1, v13;
	[tilespmem:s10+$0x10] =	vst v15;
	v11 =	vmul.f32 v14, v3;
	v9 =	vld [tilespmem:s10+$0x80]  }
0xb7: {  	v15 =	vld [tilespmem:s10+$0x90]  }
0xb8: {  	v16 =	vld [tilespmem:s10+$0xA0]  }
0xb9: {  	v14 =	vmov s8;
	v17 =	vld [tilespmem:s10+$0xB0]  }
0xba: {  	v18 =	vld [tilespmem:s10+$0xC0];
	[tilespmem:s10+$0x20] =	vst v10;
	v4 =	vmul.f32 v4, v3;
	v14 =	vand.u32 $0x7F, v14  }
0xbb: {  	v10 =	vld [tilespmem:s10+$0xD0];
	[tilespmem:s10+$0x30] =	vst v11;
	v14 =	vor.u32 v1, v14  }
0xbc: {  	s7 =	sadd.s32 $0x200, s10;
	v11 =	vld [tilespmem:s10+$0xE0];
	[tilespmem:s10+$0x40] =	vst v4;
	v4 =	vmul.f32 v6, v3;
	v14 =	vbroadcast v14, $0x0  }
0xbd: {  	v5 =	vmul.f32 v5, v3;
	v53 =	vld [tilespmem:s7+$0xFFFFFF00];
	v3 =	vmul.f32 v8, v3  }
0xbe: {  	v54 =	vld [tilespmem:s7+$0xFFFFFF10];
	[tilespmem:s10+$0x60] =	vst v4;
	v4 =	vmul.f32 v9, v2  }
0xbf: {  	v56 =	vld [tilespmem:s7+$0xFFFFFF60];
	[tilespmem:s10+$0x70] =	vst v3;
	v3 =	vmul.f32 v15, v2  }
0xc0: {  	v6 =	vld.idx.msk [tilespmem:v7+s11+$0x0], $0xffff;
	[tilespmem:s10+$0x80] =	vst v4;
	v4 =	vmul.f32 v16, v2  }
0xc1: {  	v9 =	vld [tilespmem:s7+$0xF0];
	[tilespmem:s10+$0x90] =	vst v3;
	v3 =	vmul.f32 v17, v2  }
0xc2: {  	v13 =	vbroadcast v13, $0x0;
	[tilespmem:s10+$0xA0] =	vst v4;
	v4 =	vmul.f32 v18, v2;
	v8 =	vld.idx.msk [tilespmem:v14+s11+$0x0], $0xffff  }
0xc3: {  	v57 =	vld [tilespmem:s7+$0xFFFFFFB0];
	[tilespmem:s6+$0xB0] =	vst v3;
	v3 =	vmul.f32 v10, v2  }
0xc4: {  	v10 =	vld [tilespmem:s7+$0xFFFFFF20];
	v2 =	vmul.f32 v11, v2;
	[tilespmem:s6+$0xC0] =	vst v4  }
0xc5: {  	v4 =	vld [tilespmem:s7+$0xFFFFFF30];
	[tilespmem:s6+$0xD0] =	vst v3  }
0xc6: {  	v12 =	vor.u32 v1, v12;
	v3 =	vld [tilespmem:s7+$0xFFFFFF40];
	[tilespmem:s6+$0xE0] =	vst v2;
	v2 =	vmul.f32 v53, v6  }
0xc7: {  	v12 =	vbroadcast v12, $0x0;
	[tilespmem:s10+$0x50] =	vst v5;
	v11 =	vld [tilespmem:s7+$0xFFFFFF50];
	v9 =	vmul.f32 v9, v8  }
0xc8: {  	v5 =	vld.idx.msk [tilespmem:v13+s11+$0x0], $0xffff;
	v55 =	vmul.f32 v54, v6;
	[tilespmem:s7+$0xFFFFFF00] =	vst v2  }
0xc9: {  	v2 =	vmul.f32 v10, v6;
	[tilespmem:s7+$0xF0] =	vst v9;
	v9 =	vld [tilespmem:s7+$0xFFFFFF70]  }
0xca: {  	[tilespmem:s7+$0xFFFFFF10] =	vst v55;
	v10 =	vld [tilespmem:s7+$0xFFFFFF80];
	v4 =	vmul.f32 v4, v6  }
0xcb: {  	[tilespmem:s7+$0xFFFFFF20] =	vst v2;
	v2 =	vmul.f32 v3, v6;
	v3 =	vld [tilespmem:s7+$0xFFFFFF90]  }
0xcc: {  	[tilespmem:s7+$0xFFFFFF30] =	vst v4;
	v4 =	vmul.f32 v11, v6;
	v11 =	vld [tilespmem:s7+$0xFFFFFFA0]  }
0xcd: {  	v7 =	vld.idx.msk [tilespmem:v12+s11+$0x0], $0xffff;
	[tilespmem:s7+$0xFFFFFF40] =	vst v2;
	v2 =	vmul.f32 v56, v6  }
0xce: {  	[tilespmem:s7+$0xFFFFFF50] =	vst v4;
	v4 =	vmul.f32 v9, v6;
	v6 =	vld [tilespmem:s7+$0xFFFFFFC0]  }
0xcf: {  	[tilespmem:s7+$0xFFFFFF60] =	vst v2;
	v2 =	vmul.f32 v10, v5;
	v9 =	vld [tilespmem:s7+$0xFFFFFFD0]  }
0xd0: {  	v3 =	vmul.f32 v3, v5;
	[tilespmem:s7+$0xFFFFFF70] =	vst v4;
	v4 =	vld [tilespmem:s7+$0xFFFFFFE0]  }
0xd1: {  	v10 =	vld [tilespmem:s7+$0xFFFFFFF0];
	[tilespmem:s7+$0xFFFFFF80] =	vst v2;
	v2 =	vmul.f32 v11, v5  }
0xd2: {  	v11 =	vld [tilespmem:s7+$0x0];
	[tilespmem:s7+$0xFFFFFF90] =	vst v3;
	v3 =	vmul.f32 v57, v5  }
0xd3: {  	[tilespmem:s7+$0xFFFFFFA0] =	vst v2;
	v2 =	vmul.f32 v6, v5;
	v6 =	vld [tilespmem:s7+$0x10]  }
0xd4: {  	[tilespmem:s7+$0xFFFFFFB0] =	vst v3;
	v3 =	vmul.f32 v9, v5;
	v9 =	vld [tilespmem:s7+$0x20]  }
0xd5: {  	[tilespmem:s7+$0xFFFFFFC0] =	vst v2;
	v2 =	vmul.f32 v4, v5;
	v4 =	vld [tilespmem:s7+$0x30]  }
0xd6: {  	[tilespmem:s7+$0xFFFFFFD0] =	vst v3;
	v3 =	vmul.f32 v10, v5;
	v5 =	vld [tilespmem:s7+$0x40]  }
0xd7: {  	v10 =	vld [tilespmem:s7+$0x50];
	[tilespmem:s7+$0xFFFFFFE0] =	vst v2;
	v2 =	vmul.f32 v11, v7  }
0xd8: {  	[tilespmem:s7+$0xFFFFFFF0] =	vst v3;
	v3 =	vmul.f32 v6, v7;
	v6 =	vld [tilespmem:s7+$0x60]  }
0xd9: {  	[tilespmem:s7+$0x0] =	vst v2;
	v2 =	vmul.f32 v9, v7;
	v9 =	vld [tilespmem:s7+$0x70]  }
0xda: {  	[tilespmem:s7+$0x10] =	vst v3;
	v3 =	vmul.f32 v4, v7;
	v4 =	vld [tilespmem:s7+$0x80]  }
0xdb: {  	[tilespmem:s7+$0x20] =	vst v2;
	v2 =	vmul.f32 v5, v7;
	v5 =	vld [tilespmem:s7+$0x90]  }
0xdc: {  	[tilespmem:s7+$0x30] =	vst v3;
	v3 =	vmul.f32 v10, v7;
	v10 =	vld [tilespmem:s7+$0xA0]  }
0xdd: {  	[tilespmem:s7+$0x40] =	vst v2;
	v2 =	vmul.f32 v6, v7;
	v6 =	vld [tilespmem:s7+$0xB0]  }
0xde: {  	[tilespmem:s7+$0x50] =	vst v3;
	v3 =	vmul.f32 v9, v7;
	v7 =	vld [tilespmem:s7+$0xC0]  }
0xdf: {  	[tilespmem:s7+$0x60] =	vst v2;
	v2 =	vmul.f32 v4, v8;
	v4 =	vld [tilespmem:s7+$0xD0]  }
0xe0: {  	[tilespmem:s7+$0x70] =	vst v3;
	v3 =	vmul.f32 v5, v8;
	v5 =	vld [tilespmem:s7+$0xE0]  }
0xe1: {  	[tilespmem:s7+$0x80] =	vst v2;
	v2 =	vmul.f32 v10, v8  }
0xe2: {  	[tilespmem:s7+$0x90] =	vst v3;
	v3 =	vmul.f32 v6, v8  }
0xe3: {  	[tilespmem:s7+$0xA0] =	vst v2;
	v2 =	vmul.f32 v7, v8  }
0xe4: {  	[tilespmem:s7+$0xB0] =	vst v3;
	v3 =	vmul.f32 v4, v8  }
0xe5: {  	[tilespmem:s7+$0xC0] =	vst v2;
	v2 =	vmul.f32 v5, v8  }
0xe6: {  	[tilespmem:s7+$0xD0] =	vst v3  }
0xe7: {  	[tilespmem:s7+$0xE0] =	vst v2  }
0xe8: {  	v2 =	vld [tilespmem:s29+$0x2800];
	_ =	sdelay $0x7  }
0xe9: {  	[spmem:s3] =	stream.indirect_vreg.scatter.add.f32 [tilespmem:s1], [sflag:$0x2], $0x80, v2, vm0, $0xb8;
	[tilespmem:$0x1F400] =	vst v63  }
0xea: {  	v2 =	vld [tilespmem:s29+$0x2810];
	_ =	sdelay $0x7  }
0xeb: {  	[spmem:s3] =	stream.indirect_vreg.scatter.add.f32 [tilespmem:s15], [sflag:$0x2], $0x80, v2, vm0, $0xb8;
	[tilespmem:$0x1F400] =	vst v63  }
0xec: {  	v2 =	vld [tilespmem:s29+$0x2820];
	_ =	sdelay $0x7  }
0xed: {  	[spmem:s3] =	stream.indirect_vreg.scatter.add.f32 [tilespmem:s16], [sflag:$0x2], $0x80, v2, vm0, $0xb8;
	[tilespmem:$0x1F400] =	vst v63  }
0xee: {  	v2 =	vld [tilespmem:s29+$0x2830];
	_ =	sdelay $0x7  }
0xef: {  	[spmem:s3] =	stream.indirect_vreg.scatter.add.f32 [tilespmem:s17], [sflag:$0x2], $0x80, v2, vm0, $0xb8;
	[tilespmem:$0x1F400] =	vst v63  }
0xf0: {  	_ =	swait.ge [sflag:s13], $0x2000  }
0xf1: {  	[sflag:s13] =	ssyncset.done $0x0  }
0xf2: {  	[sflag:s13] =	ssyncadd.s32 $0xFFFFE000  }
0xf3: {  	_ =	swait.ge [sflag:s18], $0x800  }
0xf4: {  	[sflag:s18] =	ssyncset.done $0x0  }
0xf5: {  	[sflag:s18] =	ssyncadd.s32 $0xFFFFF800  }
0xf6: {  	s10 =	simm.s32 $0x40;
	_ =	swait.ge [sflag:s18], $0x800  }
0xf7: {  	s7 =	simm.s32 $0x43;
	v2 =	vmov s10;
	[sflag:s18] =	ssyncset.done $0x0  }
0xf8: {  	v3 =	vmov s7;
	v2 =	vand.u32 $0x7C, v2;
	[sflag:s18] =	ssyncadd.s32 $0xFFFFF800  }
0xf9: {  	v3 =	vand.u32 $0x7F, v3;
	v2 =	vor.u32 v1, v2;
	_ =	swait.ge [sflag:s18], $0x800  }
0xfa: {  	v3 =	vor.u32 v1, v3;
	v2 =	vbroadcast v2, $0x0;
	[sflag:s18] =	ssyncset.done $0x0  }
0xfb: {  	v3 =	vbroadcast v3, $0x0;
	[sflag:s18] =	ssyncadd.s32 $0xFFFFF800  }
0xfc: {  	p1 =	seq.s32 s5, $0x4E;
	s10 =	sadd.s32 $0x1, s5;
	_ =	swait.ge [sflag:s18], $0x800  }
0xfd: {  	s6 =	simm.s32 @!p1 $0x40;
	s5 =	sshll.u32 @!p1 s10, $0x7;
	[sflag:s18] =	ssyncset.done $0x0  }
0xfe: {  	s7 =	simm.s32 @!p1 $0x7800;
	s5 =	sand.u32 @!p1 $0x3FFFFF80, s5;
	[sflag:s18] =	ssyncadd.s32 $0xFFFFF800  }
0xff: {  	[tilespmem:s7], [sflag:$0x1] =	stream.indirect.gather @!p1 [hbm4b:s0+s6], $0x80, s5, s6, $0xb8;
	[tilespmem:$0x1F400] =	vst v63  }
0x100: {  	s8 =	simm.s32 $0x41;
	v5 =	vld.idx.msk [tilespmem:v2+s11+$0x0], $0xffff  }
0x101: {  	v4 =	vmov s8;
	s5 =	simm.s32 $0x9900;
	v2 =	vld.idx.msk [tilespmem:v3+s11+$0x0], $0xffff  }
0x102: {  	v3 =	vand.u32 $0x7D, v4;
	v6 =	vld [tilespmem:s5+$0xF0]  }
0x103: {  	v4 =	vld [tilespmem:s5+$0xFFFFFF00];
	v3 =	vor.u32 v1, v3  }
0x104: {  	v7 =	vld [tilespmem:s5+$0xFFFFFF10];
	v3 =	vbroadcast v3, $0x0  }
0x105: {  	v8 =	vld [tilespmem:s5+$0xFFFFFF20]  }
0x106: {  	v9 =	vld [tilespmem:s5+$0xFFFFFF30]  }
0x107: {  	v10 =	vld [tilespmem:s5+$0xFFFFFF40]  }
0x108: {  	v58 =	vld [tilespmem:s5+$0xFFFFFF50]  }
0x109: {  	s9 =	simm.s32 $0x42;
	v59 =	vld [tilespmem:s5+$0xFFFFFF60];
	v11 =	vmul.f32 v4, v5  }
0x10a: {  	v60 =	vmov s9;
	v4 =	vld.idx.msk [tilespmem:v3+s11+$0x0], $0xffff;
	v3 =	vmul.f32 v6, v2  }
0x10b: {  	v61 =	vld [tilespmem:s5+$0xFFFFFFB0];
	v7 =	vmul.f32 v7, v5;
	[tilespmem:s5+$0xFFFFFF00] =	vst v11;
	v6 =	vand.u32 $0x7E, v60  }
0x10c: {  	v11 =	vld [tilespmem:s5+$0xFFFFFF70];
	v6 =	vor.u32 v1, v6;
	[tilespmem:s5+$0xF0] =	vst v3;
	v3 =	vmul.f32 v8, v5  }
0x10d: {  	[tilespmem:s5+$0xFFFFFF10] =	vst v7;
	v7 =	vmul.f32 v9, v5;
	v8 =	vld [tilespmem:s5+$0xFFFFFF80];
	v6 =	vbroadcast v6, $0x0  }
0x10e: {  	v9 =	vld [tilespmem:s5+$0xFFFFFF90];
	[tilespmem:s5+$0xFFFFFF20] =	vst v3;
	v3 =	vmul.f32 v10, v5  }
0x10f: {  	[tilespmem:s5+$0xFFFFFF30] =	vst v7;
	v7 =	vmul.f32 v58, v5;
	v10 =	vld [tilespmem:s5+$0xFFFFFFA0]  }
0x110: {  	v62 =	vld [tilespmem:s5+$0xFFFFFFC0];
	[tilespmem:s5+$0xFFFFFF40] =	vst v3;
	v3 =	vmul.f32 v59, v5  }
0x111: {  	v63 =	vld [tilespmem:s5+$0xFFFFFFD0];
	[tilespmem:s5+$0xFFFFFF50] =	vst v7;
	v5 =	vmul.f32 v11, v5  }
0x112: {  	v7 =	vmul.f32 v8, v4;
	v8 =	vld [tilespmem:s5+$0xFFFFFFE0];
	[tilespmem:s5+$0xFFFFFF60] =	vst v3  }
0x113: {  	v3 =	vld.idx.msk [tilespmem:v6+s11+$0x0], $0xffff;
	v6 =	vmul.f32 v9, v4;
	[tilespmem:s5+$0xFFFFFF70] =	vst v5  }
0x114: {  	[tilespmem:s5+$0xFFFFFF80] =	vst v7;
	v5 =	vmul.f32 v10, v4;
	v7 =	vld [tilespmem:s5+$0xFFFFFFF0]  }
0x115: {  	v9 =	vld [tilespmem:s5+$0x0];
	[tilespmem:s5+$0xFFFFFF90] =	vst v6;
	v6 =	vmul.f32 v61, v4  }
0x116: {  	v11 =	vmul.f32 v62, v4;
	[tilespmem:s5+$0xFFFFFFA0] =	vst v5;
	v5 =	vld [tilespmem:s5+$0x10]  }
0x117: {  	s7 =	simm.s32 $0x0;
	s6 =	simm.s32 $0x9900;
	v10 =	vmul.f32 v63, v4;
	[tilespmem:s5+$0xFFFFFFB0] =	vst v6;
	v6 =	vld [tilespmem:s5+$0x20]  }
.LBB2_7:
0x118: {  	s8 =	sadd.s32 $0x44, s7;
	[tilespmem:s5+$0xFFFFFFC0] =	vst v11;
	v8 =	vmul.f32 v8, v4;
	v11 =	vld [tilespmem:s5+$0x30]  }
0x119: {  	s9 =	sadd.s32 $0x46, s7;
	v12 =	vmov s8;
	s8 =	sadd.s32 $0x45, s7;
	[tilespmem:s5+$0xFFFFFFD0] =	vst v10;
	v4 =	vmul.f32 v7, v4;
	v7 =	vld [tilespmem:s5+$0x40]  }
0x11a: {  	v13 =	vmov s9;
	v10 =	vmov s8;
	[tilespmem:s5+$0xFFFFFFE0] =	vst v8;
	v8 =	vmul.f32 v9, v3;
	v9 =	vld [tilespmem:s5+$0x50]  }
0x11b: {  	v12 =	vand.u32 $0x7C, v12;
	v10 =	vand.u32 $0x7D, v10;
	[tilespmem:s5+$0xFFFFFFF0] =	vst v4;
	v4 =	vmul.f32 v5, v3;
	v5 =	vld [tilespmem:s5+$0x60]  }
0x11c: {  	v13 =	vand.u32 $0x7E, v13;
	v12 =	vor.u32 v1, v12;
	[tilespmem:s5+$0x0] =	vst v8;
	v6 =	vmul.f32 v6, v3;
	v8 =	vld [tilespmem:s5+$0x70]  }
0x11d: {  	s8 =	sadd.s32 $0x47, s7;
	s7 =	sadd.s32 $0x4, s7;
	v13 =	vor.u32 v1, v13;
	v10 =	vor.u32 v1, v10;
	[tilespmem:s5+$0x10] =	vst v4;
	v4 =	vmul.f32 v11, v3;
	v11 =	vld [tilespmem:s5+$0x80]  }
0x11e: {  	v14 =	vmov s8;
	p1 =	slt.u32 s7, $0x3C;
	v12 =	vbroadcast v12, $0x0;
	[tilespmem:s5+$0x20] =	vst v6;
	v6 =	vmul.f32 v7, v3;
	v7 =	vld [tilespmem:s5+$0x90]  }
0x11f: {  	v14 =	vand.u32 $0x7F, v14;
	v10 =	vbroadcast v10, $0x0;
	[tilespmem:s5+$0x30] =	vst v4;
	v4 =	vmul.f32 v9, v3;
	v9 =	vld [tilespmem:s5+$0xA0]  }
0x120: {  	v13 =	vbroadcast v13, $0x0;
	v14 =	vor.u32 v1, v14;
	[tilespmem:s5+$0x40] =	vst v6;
	v5 =	vmul.f32 v5, v3;
	v6 =	vld [tilespmem:s5+$0xB0]  }
0x121: {  	v14 =	vbroadcast v14, $0x0;
	[tilespmem:s5+$0x50] =	vst v4;
	v3 =	vmul.f32 v8, v3;
	v8 =	vld [tilespmem:s5+$0xC0]  }
0x122: {  	[tilespmem:s5+$0x60] =	vst v5;
	v4 =	vmul.f32 v11, v2;
	v5 =	vld [tilespmem:s5+$0xD0]  }
0x123: {  	[tilespmem:s5+$0x70] =	vst v3;
	v3 =	vmul.f32 v7, v2;
	v7 =	vld [tilespmem:s5+$0xE0]  }
0x124: {  	v11 =	vld.idx.msk [tilespmem:v12+s11+$0x0], $0xffff;
	[tilespmem:s5+$0x80] =	vst v4;
	v9 =	vmul.f32 v9, v2  }
0x125: {  	v4 =	vld.idx.msk [tilespmem:v10+s11+$0x0], $0xffff;
	[tilespmem:s5+$0x90] =	vst v3;
	v6 =	vmul.f32 v6, v2  }
0x126: {  	v3 =	vld.idx.msk [tilespmem:v13+s11+$0x0], $0xffff;
	[tilespmem:s5+$0xA0] =	vst v9;
	v8 =	vmul.f32 v8, v2  }
0x127: {  	s5 =	sadd.s32 $0x200, s5;
	v9 =	vld.idx.msk [tilespmem:v14+s11+$0x0], $0xffff;
	[tilespmem:s6+$0xB0] =	vst v6;
	v5 =	vmul.f32 v5, v2  }
0x128: {  	v6 =	vld [tilespmem:s5+$0xF0];
	[tilespmem:s6+$0xC0] =	vst v8;
	v2 =	vmul.f32 v7, v2  }
0x129: {  	v7 =	vld [tilespmem:s5+$0xFFFFFF00];
	[tilespmem:s6+$0xD0] =	vst v5  }
0x12a: {  	v5 =	vld [tilespmem:s5+$0xFFFFFF10];
	[tilespmem:s6+$0xE0] =	vst v2;
	s6 =	smov.u32 s5  }
0x12b: {  	v8 =	vld [tilespmem:s5+$0xFFFFFF20]  }
0x12c: {  	v10 =	vld [tilespmem:s5+$0xFFFFFF30]  }
0x12d: {  	v2 =	vmov v9;
	v12 =	vld [tilespmem:s5+$0xFFFFFF40];
	v6 =	vmul.f32 v6, v9  }
0x12e: {  	v7 =	vmul.f32 v7, v11;
	v9 =	vld [tilespmem:s5+$0xFFFFFF50]  }
0x12f: {  	v5 =	vmul.f32 v5, v11;
	v13 =	vld [tilespmem:s5+$0xFFFFFF60];
	[tilespmem:s5+$0xF0] =	vst v6  }
0x130: {  	[tilespmem:s5+$0xFFFFFF00] =	vst v7;
	v6 =	vmul.f32 v8, v11;
	v7 =	vld [tilespmem:s5+$0xFFFFFF70]  }
0x131: {  	[tilespmem:s5+$0xFFFFFF10] =	vst v5;
	v5 =	vmul.f32 v10, v11;
	v8 =	vld [tilespmem:s5+$0xFFFFFF80]  }
0x132: {  	[tilespmem:s5+$0xFFFFFF20] =	vst v6;
	v6 =	vmul.f32 v12, v11;
	v10 =	vld [tilespmem:s5+$0xFFFFFF90]  }
0x133: {  	[tilespmem:s5+$0xFFFFFF30] =	vst v5;
	v5 =	vmul.f32 v9, v11;
	v9 =	vld [tilespmem:s5+$0xFFFFFFA0]  }
0x134: {  	[tilespmem:s5+$0xFFFFFF40] =	vst v6;
	v6 =	vmul.f32 v13, v11;
	v12 =	vld [tilespmem:s5+$0xFFFFFFB0]  }
0x135: {  	[tilespmem:s5+$0xFFFFFF50] =	vst v5;
	v5 =	vmul.f32 v7, v11;
	v11 =	vld [tilespmem:s5+$0xFFFFFFC0]  }
0x136: {  	[tilespmem:s5+$0xFFFFFF60] =	vst v6;
	v6 =	vmul.f32 v8, v4;
	v13 =	vld [tilespmem:s5+$0xFFFFFFD0]  }
.Ltmp2:
0x137: {  	[tilespmem:s5+$0xFFFFFF70] =	vst v5;
	v5 =	vmul.f32 v10, v4;
	v8 =	vld [tilespmem:s5+$0xFFFFFFE0];
	(pc) =	sbr.rel @p1 .LBB2_7-.Ltmp2, $4  }
0x138: {  	[tilespmem:s5+$0xFFFFFF80] =	vst v6;
	v6 =	vmul.f32 v9, v4;
	v7 =	vld [tilespmem:s5+$0xFFFFFFF0]  }
0x139: {  	[tilespmem:s5+$0xFFFFFF90] =	vst v5;
	v10 =	vmul.f32 v12, v4;
	v9 =	vld [tilespmem:s5+$0x0]  }
0x13a: {  	[tilespmem:s5+$0xFFFFFFA0] =	vst v6;
	v11 =	vmul.f32 v11, v4;
	v5 =	vld [tilespmem:s5+$0x10]  }
0x13b: {  	[tilespmem:s5+$0xFFFFFFB0] =	vst v10;
	v10 =	vmul.f32 v13, v4;
	v6 =	vld [tilespmem:s5+$0x20]  }
0x13c: {  	v1 =	vld [tilespmem:s5+$0x30];
	[tilespmem:s5+$0xFFFFFFC0] =	vst v11;
	v8 =	vmul.f32 v8, v4  }
0x13d: {  	v48 =	vld [tilespmem:s5+$0x40];
	[tilespmem:s5+$0xFFFFFFD0] =	vst v10;
	v50 =	vmul.f32 v7, v4  }
0x13e: {  	v49 =	vld [tilespmem:s5+$0x50];
	v9 =	vmul.f32 v9, v3;
	[tilespmem:s5+$0xFFFFFFE0] =	vst v8  }
0x13f: {  	v51 =	vld [tilespmem:s5+$0x60];
	v5 =	vmul.f32 v5, v3;
	[tilespmem:s5+$0xFFFFFFF0] =	vst v50  }
0x140: {  	v53 =	vld [tilespmem:s5+$0x70];
	[tilespmem:s5+$0x0] =	vst v9;
	v52 =	vmul.f32 v6, v3  }
0x141: {  	v54 =	vld [tilespmem:s5+$0x80];
	[tilespmem:s5+$0x10] =	vst v5;
	v1 =	vmul.f32 v1, v3  }
0x142: {  	v56 =	vld [tilespmem:s5+$0x90];
	v55 =	vmul.f32 v48, v3;
	[tilespmem:s5+$0x20] =	vst v52  }
0x143: {  	v57 =	vld [tilespmem:s5+$0xA0];
	[tilespmem:s5+$0x30] =	vst v1;
	v1 =	vmul.f32 v49, v3  }
0x144: {  	v59 =	vld [tilespmem:s5+$0xB0];
	v58 =	vmul.f32 v51, v3;
	[tilespmem:s5+$0x40] =	vst v55  }
0x145: {  	[tilespmem:s5+$0x50] =	vst v1;
	v1 =	vmul.f32 v53, v3;
	v3 =	vld [tilespmem:s5+$0xC0]  }
0x146: {  	v61 =	vld [tilespmem:s5+$0xD0];
	v60 =	vmul.f32 v54, v2;
	[tilespmem:s5+$0x60] =	vst v58  }
0x147: {  	v62 =	vld [tilespmem:s5+$0xE0];
	[tilespmem:s5+$0x70] =	vst v1;
	v1 =	vmul.f32 v56, v2  }
0x148: {  	v63 =	vmul.f32 v57, v2;
	[tilespmem:s5+$0x80] =	vst v60  }
0x149: {  	[tilespmem:s5+$0x90] =	vst v1;
	v1 =	vmul.f32 v59, v2  }
0x14a: {  	[tilespmem:s5+$0xA0] =	vst v63;
	v3 =	vmul.f32 v3, v2  }
0x14b: {  	[tilespmem:s6+$0xB0] =	vst v1;
	v1 =	vmul.f32 v61, v2  }
0x14c: {  	v2 =	vmul.f32 v62, v2;
	[tilespmem:s6+$0xC0] =	vst v3  }
0x14d: {  	[tilespmem:s6+$0xD0] =	vst v1  }
0x14e: {  	[tilespmem:s6+$0xE0] =	vst v2  }
0x14f: {  	v1 =	vld [tilespmem:s30+$0x2800];
	_ =	sdelay $0x7  }
0x150: {  	[spmem:s3] =	stream.indirect_vreg.scatter.add.f32 [tilespmem:s14], [sflag:$0x2], $0x80, v1, vm0, $0xb8;
	[tilespmem:$0x1F400] =	vst v63  }
0x151: {  	v1 =	vld [tilespmem:s29+$0x2850];
	_ =	sdelay $0x7  }
0x152: {  	[spmem:s3] =	stream.indirect_vreg.scatter.add.f32 [tilespmem:s22], [sflag:$0x2], $0x80, v1, vm0, $0xb8;
	[tilespmem:$0x1F400] =	vst v63  }
0x153: {  	v1 =	vld [tilespmem:s29+$0x2860];
	_ =	sdelay $0x7  }
0x154: {  	[spmem:s3] =	stream.indirect_vreg.scatter.add.f32 [tilespmem:s23], [sflag:$0x2], $0x80, v1, vm0, $0xb8;
	[tilespmem:$0x1F400] =	vst v63  }
0x155: {  	v1 =	vld [tilespmem:s29+$0x2870];
	_ =	sdelay $0x7  }
0x156: {  	[spmem:s3] =	stream.indirect_vreg.scatter.add.f32 [tilespmem:s24], [sflag:$0x2], $0x80, v1, vm0, $0xb8;
	[tilespmem:$0x1F400] =	vst v63  }
0x157: {  	_ =	swait.ge [sflag:s18], $0x800  }
0x158: {  	[sflag:s18] =	ssyncset.done $0x0  }
0x159: {  	[sflag:s18] =	ssyncadd.s32 $0xFFFFF800  }
0x15a: {  	_ =	swait.ge [sflag:s18], $0x800  }
0x15b: {  	[sflag:s18] =	ssyncset.done $0x0  }
0x15c: {  	[sflag:s18] =	ssyncadd.s32 $0xFFFFF800  }
0x15d: {  	p1 =	sne.s32 s10, $0x4F;
	_ =	swait.ge [sflag:s18], $0x800  }
.Ltmp3:
0x15e: {  	[sflag:s18] =	ssyncset.done $0x0;
	(pc) =	sbr.rel @p1 .LBB2_4-.Ltmp3, $4  }
0x15f: {  	[sflag:s18] =	ssyncadd.s32 $0xFFFFF800  }
0x160: {  	_ =	swait.ge [sflag:s18], $0x800  }
0x161: {  	[sflag:s18] =	ssyncset.done $0x0  }
0x162: {  	s5 =	smov.u32 s10;
	[sflag:s18] =	ssyncadd.s32 $0xFFFFF800  }
0x163: {  	s5 =	stileid.u32  }
0x164: {  	[bflag:$0x0] =	sbarrier.arrive $0xFFFF;
	s5 =	sshll.u32 s5, $0x6  }
0x165: {  	s6 =	sshrl.u32 s19, $0x3;
	s7 =	rddreg [dreg:$0xb];
	s5 =	sor.u32 $0x1C03, s5  }
0x166: {  	[hbm:s7], [sflag:s5] =	dma.local [spmem:s6], $0x400  }
0x167: {  	_ =	swait.ge [sflag:s2], $0x400  }
0x168: {  	[sflag:s2] =	ssyncset.done $0x0  }
0x169: {  	s7 =	sshrl.u32 s20, $0x3;
	s8 =	rddreg [dreg:$0xc];
	[sflag:s2] =	ssyncadd.s32 $0xFFFFFC00  }
0x16a: {  	[hbm:s8], [sflag:s5] =	dma.local [spmem:s7], $0x400  }
0x16b: {  	_ =	swait.ge [sflag:s2], $0x400  }
0x16c: {  	[sflag:s2] =	ssyncset.done $0x0  }
0x16d: {  	s9 =	sshrl.u32 s21, $0x3;
	s10 =	rddreg [dreg:$0xd];
	[sflag:s2] =	ssyncadd.s32 $0xFFFFFC00  }
0x16e: {  	[hbm:s10], [sflag:s5] =	dma.local [spmem:s9], $0x400  }
0x16f: {  	s28 =	smov.u32 s19;
	_ =	swait.ge [sflag:s2], $0x400  }
0x170: {  	s29 =	smov.u32 s20;
	[sflag:s2] =	ssyncset.done $0x0;
	s19 =	rddreg [dreg:$0x5]  }
0x171: {  	s20 =	rddreg [dreg:$0xe];
	[sflag:s2] =	ssyncadd.s32 $0xFFFFFC00;
	s6 =	sshrl.u32 s19, $0x3  }
0x172: {  	[hbm:s20], [sflag:s5] =	dma.local [spmem:s6], $0x400  }
0x173: {  	_ =	swait.ge [sflag:s2], $0x400  }
0x174: {  	s30 =	smov.u32 s21;
	s21 =	sshrl.u32 s25, $0x3;
	[sflag:s2] =	ssyncset.done $0x0  }
0x175: {  	s10 =	smov.u32 s25;
	s25 =	rddreg [dreg:$0x11];
	[sflag:s2] =	ssyncadd.s32 $0xFFFFFC00  }
0x176: {  	[hbm:s25], [sflag:s5] =	dma.local [spmem:s21], $0x400  }
0x177: {  	_ =	swait.ge [sflag:s2], $0x400  }
0x178: {  	[sflag:s2] =	ssyncset.done $0x0;
	s7 =	rddreg [dreg:$0xf]  }
0x179: {  	s8 =	rddreg [dreg:$0x12];
	[sflag:s2] =	ssyncadd.s32 $0xFFFFFC00;
	s6 =	sshrl.u32 s7, $0x3  }
0x17a: {  	[hbm:s8], [sflag:s5] =	dma.local [spmem:s6], $0x400  }
0x17b: {  	_ =	swait.ge [sflag:s2], $0x400  }
0x17c: {  	[sflag:s2] =	ssyncset.done $0x0;
	s9 =	rddreg [dreg:$0x10]  }
0x17d: {  	s19 =	rddreg [dreg:$0x13];
	[sflag:s2] =	ssyncadd.s32 $0xFFFFFC00;
	s6 =	sshrl.u32 s9, $0x3  }
0x17e: {  	[hbm:s19], [sflag:s5] =	dma.local [spmem:s6], $0x400  }
0x17f: {  	_ =	swait.ge [sflag:s2], $0x400  }
0x180: {  	[sflag:s2] =	ssyncset.done $0x0;
	s20 =	rddreg [dreg:$0x14]  }
0x181: {  	s21 =	rddreg [dreg:$0x15];
	[sflag:s2] =	ssyncadd.s32 $0xFFFFFC00;
	s6 =	sshrl.u32 s20, $0x3  }
0x182: {  	[hbm:s21], [sflag:s5] =	dma.local [spmem:s6], $0x400  }
0x183: {  	_ =	swait.ge [sflag:s2], $0x400  }
0x184: {  	[sflag:s2] =	ssyncset.done $0x0  }
0x185: {  	s6 =	sshrl.u32 @!p0 s26, $0x3;
	s7 =	rddreg [dreg:$0x16];
	[sflag:s2] =	ssyncadd.s32 $0xFFFFFC00  }
0x186: {  	[hbm:s7], [sflag:s5] =	dma.local @!p0 [spmem:s6], $0x400  }
0x187: {  	s6 =	simm.s32 @!p0 $0x3  }
0x188: {  	_ =	swait.ge @!p0 [sflag:s6], $0x400  }
0x189: {  	s7 =	rddreg [dreg:$0x6]  }
0x18a: {  	s8 =	sadd.s32 @!p0 s31, s3;
	s7 =	sadd.s32 @!p0 s7, s31  }
0x18b: {  	[sflag:s6] =	ssyncset.done @!p0 $0x0;
	s9 =	rddreg [dreg:$0x4];
	s7 =	sshrl.u32 @!p0 s7, $0x3  }
0x18c: {  	s8 =	sshrl.u32 @!p0 s8, $0x3;
	[sflag:s6] =	ssyncadd.s32 @!p0 $0xFFFFFC00;
	s7 =	sadd.s32 @!p0 s9, s7  }
0x18d: {  	[hbm:s7], [sflag:s5] =	dma.local @!p0 [spmem:s8], $0x400  }
0x18e: {  	_ =	swait.ge @!p0 [sflag:s6], $0x400  }
0x18f: {  	s4 =	sadd.s32 $0x1, s4;
	s25 =	rddreg [dreg:$0x17]  }
0x190: {  	p1 =	sne.s32 s4, s25  }
.Ltmp4:
0x191: {  	_ = 	snop;
	(pc) =	sbr.rel @p1 .LBB2_1-.Ltmp4, $3  }
0x192: {  	_ =	sdelay $0x1  }
0x193: {  	[sflag:s6] =	ssyncset.done @!p0 $0x0  }
0x194: {  	[sflag:s6] =	ssyncadd.s32 @!p0 $0xFFFFFC00  }
0x195: {  	_ =	sfence.sel $0x180000  }
0x196: {  	[bflag:$0x0] =	sbarrier.arrive $0xFFFF  }
0x197: {  	_ =	strace $0x90000047  }
0x198: {  	s0 =	stileid.u32;
	[bflag:$0x2] =	sbarrier.arrive $0xFFFF  }
0x199: {  	p0 =	sne.s32 s0, $0x0;
	s0 =	rddreg [dreg:$0x3]  }
0x19a: {  	s0 =	sadd.s32 @!p0 $0x100000, s0  }
0x19b: {  	[sflag:s0] =	ssyncadd.tile.s32 @!p0 $0x1;
	_ =	shalt  }
.Lfunc_end2:
_tile_overlayer_lowered:
.L_overlay_start_2:
0x19c: {  	(tag) =	ssettag $0x2  }
0x19d: {  	s0 =	rddreg [dreg:$0x0];
	s2 =	stileid.u32  }
0x19e: {  	s1 =	rddreg [dreg:$0x1];
	p0 =	sne.s32 s2, $0x0  }
0x19f: {  	s3 =	rddreg [dreg:$0x2];
	[bflag:$0x3] =	sbarrier.arrive $0xFFFF;
	s2 =	simm.s32 @!p0 $0x1C03  }
0x1a0: {  	[timem:s3], [sflag:s2] =	dma.local @!p0 [hbm:s0], s1  }
0x1a1: {  	s0 =	simm.s32 @!p0 $0x3  }
0x1a2: {  	_ =	swait.ge @!p0 [sflag:s0], s1  }
0x1a3: {  	s1 =	ssub.s32 @!p0 $0x0, s1;
	[sflag:s0] =	ssyncset.done @!p0 $0x0  }
0x1a4: {  	[sflag:s0] =	ssyncadd.s32 @!p0 s1  }
0x1a5: {  	[bflag:$0x3] =	sbarrier.arrive $0xFFFF  }
0x1a6: {  	_ =	shalt  }

</sc_bundles>
